<compile_context>
chip_gen: v7x
topology: tpu7x:2x2x1
jax: 0.10.2.dev20260603
libtpu: 0.0.44.dev20260713+nightly
codegen_flags: <defaults>
</compile_context>

<pallas_src>
import functools

import jax
import jax.numpy as jnp
from jax import lax
from jax.experimental import pallas as pl
from jax.experimental.pallas import tpu as pltpu
from jax.experimental.pallas import tpu_sc as plsc

N = 10000
NP = 10240
D = 128
E = 320000
G = 64
DO = 10
NC = 2
NS = 16
NW = NC * NS
L = 16
CH = 128
CPT = 80
E_PAD = NW * CPT * CH
R2D = E_PAD // CH
STRIPE = NP // NS

_mesh = plsc.VectorSubcoreMesh(core_axis_name="c", subcore_axis_name="s")
_sc_params = pltpu.CompilerParams(needs_layout_passes=False)


def _sc_deg_body(ea_hbm, col2_hbm, deg_hbm, ew2_hbm,
                 ea_v, col_v, ew_v, zdeg_v, deg_sh):
    c = lax.axis_index("c")
    s = lax.axis_index("s")
    w = c * NS + s

    def _z(i, _):
        zdeg_v[pl.ds(i * L, L)] = jnp.zeros((L,), jnp.float32)
        return 0
    lax.fori_loop(0, STRIPE // L, _z, 0)
    pltpu.sync_copy(zdeg_v, deg_sh.at[pl.ds(s * STRIPE, STRIPE)])

    pltpu.sync_copy(ea_hbm.at[pl.ds(w * CPT * CH * 4, CPT * CH * 4)], ea_v)
    pltpu.sync_copy(col2_hbm.at[pl.ds(w * CPT, CPT)], col_v)
    plsc.subcore_barrier()

    def _chunk(j, _):
        def _grp(k, _2):
            ridx = (j * CH + k * L + lax.iota(jnp.int32, L)) * 4
            v = plsc.load_gather(ea_v, [ridx])
            ew_v[pl.ds(j * CH + k * L, L)] = jnp.abs(v)
            return 0
        lax.fori_loop(0, CH // L, _grp, 0)
        pltpu.sync_copy(ew_v.at[pl.ds(j * CH, CH)],
                        deg_sh.at[col_v.at[j]], add=True)
        return 0
    lax.fori_loop(0, CPT, _chunk, 0)
    plsc.subcore_barrier()

    pltpu.sync_copy(ew_v, ew2_hbm.at[pl.ds(w * CPT * CH, CPT * CH)])
    pltpu.sync_copy(deg_sh.at[pl.ds(s * STRIPE, STRIPE)], zdeg_v)
    pltpu.sync_copy(zdeg_v, deg_hbm.at[c, pl.ds(s * STRIPE, STRIPE)])


_sc_deg = functools.partial(
    pl.kernel, mesh=_mesh, compiler_params=_sc_params,
    out_type=(jax.ShapeDtypeStruct((NC, NP), jnp.float32),
              jax.ShapeDtypeStruct((E_PAD,), jnp.float32)),
    scratch_types=[
        pltpu.VMEM((CPT * CH * 4,), jnp.float32),
        pltpu.VMEM((CPT, CH), jnp.int32),
        pltpu.VMEM((CPT * CH,), jnp.float32),
        pltpu.VMEM((STRIPE,), jnp.float32),
        pltpu.VMEM_SHARED((NP,), jnp.float32),
    ],
)(_sc_deg_body)


BI = 16
NG = CPT // BI


def _sc_conv_body(row2_hbm, col2_hbm, ew2_hbm, g_hbm, out_hbm,
                  row_v, col_v, ew_v, rows_v, acc_sh, gs0, gs1, si):
    c = lax.axis_index("c")
    s = lax.axis_index("s")
    w = c * NS + s
    gsems = (gs0, gs1)

    def _zr(i, _):
        for f in range(D // L):
            rows_v[i, pl.ds(f * L, L)] = jnp.zeros((L,), jnp.float32)
        return 0
    lax.fori_loop(0, CH, _zr, 0)
    buf0 = rows_v.at[pl.ds(0, CH)]
    for k in range(STRIPE // CH):
        pltpu.sync_copy(buf0, acc_sh.at[pl.ds(s * STRIPE + k * CH, CH)])

    pltpu.sync_copy(row2_hbm.at[pl.ds(w * CPT, BI)], row_v.at[pl.ds(0, BI)])
    pltpu.sync_copy(col2_hbm.at[pl.ds(w * CPT, BI)], col_v.at[pl.ds(0, BI)])
    pltpu.sync_copy(ew2_hbm.at[pl.ds(w * CPT * CH, BI * CH)],
                    ew_v.at[pl.ds(0, BI * CH)])
    plsc.subcore_barrier()

    def _group(g, _):
        h = g % 2
        hb = h * BI

        @pl.when(g > 0)
        def _wait_idx():
            base_r = w * CPT + g * BI
            pltpu.make_async_copy(row2_hbm.at[pl.ds(base_r, BI)],
                                  row_v.at[pl.ds(hb, BI)], si).wait()
            pltpu.make_async_copy(col2_hbm.at[pl.ds(base_r, BI)],
                                  col_v.at[pl.ds(hb, BI)], si).wait()
            pltpu.make_async_copy(ew2_hbm.at[pl.ds(base_r * CH, BI * CH)],
                                  ew_v.at[pl.ds(hb * CH, BI * CH)], si).wait()

        @pl.when(g + 1 < NG)
        def _prefetch_idx():
            h2b = ((g + 1) % 2) * BI
            base_r = w * CPT + (g + 1) * BI
            pltpu.async_copy(row2_hbm.at[pl.ds(base_r, BI)],
                             row_v.at[pl.ds(h2b, BI)], si)
            pltpu.async_copy(col2_hbm.at[pl.ds(base_r, BI)],
                             col_v.at[pl.ds(h2b, BI)], si)
            pltpu.async_copy(ew2_hbm.at[pl.ds(base_r * CH, BI * CH)],
                             ew_v.at[pl.ds(h2b * CH, BI * CH)], si)

        pltpu.async_copy(g_hbm.at[row_v.at[hb]], rows_v.at[pl.ds(0, CH)], gs0)
        pltpu.async_copy(g_hbm.at[row_v.at[hb + 1]],
                         rows_v.at[pl.ds(CH, CH)], gs1)

        def _pair(b2, _2):
            for par in range(2):
                jj = b2 * 2 + par
                buf = rows_v.at[pl.ds(par * CH, CH)]
                pltpu.make_async_copy(g_hbm.at[row_v.at[hb + jj]],
                                      buf, gsems[par]).wait()

                def _edge(i, _3, _par=par, _jj=jj):
                    spl = plsc.load_gather(
                        ew_v,
                        [jnp.full((L,), (hb + _jj) * CH + i, jnp.int32)])
                    for f in range(D // L):
                        sl = pl.ds(f * L, L)
                        rows_v[_par * CH + i, sl] = \
                            rows_v[_par * CH + i, sl] * spl
                    return 0
                lax.fori_loop(0, CH, _edge, 0)
                pltpu.sync_copy(buf, acc_sh.at[col_v.at[hb + jj]], add=True)

                @pl.when(jj + 2 < BI)
                def _fire(_buf=buf, _jj=jj, _sem=gsems[par]):
                    pltpu.async_copy(g_hbm.at[row_v.at[hb + _jj + 2]],
                                     _buf, _sem)
            return 0
        lax.fori_loop(0, BI // 2, _pair, 0)
        return 0
    lax.fori_loop(0, NG, _group, 0)
    plsc.subcore_barrier()

    for k in range(STRIPE // CH):
        pltpu.sync_copy(acc_sh.at[pl.ds(s * STRIPE + k * CH, CH)], buf0)
        pltpu.sync_copy(buf0, out_hbm.at[c, pl.ds(s * STRIPE + k * CH, CH)])


_sc_conv = functools.partial(
    pl.kernel, mesh=_mesh, compiler_params=_sc_params,
    out_type=jax.ShapeDtypeStruct((NC, NP, D), jnp.float32),
    scratch_types=[
        pltpu.VMEM((2 * BI, CH), jnp.int32),
        pltpu.VMEM((2 * BI, CH), jnp.int32),
        pltpu.VMEM((2 * BI * CH,), jnp.float32),
        pltpu.VMEM((2 * CH, D), jnp.float32),
        pltpu.VMEM_SHARED((NP, D), jnp.float32),
        pltpu.SemaphoreType.DMA,
        pltpu.SemaphoreType.DMA,
        pltpu.SemaphoreType.DMA,
    ],
)(_sc_conv_body)


def _tc_prep_body(x_ref, w1_ref, d0_ref, d1_ref, g1_ref, dis_ref):
    deg = d0_ref[...] + d1_ref[...] + 1.0
    dis = lax.rsqrt(deg)
    dis_ref[...] = dis
    g1_ref[...] = jnp.dot(x_ref[...], w1_ref[...],
                          preferred_element_type=jnp.float32) * dis


_tc_prep = pl.pallas_call(
    _tc_prep_body,
    out_shape=(jax.ShapeDtypeStruct((N, D), jnp.float32),
               jax.ShapeDtypeStruct((N, 1), jnp.float32)),
)


def _tc_mid_body(a0_ref, a1_ref, g1_ref, dis_ref, b1_ref, w2_ref, g2_ref):
    dis = dis_ref[...]
    h = jnp.maximum(
        (a0_ref[...] + a1_ref[...] + g1_ref[...]) * dis + b1_ref[...], 0.0)
    g2_ref[...] = jnp.dot(h, w2_ref[...],
                          preferred_element_type=jnp.float32) * dis


_tc_mid = pl.pallas_call(
    _tc_mid_body,
    out_shape=jax.ShapeDtypeStruct((N, D), jnp.float32),
)


def _tc_tail_body(a0_ref, a1_ref, g2_ref, dis_ref, b2_ref, batch_ref,
                  wl1_ref, bl1_ref, wl2_ref, bl2_ref, out_ref):
    dis = dis_ref[...]
    h2 = jnp.maximum(
        (a0_ref[...] + a1_ref[...] + g2_ref[...]) * dis + b2_ref[...], 0.0)
    oh = (lax.broadcasted_iota(jnp.int32, (N, G), 1)
          == batch_ref[...]).astype(jnp.float32)
    dn = (((0,), (0,)), ((), ()))
    segsum = lax.dot_general(oh, h2, dn, preferred_element_type=jnp.float32)
    cnt = lax.dot_general(oh, jnp.ones((N, D), jnp.float32), dn,
                          preferred_element_type=jnp.float32)
    pooled = segsum / jnp.maximum(cnt, 1.0)
    xf = jnp.maximum(
        jnp.dot(pooled, wl1_ref[...], preferred_element_type=jnp.float32)
        + bl1_ref[...], 0.0)
    out_ref[...] = jnp.dot(xf, wl2_ref[...],
                           preferred_element_type=jnp.float32) + bl2_ref[...]


_tc_tail = pl.pallas_call(
    _tc_tail_body,
    out_shape=jax.ShapeDtypeStruct((G, D), jnp.float32),
)


@jax.jit
def _run(x, edge_index, edge_attr, batch, W1, b1, W2, b2, Wl1, bl1, Wl2, bl2):
    pad = E_PAD - E
    row_p = jnp.pad(edge_index[0].astype(jnp.int32), (0, pad)).reshape(R2D, CH)
    col_p = jnp.pad(edge_index[1].astype(jnp.int32), (0, pad)).reshape(R2D, CH)
    ea_p = jnp.pad(edge_attr, ((0, pad), (0, 0))).reshape(E_PAD * 4)

    degp, ew2 = _sc_deg(ea_p, col_p)
    deg0 = degp[0, :N].reshape(N, 1)
    deg1 = degp[1, :N].reshape(N, 1)

    g1, dis = _tc_prep(x, W1, deg0, deg1)

    acc1 = _sc_conv(row_p, col_p, ew2, g1)
    g2 = _tc_mid(acc1[0, :N], acc1[1, :N], g1, dis, b1.reshape(1, D), W2)

    acc2 = _sc_conv(row_p, col_p, ew2, g2)
    out = _tc_tail(
        acc2[0, :N], acc2[1, :N], g2, dis, b2.reshape(1, D),
        batch.astype(jnp.int32).reshape(N, 1),
        Wl1, bl1.reshape(1, D),
        jnp.pad(Wl2, ((0, 0), (0, D - DO))),
        jnp.pad(bl2, (0, D - DO)).reshape(1, D))
    return out[:, :DO]


def kernel(x, edge_index, edge_attr, batch, W1, b1, W2, b2, Wl1, bl1, Wl2, bl2):
    return _run(x, edge_index, edge_attr, batch, W1, b1, W2, b2,
                Wl1, bl1, Wl2, bl2)

# --- scband reference (transcript-rebuilt; emitter-appended) ---
"""Pipeline reference for scband-gcn-16904991277612 (READ-ONLY COPY).

The authoritative reference and input builder live on the scoring server;
editing this copy changes nothing except your own understanding.
"""

import jax, jax.numpy as jnp
import numpy as np

N_NODES = 10000
N_EDGES = 320000
D_IN = 128
D_HID = 128
D_OUT = 10
N_GRAPHS = 64


def setup_inputs(seed: int = 0) -> dict:
    key = jax.random.key(seed)
    ks = jax.random.split(key, 12)
    x = jax.random.normal(ks[0], (N_NODES, D_IN), dtype=jnp.float32)
    edge_index = jax.random.randint(ks[1], (2, N_EDGES), 0, N_NODES, dtype=jnp.int64)
    edge_attr = jax.random.normal(ks[2], (N_EDGES, 4), dtype=jnp.float32)
    batch = jnp.sort(jax.random.randint(ks[3], (N_NODES,), 0, N_GRAPHS, dtype=jnp.int64))
    # GCNConv weights (glorot-ish scale)
    W1 = jax.random.normal(ks[4], (D_IN, D_HID), dtype=jnp.float32) * (1.0 / np.sqrt(D_IN))
    b1 = jnp.zeros((D_HID,), dtype=jnp.float32)
    W2 = jax.random.normal(ks[5], (D_HID, D_HID), dtype=jnp.float32) * (1.0 / np.sqrt(D_HID))
    b2 = jnp.zeros((D_HID,), dtype=jnp.float32)
    # Linear layers
    Wl1 = jax.random.normal(ks[6], (D_HID, D_IN), dtype=jnp.float32) * (1.0 / np.sqrt(D_HID))
    bl1 = jnp.zeros((D_IN,), dtype=jnp.float32)
    Wl2 = jax.random.normal(ks[7], (D_IN, D_OUT), dtype=jnp.float32) * (1.0 / np.sqrt(D_IN))
    bl2 = jnp.zeros((D_OUT,), dtype=jnp.float32)
    return {"x": x, "edge_index": edge_index, "edge_attr": edge_attr, "batch": batch,
            "W1": W1, "b1": b1, "W2": W2, "b2": b2,
            "Wl1": Wl1, "bl1": bl1, "Wl2": Wl2, "bl2": bl2}


def _gcn_norm(edge_index, edge_weight, num_nodes):
    # PyG gcn_norm with add_self_loops=True, fill_value=1.0
    row = edge_index[0]
    col = edge_index[1]
    loop = jnp.arange(num_nodes, dtype=edge_index.dtype)
    row = jnp.concatenate([row, loop])
    col = jnp.concatenate([col, loop])
    ew = jnp.concatenate([edge_weight, jnp.ones((num_nodes,), dtype=edge_weight.dtype)])
    deg = jax.ops.segment_sum(ew, col, num_segments=num_nodes)
    deg_inv_sqrt = jnp.where(deg > 0, 1.0 / jnp.sqrt(deg), 0.0)
    norm = deg_inv_sqrt[row] * ew * deg_inv_sqrt[col]
    return row, col, norm


def _gcn_conv(x, row, col, norm, W, b, num_nodes):
    h = x @ W
    msg = norm[:, None] * jnp.take(h, row, axis=0)
    out = jax.ops.segment_sum(msg, col, num_segments=num_nodes)
    return out + b


def reference(x, edge_index, edge_attr, batch, W1, b1, W2, b2, Wl1, bl1, Wl2, bl2):
    edge_weight = jnp.abs(edge_attr[:, 0])
    row, col, norm = _gcn_norm(edge_index, edge_weight, N_NODES)
    h = _gcn_conv(x, row, col, norm, W1, b1, N_NODES)
    h = jax.nn.relu(h)
    h = _gcn_conv(h.astype(jnp.float32), row, col, norm, W2, b2, N_NODES)
    h = jax.nn.relu(h)
    # global mean pool over batch segments
    seg_sum = jax.ops.segment_sum(h, batch, num_segments=N_GRAPHS)
    cnt = jax.ops.segment_sum(jnp.ones((N_NODES,), dtype=h.dtype), batch, num_segments=N_GRAPHS)
    pooled = seg_sum / jnp.maximum(cnt, 1.0)[:, None]
    # dropout omitted (inference/deterministic)
    x_fea = pooled @ Wl1 + bl1
    out = jax.nn.relu(x_fea)
    out = out @ Wl2 + bl2
    return out

if __name__ == "__main__":
    import jax
    _d = setup_inputs()
    print(jax.jit(kernel)(*tuple(_d.values())))

</pallas_src>

<mosaic_0001>
#map = affine_map<(d0, d1) -> (0)>
#map1 = affine_map<(d0, d1) -> (0, 0)>
module attributes {stable_mosaic.version = 14 : i64} {
  func.func @_sc_deg_body(%arg0: i32, %arg1: i32, %arg2: memref<1310720xf32, #tpu.memory_space<hbm>>, %arg3: memref<2560x128xi32, #tpu.memory_space<hbm>>, %arg4: memref<2x10240xf32, #tpu.memory_space<hbm>>, %arg5: memref<327680xf32, #tpu.memory_space<hbm>>, %arg6: memref<40960xf32, #tpu.memory_space<vmem>>, %arg7: memref<80x128xi32, #tpu.memory_space<vmem>>, %arg8: memref<10240xf32, #tpu.memory_space<vmem>>, %arg9: memref<640xf32, #tpu.memory_space<vmem>>, %arg10: memref<10240xf32, #tpu.memory_space<vmem_shared>>) attributes {dimension_semantics = [#tpu.dimension_semantics<core_parallel>, #tpu.dimension_semantics<subcore_parallel>], iteration_bounds = array<i64: 2, 16>, scalar_prefetch = 0 : i64, scratch_operands = 5 : i64, tpu.core_type = #tpu.core_type<sc_vector_subcore>, window_params = [{transform_indices = #map}, {transform_indices = #map1}, {transform_indices = #map1}, {transform_indices = #map}]} {
    %mul3A = arith.constant 16 : i32
    %mul3A_0 = arith.muli %arg0, %mul3A : i32
    %add3A = arith.addi %mul3A_0, %arg1 : i32
    %scan3A = arith.constant 0 : i32
    %scan3A_1 = arith.constant 0 : i32
    %scan3A_2 = arith.constant 40 : i32
    %scan3A_3 = arith.addi %scan3A_1, %scan3A_2 : i32
    %scan3A_4 = arith.constant 1 : i32
    %scan3A_5 = scf.for %scan3A_33 = %scan3A_1 to %scan3A_3 step %scan3A_4 iter_args(%scan3A_34 = %scan3A) -> (i32)  : i32 {
      %broadcast_in_dim3A = arith.constant 0.000000e+00 : f32
      %broadcast_in_dim3A_35 = vector.broadcast %broadcast_in_dim3A : f32 to vector<16xf32>
      %mul3A_36 = arith.constant 16 : i32
      %mul3A_37 = arith.muli %scan3A_33, %mul3A_36 : i32
      %swap3A = arith.index_cast %mul3A_37 : i32 to index
      %swap3A_38 = tpu.vector_load %arg9[%swap3A] {strides = array<i32>} : memref<640xf32, #tpu.memory_space<vmem>>, vector<16xf32>,
      tpu.vector_store %arg9[%swap3A], %broadcast_in_dim3A_35 {strides = array<i32>} : memref<640xf32, #tpu.memory_space<vmem>>, vector<16xf32>,
      %scan3A_39 = arith.constant 0 : i32
      scf.yield %scan3A_39 : i32
    }
    %scan3A_6 = arith.constant 40 : i32
    %mul3A_7 = arith.constant 640 : i32
    %mul3A_8 = arith.muli %arg1, %mul3A_7 : i32
    "tpu.region"() ({
      %run_scoped3A = tpu.sem_alloc : memref<!tpu.dma_semaphore, #tpu.memory_space<semaphore_mem>>
      %dma_start3A = tpu.memref_slice %arg10[%mul3A_8] : memref<10240xf32, #tpu.memory_space<vmem_shared>> -> memref<640xf32, #tpu.memory_space<vmem_shared>>
      %dma_start3A_33 = tpu.memref_slice %arg10[%mul3A_8] : memref<10240xf32, #tpu.memory_space<vmem_shared>> -> memref<640xf32, #tpu.memory_space<vmem_shared>>
      tpu.enqueue_dma source(%arg9 : memref<640xf32, #tpu.memory_space<vmem>>) target(%dma_start3A_33 : memref<640xf32, #tpu.memory_space<vmem_shared>>) target_semaphore(%run_scoped3A : memref<!tpu.dma_semaphore, #tpu.memory_space<semaphore_mem>>)
      %dma_wait3A = tpu.memref_slice %arg10[%mul3A_8] : memref<10240xf32, #tpu.memory_space<vmem_shared>> -> memref<640xf32, #tpu.memory_space<vmem_shared>>
      %dma_wait3A_34 = tpu.memref_slice %arg10[%mul3A_8] : memref<10240xf32, #tpu.memory_space<vmem_shared>> -> memref<640xf32, #tpu.memory_space<vmem_shared>>
      tpu.wait_dma2 semaphore(%run_scoped3A : memref<!tpu.dma_semaphore, #tpu.memory_space<semaphore_mem>>) src(%arg9 : memref<640xf32, #tpu.memory_space<vmem>>) dst(%dma_wait3A_34 : memref<640xf32, #tpu.memory_space<vmem_shared>>)
      tpu.yield
    }) : () -> ()
    %mul3A_9 = arith.constant 80 : i32
    %mul3A_10 = arith.muli %add3A, %mul3A_9 : i32
    %mul3A_11 = arith.constant 128 : i32
    %mul3A_12 = arith.muli %mul3A_10, %mul3A_11 : i32
    %mul3A_13 = arith.constant 4 : i32
    %mul3A_14 = arith.muli %mul3A_12, %mul3A_13 : i32
    "tpu.region"() ({
      %run_scoped3A = tpu.sem_alloc : memref<!tpu.dma_semaphore, #tpu.memory_space<semaphore_mem>>
      %dma_start3A = tpu.memref_slice %arg2[%mul3A_14] : memref<1310720xf32, #tpu.memory_space<hbm>> -> memref<40960xf32, #tpu.memory_space<hbm>>
      %dma_start3A_33 = tpu.memref_slice %arg2[%mul3A_14] : memref<1310720xf32, #tpu.memory_space<hbm>> -> memref<40960xf32, #tpu.memory_space<hbm>>
      tpu.enqueue_dma source(%dma_start3A_33 : memref<40960xf32, #tpu.memory_space<hbm>>) target(%arg6 : memref<40960xf32, #tpu.memory_space<vmem>>) target_semaphore(%run_scoped3A : memref<!tpu.dma_semaphore, #tpu.memory_space<semaphore_mem>>)
      %dma_wait3A = tpu.memref_slice %arg2[%mul3A_14] : memref<1310720xf32, #tpu.memory_space<hbm>> -> memref<40960xf32, #tpu.memory_space<hbm>>
      %dma_wait3A_34 = tpu.memref_slice %arg2[%mul3A_14] : memref<1310720xf32, #tpu.memory_space<hbm>> -> memref<40960xf32, #tpu.memory_space<hbm>>
      tpu.wait_dma2 semaphore(%run_scoped3A : memref<!tpu.dma_semaphore, #tpu.memory_space<semaphore_mem>>) src(%dma_wait3A_34 : memref<40960xf32, #tpu.memory_space<hbm>>) dst(%arg6 : memref<40960xf32, #tpu.memory_space<vmem>>)
      tpu.yield
    }) : () -> ()
    %mul3A_15 = arith.constant 80 : i32
    %mul3A_16 = arith.muli %add3A, %mul3A_15 : i32
    "tpu.region"() ({
      %run_scoped3A = tpu.sem_alloc : memref<!tpu.dma_semaphore, #tpu.memory_space<semaphore_mem>>
      %dma_start3A = arith.constant 0 : i32
      %dma_start3A_33 = tpu.memref_slice %arg3[%mul3A_16, %dma_start3A] : memref<2560x128xi32, #tpu.memory_space<hbm>> -> memref<80x128xi32, #tpu.memory_space<hbm>>
      %dma_start3A_34 = arith.constant 0 : i32
      %dma_start3A_35 = tpu.memref_slice %arg3[%mul3A_16, %dma_start3A_34] : memref<2560x128xi32, #tpu.memory_space<hbm>> -> memref<80x128xi32, #tpu.memory_space<hbm>>
      tpu.enqueue_dma source(%dma_start3A_35 : memref<80x128xi32, #tpu.memory_space<hbm>>) target(%arg7 : memref<80x128xi32, #tpu.memory_space<vmem>>) target_semaphore(%run_scoped3A : memref<!tpu.dma_semaphore, #tpu.memory_space<semaphore_mem>>)
      %dma_wait3A = arith.constant 0 : i32
      %dma_wait3A_36 = tpu.memref_slice %arg3[%mul3A_16, %dma_wait3A] : memref<2560x128xi32, #tpu.memory_space<hbm>> -> memref<80x128xi32, #tpu.memory_space<hbm>>
      %dma_wait3A_37 = arith.constant 0 : i32
      %dma_wait3A_38 = tpu.memref_slice %arg3[%mul3A_16, %dma_wait3A_37] : memref<2560x128xi32, #tpu.memory_space<hbm>> -> memref<80x128xi32, #tpu.memory_space<hbm>>
      tpu.wait_dma2 semaphore(%run_scoped3A : memref<!tpu.dma_semaphore, #tpu.memory_space<semaphore_mem>>) src(%dma_wait3A_38 : memref<80x128xi32, #tpu.memory_space<hbm>>) dst(%arg7 : memref<80x128xi32, #tpu.memory_space<vmem>>)
      tpu.yield
    }) : () -> ()
    %barrier3A = arith.constant 0 : index
    tpu.barrier barrier_id(%barrier3A)
    %scan3A_17 = arith.constant 0 : i32
    %scan3A_18 = arith.constant 0 : i32
    %scan3A_19 = arith.constant 80 : i32
    %scan3A_20 = arith.addi %scan3A_18, %scan3A_19 : i32
    %scan3A_21 = arith.constant 1 : i32
    %scan3A_22 = scf.for %scan3A_33 = %scan3A_18 to %scan3A_20 step %scan3A_21 iter_args(%scan3A_34 = %scan3A_17) -> (i32)  : i32 {
      %scan3A_35 = arith.constant 0 : i32
      %scan3A_36 = arith.constant 0 : i32
      %scan3A_37 = arith.constant 8 : i32
      %scan3A_38 = arith.addi %scan3A_36, %scan3A_37 : i32
      %scan3A_39 = arith.constant 1 : i32
      %scan3A_40 = scf.for %scan3A_45 = %scan3A_36 to %scan3A_38 step %scan3A_39 iter_args(%scan3A_46 = %scan3A_35) -> (i32)  : i32 {
        %mul3A_47 = arith.constant 128 : i32
        %mul3A_48 = arith.muli %scan3A_33, %mul3A_47 : i32
        %mul3A_49 = arith.constant 16 : i32
        %mul3A_50 = arith.muli %scan3A_45, %mul3A_49 : i32
        %add3A_51 = arith.addi %mul3A_48, %mul3A_50 : i32
        %iota3A = tpu.iota {dimensions = array<i32: 0>} : vector<16xi32>
        %add3A_52 = vector.broadcast %add3A_51 : i32 to vector<16xi32>
        %add3A_53 = arith.addi %add3A_52, %iota3A : vector<16xi32>
        %mul3A_54 = arith.constant 4 : i32
        %mul3A_55 = vector.broadcast %mul3A_54 : i32 to vector<16xi32>
        %mul3A_56 = arith.muli %add3A_53, %mul3A_55 : vector<16xi32>
        %gather3A = tpu.vector_load_idx %arg6[%mul3A_56] : memref<40960xf32, #tpu.memory_space<vmem>>[vector<16xi32>], vector<16xf32>,
        %abs3A = math.absf %gather3A : vector<16xf32>
        %mul3A_57 = arith.constant 128 : i32
        %mul3A_58 = arith.muli %scan3A_33, %mul3A_57 : i32
        %mul3A_59 = arith.constant 16 : i32
        %mul3A_60 = arith.muli %scan3A_45, %mul3A_59 : i32
        %add3A_61 = arith.addi %mul3A_58, %mul3A_60 : i32
        %swap3A = arith.index_cast %add3A_61 : i32 to index
        %swap3A_62 = tpu.vector_load %arg8[%swap3A] {strides = array<i32>} : memref<10240xf32, #tpu.memory_space<vmem>>, vector<16xf32>,
        tpu.vector_store %arg8[%swap3A], %abs3A {strides = array<i32>} : memref<10240xf32, #tpu.memory_space<vmem>>, vector<16xf32>,
        %scan3A_63 = arith.constant 0 : i32
        scf.yield %scan3A_63 : i32
      }
      %scan3A_41 = arith.constant 8 : i32
      %mul3A_42 = arith.constant 128 : i32
      %mul3A_43 = arith.muli %scan3A_33, %mul3A_42 : i32
      "tpu.region"() ({
        %run_scoped3A = tpu.sem_alloc : memref<!tpu.dma_semaphore, #tpu.memory_space<semaphore_mem>>
        %dma_start3A = tpu.memref_slice %arg8[%mul3A_43] : memref<10240xf32, #tpu.memory_space<vmem>> -> memref<128xf32, #tpu.memory_space<vmem>>
        %dma_start3A_45 = arith.constant 0 : i32
        %dma_start3A_46 = tpu.memref_slice %arg7[%scan3A_33, %dma_start3A_45] : memref<80x128xi32, #tpu.memory_space<vmem>> -> memref<1x128xi32, #tpu.memory_space<vmem>>
        %dma_start3A_47 = tpu.memref_squeeze %dma_start3A_46 : memref<1x128xi32, #tpu.memory_space<vmem>> -> memref<128xi32, #tpu.memory_space<vmem>>
        %dma_start3A_48 = arith.constant 0 : i32
        %dma_start3A_49 = tpu.memref_slice %arg10[%dma_start3A_48] : memref<10240xf32, #tpu.memory_space<vmem_shared>> -> memref<10240xf32, #tpu.memory_space<vmem_shared>>
        tpu.enqueue_indirect_dma source(%dma_start3A : memref<128xf32, #tpu.memory_space<vmem>>) target(%dma_start3A_49 : memref<10240xf32, #tpu.memory_space<vmem_shared>>) offsets(%dma_start3A_47 : memref<128xi32, #tpu.memory_space<vmem>>) semaphore(%run_scoped3A : memref<!tpu.dma_semaphore, #tpu.memory_space<semaphore_mem>>) {add = true}
        %dma_wait3A = tpu.memref_slice %arg8[%mul3A_43] : memref<10240xf32, #tpu.memory_space<vmem>> -> memref<128xf32, #tpu.memory_space<vmem>>
        %dma_wait3A_50 = arith.constant 0 : i32
        %dma_wait3A_51 = tpu.memref_slice %arg7[%scan3A_33, %dma_wait3A_50] : memref<80x128xi32, #tpu.memory_space<vmem>> -> memref<1x128xi32, #tpu.memory_space<vmem>>
        %dma_wait3A_52 = tpu.memref_squeeze %dma_wait3A_51 : memref<1x128xi32, #tpu.memory_space<vmem>> -> memref<128xi32, #tpu.memory_space<vmem>>
        %dma_wait3A_53 = arith.constant 0 : i32
        %dma_wait3A_54 = tpu.memref_slice %arg10[%dma_wait3A_53] : memref<10240xf32, #tpu.memory_space<vmem_shared>> -> memref<10240xf32, #tpu.memory_space<vmem_shared>>
        tpu.wait_indirect_dma semaphore(%run_scoped3A : memref<!tpu.dma_semaphore, #tpu.memory_space<semaphore_mem>>) src(%dma_wait3A : memref<128xf32, #tpu.memory_space<vmem>>) dst(%dma_wait3A_54 : memref<10240xf32, #tpu.memory_space<vmem_shared>>)
        tpu.yield
      }) : () -> ()
      %scan3A_44 = arith.constant 0 : i32
      scf.yield %scan3A_44 : i32
    }
    %scan3A_23 = arith.constant 80 : i32
    %barrier3A_24 = arith.constant 0 : index
    tpu.barrier barrier_id(%barrier3A_24)
    %mul3A_25 = arith.constant 80 : i32
    %mul3A_26 = arith.muli %add3A, %mul3A_25 : i32
    %mul3A_27 = arith.constant 128 : i32
    %mul3A_28 = arith.muli %mul3A_26, %mul3A_27 : i32
    "tpu.region"() ({
      %run_scoped3A = tpu.sem_alloc : memref<!tpu.dma_semaphore, #tpu.memory_space<semaphore_mem>>
      %dma_start3A = tpu.memref_slice %arg5[%mul3A_28] : memref<327680xf32, #tpu.memory_space<hbm>> -> memref<10240xf32, #tpu.memory_space<hbm>>
      %dma_start3A_33 = tpu.memref_slice %arg5[%mul3A_28] : memref<327680xf32, #tpu.memory_space<hbm>> -> memref<10240xf32, #tpu.memory_space<hbm>>
      tpu.enqueue_dma source(%arg8 : memref<10240xf32, #tpu.memory_space<vmem>>) target(%dma_start3A_33 : memref<10240xf32, #tpu.memory_space<hbm>>) target_semaphore(%run_scoped3A : memref<!tpu.dma_semaphore, #tpu.memory_space<semaphore_mem>>)
      %dma_wait3A = tpu.memref_slice %arg5[%mul3A_28] : memref<327680xf32, #tpu.memory_space<hbm>> -> memref<10240xf32, #tpu.memory_space<hbm>>
      %dma_wait3A_34 = tpu.memref_slice %arg5[%mul3A_28] : memref<327680xf32, #tpu.memory_space<hbm>> -> memref<10240xf32, #tpu.memory_space<hbm>>
      tpu.wait_dma2 semaphore(%run_scoped3A : memref<!tpu.dma_semaphore, #tpu.memory_space<semaphore_mem>>) src(%arg8 : memref<10240xf32, #tpu.memory_space<vmem>>) dst(%dma_wait3A_34 : memref<10240xf32, #tpu.memory_space<hbm>>)
      tpu.yield
    }) : () -> ()
    %mul3A_29 = arith.constant 640 : i32
    %mul3A_30 = arith.muli %arg1, %mul3A_29 : i32
    "tpu.region"() ({
      %run_scoped3A = tpu.sem_alloc : memref<!tpu.dma_semaphore, #tpu.memory_space<semaphore_mem>>
      %dma_start3A = tpu.memref_slice %arg10[%mul3A_30] : memref<10240xf32, #tpu.memory_space<vmem_shared>> -> memref<640xf32, #tpu.memory_space<vmem_shared>>
      %dma_start3A_33 = tpu.memref_slice %arg10[%mul3A_30] : memref<10240xf32, #tpu.memory_space<vmem_shared>> -> memref<640xf32, #tpu.memory_space<vmem_shared>>
      tpu.enqueue_dma source(%dma_start3A_33 : memref<640xf32, #tpu.memory_space<vmem_shared>>) target(%arg9 : memref<640xf32, #tpu.memory_space<vmem>>) target_semaphore(%run_scoped3A : memref<!tpu.dma_semaphore, #tpu.memory_space<semaphore_mem>>)
      %dma_wait3A = tpu.memref_slice %arg10[%mul3A_30] : memref<10240xf32, #tpu.memory_space<vmem_shared>> -> memref<640xf32, #tpu.memory_space<vmem_shared>>
      %dma_wait3A_34 = tpu.memref_slice %arg10[%mul3A_30] : memref<10240xf32, #tpu.memory_space<vmem_shared>> -> memref<640xf32, #tpu.memory_space<vmem_shared>>
      tpu.wait_dma2 semaphore(%run_scoped3A : memref<!tpu.dma_semaphore, #tpu.memory_space<semaphore_mem>>) src(%dma_wait3A_34 : memref<640xf32, #tpu.memory_space<vmem_shared>>) dst(%arg9 : memref<640xf32, #tpu.memory_space<vmem>>)
      tpu.yield
    }) : () -> ()
    %mul3A_31 = arith.constant 640 : i32
    %mul3A_32 = arith.muli %arg1, %mul3A_31 : i32
    "tpu.region"() ({
      %run_scoped3A = tpu.sem_alloc : memref<!tpu.dma_semaphore, #tpu.memory_space<semaphore_mem>>
      %dma_start3A = tpu.memref_slice %arg4[%arg0, %mul3A_32] : memref<2x10240xf32, #tpu.memory_space<hbm>> -> memref<1x640xf32, #tpu.memory_space<hbm>>
      %dma_start3A_33 = tpu.memref_squeeze %dma_start3A : memref<1x640xf32, #tpu.memory_space<hbm>> -> memref<640xf32, #tpu.memory_space<hbm>>
      %dma_start3A_34 = tpu.memref_slice %arg4[%arg0, %mul3A_32] : memref<2x10240xf32, #tpu.memory_space<hbm>> -> memref<1x640xf32, #tpu.memory_space<hbm>>
      %dma_start3A_35 = tpu.memref_squeeze %dma_start3A_34 : memref<1x640xf32, #tpu.memory_space<hbm>> -> memref<640xf32, #tpu.memory_space<hbm>>
      tpu.enqueue_dma source(%arg9 : memref<640xf32, #tpu.memory_space<vmem>>) target(%dma_start3A_35 : memref<640xf32, #tpu.memory_space<hbm>>) target_semaphore(%run_scoped3A : memref<!tpu.dma_semaphore, #tpu.memory_space<semaphore_mem>>)
      %dma_wait3A = tpu.memref_slice %arg4[%arg0, %mul3A_32] : memref<2x10240xf32, #tpu.memory_space<hbm>> -> memref<1x640xf32, #tpu.memory_space<hbm>>
      %dma_wait3A_36 = tpu.memref_squeeze %dma_wait3A : memref<1x640xf32, #tpu.memory_space<hbm>> -> memref<640xf32, #tpu.memory_space<hbm>>
      %dma_wait3A_37 = tpu.memref_slice %arg4[%arg0, %mul3A_32] : memref<2x10240xf32, #tpu.memory_space<hbm>> -> memref<1x640xf32, #tpu.memory_space<hbm>>
      %dma_wait3A_38 = tpu.memref_squeeze %dma_wait3A_37 : memref<1x640xf32, #tpu.memory_space<hbm>> -> memref<640xf32, #tpu.memory_space<hbm>>
      tpu.wait_dma2 semaphore(%run_scoped3A : memref<!tpu.dma_semaphore, #tpu.memory_space<semaphore_mem>>) src(%arg9 : memref<640xf32, #tpu.memory_space<vmem>>) dst(%dma_wait3A_38 : memref<640xf32, #tpu.memory_space<hbm>>)
      tpu.yield
    }) : () -> ()
    return
  }
}

#map = affine_map<(d0, d1) -> (0, 0)>
#map1 = affine_map<(d0, d1) -> (0)>
#map2 = affine_map<(d0, d1) -> (0, 0, 0)>
module attributes {stable_mosaic.version = 14 : i64} {
  func.func @_sc_conv_body(%arg0: i32, %arg1: i32, %arg2: memref<2560x128xi32, #tpu.memory_space<hbm>>, %arg3: memref<2560x128xi32, #tpu.memory_space<hbm>>, %arg4: memref<327680xf32, #tpu.memory_space<hbm>>, %arg5: memref<10000x128xf32, #tpu.memory_space<hbm>>, %arg6: memref<2x10240x128xf32, #tpu.memory_space<hbm>>, %arg7: memref<32x128xi32, #tpu.memory_space<vmem>>, %arg8: memref<32x128xi32, #tpu.memory_space<vmem>>, %arg9: memref<4096xf32, #tpu.memory_space<vmem>>, %arg10: memref<256x128xf32, #tpu.memory_space<vmem>>, %arg11: memref<10240x128xf32, #tpu.memory_space<vmem_shared>>, %arg12: memref<!tpu.dma_semaphore, #tpu.memory_space<semaphore_mem>>, %arg13: memref<!tpu.dma_semaphore, #tpu.memory_space<semaphore_mem>>, %arg14: memref<!tpu.dma_semaphore, #tpu.memory_space<semaphore_mem>>) attributes {dimension_semantics = [#tpu.dimension_semantics<core_parallel>, #tpu.dimension_semantics<subcore_parallel>], iteration_bounds = array<i64: 2, 16>, scalar_prefetch = 0 : i64, scratch_operands = 8 : i64, tpu.core_type = #tpu.core_type<sc_vector_subcore>, window_params = [{transform_indices = #map}, {transform_indices = #map}, {transform_indices = #map1}, {transform_indices = #map}, {transform_indices = #map2}]} {
    %mul3A = arith.constant 16 : i32
    %mul3A_0 = arith.muli %arg0, %mul3A : i32
    %add3A = arith.addi %mul3A_0, %arg1 : i32
    %scan3A = arith.constant 0 : i32
    %scan3A_1 = arith.constant 0 : i32
    %scan3A_2 = arith.constant 128 : i32
    %scan3A_3 = arith.addi %scan3A_1, %scan3A_2 : i32
    %scan3A_4 = arith.constant 1 : i32
    %scan3A_5 = scf.for %scan3A_83 = %scan3A_1 to %scan3A_3 step %scan3A_4 iter_args(%scan3A_84 = %scan3A) -> (i32)  : i32 {
      %broadcast_in_dim3A = arith.constant 0.000000e+00 : f32
      %broadcast_in_dim3A_85 = vector.broadcast %broadcast_in_dim3A : f32 to vector<16xf32>
      %swap3A = arith.index_cast %scan3A_83 : i32 to index
      %swap3A_86 = arith.constant 0 : index
      %swap3A_87 = tpu.vector_load %arg10[%swap3A, %swap3A_86] {strides = array<i32>} : memref<256x128xf32, #tpu.memory_space<vmem>>, vector<16xf32>,
      tpu.vector_store %arg10[%swap3A, %swap3A_86], %broadcast_in_dim3A_85 {strides = array<i32>} : memref<256x128xf32, #tpu.memory_space<vmem>>, vector<16xf32>,
      %broadcast_in_dim3A_88 = arith.constant 0.000000e+00 : f32
      %broadcast_in_dim3A_89 = vector.broadcast %broadcast_in_dim3A_88 : f32 to vector<16xf32>
      %swap3A_90 = arith.index_cast %scan3A_83 : i32 to index
      %swap3A_91 = arith.constant 16 : index
      %swap3A_92 = tpu.vector_load %arg10[%swap3A_90, %swap3A_91] {strides = array<i32>} : memref<256x128xf32, #tpu.memory_space<vmem>>, vector<16xf32>,
      tpu.vector_store %arg10[%swap3A_90, %swap3A_91], %broadcast_in_dim3A_89 {strides = array<i32>} : memref<256x128xf32, #tpu.memory_space<vmem>>, vector<16xf32>,
      %broadcast_in_dim3A_93 = arith.constant 0.000000e+00 : f32
      %broadcast_in_dim3A_94 = vector.broadcast %broadcast_in_dim3A_93 : f32 to vector<16xf32>
      %swap3A_95 = arith.index_cast %scan3A_83 : i32 to index
      %swap3A_96 = arith.constant 32 : index
      %swap3A_97 = tpu.vector_load %arg10[%swap3A_95, %swap3A_96] {strides = array<i32>} : memref<256x128xf32, #tpu.memory_space<vmem>>, vector<16xf32>,
      tpu.vector_store %arg10[%swap3A_95, %swap3A_96], %broadcast_in_dim3A_94 {strides = array<i32>} : memref<256x128xf32, #tpu.memory_space<vmem>>, vector<16xf32>,
      %broadcast_in_dim3A_98 = arith.constant 0.000000e+00 : f32
      %broadcast_in_dim3A_99 = vector.broadcast %broadcast_in_dim3A_98 : f32 to vector<16xf32>
      %swap3A_100 = arith.index_cast %scan3A_83 : i32 to index
      %swap3A_101 = arith.constant 48 : index
      %swap3A_102 = tpu.vector_load %arg10[%swap3A_100, %swap3A_101] {strides = array<i32>} : memref<256x128xf32, #tpu.memory_space<vmem>>, vector<16xf32>,
      tpu.vector_store %arg10[%swap3A_100, %swap3A_101], %broadcast_in_dim3A_99 {strides = array<i32>} : memref<256x128xf32, #tpu.memory_space<vmem>>, vector<16xf32>,
      %broadcast_in_dim3A_103 = arith.constant 0.000000e+00 : f32
      %broadcast_in_dim3A_104 = vector.broadcast %broadcast_in_dim3A_103 : f32 to vector<16xf32>
      %swap3A_105 = arith.index_cast %scan3A_83 : i32 to index
      %swap3A_106 = arith.constant 64 : index
      %swap3A_107 = tpu.vector_load %arg10[%swap3A_105, %swap3A_106] {strides = array<i32>} : memref<256x128xf32, #tpu.memory_space<vmem>>, vector<16xf32>,
      tpu.vector_store %arg10[%swap3A_105, %swap3A_106], %broadcast_in_dim3A_104 {strides = array<i32>} : memref<256x128xf32, #tpu.memory_space<vmem>>, vector<16xf32>,
      %broadcast_in_dim3A_108 = arith.constant 0.000000e+00 : f32
      %broadcast_in_dim3A_109 = vector.broadcast %broadcast_in_dim3A_108 : f32 to vector<16xf32>
      %swap3A_110 = arith.index_cast %scan3A_83 : i32 to index
      %swap3A_111 = arith.constant 80 : index
      %swap3A_112 = tpu.vector_load %arg10[%swap3A_110, %swap3A_111] {strides = array<i32>} : memref<256x128xf32, #tpu.memory_space<vmem>>, vector<16xf32>,
      tpu.vector_store %arg10[%swap3A_110, %swap3A_111], %broadcast_in_dim3A_109 {strides = array<i32>} : memref<256x128xf32, #tpu.memory_space<vmem>>, vector<16xf32>,
      %broadcast_in_dim3A_113 = arith.constant 0.000000e+00 : f32
      %broadcast_in_dim3A_114 = vector.broadcast %broadcast_in_dim3A_113 : f32 to vector<16xf32>
      %swap3A_115 = arith.index_cast %scan3A_83 : i32 to index
      %swap3A_116 = arith.constant 96 : index
      %swap3A_117 = tpu.vector_load %arg10[%swap3A_115, %swap3A_116] {strides = array<i32>} : memref<256x128xf32, #tpu.memory_space<vmem>>, vector<16xf32>,
      tpu.vector_store %arg10[%swap3A_115, %swap3A_116], %broadcast_in_dim3A_114 {strides = array<i32>} : memref<256x128xf32, #tpu.memory_space<vmem>>, vector<16xf32>,
      %broadcast_in_dim3A_118 = arith.constant 0.000000e+00 : f32
      %broadcast_in_dim3A_119 = vector.broadcast %broadcast_in_dim3A_118 : f32 to vector<16xf32>
      %swap3A_120 = arith.index_cast %scan3A_83 : i32 to index
      %swap3A_121 = arith.constant 112 : index
      %swap3A_122 = tpu.vector_load %arg10[%swap3A_120, %swap3A_121] {strides = array<i32>} : memref<256x128xf32, #tpu.memory_space<vmem>>, vector<16xf32>,
      tpu.vector_store %arg10[%swap3A_120, %swap3A_121], %broadcast_in_dim3A_119 {strides = array<i32>} : memref<256x128xf32, #tpu.memory_space<vmem>>, vector<16xf32>,
      %scan3A_123 = arith.constant 0 : i32
      scf.yield %scan3A_123 : i32
    }
    %scan3A_6 = arith.constant 128 : i32
    %mul3A_7 = arith.constant 640 : i32
    %mul3A_8 = arith.muli %arg1, %mul3A_7 : i32
    %add3A_9 = arith.constant 0 : i32
    %add3A_10 = arith.addi %mul3A_8, %add3A_9 : i32
    "tpu.region"() ({
      %run_scoped3A = tpu.sem_alloc : memref<!tpu.dma_semaphore, #tpu.memory_space<semaphore_mem>>
      %dma_start3A = arith.constant 0 : i32
      %dma_start3A_83 = arith.constant 0 : i32
      %dma_start3A_84 = tpu.memref_slice %arg10[%dma_start3A, %dma_start3A_83] : memref<256x128xf32, #tpu.memory_space<vmem>> -> memref<128x128xf32, #tpu.memory_space<vmem>>
      %dma_start3A_85 = arith.constant 0 : i32
      %dma_start3A_86 = tpu.memref_slice %arg11[%add3A_10, %dma_start3A_85] : memref<10240x128xf32, #tpu.memory_space<vmem_shared>> -> memref<128x128xf32, #tpu.memory_space<vmem_shared>>
      %dma_start3A_87 = arith.constant 0 : i32
      %dma_start3A_88 = tpu.memref_slice %arg11[%add3A_10, %dma_start3A_87] : memref<10240x128xf32, #tpu.memory_space<vmem_shared>> -> memref<128x128xf32, #tpu.memory_space<vmem_shared>>
      %dma_start3A_89 = arith.constant 0 : i32
      %dma_start3A_90 = arith.constant 0 : i32
      %dma_start3A_91 = tpu.memref_slice %arg10[%dma_start3A_89, %dma_start3A_90] : memref<256x128xf32, #tpu.memory_space<vmem>> -> memref<128x128xf32, #tpu.memory_space<vmem>>
      tpu.enqueue_dma source(%dma_start3A_91 : memref<128x128xf32, #tpu.memory_space<vmem>>) target(%dma_start3A_88 : memref<128x128xf32, #tpu.memory_space<vmem_shared>>) target_semaphore(%run_scoped3A : memref<!tpu.dma_semaphore, #tpu.memory_space<semaphore_mem>>)
      %dma_wait3A = arith.constant 0 : i32
      %dma_wait3A_92 = arith.constant 0 : i32
      %dma_wait3A_93 = tpu.memref_slice %arg10[%dma_wait3A, %dma_wait3A_92] : memref<256x128xf32, #tpu.memory_space<vmem>> -> memref<128x128xf32, #tpu.memory_space<vmem>>
      %dma_wait3A_94 = arith.constant 0 : i32
      %dma_wait3A_95 = tpu.memref_slice %arg11[%add3A_10, %dma_wait3A_94] : memref<10240x128xf32, #tpu.memory_space<vmem_shared>> -> memref<128x128xf32, #tpu.memory_space<vmem_shared>>
      %dma_wait3A_96 = arith.constant 0 : i32
      %dma_wait3A_97 = tpu.memref_slice %arg11[%add3A_10, %dma_wait3A_96] : memref<10240x128xf32, #tpu.memory_space<vmem_shared>> -> memref<128x128xf32, #tpu.memory_space<vmem_shared>>
      %dma_wait3A_98 = arith.constant 0 : i32
      %dma_wait3A_99 = arith.constant 0 : i32
      %dma_wait3A_100 = tpu.memref_slice %arg10[%dma_wait3A_98, %dma_wait3A_99] : memref<256x128xf32, #tpu.memory_space<vmem>> -> memref<128x128xf32, #tpu.memory_space<vmem>>
      tpu.wait_dma2 semaphore(%run_scoped3A : memref<!tpu.dma_semaphore, #tpu.memory_space<semaphore_mem>>) src(%dma_wait3A_100 : memref<128x128xf32, #tpu.memory_space<vmem>>) dst(%dma_wait3A_97 : memref<128x128xf32, #tpu.memory_space<vmem_shared>>)
      tpu.yield
    }) : () -> ()
    %mul3A_11 = arith.constant 640 : i32
    %mul3A_12 = arith.muli %arg1, %mul3A_11 : i32
    %add3A_13 = arith.constant 128 : i32
    %add3A_14 = arith.addi %mul3A_12, %add3A_13 : i32
    "tpu.region"() ({
      %run_scoped3A = tpu.sem_alloc : memref<!tpu.dma_semaphore, #tpu.memory_space<semaphore_mem>>
      %dma_start3A = arith.constant 0 : i32
      %dma_start3A_83 = arith.constant 0 : i32
      %dma_start3A_84 = tpu.memref_slice %arg10[%dma_start3A, %dma_start3A_83] : memref<256x128xf32, #tpu.memory_space<vmem>> -> memref<128x128xf32, #tpu.memory_space<vmem>>
      %dma_start3A_85 = arith.constant 0 : i32
      %dma_start3A_86 = tpu.memref_slice %arg11[%add3A_14, %dma_start3A_85] : memref<10240x128xf32, #tpu.memory_space<vmem_shared>> -> memref<128x128xf32, #tpu.memory_space<vmem_shared>>
      %dma_start3A_87 = arith.constant 0 : i32
      %dma_start3A_88 = tpu.memref_slice %arg11[%add3A_14, %dma_start3A_87] : memref<10240x128xf32, #tpu.memory_space<vmem_shared>> -> memref<128x128xf32, #tpu.memory_space<vmem_shared>>
      %dma_start3A_89 = arith.constant 0 : i32
      %dma_start3A_90 = arith.constant 0 : i32
      %dma_start3A_91 = tpu.memref_slice %arg10[%dma_start3A_89, %dma_start3A_90] : memref<256x128xf32, #tpu.memory_space<vmem>> -> memref<128x128xf32, #tpu.memory_space<vmem>>
      tpu.enqueue_dma source(%dma_start3A_91 : memref<128x128xf32, #tpu.memory_space<vmem>>) target(%dma_start3A_88 : memref<128x128xf32, #tpu.memory_space<vmem_shared>>) target_semaphore(%run_scoped3A : memref<!tpu.dma_semaphore, #tpu.memory_space<semaphore_mem>>)
      %dma_wait3A = arith.constant 0 : i32
      %dma_wait3A_92 = arith.constant 0 : i32
      %dma_wait3A_93 = tpu.memref_slice %arg10[%dma_wait3A, %dma_wait3A_92] : memref<256x128xf32, #tpu.memory_space<vmem>> -> memref<128x128xf32, #tpu.memory_space<vmem>>
      %dma_wait3A_94 = arith.constant 0 : i32
      %dma_wait3A_95 = tpu.memref_slice %arg11[%add3A_14, %dma_wait3A_94] : memref<10240x128xf32, #tpu.memory_space<vmem_shared>> -> memref<128x128xf32, #tpu.memory_space<vmem_shared>>
      %dma_wait3A_96 = arith.constant 0 : i32
      %dma_wait3A_97 = tpu.memref_slice %arg11[%add3A_14, %dma_wait3A_96] : memref<10240x128xf32, #tpu.memory_space<vmem_shared>> -> memref<128x128xf32, #tpu.memory_space<vmem_shared>>
      %dma_wait3A_98 = arith.constant 0 : i32
      %dma_wait3A_99 = arith.constant 0 : i32
      %dma_wait3A_100 = tpu.memref_slice %arg10[%dma_wait3A_98, %dma_wait3A_99] : memref<256x128xf32, #tpu.memory_space<vmem>> -> memref<128x128xf32, #tpu.memory_space<vmem>>
      tpu.wait_dma2 semaphore(%run_scoped3A : memref<!tpu.dma_semaphore, #tpu.memory_space<semaphore_mem>>) src(%dma_wait3A_100 : memref<128x128xf32, #tpu.memory_space<vmem>>) dst(%dma_wait3A_97 : memref<128x128xf32, #tpu.memory_space<vmem_shared>>)
      tpu.yield
    }) : () -> ()
    %mul3A_15 = arith.constant 640 : i32
    %mul3A_16 = arith.muli %arg1, %mul3A_15 : i32
    %add3A_17 = arith.constant 256 : i32
    %add3A_18 = arith.addi %mul3A_16, %add3A_17 : i32
    "tpu.region"() ({
      %run_scoped3A = tpu.sem_alloc : memref<!tpu.dma_semaphore, #tpu.memory_space<semaphore_mem>>
      %dma_start3A = arith.constant 0 : i32
      %dma_start3A_83 = arith.constant 0 : i32
      %dma_start3A_84 = tpu.memref_slice %arg10[%dma_start3A, %dma_start3A_83] : memref<256x128xf32, #tpu.memory_space<vmem>> -> memref<128x128xf32, #tpu.memory_space<vmem>>
      %dma_start3A_85 = arith.constant 0 : i32
      %dma_start3A_86 = tpu.memref_slice %arg11[%add3A_18, %dma_start3A_85] : memref<10240x128xf32, #tpu.memory_space<vmem_shared>> -> memref<128x128xf32, #tpu.memory_space<vmem_shared>>
      %dma_start3A_87 = arith.constant 0 : i32
      %dma_start3A_88 = tpu.memref_slice %arg11[%add3A_18, %dma_start3A_87] : memref<10240x128xf32, #tpu.memory_space<vmem_shared>> -> memref<128x128xf32, #tpu.memory_space<vmem_shared>>
      %dma_start3A_89 = arith.constant 0 : i32
      %dma_start3A_90 = arith.constant 0 : i32
      %dma_start3A_91 = tpu.memref_slice %arg10[%dma_start3A_89, %dma_start3A_90] : memref<256x128xf32, #tpu.memory_space<vmem>> -> memref<128x128xf32, #tpu.memory_space<vmem>>
      tpu.enqueue_dma source(%dma_start3A_91 : memref<128x128xf32, #tpu.memory_space<vmem>>) target(%dma_start3A_88 : memref<128x128xf32, #tpu.memory_space<vmem_shared>>) target_semaphore(%run_scoped3A : memref<!tpu.dma_semaphore, #tpu.memory_space<semaphore_mem>>)
      %dma_wait3A = arith.constant 0 : i32
      %dma_wait3A_92 = arith.constant 0 : i32
      %dma_wait3A_93 = tpu.memref_slice %arg10[%dma_wait3A, %dma_wait3A_92] : memref<256x128xf32, #tpu.memory_space<vmem>> -> memref<128x128xf32, #tpu.memory_space<vmem>>
      %dma_wait3A_94 = arith.constant 0 : i32
      %dma_wait3A_95 = tpu.memref_slice %arg11[%add3A_18, %dma_wait3A_94] : memref<10240x128xf32, #tpu.memory_space<vmem_shared>> -> memref<128x128xf32, #tpu.memory_space<vmem_shared>>
      %dma_wait3A_96 = arith.constant 0 : i32
      %dma_wait3A_97 = tpu.memref_slice %arg11[%add3A_18, %dma_wait3A_96] : memref<10240x128xf32, #tpu.memory_space<vmem_shared>> -> memref<128x128xf32, #tpu.memory_space<vmem_shared>>
      %dma_wait3A_98 = arith.constant 0 : i32
      %dma_wait3A_99 = arith.constant 0 : i32
      %dma_wait3A_100 = tpu.memref_slice %arg10[%dma_wait3A_98, %dma_wait3A_99] : memref<256x128xf32, #tpu.memory_space<vmem>> -> memref<128x128xf32, #tpu.memory_space<vmem>>
      tpu.wait_dma2 semaphore(%run_scoped3A : memref<!tpu.dma_semaphore, #tpu.memory_space<semaphore_mem>>) src(%dma_wait3A_100 : memref<128x128xf32, #tpu.memory_space<vmem>>) dst(%dma_wait3A_97 : memref<128x128xf32, #tpu.memory_space<vmem_shared>>)
      tpu.yield
    }) : () -> ()
    %mul3A_19 = arith.constant 640 : i32
    %mul3A_20 = arith.muli %arg1, %mul3A_19 : i32
    %add3A_21 = arith.constant 384 : i32
    %add3A_22 = arith.addi %mul3A_20, %add3A_21 : i32
    "tpu.region"() ({
      %run_scoped3A = tpu.sem_alloc : memref<!tpu.dma_semaphore, #tpu.memory_space<semaphore_mem>>
      %dma_start3A = arith.constant 0 : i32
      %dma_start3A_83 = arith.constant 0 : i32
      %dma_start3A_84 = tpu.memref_slice %arg10[%dma_start3A, %dma_start3A_83] : memref<256x128xf32, #tpu.memory_space<vmem>> -> memref<128x128xf32, #tpu.memory_space<vmem>>
      %dma_start3A_85 = arith.constant 0 : i32
      %dma_start3A_86 = tpu.memref_slice %arg11[%add3A_22, %dma_start3A_85] : memref<10240x128xf32, #tpu.memory_space<vmem_shared>> -> memref<128x128xf32, #tpu.memory_space<vmem_shared>>
      %dma_start3A_87 = arith.constant 0 : i32
      %dma_start3A_88 = tpu.memref_slice %arg11[%add3A_22, %dma_start3A_87] : memref<10240x128xf32, #tpu.memory_space<vmem_shared>> -> memref<128x128xf32, #tpu.memory_space<vmem_shared>>
      %dma_start3A_89 = arith.constant 0 : i32
      %dma_start3A_90 = arith.constant 0 : i32
      %dma_start3A_91 = tpu.memref_slice %arg10[%dma_start3A_89, %dma_start3A_90] : memref<256x128xf32, #tpu.memory_space<vmem>> -> memref<128x128xf32, #tpu.memory_space<vmem>>
      tpu.enqueue_dma source(%dma_start3A_91 : memref<128x128xf32, #tpu.memory_space<vmem>>) target(%dma_start3A_88 : memref<128x128xf32, #tpu.memory_space<vmem_shared>>) target_semaphore(%run_scoped3A : memref<!tpu.dma_semaphore, #tpu.memory_space<semaphore_mem>>)
      %dma_wait3A = arith.constant 0 : i32
      %dma_wait3A_92 = arith.constant 0 : i32
      %dma_wait3A_93 = tpu.memref_slice %arg10[%dma_wait3A, %dma_wait3A_92] : memref<256x128xf32, #tpu.memory_space<vmem>> -> memref<128x128xf32, #tpu.memory_space<vmem>>
      %dma_wait3A_94 = arith.constant 0 : i32
      %dma_wait3A_95 = tpu.memref_slice %arg11[%add3A_22, %dma_wait3A_94] : memref<10240x128xf32, #tpu.memory_space<vmem_shared>> -> memref<128x128xf32, #tpu.memory_space<vmem_shared>>
      %dma_wait3A_96 = arith.constant 0 : i32
      %dma_wait3A_97 = tpu.memref_slice %arg11[%add3A_22, %dma_wait3A_96] : memref<10240x128xf32, #tpu.memory_space<vmem_shared>> -> memref<128x128xf32, #tpu.memory_space<vmem_shared>>
      %dma_wait3A_98 = arith.constant 0 : i32
      %dma_wait3A_99 = arith.constant 0 : i32
      %dma_wait3A_100 = tpu.memref_slice %arg10[%dma_wait3A_98, %dma_wait3A_99] : memref<256x128xf32, #tpu.memory_space<vmem>> -> memref<128x128xf32, #tpu.memory_space<vmem>>
      tpu.wait_dma2 semaphore(%run_scoped3A : memref<!tpu.dma_semaphore, #tpu.memory_space<semaphore_mem>>) src(%dma_wait3A_100 : memref<128x128xf32, #tpu.memory_space<vmem>>) dst(%dma_wait3A_97 : memref<128x128xf32, #tpu.memory_space<vmem_shared>>)
      tpu.yield
    }) : () -> ()
    %mul3A_23 = arith.constant 640 : i32
    %mul3A_24 = arith.muli %arg1, %mul3A_23 : i32
    %add3A_25 = arith.constant 512 : i32
    %add3A_26 = arith.addi %mul3A_24, %add3A_25 : i32
    "tpu.region"() ({
      %run_scoped3A = tpu.sem_alloc : memref<!tpu.dma_semaphore, #tpu.memory_space<semaphore_mem>>
      %dma_start3A = arith.constant 0 : i32
      %dma_start3A_83 = arith.constant 0 : i32
      %dma_start3A_84 = tpu.memref_slice %arg10[%dma_start3A, %dma_start3A_83] : memref<256x128xf32, #tpu.memory_space<vmem>> -> memref<128x128xf32, #tpu.memory_space<vmem>>
      %dma_start3A_85 = arith.constant 0 : i32
      %dma_start3A_86 = tpu.memref_slice %arg11[%add3A_26, %dma_start3A_85] : memref<10240x128xf32, #tpu.memory_space<vmem_shared>> -> memref<128x128xf32, #tpu.memory_space<vmem_shared>>
      %dma_start3A_87 = arith.constant 0 : i32
      %dma_start3A_88 = tpu.memref_slice %arg11[%add3A_26, %dma_start3A_87] : memref<10240x128xf32, #tpu.memory_space<vmem_shared>> -> memref<128x128xf32, #tpu.memory_space<vmem_shared>>
      %dma_start3A_89 = arith.constant 0 : i32
      %dma_start3A_90 = arith.constant 0 : i32
      %dma_start3A_91 = tpu.memref_slice %arg10[%dma_start3A_89, %dma_start3A_90] : memref<256x128xf32, #tpu.memory_space<vmem>> -> memref<128x128xf32, #tpu.memory_space<vmem>>
      tpu.enqueue_dma source(%dma_start3A_91 : memref<128x128xf32, #tpu.memory_space<vmem>>) target(%dma_start3A_88 : memref<128x128xf32, #tpu.memory_space<vmem_shared>>) target_semaphore(%run_scoped3A : memref<!tpu.dma_semaphore, #tpu.memory_space<semaphore_mem>>)
      %dma_wait3A = arith.constant 0 : i32
      %dma_wait3A_92 = arith.constant 0 : i32
      %dma_wait3A_93 = tpu.memref_slice %arg10[%dma_wait3A, %dma_wait3A_92] : memref<256x128xf32, #tpu.memory_space<vmem>> -> memref<128x128xf32, #tpu.memory_space<vmem>>
      %dma_wait3A_94 = arith.constant 0 : i32
      %dma_wait3A_95 = tpu.memref_slice %arg11[%add3A_26, %dma_wait3A_94] : memref<10240x128xf32, #tpu.memory_space<vmem_shared>> -> memref<128x128xf32, #tpu.memory_space<vmem_shared>>
      %dma_wait3A_96 = arith.constant 0 : i32
      %dma_wait3A_97 = tpu.memref_slice %arg11[%add3A_26, %dma_wait3A_96] : memref<10240x128xf32, #tpu.memory_space<vmem_shared>> -> memref<128x128xf32, #tpu.memory_space<vmem_shared>>
      %dma_wait3A_98 = arith.constant 0 : i32
      %dma_wait3A_99 = arith.constant 0 : i32
      %dma_wait3A_100 = tpu.memref_slice %arg10[%dma_wait3A_98, %dma_wait3A_99] : memref<256x128xf32, #tpu.memory_space<vmem>> -> memref<128x128xf32, #tpu.memory_space<vmem>>
      tpu.wait_dma2 semaphore(%run_scoped3A : memref<!tpu.dma_semaphore, #tpu.memory_space<semaphore_mem>>) src(%dma_wait3A_100 : memref<128x128xf32, #tpu.memory_space<vmem>>) dst(%dma_wait3A_97 : memref<128x128xf32, #tpu.memory_space<vmem_shared>>)
      tpu.yield
    }) : () -> ()
    %mul3A_27 = arith.constant 80 : i32
    %mul3A_28 = arith.muli %add3A, %mul3A_27 : i32
    "tpu.region"() ({
      %run_scoped3A = tpu.sem_alloc : memref<!tpu.dma_semaphore, #tpu.memory_space<semaphore_mem>>
      %dma_start3A = arith.constant 0 : i32
      %dma_start3A_83 = arith.constant 0 : i32
      %dma_start3A_84 = tpu.memref_slice %arg7[%dma_start3A, %dma_start3A_83] : memref<32x128xi32, #tpu.memory_space<vmem>> -> memref<16x128xi32, #tpu.memory_space<vmem>>
      %dma_start3A_85 = arith.constant 0 : i32
      %dma_start3A_86 = tpu.memref_slice %arg2[%mul3A_28, %dma_start3A_85] : memref<2560x128xi32, #tpu.memory_space<hbm>> -> memref<16x128xi32, #tpu.memory_space<hbm>>
      %dma_start3A_87 = arith.constant 0 : i32
      %dma_start3A_88 = arith.constant 0 : i32
      %dma_start3A_89 = tpu.memref_slice %arg7[%dma_start3A_87, %dma_start3A_88] : memref<32x128xi32, #tpu.memory_space<vmem>> -> memref<16x128xi32, #tpu.memory_space<vmem>>
      %dma_start3A_90 = arith.constant 0 : i32
      %dma_start3A_91 = tpu.memref_slice %arg2[%mul3A_28, %dma_start3A_90] : memref<2560x128xi32, #tpu.memory_space<hbm>> -> memref<16x128xi32, #tpu.memory_space<hbm>>
      tpu.enqueue_dma source(%dma_start3A_91 : memref<16x128xi32, #tpu.memory_space<hbm>>) target(%dma_start3A_89 : memref<16x128xi32, #tpu.memory_space<vmem>>) target_semaphore(%run_scoped3A : memref<!tpu.dma_semaphore, #tpu.memory_space<semaphore_mem>>)
      %dma_wait3A = arith.constant 0 : i32
      %dma_wait3A_92 = arith.constant 0 : i32
      %dma_wait3A_93 = tpu.memref_slice %arg7[%dma_wait3A, %dma_wait3A_92] : memref<32x128xi32, #tpu.memory_space<vmem>> -> memref<16x128xi32, #tpu.memory_space<vmem>>
      %dma_wait3A_94 = arith.constant 0 : i32
      %dma_wait3A_95 = tpu.memref_slice %arg2[%mul3A_28, %dma_wait3A_94] : memref<2560x128xi32, #tpu.memory_space<hbm>> -> memref<16x128xi32, #tpu.memory_space<hbm>>
      %dma_wait3A_96 = arith.constant 0 : i32
      %dma_wait3A_97 = arith.constant 0 : i32
      %dma_wait3A_98 = tpu.memref_slice %arg7[%dma_wait3A_96, %dma_wait3A_97] : memref<32x128xi32, #tpu.memory_space<vmem>> -> memref<16x128xi32, #tpu.memory_space<vmem>>
      %dma_wait3A_99 = arith.constant 0 : i32
      %dma_wait3A_100 = tpu.memref_slice %arg2[%mul3A_28, %dma_wait3A_99] : memref<2560x128xi32, #tpu.memory_space<hbm>> -> memref<16x128xi32, #tpu.memory_space<hbm>>
      tpu.wait_dma2 semaphore(%run_scoped3A : memref<!tpu.dma_semaphore, #tpu.memory_space<semaphore_mem>>) src(%dma_wait3A_100 : memref<16x128xi32, #tpu.memory_space<hbm>>) dst(%dma_wait3A_98 : memref<16x128xi32, #tpu.memory_space<vmem>>)
      tpu.yield
    }) : () -> ()
    %mul3A_29 = arith.constant 80 : i32
    %mul3A_30 = arith.muli %add3A, %mul3A_29 : i32
    "tpu.region"() ({
      %run_scoped3A = tpu.sem_alloc : memref<!tpu.dma_semaphore, #tpu.memory_space<semaphore_mem>>
      %dma_start3A = arith.constant 0 : i32
      %dma_start3A_83 = arith.constant 0 : i32
      %dma_start3A_84 = tpu.memref_slice %arg8[%dma_start3A, %dma_start3A_83] : memref<32x128xi32, #tpu.memory_space<vmem>> -> memref<16x128xi32, #tpu.memory_space<vmem>>
      %dma_start3A_85 = arith.constant 0 : i32
      %dma_start3A_86 = tpu.memref_slice %arg3[%mul3A_30, %dma_start3A_85] : memref<2560x128xi32, #tpu.memory_space<hbm>> -> memref<16x128xi32, #tpu.memory_space<hbm>>
      %dma_start3A_87 = arith.constant 0 : i32
      %dma_start3A_88 = arith.constant 0 : i32
      %dma_start3A_89 = tpu.memref_slice %arg8[%dma_start3A_87, %dma_start3A_88] : memref<32x128xi32, #tpu.memory_space<vmem>> -> memref<16x128xi32, #tpu.memory_space<vmem>>
      %dma_start3A_90 = arith.constant 0 : i32
      %dma_start3A_91 = tpu.memref_slice %arg3[%mul3A_30, %dma_start3A_90] : memref<2560x128xi32, #tpu.memory_space<hbm>> -> memref<16x128xi32, #tpu.memory_space<hbm>>
      tpu.enqueue_dma source(%dma_start3A_91 : memref<16x128xi32, #tpu.memory_space<hbm>>) target(%dma_start3A_89 : memref<16x128xi32, #tpu.memory_space<vmem>>) target_semaphore(%run_scoped3A : memref<!tpu.dma_semaphore, #tpu.memory_space<semaphore_mem>>)
      %dma_wait3A = arith.constant 0 : i32
      %dma_wait3A_92 = arith.constant 0 : i32
      %dma_wait3A_93 = tpu.memref_slice %arg8[%dma_wait3A, %dma_wait3A_92] : memref<32x128xi32, #tpu.memory_space<vmem>> -> memref<16x128xi32, #tpu.memory_space<vmem>>
      %dma_wait3A_94 = arith.constant 0 : i32
      %dma_wait3A_95 = tpu.memref_slice %arg3[%mul3A_30, %dma_wait3A_94] : memref<2560x128xi32, #tpu.memory_space<hbm>> -> memref<16x128xi32, #tpu.memory_space<hbm>>
      %dma_wait3A_96 = arith.constant 0 : i32
      %dma_wait3A_97 = arith.constant 0 : i32
      %dma_wait3A_98 = tpu.memref_slice %arg8[%dma_wait3A_96, %dma_wait3A_97] : memref<32x128xi32, #tpu.memory_space<vmem>> -> memref<16x128xi32, #tpu.memory_space<vmem>>
      %dma_wait3A_99 = arith.constant 0 : i32
      %dma_wait3A_100 = tpu.memref_slice %arg3[%mul3A_30, %dma_wait3A_99] : memref<2560x128xi32, #tpu.memory_space<hbm>> -> memref<16x128xi32, #tpu.memory_space<hbm>>
      tpu.wait_dma2 semaphore(%run_scoped3A : memref<!tpu.dma_semaphore, #tpu.memory_space<semaphore_mem>>) src(%dma_wait3A_100 : memref<16x128xi32, #tpu.memory_space<hbm>>) dst(%dma_wait3A_98 : memref<16x128xi32, #tpu.memory_space<vmem>>)
      tpu.yield
    }) : () -> ()
    %mul3A_31 = arith.constant 80 : i32
    %mul3A_32 = arith.muli %add3A, %mul3A_31 : i32
    %mul3A_33 = arith.constant 128 : i32
    %mul3A_34 = arith.muli %mul3A_32, %mul3A_33 : i32
    "tpu.region"() ({
      %run_scoped3A = tpu.sem_alloc : memref<!tpu.dma_semaphore, #tpu.memory_space<semaphore_mem>>
      %dma_start3A = arith.constant 0 : i32
      %dma_start3A_83 = tpu.memref_slice %arg9[%dma_start3A] : memref<4096xf32, #tpu.memory_space<vmem>> -> memref<2048xf32, #tpu.memory_space<vmem>>
      %dma_start3A_84 = tpu.memref_slice %arg4[%mul3A_34] : memref<327680xf32, #tpu.memory_space<hbm>> -> memref<2048xf32, #tpu.memory_space<hbm>>
      %dma_start3A_85 = arith.constant 0 : i32
      %dma_start3A_86 = tpu.memref_slice %arg9[%dma_start3A_85] : memref<4096xf32, #tpu.memory_space<vmem>> -> memref<2048xf32, #tpu.memory_space<vmem>>
      %dma_start3A_87 = tpu.memref_slice %arg4[%mul3A_34] : memref<327680xf32, #tpu.memory_space<hbm>> -> memref<2048xf32, #tpu.memory_space<hbm>>
      tpu.enqueue_dma source(%dma_start3A_87 : memref<2048xf32, #tpu.memory_space<hbm>>) target(%dma_start3A_86 : memref<2048xf32, #tpu.memory_space<vmem>>) target_semaphore(%run_scoped3A : memref<!tpu.dma_semaphore, #tpu.memory_space<semaphore_mem>>)
      %dma_wait3A = arith.constant 0 : i32
      %dma_wait3A_88 = tpu.memref_slice %arg9[%dma_wait3A] : memref<4096xf32, #tpu.memory_space<vmem>> -> memref<2048xf32, #tpu.memory_space<vmem>>
      %dma_wait3A_89 = tpu.memref_slice %arg4[%mul3A_34] : memref<327680xf32, #tpu.memory_space<hbm>> -> memref<2048xf32, #tpu.memory_space<hbm>>
      %dma_wait3A_90 = arith.constant 0 : i32
      %dma_wait3A_91 = tpu.memref_slice %arg9[%dma_wait3A_90] : memref<4096xf32, #tpu.memory_space<vmem>> -> memref<2048xf32, #tpu.memory_space<vmem>>
      %dma_wait3A_92 = tpu.memref_slice %arg4[%mul3A_34] : memref<327680xf32, #tpu.memory_space<hbm>> -> memref<2048xf32, #tpu.memory_space<hbm>>
      tpu.wait_dma2 semaphore(%run_scoped3A : memref<!tpu.dma_semaphore, #tpu.memory_space<semaphore_mem>>) src(%dma_wait3A_92 : memref<2048xf32, #tpu.memory_space<hbm>>) dst(%dma_wait3A_91 : memref<2048xf32, #tpu.memory_space<vmem>>)
      tpu.yield
    }) : () -> ()
    %barrier3A = arith.constant 0 : index
    tpu.barrier barrier_id(%barrier3A)
    %scan3A_35 = arith.constant 0 : i32
    %scan3A_36 = arith.constant 0 : i32
    %scan3A_37 = arith.constant 5 : i32
    %scan3A_38 = arith.addi %scan3A_36, %scan3A_37 : i32
    %scan3A_39 = arith.constant 1 : i32
    %scan3A_40 = scf.for %scan3A_83 = %scan3A_36 to %scan3A_38 step %scan3A_39 iter_args(%scan3A_84 = %scan3A_35) -> (i32)  : i32 {
      %jit3A = arith.constant 2 : i32
      %eq3A = arith.constant 0 : i32
      %eq3A_85 = arith.cmpi eq, %jit3A, %eq3A : i32
      %jit3A_86 = arith.constant 1 : i32
      %select_n3A = arith.select %eq3A_85, %jit3A_86, %jit3A : i32
      %rem3A = arith.remsi %scan3A_83, %select_n3A : i32
      %ne3A = arith.constant 0 : i32
      %ne3A_87 = arith.cmpi ne, %rem3A, %ne3A : i32
      %lt3A = arith.constant 0 : i32
      %lt3A_88 = arith.cmpi slt, %rem3A, %lt3A : i32
      %lt3A_89 = arith.constant 0 : i32
      %lt3A_90 = arith.cmpi slt, %select_n3A, %lt3A_89 : i32
      %ne3A_91 = arith.xori %lt3A_88, %lt3A_90 : i1
      %and3A = arith.andi %ne3A_91, %ne3A_87 : i1
      %add3A_92 = arith.addi %rem3A, %select_n3A : i32
      %select_n3A_93 = arith.select %and3A, %add3A_92, %rem3A : i32
      %mul3A_94 = arith.constant 16 : i32
      %mul3A_95 = arith.muli %select_n3A_93, %mul3A_94 : i32
      %gt3A = arith.constant 0 : i32
      %gt3A_96 = arith.cmpi sgt, %scan3A_83, %gt3A : i32
      %convert_element_type3A = arith.extui %gt3A_96 : i1 to i32
      %cond3A = arith.constant 0 : i32
      %cond3A_97 = arith.cmpi ne, %convert_element_type3A, %cond3A : i32
      scf.if %cond3A_97 {
        %mul3A_132 = arith.constant 80 : i32
        %mul3A_133 = arith.muli %add3A, %mul3A_132 : i32
        %mul3A_134 = arith.constant 16 : i32
        %mul3A_135 = arith.muli %scan3A_83, %mul3A_134 : i32
        %add3A_136 = arith.addi %mul3A_133, %mul3A_135 : i32
        %dma_wait3A = arith.constant 0 : i32
        %dma_wait3A_137 = tpu.memref_slice %arg7[%mul3A_95, %dma_wait3A] : memref<32x128xi32, #tpu.memory_space<vmem>> -> memref<16x128xi32, #tpu.memory_space<vmem>>
        %dma_wait3A_138 = arith.constant 0 : i32
        %dma_wait3A_139 = tpu.memref_slice %arg2[%add3A_136, %dma_wait3A_138] : memref<2560x128xi32, #tpu.memory_space<hbm>> -> memref<16x128xi32, #tpu.memory_space<hbm>>
        %dma_wait3A_140 = arith.constant 0 : i32
        %dma_wait3A_141 = tpu.memref_slice %arg7[%mul3A_95, %dma_wait3A_140] : memref<32x128xi32, #tpu.memory_space<vmem>> -> memref<16x128xi32, #tpu.memory_space<vmem>>
        %dma_wait3A_142 = arith.constant 0 : i32
        %dma_wait3A_143 = tpu.memref_slice %arg2[%add3A_136, %dma_wait3A_142] : memref<2560x128xi32, #tpu.memory_space<hbm>> -> memref<16x128xi32, #tpu.memory_space<hbm>>
        tpu.wait_dma2 semaphore(%arg14 : memref<!tpu.dma_semaphore, #tpu.memory_space<semaphore_mem>>) src(%dma_wait3A_143 : memref<16x128xi32, #tpu.memory_space<hbm>>) dst(%dma_wait3A_141 : memref<16x128xi32, #tpu.memory_space<vmem>>)
        %dma_wait3A_144 = arith.constant 0 : i32
        %dma_wait3A_145 = tpu.memref_slice %arg8[%mul3A_95, %dma_wait3A_144] : memref<32x128xi32, #tpu.memory_space<vmem>> -> memref<16x128xi32, #tpu.memory_space<vmem>>
        %dma_wait3A_146 = arith.constant 0 : i32
        %dma_wait3A_147 = tpu.memref_slice %arg3[%add3A_136, %dma_wait3A_146] : memref<2560x128xi32, #tpu.memory_space<hbm>> -> memref<16x128xi32, #tpu.memory_space<hbm>>
        %dma_wait3A_148 = arith.constant 0 : i32
        %dma_wait3A_149 = tpu.memref_slice %arg8[%mul3A_95, %dma_wait3A_148] : memref<32x128xi32, #tpu.memory_space<vmem>> -> memref<16x128xi32, #tpu.memory_space<vmem>>
        %dma_wait3A_150 = arith.constant 0 : i32
        %dma_wait3A_151 = tpu.memref_slice %arg3[%add3A_136, %dma_wait3A_150] : memref<2560x128xi32, #tpu.memory_space<hbm>> -> memref<16x128xi32, #tpu.memory_space<hbm>>
        tpu.wait_dma2 semaphore(%arg14 : memref<!tpu.dma_semaphore, #tpu.memory_space<semaphore_mem>>) src(%dma_wait3A_151 : memref<16x128xi32, #tpu.memory_space<hbm>>) dst(%dma_wait3A_149 : memref<16x128xi32, #tpu.memory_space<vmem>>)
        %mul3A_152 = arith.constant 128 : i32
        %mul3A_153 = arith.muli %add3A_136, %mul3A_152 : i32
        %mul3A_154 = arith.constant 128 : i32
        %mul3A_155 = arith.muli %mul3A_95, %mul3A_154 : i32
        %dma_wait3A_156 = tpu.memref_slice %arg9[%mul3A_155] : memref<4096xf32, #tpu.memory_space<vmem>> -> memref<2048xf32, #tpu.memory_space<vmem>>
        %dma_wait3A_157 = tpu.memref_slice %arg4[%mul3A_153] : memref<327680xf32, #tpu.memory_space<hbm>> -> memref<2048xf32, #tpu.memory_space<hbm>>
        %dma_wait3A_158 = tpu.memref_slice %arg9[%mul3A_155] : memref<4096xf32, #tpu.memory_space<vmem>> -> memref<2048xf32, #tpu.memory_space<vmem>>
        %dma_wait3A_159 = tpu.memref_slice %arg4[%mul3A_153] : memref<327680xf32, #tpu.memory_space<hbm>> -> memref<2048xf32, #tpu.memory_space<hbm>>
        tpu.wait_dma2 semaphore(%arg14 : memref<!tpu.dma_semaphore, #tpu.memory_space<semaphore_mem>>) src(%dma_wait3A_159 : memref<2048xf32, #tpu.memory_space<hbm>>) dst(%dma_wait3A_158 : memref<2048xf32, #tpu.memory_space<vmem>>)
      } else {
      }
      %add3A_98 = arith.constant 1 : i32
      %add3A_99 = arith.addi %scan3A_83, %add3A_98 : i32
      %lt3A_100 = arith.constant 5 : i32
      %lt3A_101 = arith.cmpi slt, %add3A_99, %lt3A_100 : i32
      %convert_element_type3A_102 = arith.extui %lt3A_101 : i1 to i32
      %cond3A_103 = arith.constant 0 : i32
      %cond3A_104 = arith.cmpi ne, %convert_element_type3A_102, %cond3A_103 : i32
      scf.if %cond3A_104 {
        %add3A_132 = arith.constant 1 : i32
        %add3A_133 = arith.addi %scan3A_83, %add3A_132 : i32
        %jit3A_134 = arith.constant 2 : i32
        %eq3A_135 = arith.constant 0 : i32
        %eq3A_136 = arith.cmpi eq, %jit3A_134, %eq3A_135 : i32
        %jit3A_137 = arith.constant 1 : i32
        %select_n3A_138 = arith.select %eq3A_136, %jit3A_137, %jit3A_134 : i32
        %rem3A_139 = arith.remsi %add3A_133, %select_n3A_138 : i32
        %ne3A_140 = arith.constant 0 : i32
        %ne3A_141 = arith.cmpi ne, %rem3A_139, %ne3A_140 : i32
        %lt3A_142 = arith.constant 0 : i32
        %lt3A_143 = arith.cmpi slt, %rem3A_139, %lt3A_142 : i32
        %lt3A_144 = arith.constant 0 : i32
        %lt3A_145 = arith.cmpi slt, %select_n3A_138, %lt3A_144 : i32
        %ne3A_146 = arith.xori %lt3A_143, %lt3A_145 : i1
        %and3A_147 = arith.andi %ne3A_146, %ne3A_141 : i1
        %add3A_148 = arith.addi %rem3A_139, %select_n3A_138 : i32
        %select_n3A_149 = arith.select %and3A_147, %add3A_148, %rem3A_139 : i32
        %mul3A_150 = arith.constant 16 : i32
        %mul3A_151 = arith.muli %select_n3A_149, %mul3A_150 : i32
        %mul3A_152 = arith.constant 80 : i32
        %mul3A_153 = arith.muli %add3A, %mul3A_152 : i32
        %add3A_154 = arith.constant 1 : i32
        %add3A_155 = arith.addi %scan3A_83, %add3A_154 : i32
        %mul3A_156 = arith.constant 16 : i32
        %mul3A_157 = arith.muli %add3A_155, %mul3A_156 : i32
        %add3A_158 = arith.addi %mul3A_153, %mul3A_157 : i32
        %dma_start3A_159 = arith.constant 0 : i32
        %dma_start3A_160 = tpu.memref_slice %arg7[%mul3A_151, %dma_start3A_159] : memref<32x128xi32, #tpu.memory_space<vmem>> -> memref<16x128xi32, #tpu.memory_space<vmem>>
        %dma_start3A_161 = arith.constant 0 : i32
        %dma_start3A_162 = tpu.memref_slice %arg2[%add3A_158, %dma_start3A_161] : memref<2560x128xi32, #tpu.memory_space<hbm>> -> memref<16x128xi32, #tpu.memory_space<hbm>>
        %dma_start3A_163 = arith.constant 0 : i32
        %dma_start3A_164 = tpu.memref_slice %arg7[%mul3A_151, %dma_start3A_163] : memref<32x128xi32, #tpu.memory_space<vmem>> -> memref<16x128xi32, #tpu.memory_space<vmem>>
        %dma_start3A_165 = arith.constant 0 : i32
        %dma_start3A_166 = tpu.memref_slice %arg2[%add3A_158, %dma_start3A_165] : memref<2560x128xi32, #tpu.memory_space<hbm>> -> memref<16x128xi32, #tpu.memory_space<hbm>>
        tpu.enqueue_dma source(%dma_start3A_166 : memref<16x128xi32, #tpu.memory_space<hbm>>) target(%dma_start3A_164 : memref<16x128xi32, #tpu.memory_space<vmem>>) target_semaphore(%arg14 : memref<!tpu.dma_semaphore, #tpu.memory_space<semaphore_mem>>)
        %dma_start3A_167 = arith.constant 0 : i32
        %dma_start3A_168 = tpu.memref_slice %arg8[%mul3A_151, %dma_start3A_167] : memref<32x128xi32, #tpu.memory_space<vmem>> -> memref<16x128xi32, #tpu.memory_space<vmem>>
        %dma_start3A_169 = arith.constant 0 : i32
        %dma_start3A_170 = tpu.memref_slice %arg3[%add3A_158, %dma_start3A_169] : memref<2560x128xi32, #tpu.memory_space<hbm>> -> memref<16x128xi32, #tpu.memory_space<hbm>>
        %dma_start3A_171 = arith.constant 0 : i32
        %dma_start3A_172 = tpu.memref_slice %arg8[%mul3A_151, %dma_start3A_171] : memref<32x128xi32, #tpu.memory_space<vmem>> -> memref<16x128xi32, #tpu.memory_space<vmem>>
        %dma_start3A_173 = arith.constant 0 : i32
        %dma_start3A_174 = tpu.memref_slice %arg3[%add3A_158, %dma_start3A_173] : memref<2560x128xi32, #tpu.memory_space<hbm>> -> memref<16x128xi32, #tpu.memory_space<hbm>>
        tpu.enqueue_dma source(%dma_start3A_174 : memref<16x128xi32, #tpu.memory_space<hbm>>) target(%dma_start3A_172 : memref<16x128xi32, #tpu.memory_space<vmem>>) target_semaphore(%arg14 : memref<!tpu.dma_semaphore, #tpu.memory_space<semaphore_mem>>)
        %mul3A_175 = arith.constant 128 : i32
        %mul3A_176 = arith.muli %add3A_158, %mul3A_175 : i32
        %mul3A_177 = arith.constant 128 : i32
        %mul3A_178 = arith.muli %mul3A_151, %mul3A_177 : i32
        %dma_start3A_179 = tpu.memref_slice %arg9[%mul3A_178] : memref<4096xf32, #tpu.memory_space<vmem>> -> memref<2048xf32, #tpu.memory_space<vmem>>
        %dma_start3A_180 = tpu.memref_slice %arg4[%mul3A_176] : memref<327680xf32, #tpu.memory_space<hbm>> -> memref<2048xf32, #tpu.memory_space<hbm>>
        %dma_start3A_181 = tpu.memref_slice %arg9[%mul3A_178] : memref<4096xf32, #tpu.memory_space<vmem>> -> memref<2048xf32, #tpu.memory_space<vmem>>
        %dma_start3A_182 = tpu.memref_slice %arg4[%mul3A_176] : memref<327680xf32, #tpu.memory_space<hbm>> -> memref<2048xf32, #tpu.memory_space<hbm>>
        tpu.enqueue_dma source(%dma_start3A_182 : memref<2048xf32, #tpu.memory_space<hbm>>) target(%dma_start3A_181 : memref<2048xf32, #tpu.memory_space<vmem>>) target_semaphore(%arg14 : memref<!tpu.dma_semaphore, #tpu.memory_space<semaphore_mem>>)
      } else {
      }
      %dma_start3A = arith.constant 0 : i32
      %dma_start3A_105 = arith.constant 0 : i32
      %dma_start3A_106 = tpu.memref_slice %arg10[%dma_start3A, %dma_start3A_105] : memref<256x128xf32, #tpu.memory_space<vmem>> -> memref<128x128xf32, #tpu.memory_space<vmem>>
      %dma_start3A_107 = arith.constant 0 : i32
      %dma_start3A_108 = tpu.memref_slice %arg7[%mul3A_95, %dma_start3A_107] : memref<32x128xi32, #tpu.memory_space<vmem>> -> memref<1x128xi32, #tpu.memory_space<vmem>>
      %dma_start3A_109 = tpu.memref_squeeze %dma_start3A_108 : memref<1x128xi32, #tpu.memory_space<vmem>> -> memref<128xi32, #tpu.memory_space<vmem>>
      %dma_start3A_110 = arith.constant 0 : i32
      %dma_start3A_111 = arith.constant 0 : i32
      %dma_start3A_112 = tpu.memref_slice %arg5[%dma_start3A_110, %dma_start3A_111] : memref<10000x128xf32, #tpu.memory_space<hbm>> -> memref<10000x128xf32, #tpu.memory_space<hbm>>
      tpu.enqueue_indirect_dma source(%dma_start3A_112 : memref<10000x128xf32, #tpu.memory_space<hbm>>) target(%dma_start3A_106 : memref<128x128xf32, #tpu.memory_space<vmem>>) offsets(%dma_start3A_109 : memref<128xi32, #tpu.memory_space<vmem>>) semaphore(%arg12 : memref<!tpu.dma_semaphore, #tpu.memory_space<semaphore_mem>>)
      %add3A_113 = arith.constant 1 : i32
      %add3A_114 = arith.addi %mul3A_95, %add3A_113 : i32
      %dma_start3A_115 = arith.constant 128 : i32
      %dma_start3A_116 = arith.constant 0 : i32
      %dma_start3A_117 = tpu.memref_slice %arg10[%dma_start3A_115, %dma_start3A_116] : memref<256x128xf32, #tpu.memory_space<vmem>> -> memref<128x128xf32, #tpu.memory_space<vmem>>
      %dma_start3A_118 = arith.constant 0 : i32
      %dma_start3A_119 = tpu.memref_slice %arg7[%add3A_114, %dma_start3A_118] : memref<32x128xi32, #tpu.memory_space<vmem>> -> memref<1x128xi32, #tpu.memory_space<vmem>>
      %dma_start3A_120 = tpu.memref_squeeze %dma_start3A_119 : memref<1x128xi32, #tpu.memory_space<vmem>> -> memref<128xi32, #tpu.memory_space<vmem>>
      %dma_start3A_121 = arith.constant 0 : i32
      %dma_start3A_122 = arith.constant 0 : i32
      %dma_start3A_123 = tpu.memref_slice %arg5[%dma_start3A_121, %dma_start3A_122] : memref<10000x128xf32, #tpu.memory_space<hbm>> -> memref<10000x128xf32, #tpu.memory_space<hbm>>
      tpu.enqueue_indirect_dma source(%dma_start3A_123 : memref<10000x128xf32, #tpu.memory_space<hbm>>) target(%dma_start3A_117 : memref<128x128xf32, #tpu.memory_space<vmem>>) offsets(%dma_start3A_120 : memref<128xi32, #tpu.memory_space<vmem>>) semaphore(%arg13 : memref<!tpu.dma_semaphore, #tpu.memory_space<semaphore_mem>>)
      %scan3A_124 = arith.constant 0 : i32
      %scan3A_125 = arith.constant 0 : i32
      %scan3A_126 = arith.constant 8 : i32
      %scan3A_127 = arith.addi %scan3A_125, %scan3A_126 : i32
      %scan3A_128 = arith.constant 1 : i32
      %scan3A_129 = scf.for %scan3A_132 = %scan3A_125 to %scan3A_127 step %scan3A_128 iter_args(%scan3A_133 = %scan3A_124) -> (i32)  : i32 {
        %mul3A_134 = arith.constant 2 : i32
        %mul3A_135 = arith.muli %scan3A_132, %mul3A_134 : i32
        %add3A_136 = arith.constant 0 : i32
        %add3A_137 = arith.addi %mul3A_135, %add3A_136 : i32
        %add3A_138 = arith.addi %mul3A_95, %add3A_137 : i32
        %dma_wait3A = arith.constant 0 : i32
        %dma_wait3A_139 = arith.constant 0 : i32
        %dma_wait3A_140 = tpu.memref_slice %arg10[%dma_wait3A, %dma_wait3A_139] : memref<256x128xf32, #tpu.memory_space<vmem>> -> memref<128x128xf32, #tpu.memory_space<vmem>>
        %dma_wait3A_141 = arith.constant 0 : i32
        %dma_wait3A_142 = tpu.memref_slice %arg7[%add3A_138, %dma_wait3A_141] : memref<32x128xi32, #tpu.memory_space<vmem>> -> memref<1x128xi32, #tpu.memory_space<vmem>>
        %dma_wait3A_143 = tpu.memref_squeeze %dma_wait3A_142 : memref<1x128xi32, #tpu.memory_space<vmem>> -> memref<128xi32, #tpu.memory_space<vmem>>
        %dma_wait3A_144 = arith.constant 0 : i32
        %dma_wait3A_145 = arith.constant 0 : i32
        %dma_wait3A_146 = tpu.memref_slice %arg5[%dma_wait3A_144, %dma_wait3A_145] : memref<10000x128xf32, #tpu.memory_space<hbm>> -> memref<10000x128xf32, #tpu.memory_space<hbm>>
        tpu.wait_indirect_dma semaphore(%arg12 : memref<!tpu.dma_semaphore, #tpu.memory_space<semaphore_mem>>) src(%dma_wait3A_146 : memref<10000x128xf32, #tpu.memory_space<hbm>>) dst(%dma_wait3A_140 : memref<128x128xf32, #tpu.memory_space<vmem>>)
        %scan3A_147 = arith.constant 0 : i32
        %scan3A_148 = arith.constant 0 : i32
        %scan3A_149 = arith.constant 128 : i32
        %scan3A_150 = arith.addi %scan3A_148, %scan3A_149 : i32
        %scan3A_151 = arith.constant 1 : i32
        %scan3A_152 = scf.for %scan3A_192 = %scan3A_148 to %scan3A_150 step %scan3A_151 iter_args(%scan3A_193 = %scan3A_147) -> (i32)  : i32 {
          %add3A_194 = arith.addi %mul3A_95, %add3A_137 : i32
          %mul3A_195 = arith.constant 128 : i32
          %mul3A_196 = arith.muli %add3A_194, %mul3A_195 : i32
          %add3A_197 = arith.addi %mul3A_196, %scan3A_192 : i32
          %broadcast_in_dim3A = vector.broadcast %add3A_197 : i32 to vector<16xi32>
          %gather3A = tpu.vector_load_idx %arg9[%broadcast_in_dim3A] : memref<4096xf32, #tpu.memory_space<vmem>>[vector<16xi32>], vector<16xf32>,
          %add3A_198 = arith.constant 0 : i32
          %add3A_199 = arith.addi %add3A_198, %scan3A_192 : i32
          %get3A = arith.index_cast %add3A_199 : i32 to index
          %get3A_200 = arith.constant 0 : index
          %get3A_201 = tpu.vector_load %arg10[%get3A, %get3A_200] {strides = array<i32>} : memref<256x128xf32, #tpu.memory_space<vmem>>, vector<16xf32>,
          %mul3A_202 = arith.mulf %get3A_201, %gather3A : vector<16xf32>
          %add3A_203 = arith.constant 0 : i32
          %add3A_204 = arith.addi %add3A_203, %scan3A_192 : i32
          %swap3A = arith.index_cast %add3A_204 : i32 to index
          %swap3A_205 = arith.constant 0 : index
          %swap3A_206 = tpu.vector_load %arg10[%swap3A, %swap3A_205] {strides = array<i32>} : memref<256x128xf32, #tpu.memory_space<vmem>>, vector<16xf32>,
          tpu.vector_store %arg10[%swap3A, %swap3A_205], %mul3A_202 {strides = array<i32>} : memref<256x128xf32, #tpu.memory_space<vmem>>, vector<16xf32>,
          %add3A_207 = arith.constant 0 : i32
          %add3A_208 = arith.addi %add3A_207, %scan3A_192 : i32
          %get3A_209 = arith.index_cast %add3A_208 : i32 to index
          %get3A_210 = arith.constant 16 : index
          %get3A_211 = tpu.vector_load %arg10[%get3A_209, %get3A_210] {strides = array<i32>} : memref<256x128xf32, #tpu.memory_space<vmem>>, vector<16xf32>,
          %mul3A_212 = arith.mulf %get3A_211, %gather3A : vector<16xf32>
          %add3A_213 = arith.constant 0 : i32
          %add3A_214 = arith.addi %add3A_213, %scan3A_192 : i32
          %swap3A_215 = arith.index_cast %add3A_214 : i32 to index
          %swap3A_216 = arith.constant 16 : index
          %swap3A_217 = tpu.vector_load %arg10[%swap3A_215, %swap3A_216] {strides = array<i32>} : memref<256x128xf32, #tpu.memory_space<vmem>>, vector<16xf32>,
          tpu.vector_store %arg10[%swap3A_215, %swap3A_216], %mul3A_212 {strides = array<i32>} : memref<256x128xf32, #tpu.memory_space<vmem>>, vector<16xf32>,
          %add3A_218 = arith.constant 0 : i32
          %add3A_219 = arith.addi %add3A_218, %scan3A_192 : i32
          %get3A_220 = arith.index_cast %add3A_219 : i32 to index
          %get3A_221 = arith.constant 32 : index
          %get3A_222 = tpu.vector_load %arg10[%get3A_220, %get3A_221] {strides = array<i32>} : memref<256x128xf32, #tpu.memory_space<vmem>>, vector<16xf32>,
          %mul3A_223 = arith.mulf %get3A_222, %gather3A : vector<16xf32>
          %add3A_224 = arith.constant 0 : i32
          %add3A_225 = arith.addi %add3A_224, %scan3A_192 : i32
          %swap3A_226 = arith.index_cast %add3A_225 : i32 to index
          %swap3A_227 = arith.constant 32 : index
          %swap3A_228 = tpu.vector_load %arg10[%swap3A_226, %swap3A_227] {strides = array<i32>} : memref<256x128xf32, #tpu.memory_space<vmem>>, vector<16xf32>,
          tpu.vector_store %arg10[%swap3A_226, %swap3A_227], %mul3A_223 {strides = array<i32>} : memref<256x128xf32, #tpu.memory_space<vmem>>, vector<16xf32>,
          %add3A_229 = arith.constant 0 : i32
          %add3A_230 = arith.addi %add3A_229, %scan3A_192 : i32
          %get3A_231 = arith.index_cast %add3A_230 : i32 to index
          %get3A_232 = arith.constant 48 : index
          %get3A_233 = tpu.vector_load %arg10[%get3A_231, %get3A_232] {strides = array<i32>} : memref<256x128xf32, #tpu.memory_space<vmem>>, vector<16xf32>,
          %mul3A_234 = arith.mulf %get3A_233, %gather3A : vector<16xf32>
          %add3A_235 = arith.constant 0 : i32
          %add3A_236 = arith.addi %add3A_235, %scan3A_192 : i32
          %swap3A_237 = arith.index_cast %add3A_236 : i32 to index
          %swap3A_238 = arith.constant 48 : index
          %swap3A_239 = tpu.vector_load %arg10[%swap3A_237, %swap3A_238] {strides = array<i32>} : memref<256x128xf32, #tpu.memory_space<vmem>>, vector<16xf32>,
          tpu.vector_store %arg10[%swap3A_237, %swap3A_238], %mul3A_234 {strides = array<i32>} : memref<256x128xf32, #tpu.memory_space<vmem>>, vector<16xf32>,
          %add3A_240 = arith.constant 0 : i32
          %add3A_241 = arith.addi %add3A_240, %scan3A_192 : i32
          %get3A_242 = arith.index_cast %add3A_241 : i32 to index
          %get3A_243 = arith.constant 64 : index
          %get3A_244 = tpu.vector_load %arg10[%get3A_242, %get3A_243] {strides = array<i32>} : memref<256x128xf32, #tpu.memory_space<vmem>>, vector<16xf32>,
          %mul3A_245 = arith.mulf %get3A_244, %gather3A : vector<16xf32>
          %add3A_246 = arith.constant 0 : i32
          %add3A_247 = arith.addi %add3A_246, %scan3A_192 : i32
          %swap3A_248 = arith.index_cast %add3A_247 : i32 to index
          %swap3A_249 = arith.constant 64 : index
          %swap3A_250 = tpu.vector_load %arg10[%swap3A_248, %swap3A_249] {strides = array<i32>} : memref<256x128xf32, #tpu.memory_space<vmem>>, vector<16xf32>,
          tpu.vector_store %arg10[%swap3A_248, %swap3A_249], %mul3A_245 {strides = array<i32>} : memref<256x128xf32, #tpu.memory_space<vmem>>, vector<16xf32>,
          %add3A_251 = arith.constant 0 : i32
          %add3A_252 = arith.addi %add3A_251, %scan3A_192 : i32
          %get3A_253 = arith.index_cast %add3A_252 : i32 to index
          %get3A_254 = arith.constant 80 : index
          %get3A_255 = tpu.vector_load %arg10[%get3A_253, %get3A_254] {strides = array<i32>} : memref<256x128xf32, #tpu.memory_space<vmem>>, vector<16xf32>,
          %mul3A_256 = arith.mulf %get3A_255, %gather3A : vector<16xf32>
          %add3A_257 = arith.constant 0 : i32
          %add3A_258 = arith.addi %add3A_257, %scan3A_192 : i32
          %swap3A_259 = arith.index_cast %add3A_258 : i32 to index
          %swap3A_260 = arith.constant 80 : index
          %swap3A_261 = tpu.vector_load %arg10[%swap3A_259, %swap3A_260] {strides = array<i32>} : memref<256x128xf32, #tpu.memory_space<vmem>>, vector<16xf32>,
          tpu.vector_store %arg10[%swap3A_259, %swap3A_260], %mul3A_256 {strides = array<i32>} : memref<256x128xf32, #tpu.memory_space<vmem>>, vector<16xf32>,
          %add3A_262 = arith.constant 0 : i32
          %add3A_263 = arith.addi %add3A_262, %scan3A_192 : i32
          %get3A_264 = arith.index_cast %add3A_263 : i32 to index
          %get3A_265 = arith.constant 96 : index
          %get3A_266 = tpu.vector_load %arg10[%get3A_264, %get3A_265] {strides = array<i32>} : memref<256x128xf32, #tpu.memory_space<vmem>>, vector<16xf32>,
          %mul3A_267 = arith.mulf %get3A_266, %gather3A : vector<16xf32>
          %add3A_268 = arith.constant 0 : i32
          %add3A_269 = arith.addi %add3A_268, %scan3A_192 : i32
          %swap3A_270 = arith.index_cast %add3A_269 : i32 to index
          %swap3A_271 = arith.constant 96 : index
          %swap3A_272 = tpu.vector_load %arg10[%swap3A_270, %swap3A_271] {strides = array<i32>} : memref<256x128xf32, #tpu.memory_space<vmem>>, vector<16xf32>,
          tpu.vector_store %arg10[%swap3A_270, %swap3A_271], %mul3A_267 {strides = array<i32>} : memref<256x128xf32, #tpu.memory_space<vmem>>, vector<16xf32>,
          %add3A_273 = arith.constant 0 : i32
          %add3A_274 = arith.addi %add3A_273, %scan3A_192 : i32
          %get3A_275 = arith.index_cast %add3A_274 : i32 to index
          %get3A_276 = arith.constant 112 : index
          %get3A_277 = tpu.vector_load %arg10[%get3A_275, %get3A_276] {strides = array<i32>} : memref<256x128xf32, #tpu.memory_space<vmem>>, vector<16xf32>,
          %mul3A_278 = arith.mulf %get3A_277, %gather3A : vector<16xf32>
          %add3A_279 = arith.constant 0 : i32
          %add3A_280 = arith.addi %add3A_279, %scan3A_192 : i32
          %swap3A_281 = arith.index_cast %add3A_280 : i32 to index
          %swap3A_282 = arith.constant 112 : index
          %swap3A_283 = tpu.vector_load %arg10[%swap3A_281, %swap3A_282] {strides = array<i32>} : memref<256x128xf32, #tpu.memory_space<vmem>>, vector<16xf32>,
          tpu.vector_store %arg10[%swap3A_281, %swap3A_282], %mul3A_278 {strides = array<i32>} : memref<256x128xf32, #tpu.memory_space<vmem>>, vector<16xf32>,
          %scan3A_284 = arith.constant 0 : i32
          scf.yield %scan3A_284 : i32
        }
        %scan3A_153 = arith.constant 128 : i32
        %add3A_154 = arith.addi %mul3A_95, %add3A_137 : i32
        "tpu.region"() ({
          %run_scoped3A = tpu.sem_alloc : memref<!tpu.dma_semaphore, #tpu.memory_space<semaphore_mem>>
          %dma_start3A_192 = arith.constant 0 : i32
          %dma_start3A_193 = arith.constant 0 : i32
          %dma_start3A_194 = tpu.memref_slice %arg10[%dma_start3A_192, %dma_start3A_193] : memref<256x128xf32, #tpu.memory_space<vmem>> -> memref<128x128xf32, #tpu.memory_space<vmem>>
          %dma_start3A_195 = arith.constant 0 : i32
          %dma_start3A_196 = tpu.memref_slice %arg8[%add3A_154, %dma_start3A_195] : memref<32x128xi32, #tpu.memory_space<vmem>> -> memref<1x128xi32, #tpu.memory_space<vmem>>
          %dma_start3A_197 = tpu.memref_squeeze %dma_start3A_196 : memref<1x128xi32, #tpu.memory_space<vmem>> -> memref<128xi32, #tpu.memory_space<vmem>>
          %dma_start3A_198 = arith.constant 0 : i32
          %dma_start3A_199 = arith.constant 0 : i32
          %dma_start3A_200 = tpu.memref_slice %arg11[%dma_start3A_198, %dma_start3A_199] : memref<10240x128xf32, #tpu.memory_space<vmem_shared>> -> memref<10240x128xf32, #tpu.memory_space<vmem_shared>>
          tpu.enqueue_indirect_dma source(%dma_start3A_194 : memref<128x128xf32, #tpu.memory_space<vmem>>) target(%dma_start3A_200 : memref<10240x128xf32, #tpu.memory_space<vmem_shared>>) offsets(%dma_start3A_197 : memref<128xi32, #tpu.memory_space<vmem>>) semaphore(%run_scoped3A : memref<!tpu.dma_semaphore, #tpu.memory_space<semaphore_mem>>) {add = true}
          %dma_wait3A_201 = arith.constant 0 : i32
          %dma_wait3A_202 = arith.constant 0 : i32
          %dma_wait3A_203 = tpu.memref_slice %arg10[%dma_wait3A_201, %dma_wait3A_202] : memref<256x128xf32, #tpu.memory_space<vmem>> -> memref<128x128xf32, #tpu.memory_space<vmem>>
          %dma_wait3A_204 = arith.constant 0 : i32
          %dma_wait3A_205 = tpu.memref_slice %arg8[%add3A_154, %dma_wait3A_204] : memref<32x128xi32, #tpu.memory_space<vmem>> -> memref<1x128xi32, #tpu.memory_space<vmem>>
          %dma_wait3A_206 = tpu.memref_squeeze %dma_wait3A_205 : memref<1x128xi32, #tpu.memory_space<vmem>> -> memref<128xi32, #tpu.memory_space<vmem>>
          %dma_wait3A_207 = arith.constant 0 : i32
          %dma_wait3A_208 = arith.constant 0 : i32
          %dma_wait3A_209 = tpu.memref_slice %arg11[%dma_wait3A_207, %dma_wait3A_208] : memref<10240x128xf32, #tpu.memory_space<vmem_shared>> -> memref<10240x128xf32, #tpu.memory_space<vmem_shared>>
          tpu.wait_indirect_dma semaphore(%run_scoped3A : memref<!tpu.dma_semaphore, #tpu.memory_space<semaphore_mem>>) src(%dma_wait3A_203 : memref<128x128xf32, #tpu.memory_space<vmem>>) dst(%dma_wait3A_209 : memref<10240x128xf32, #tpu.memory_space<vmem_shared>>)
          tpu.yield
        }) : () -> ()
        %add3A_155 = arith.constant 2 : i32
        %add3A_156 = arith.addi %add3A_137, %add3A_155 : i32
        %lt3A_157 = arith.constant 16 : i32
        %lt3A_158 = arith.cmpi slt, %add3A_156, %lt3A_157 : i32
        %convert_element_type3A_159 = arith.extui %lt3A_158 : i1 to i32
        %cond3A_160 = arith.constant 0 : i32
        %cond3A_161 = arith.cmpi ne, %convert_element_type3A_159, %cond3A_160 : i32
        scf.if %cond3A_161 {
          %add3A_192 = arith.addi %mul3A_95, %add3A_137 : i32
          %add3A_193 = arith.constant 2 : i32
          %add3A_194 = arith.addi %add3A_192, %add3A_193 : i32
          %dma_start3A_195 = arith.constant 0 : i32
          %dma_start3A_196 = arith.constant 0 : i32
          %dma_start3A_197 = tpu.memref_slice %arg10[%dma_start3A_195, %dma_start3A_196] : memref<256x128xf32, #tpu.memory_space<vmem>> -> memref<128x128xf32, #tpu.memory_space<vmem>>
          %dma_start3A_198 = arith.constant 0 : i32
          %dma_start3A_199 = tpu.memref_slice %arg7[%add3A_194, %dma_start3A_198] : memref<32x128xi32, #tpu.memory_space<vmem>> -> memref<1x128xi32, #tpu.memory_space<vmem>>
          %dma_start3A_200 = tpu.memref_squeeze %dma_start3A_199 : memref<1x128xi32, #tpu.memory_space<vmem>> -> memref<128xi32, #tpu.memory_space<vmem>>
          %dma_start3A_201 = arith.constant 0 : i32
          %dma_start3A_202 = arith.constant 0 : i32
          %dma_start3A_203 = tpu.memref_slice %arg5[%dma_start3A_201, %dma_start3A_202] : memref<10000x128xf32, #tpu.memory_space<hbm>> -> memref<10000x128xf32, #tpu.memory_space<hbm>>
          tpu.enqueue_indirect_dma source(%dma_start3A_203 : memref<10000x128xf32, #tpu.memory_space<hbm>>) target(%dma_start3A_197 : memref<128x128xf32, #tpu.memory_space<vmem>>) offsets(%dma_start3A_200 : memref<128xi32, #tpu.memory_space<vmem>>) semaphore(%arg12 : memref<!tpu.dma_semaphore, #tpu.memory_space<semaphore_mem>>)
        } else {
        }
        %mul3A_162 = arith.constant 2 : i32
        %mul3A_163 = arith.muli %scan3A_132, %mul3A_162 : i32
        %add3A_164 = arith.constant 1 : i32
        %add3A_165 = arith.addi %mul3A_163, %add3A_164 : i32
        %add3A_166 = arith.addi %mul3A_95, %add3A_165 : i32
        %dma_wait3A_167 = arith.constant 128 : i32
        %dma_wait3A_168 = arith.constant 0 : i32
        %dma_wait3A_169 = tpu.memref_slice %arg10[%dma_wait3A_167, %dma_wait3A_168] : memref<256x128xf32, #tpu.memory_space<vmem>> -> memref<128x128xf32, #tpu.memory_space<vmem>>
        %dma_wait3A_170 = arith.constant 0 : i32
        %dma_wait3A_171 = tpu.memref_slice %arg7[%add3A_166, %dma_wait3A_170] : memref<32x128xi32, #tpu.memory_space<vmem>> -> memref<1x128xi32, #tpu.memory_space<vmem>>
        %dma_wait3A_172 = tpu.memref_squeeze %dma_wait3A_171 : memref<1x128xi32, #tpu.memory_space<vmem>> -> memref<128xi32, #tpu.memory_space<vmem>>
        %dma_wait3A_173 = arith.constant 0 : i32
        %dma_wait3A_174 = arith.constant 0 : i32
        %dma_wait3A_175 = tpu.memref_slice %arg5[%dma_wait3A_173, %dma_wait3A_174] : memref<10000x128xf32, #tpu.memory_space<hbm>> -> memref<10000x128xf32, #tpu.memory_space<hbm>>
        tpu.wait_indirect_dma semaphore(%arg13 : memref<!tpu.dma_semaphore, #tpu.memory_space<semaphore_mem>>) src(%dma_wait3A_175 : memref<10000x128xf32, #tpu.memory_space<hbm>>) dst(%dma_wait3A_169 : memref<128x128xf32, #tpu.memory_space<vmem>>)
        %scan3A_176 = arith.constant 0 : i32
        %scan3A_177 = arith.constant 0 : i32
        %scan3A_178 = arith.constant 128 : i32
        %scan3A_179 = arith.addi %scan3A_177, %scan3A_178 : i32
        %scan3A_180 = arith.constant 1 : i32
        %scan3A_181 = scf.for %scan3A_192 = %scan3A_177 to %scan3A_179 step %scan3A_180 iter_args(%scan3A_193 = %scan3A_176) -> (i32)  : i32 {
          %add3A_194 = arith.addi %mul3A_95, %add3A_165 : i32
          %mul3A_195 = arith.constant 128 : i32
          %mul3A_196 = arith.muli %add3A_194, %mul3A_195 : i32
          %add3A_197 = arith.addi %mul3A_196, %scan3A_192 : i32
          %broadcast_in_dim3A = vector.broadcast %add3A_197 : i32 to vector<16xi32>
          %gather3A = tpu.vector_load_idx %arg9[%broadcast_in_dim3A] : memref<4096xf32, #tpu.memory_space<vmem>>[vector<16xi32>], vector<16xf32>,
          %add3A_198 = arith.constant 128 : i32
          %add3A_199 = arith.addi %add3A_198, %scan3A_192 : i32
          %get3A = arith.index_cast %add3A_199 : i32 to index
          %get3A_200 = arith.constant 0 : index
          %get3A_201 = tpu.vector_load %arg10[%get3A, %get3A_200] {strides = array<i32>} : memref<256x128xf32, #tpu.memory_space<vmem>>, vector<16xf32>,
          %mul3A_202 = arith.mulf %get3A_201, %gather3A : vector<16xf32>
          %add3A_203 = arith.constant 128 : i32
          %add3A_204 = arith.addi %add3A_203, %scan3A_192 : i32
          %swap3A = arith.index_cast %add3A_204 : i32 to index
          %swap3A_205 = arith.constant 0 : index
          %swap3A_206 = tpu.vector_load %arg10[%swap3A, %swap3A_205] {strides = array<i32>} : memref<256x128xf32, #tpu.memory_space<vmem>>, vector<16xf32>,
          tpu.vector_store %arg10[%swap3A, %swap3A_205], %mul3A_202 {strides = array<i32>} : memref<256x128xf32, #tpu.memory_space<vmem>>, vector<16xf32>,
          %add3A_207 = arith.constant 128 : i32
          %add3A_208 = arith.addi %add3A_207, %scan3A_192 : i32
          %get3A_209 = arith.index_cast %add3A_208 : i32 to index
          %get3A_210 = arith.constant 16 : index
          %get3A_211 = tpu.vector_load %arg10[%get3A_209, %get3A_210] {strides = array<i32>} : memref<256x128xf32, #tpu.memory_space<vmem>>, vector<16xf32>,
          %mul3A_212 = arith.mulf %get3A_211, %gather3A : vector<16xf32>
          %add3A_213 = arith.constant 128 : i32
          %add3A_214 = arith.addi %add3A_213, %scan3A_192 : i32
          %swap3A_215 = arith.index_cast %add3A_214 : i32 to index
          %swap3A_216 = arith.constant 16 : index
          %swap3A_217 = tpu.vector_load %arg10[%swap3A_215, %swap3A_216] {strides = array<i32>} : memref<256x128xf32, #tpu.memory_space<vmem>>, vector<16xf32>,
          tpu.vector_store %arg10[%swap3A_215, %swap3A_216], %mul3A_212 {strides = array<i32>} : memref<256x128xf32, #tpu.memory_space<vmem>>, vector<16xf32>,
          %add3A_218 = arith.constant 128 : i32
          %add3A_219 = arith.addi %add3A_218, %scan3A_192 : i32
          %get3A_220 = arith.index_cast %add3A_219 : i32 to index
          %get3A_221 = arith.constant 32 : index
          %get3A_222 = tpu.vector_load %arg10[%get3A_220, %get3A_221] {strides = array<i32>} : memref<256x128xf32, #tpu.memory_space<vmem>>, vector<16xf32>,
          %mul3A_223 = arith.mulf %get3A_222, %gather3A : vector<16xf32>
          %add3A_224 = arith.constant 128 : i32
          %add3A_225 = arith.addi %add3A_224, %scan3A_192 : i32
          %swap3A_226 = arith.index_cast %add3A_225 : i32 to index
          %swap3A_227 = arith.constant 32 : index
          %swap3A_228 = tpu.vector_load %arg10[%swap3A_226, %swap3A_227] {strides = array<i32>} : memref<256x128xf32, #tpu.memory_space<vmem>>, vector<16xf32>,
          tpu.vector_store %arg10[%swap3A_226, %swap3A_227], %mul3A_223 {strides = array<i32>} : memref<256x128xf32, #tpu.memory_space<vmem>>, vector<16xf32>,
          %add3A_229 = arith.constant 128 : i32
          %add3A_230 = arith.addi %add3A_229, %scan3A_192 : i32
          %get3A_231 = arith.index_cast %add3A_230 : i32 to index
          %get3A_232 = arith.constant 48 : index
          %get3A_233 = tpu.vector_load %arg10[%get3A_231, %get3A_232] {strides = array<i32>} : memref<256x128xf32, #tpu.memory_space<vmem>>, vector<16xf32>,
          %mul3A_234 = arith.mulf %get3A_233, %gather3A : vector<16xf32>
          %add3A_235 = arith.constant 128 : i32
          %add3A_236 = arith.addi %add3A_235, %scan3A_192 : i32
          %swap3A_237 = arith.index_cast %add3A_236 : i32 to index
          %swap3A_238 = arith.constant 48 : index
          %swap3A_239 = tpu.vector_load %arg10[%swap3A_237, %swap3A_238] {strides = array<i32>} : memref<256x128xf32, #tpu.memory_space<vmem>>, vector<16xf32>,
          tpu.vector_store %arg10[%swap3A_237, %swap3A_238], %mul3A_234 {strides = array<i32>} : memref<256x128xf32, #tpu.memory_space<vmem>>, vector<16xf32>,
          %add3A_240 = arith.constant 128 : i32
          %add3A_241 = arith.addi %add3A_240, %scan3A_192 : i32
          %get3A_242 = arith.index_cast %add3A_241 : i32 to index
          %get3A_243 = arith.constant 64 : index
          %get3A_244 = tpu.vector_load %arg10[%get3A_242, %get3A_243] {strides = array<i32>} : memref<256x128xf32, #tpu.memory_space<vmem>>, vector<16xf32>,
          %mul3A_245 = arith.mulf %get3A_244, %gather3A : vector<16xf32>
          %add3A_246 = arith.constant 128 : i32
          %add3A_247 = arith.addi %add3A_246, %scan3A_192 : i32
          %swap3A_248 = arith.index_cast %add3A_247 : i32 to index
          %swap3A_249 = arith.constant 64 : index
          %swap3A_250 = tpu.vector_load %arg10[%swap3A_248, %swap3A_249] {strides = array<i32>} : memref<256x128xf32, #tpu.memory_space<vmem>>, vector<16xf32>,
          tpu.vector_store %arg10[%swap3A_248, %swap3A_249], %mul3A_245 {strides = array<i32>} : memref<256x128xf32, #tpu.memory_space<vmem>>, vector<16xf32>,
          %add3A_251 = arith.constant 128 : i32
          %add3A_252 = arith.addi %add3A_251, %scan3A_192 : i32
          %get3A_253 = arith.index_cast %add3A_252 : i32 to index
          %get3A_254 = arith.constant 80 : index
          %get3A_255 = tpu.vector_load %arg10[%get3A_253, %get3A_254] {strides = array<i32>} : memref<256x128xf32, #tpu.memory_space<vmem>>, vector<16xf32>,
          %mul3A_256 = arith.mulf %get3A_255, %gather3A : vector<16xf32>
          %add3A_257 = arith.constant 128 : i32
          %add3A_258 = arith.addi %add3A_257, %scan3A_192 : i32
          %swap3A_259 = arith.index_cast %add3A_258 : i32 to index
          %swap3A_260 = arith.constant 80 : index
          %swap3A_261 = tpu.vector_load %arg10[%swap3A_259, %swap3A_260] {strides = array<i32>} : memref<256x128xf32, #tpu.memory_space<vmem>>, vector<16xf32>,
          tpu.vector_store %arg10[%swap3A_259, %swap3A_260], %mul3A_256 {strides = array<i32>} : memref<256x128xf32, #tpu.memory_space<vmem>>, vector<16xf32>,
          %add3A_262 = arith.constant 128 : i32
          %add3A_263 = arith.addi %add3A_262, %scan3A_192 : i32
          %get3A_264 = arith.index_cast %add3A_263 : i32 to index
          %get3A_265 = arith.constant 96 : index
          %get3A_266 = tpu.vector_load %arg10[%get3A_264, %get3A_265] {strides = array<i32>} : memref<256x128xf32, #tpu.memory_space<vmem>>, vector<16xf32>,
          %mul3A_267 = arith.mulf %get3A_266, %gather3A : vector<16xf32>
          %add3A_268 = arith.constant 128 : i32
          %add3A_269 = arith.addi %add3A_268, %scan3A_192 : i32
          %swap3A_270 = arith.index_cast %add3A_269 : i32 to index
          %swap3A_271 = arith.constant 96 : index
          %swap3A_272 = tpu.vector_load %arg10[%swap3A_270, %swap3A_271] {strides = array<i32>} : memref<256x128xf32, #tpu.memory_space<vmem>>, vector<16xf32>,
          tpu.vector_store %arg10[%swap3A_270, %swap3A_271], %mul3A_267 {strides = array<i32>} : memref<256x128xf32, #tpu.memory_space<vmem>>, vector<16xf32>,
          %add3A_273 = arith.constant 128 : i32
          %add3A_274 = arith.addi %add3A_273, %scan3A_192 : i32
          %get3A_275 = arith.index_cast %add3A_274 : i32 to index
          %get3A_276 = arith.constant 112 : index
          %get3A_277 = tpu.vector_load %arg10[%get3A_275, %get3A_276] {strides = array<i32>} : memref<256x128xf32, #tpu.memory_space<vmem>>, vector<16xf32>,
          %mul3A_278 = arith.mulf %get3A_277, %gather3A : vector<16xf32>
          %add3A_279 = arith.constant 128 : i32
          %add3A_280 = arith.addi %add3A_279, %scan3A_192 : i32
          %swap3A_281 = arith.index_cast %add3A_280 : i32 to index
          %swap3A_282 = arith.constant 112 : index
          %swap3A_283 = tpu.vector_load %arg10[%swap3A_281, %swap3A_282] {strides = array<i32>} : memref<256x128xf32, #tpu.memory_space<vmem>>, vector<16xf32>,
          tpu.vector_store %arg10[%swap3A_281, %swap3A_282], %mul3A_278 {strides = array<i32>} : memref<256x128xf32, #tpu.memory_space<vmem>>, vector<16xf32>,
          %scan3A_284 = arith.constant 0 : i32
          scf.yield %scan3A_284 : i32
        }
        %scan3A_182 = arith.constant 128 : i32
        %add3A_183 = arith.addi %mul3A_95, %add3A_165 : i32
        "tpu.region"() ({
          %run_scoped3A = tpu.sem_alloc : memref<!tpu.dma_semaphore, #tpu.memory_space<semaphore_mem>>
          %dma_start3A_192 = arith.constant 128 : i32
          %dma_start3A_193 = arith.constant 0 : i32
          %dma_start3A_194 = tpu.memref_slice %arg10[%dma_start3A_192, %dma_start3A_193] : memref<256x128xf32, #tpu.memory_space<vmem>> -> memref<128x128xf32, #tpu.memory_space<vmem>>
          %dma_start3A_195 = arith.constant 0 : i32
          %dma_start3A_196 = tpu.memref_slice %arg8[%add3A_183, %dma_start3A_195] : memref<32x128xi32, #tpu.memory_space<vmem>> -> memref<1x128xi32, #tpu.memory_space<vmem>>
          %dma_start3A_197 = tpu.memref_squeeze %dma_start3A_196 : memref<1x128xi32, #tpu.memory_space<vmem>> -> memref<128xi32, #tpu.memory_space<vmem>>
          %dma_start3A_198 = arith.constant 0 : i32
          %dma_start3A_199 = arith.constant 0 : i32
          %dma_start3A_200 = tpu.memref_slice %arg11[%dma_start3A_198, %dma_start3A_199] : memref<10240x128xf32, #tpu.memory_space<vmem_shared>> -> memref<10240x128xf32, #tpu.memory_space<vmem_shared>>
          tpu.enqueue_indirect_dma source(%dma_start3A_194 : memref<128x128xf32, #tpu.memory_space<vmem>>) target(%dma_start3A_200 : memref<10240x128xf32, #tpu.memory_space<vmem_shared>>) offsets(%dma_start3A_197 : memref<128xi32, #tpu.memory_space<vmem>>) semaphore(%run_scoped3A : memref<!tpu.dma_semaphore, #tpu.memory_space<semaphore_mem>>) {add = true}
          %dma_wait3A_201 = arith.constant 128 : i32
          %dma_wait3A_202 = arith.constant 0 : i32
          %dma_wait3A_203 = tpu.memref_slice %arg10[%dma_wait3A_201, %dma_wait3A_202] : memref<256x128xf32, #tpu.memory_space<vmem>> -> memref<128x128xf32, #tpu.memory_space<vmem>>
          %dma_wait3A_204 = arith.constant 0 : i32
          %dma_wait3A_205 = tpu.memref_slice %arg8[%add3A_183, %dma_wait3A_204] : memref<32x128xi32, #tpu.memory_space<vmem>> -> memref<1x128xi32, #tpu.memory_space<vmem>>
          %dma_wait3A_206 = tpu.memref_squeeze %dma_wait3A_205 : memref<1x128xi32, #tpu.memory_space<vmem>> -> memref<128xi32, #tpu.memory_space<vmem>>
          %dma_wait3A_207 = arith.constant 0 : i32
          %dma_wait3A_208 = arith.constant 0 : i32
          %dma_wait3A_209 = tpu.memref_slice %arg11[%dma_wait3A_207, %dma_wait3A_208] : memref<10240x128xf32, #tpu.memory_space<vmem_shared>> -> memref<10240x128xf32, #tpu.memory_space<vmem_shared>>
          tpu.wait_indirect_dma semaphore(%run_scoped3A : memref<!tpu.dma_semaphore, #tpu.memory_space<semaphore_mem>>) src(%dma_wait3A_203 : memref<128x128xf32, #tpu.memory_space<vmem>>) dst(%dma_wait3A_209 : memref<10240x128xf32, #tpu.memory_space<vmem_shared>>)
          tpu.yield
        }) : () -> ()
        %add3A_184 = arith.constant 2 : i32
        %add3A_185 = arith.addi %add3A_165, %add3A_184 : i32
        %lt3A_186 = arith.constant 16 : i32
        %lt3A_187 = arith.cmpi slt, %add3A_185, %lt3A_186 : i32
        %convert_element_type3A_188 = arith.extui %lt3A_187 : i1 to i32
        %cond3A_189 = arith.constant 0 : i32
        %cond3A_190 = arith.cmpi ne, %convert_element_type3A_188, %cond3A_189 : i32
        scf.if %cond3A_190 {
          %add3A_192 = arith.addi %mul3A_95, %add3A_165 : i32
          %add3A_193 = arith.constant 2 : i32
          %add3A_194 = arith.addi %add3A_192, %add3A_193 : i32
          %dma_start3A_195 = arith.constant 128 : i32
          %dma_start3A_196 = arith.constant 0 : i32
          %dma_start3A_197 = tpu.memref_slice %arg10[%dma_start3A_195, %dma_start3A_196] : memref<256x128xf32, #tpu.memory_space<vmem>> -> memref<128x128xf32, #tpu.memory_space<vmem>>
          %dma_start3A_198 = arith.constant 0 : i32
          %dma_start3A_199 = tpu.memref_slice %arg7[%add3A_194, %dma_start3A_198] : memref<32x128xi32, #tpu.memory_space<vmem>> -> memref<1x128xi32, #tpu.memory_space<vmem>>
          %dma_start3A_200 = tpu.memref_squeeze %dma_start3A_199 : memref<1x128xi32, #tpu.memory_space<vmem>> -> memref<128xi32, #tpu.memory_space<vmem>>
          %dma_start3A_201 = arith.constant 0 : i32
          %dma_start3A_202 = arith.constant 0 : i32
          %dma_start3A_203 = tpu.memref_slice %arg5[%dma_start3A_201, %dma_start3A_202] : memref<10000x128xf32, #tpu.memory_space<hbm>> -> memref<10000x128xf32, #tpu.memory_space<hbm>>
          tpu.enqueue_indirect_dma source(%dma_start3A_203 : memref<10000x128xf32, #tpu.memory_space<hbm>>) target(%dma_start3A_197 : memref<128x128xf32, #tpu.memory_space<vmem>>) offsets(%dma_start3A_200 : memref<128xi32, #tpu.memory_space<vmem>>) semaphore(%arg13 : memref<!tpu.dma_semaphore, #tpu.memory_space<semaphore_mem>>)
        } else {
        }
        %scan3A_191 = arith.constant 0 : i32
        scf.yield %scan3A_191 : i32
      }
      %scan3A_130 = arith.constant 8 : i32
      %scan3A_131 = arith.constant 0 : i32
      scf.yield %scan3A_131 : i32
    }
    %scan3A_41 = arith.constant 5 : i32
    %barrier3A_42 = arith.constant 0 : index
    tpu.barrier barrier_id(%barrier3A_42)
    %mul3A_43 = arith.constant 640 : i32
    %mul3A_44 = arith.muli %arg1, %mul3A_43 : i32
    %add3A_45 = arith.constant 0 : i32
    %add3A_46 = arith.addi %mul3A_44, %add3A_45 : i32
    "tpu.region"() ({
      %run_scoped3A = tpu.sem_alloc : memref<!tpu.dma_semaphore, #tpu.memory_space<semaphore_mem>>
      %dma_start3A = arith.constant 0 : i32
      %dma_start3A_83 = arith.constant 0 : i32
      %dma_start3A_84 = tpu.memref_slice %arg10[%dma_start3A, %dma_start3A_83] : memref<256x128xf32, #tpu.memory_space<vmem>> -> memref<128x128xf32, #tpu.memory_space<vmem>>
      %dma_start3A_85 = arith.constant 0 : i32
      %dma_start3A_86 = tpu.memref_slice %arg11[%add3A_46, %dma_start3A_85] : memref<10240x128xf32, #tpu.memory_space<vmem_shared>> -> memref<128x128xf32, #tpu.memory_space<vmem_shared>>
      %dma_start3A_87 = arith.constant 0 : i32
      %dma_start3A_88 = arith.constant 0 : i32
      %dma_start3A_89 = tpu.memref_slice %arg10[%dma_start3A_87, %dma_start3A_88] : memref<256x128xf32, #tpu.memory_space<vmem>> -> memref<128x128xf32, #tpu.memory_space<vmem>>
      %dma_start3A_90 = arith.constant 0 : i32
      %dma_start3A_91 = tpu.memref_slice %arg11[%add3A_46, %dma_start3A_90] : memref<10240x128xf32, #tpu.memory_space<vmem_shared>> -> memref<128x128xf32, #tpu.memory_space<vmem_shared>>
      tpu.enqueue_dma source(%dma_start3A_91 : memref<128x128xf32, #tpu.memory_space<vmem_shared>>) target(%dma_start3A_89 : memref<128x128xf32, #tpu.memory_space<vmem>>) target_semaphore(%run_scoped3A : memref<!tpu.dma_semaphore, #tpu.memory_space<semaphore_mem>>)
      %dma_wait3A = arith.constant 0 : i32
      %dma_wait3A_92 = arith.constant 0 : i32
      %dma_wait3A_93 = tpu.memref_slice %arg10[%dma_wait3A, %dma_wait3A_92] : memref<256x128xf32, #tpu.memory_space<vmem>> -> memref<128x128xf32, #tpu.memory_space<vmem>>
      %dma_wait3A_94 = arith.constant 0 : i32
      %dma_wait3A_95 = tpu.memref_slice %arg11[%add3A_46, %dma_wait3A_94] : memref<10240x128xf32, #tpu.memory_space<vmem_shared>> -> memref<128x128xf32, #tpu.memory_space<vmem_shared>>
      %dma_wait3A_96 = arith.constant 0 : i32
      %dma_wait3A_97 = arith.constant 0 : i32
      %dma_wait3A_98 = tpu.memref_slice %arg10[%dma_wait3A_96, %dma_wait3A_97] : memref<256x128xf32, #tpu.memory_space<vmem>> -> memref<128x128xf32, #tpu.memory_space<vmem>>
      %dma_wait3A_99 = arith.constant 0 : i32
      %dma_wait3A_100 = tpu.memref_slice %arg11[%add3A_46, %dma_wait3A_99] : memref<10240x128xf32, #tpu.memory_space<vmem_shared>> -> memref<128x128xf32, #tpu.memory_space<vmem_shared>>
      tpu.wait_dma2 semaphore(%run_scoped3A : memref<!tpu.dma_semaphore, #tpu.memory_space<semaphore_mem>>) src(%dma_wait3A_100 : memref<128x128xf32, #tpu.memory_space<vmem_shared>>) dst(%dma_wait3A_98 : memref<128x128xf32, #tpu.memory_space<vmem>>)
      tpu.yield
    }) : () -> ()
    %mul3A_47 = arith.constant 640 : i32
    %mul3A_48 = arith.muli %arg1, %mul3A_47 : i32
    %add3A_49 = arith.constant 0 : i32
    %add3A_50 = arith.addi %mul3A_48, %add3A_49 : i32
    "tpu.region"() ({
      %run_scoped3A = tpu.sem_alloc : memref<!tpu.dma_semaphore, #tpu.memory_space<semaphore_mem>>
      %dma_start3A = arith.constant 0 : i32
      %dma_start3A_83 = arith.constant 0 : i32
      %dma_start3A_84 = tpu.memref_slice %arg10[%dma_start3A, %dma_start3A_83] : memref<256x128xf32, #tpu.memory_space<vmem>> -> memref<128x128xf32, #tpu.memory_space<vmem>>
      %dma_start3A_85 = arith.constant 0 : i32
      %dma_start3A_86 = tpu.memref_slice %arg6[%arg0, %add3A_50, %dma_start3A_85] : memref<2x10240x128xf32, #tpu.memory_space<hbm>> -> memref<1x128x128xf32, #tpu.memory_space<hbm>>
      %dma_start3A_87 = tpu.memref_squeeze %dma_start3A_86 : memref<1x128x128xf32, #tpu.memory_space<hbm>> -> memref<128x128xf32, #tpu.memory_space<hbm>>
      %dma_start3A_88 = arith.constant 0 : i32
      %dma_start3A_89 = tpu.memref_slice %arg6[%arg0, %add3A_50, %dma_start3A_88] : memref<2x10240x128xf32, #tpu.memory_space<hbm>> -> memref<1x128x128xf32, #tpu.memory_space<hbm>>
      %dma_start3A_90 = tpu.memref_squeeze %dma_start3A_89 : memref<1x128x128xf32, #tpu.memory_space<hbm>> -> memref<128x128xf32, #tpu.memory_space<hbm>>
      %dma_start3A_91 = arith.constant 0 : i32
      %dma_start3A_92 = arith.constant 0 : i32
      %dma_start3A_93 = tpu.memref_slice %arg10[%dma_start3A_91, %dma_start3A_92] : memref<256x128xf32, #tpu.memory_space<vmem>> -> memref<128x128xf32, #tpu.memory_space<vmem>>
      tpu.enqueue_dma source(%dma_start3A_93 : memref<128x128xf32, #tpu.memory_space<vmem>>) target(%dma_start3A_90 : memref<128x128xf32, #tpu.memory_space<hbm>>) target_semaphore(%run_scoped3A : memref<!tpu.dma_semaphore, #tpu.memory_space<semaphore_mem>>)
      %dma_wait3A = arith.constant 0 : i32
      %dma_wait3A_94 = arith.constant 0 : i32
      %dma_wait3A_95 = tpu.memref_slice %arg10[%dma_wait3A, %dma_wait3A_94] : memref<256x128xf32, #tpu.memory_space<vmem>> -> memref<128x128xf32, #tpu.memory_space<vmem>>
      %dma_wait3A_96 = arith.constant 0 : i32
      %dma_wait3A_97 = tpu.memref_slice %arg6[%arg0, %add3A_50, %dma_wait3A_96] : memref<2x10240x128xf32, #tpu.memory_space<hbm>> -> memref<1x128x128xf32, #tpu.memory_space<hbm>>
      %dma_wait3A_98 = tpu.memref_squeeze %dma_wait3A_97 : memref<1x128x128xf32, #tpu.memory_space<hbm>> -> memref<128x128xf32, #tpu.memory_space<hbm>>
      %dma_wait3A_99 = arith.constant 0 : i32
      %dma_wait3A_100 = tpu.memref_slice %arg6[%arg0, %add3A_50, %dma_wait3A_99] : memref<2x10240x128xf32, #tpu.memory_space<hbm>> -> memref<1x128x128xf32, #tpu.memory_space<hbm>>
      %dma_wait3A_101 = tpu.memref_squeeze %dma_wait3A_100 : memref<1x128x128xf32, #tpu.memory_space<hbm>> -> memref<128x128xf32, #tpu.memory_space<hbm>>
      %dma_wait3A_102 = arith.constant 0 : i32
      %dma_wait3A_103 = arith.constant 0 : i32
      %dma_wait3A_104 = tpu.memref_slice %arg10[%dma_wait3A_102, %dma_wait3A_103] : memref<256x128xf32, #tpu.memory_space<vmem>> -> memref<128x128xf32, #tpu.memory_space<vmem>>
      tpu.wait_dma2 semaphore(%run_scoped3A : memref<!tpu.dma_semaphore, #tpu.memory_space<semaphore_mem>>) src(%dma_wait3A_104 : memref<128x128xf32, #tpu.memory_space<vmem>>) dst(%dma_wait3A_101 : memref<128x128xf32, #tpu.memory_space<hbm>>)
      tpu.yield
    }) : () -> ()
    %mul3A_51 = arith.constant 640 : i32
    %mul3A_52 = arith.muli %arg1, %mul3A_51 : i32
    %add3A_53 = arith.constant 128 : i32
    %add3A_54 = arith.addi %mul3A_52, %add3A_53 : i32
    "tpu.region"() ({
      %run_scoped3A = tpu.sem_alloc : memref<!tpu.dma_semaphore, #tpu.memory_space<semaphore_mem>>
      %dma_start3A = arith.constant 0 : i32
      %dma_start3A_83 = arith.constant 0 : i32
      %dma_start3A_84 = tpu.memref_slice %arg10[%dma_start3A, %dma_start3A_83] : memref<256x128xf32, #tpu.memory_space<vmem>> -> memref<128x128xf32, #tpu.memory_space<vmem>>
      %dma_start3A_85 = arith.constant 0 : i32
      %dma_start3A_86 = tpu.memref_slice %arg11[%add3A_54, %dma_start3A_85] : memref<10240x128xf32, #tpu.memory_space<vmem_shared>> -> memref<128x128xf32, #tpu.memory_space<vmem_shared>>
      %dma_start3A_87 = arith.constant 0 : i32
      %dma_start3A_88 = arith.constant 0 : i32
      %dma_start3A_89 = tpu.memref_slice %arg10[%dma_start3A_87, %dma_start3A_88] : memref<256x128xf32, #tpu.memory_space<vmem>> -> memref<128x128xf32, #tpu.memory_space<vmem>>
      %dma_start3A_90 = arith.constant 0 : i32
      %dma_start3A_91 = tpu.memref_slice %arg11[%add3A_54, %dma_start3A_90] : memref<10240x128xf32, #tpu.memory_space<vmem_shared>> -> memref<128x128xf32, #tpu.memory_space<vmem_shared>>
      tpu.enqueue_dma source(%dma_start3A_91 : memref<128x128xf32, #tpu.memory_space<vmem_shared>>) target(%dma_start3A_89 : memref<128x128xf32, #tpu.memory_space<vmem>>) target_semaphore(%run_scoped3A : memref<!tpu.dma_semaphore, #tpu.memory_space<semaphore_mem>>)
      %dma_wait3A = arith.constant 0 : i32
      %dma_wait3A_92 = arith.constant 0 : i32
      %dma_wait3A_93 = tpu.memref_slice %arg10[%dma_wait3A, %dma_wait3A_92] : memref<256x128xf32, #tpu.memory_space<vmem>> -> memref<128x128xf32, #tpu.memory_space<vmem>>
      %dma_wait3A_94 = arith.constant 0 : i32
      %dma_wait3A_95 = tpu.memref_slice %arg11[%add3A_54, %dma_wait3A_94] : memref<10240x128xf32, #tpu.memory_space<vmem_shared>> -> memref<128x128xf32, #tpu.memory_space<vmem_shared>>
      %dma_wait3A_96 = arith.constant 0 : i32
      %dma_wait3A_97 = arith.constant 0 : i32
      %dma_wait3A_98 = tpu.memref_slice %arg10[%dma_wait3A_96, %dma_wait3A_97] : memref<256x128xf32, #tpu.memory_space<vmem>> -> memref<128x128xf32, #tpu.memory_space<vmem>>
      %dma_wait3A_99 = arith.constant 0 : i32
      %dma_wait3A_100 = tpu.memref_slice %arg11[%add3A_54, %dma_wait3A_99] : memref<10240x128xf32, #tpu.memory_space<vmem_shared>> -> memref<128x128xf32, #tpu.memory_space<vmem_shared>>
      tpu.wait_dma2 semaphore(%run_scoped3A : memref<!tpu.dma_semaphore, #tpu.memory_space<semaphore_mem>>) src(%dma_wait3A_100 : memref<128x128xf32, #tpu.memory_space<vmem_shared>>) dst(%dma_wait3A_98 : memref<128x128xf32, #tpu.memory_space<vmem>>)
      tpu.yield
    }) : () -> ()
    %mul3A_55 = arith.constant 640 : i32
    %mul3A_56 = arith.muli %arg1, %mul3A_55 : i32
    %add3A_57 = arith.constant 128 : i32
    %add3A_58 = arith.addi %mul3A_56, %add3A_57 : i32
    "tpu.region"() ({
      %run_scoped3A = tpu.sem_alloc : memref<!tpu.dma_semaphore, #tpu.memory_space<semaphore_mem>>
      %dma_start3A = arith.constant 0 : i32
      %dma_start3A_83 = arith.constant 0 : i32
      %dma_start3A_84 = tpu.memref_slice %arg10[%dma_start3A, %dma_start3A_83] : memref<256x128xf32, #tpu.memory_space<vmem>> -> memref<128x128xf32, #tpu.memory_space<vmem>>
      %dma_start3A_85 = arith.constant 0 : i32
      %dma_start3A_86 = tpu.memref_slice %arg6[%arg0, %add3A_58, %dma_start3A_85] : memref<2x10240x128xf32, #tpu.memory_space<hbm>> -> memref<1x128x128xf32, #tpu.memory_space<hbm>>
      %dma_start3A_87 = tpu.memref_squeeze %dma_start3A_86 : memref<1x128x128xf32, #tpu.memory_space<hbm>> -> memref<128x128xf32, #tpu.memory_space<hbm>>
      %dma_start3A_88 = arith.constant 0 : i32
      %dma_start3A_89 = tpu.memref_slice %arg6[%arg0, %add3A_58, %dma_start3A_88] : memref<2x10240x128xf32, #tpu.memory_space<hbm>> -> memref<1x128x128xf32, #tpu.memory_space<hbm>>
      %dma_start3A_90 = tpu.memref_squeeze %dma_start3A_89 : memref<1x128x128xf32, #tpu.memory_space<hbm>> -> memref<128x128xf32, #tpu.memory_space<hbm>>
      %dma_start3A_91 = arith.constant 0 : i32
      %dma_start3A_92 = arith.constant 0 : i32
      %dma_start3A_93 = tpu.memref_slice %arg10[%dma_start3A_91, %dma_start3A_92] : memref<256x128xf32, #tpu.memory_space<vmem>> -> memref<128x128xf32, #tpu.memory_space<vmem>>
      tpu.enqueue_dma source(%dma_start3A_93 : memref<128x128xf32, #tpu.memory_space<vmem>>) target(%dma_start3A_90 : memref<128x128xf32, #tpu.memory_space<hbm>>) target_semaphore(%run_scoped3A : memref<!tpu.dma_semaphore, #tpu.memory_space<semaphore_mem>>)
      %dma_wait3A = arith.constant 0 : i32
      %dma_wait3A_94 = arith.constant 0 : i32
      %dma_wait3A_95 = tpu.memref_slice %arg10[%dma_wait3A, %dma_wait3A_94] : memref<256x128xf32, #tpu.memory_space<vmem>> -> memref<128x128xf32, #tpu.memory_space<vmem>>
      %dma_wait3A_96 = arith.constant 0 : i32
      %dma_wait3A_97 = tpu.memref_slice %arg6[%arg0, %add3A_58, %dma_wait3A_96] : memref<2x10240x128xf32, #tpu.memory_space<hbm>> -> memref<1x128x128xf32, #tpu.memory_space<hbm>>
      %dma_wait3A_98 = tpu.memref_squeeze %dma_wait3A_97 : memref<1x128x128xf32, #tpu.memory_space<hbm>> -> memref<128x128xf32, #tpu.memory_space<hbm>>
      %dma_wait3A_99 = arith.constant 0 : i32
      %dma_wait3A_100 = tpu.memref_slice %arg6[%arg0, %add3A_58, %dma_wait3A_99] : memref<2x10240x128xf32, #tpu.memory_space<hbm>> -> memref<1x128x128xf32, #tpu.memory_space<hbm>>
      %dma_wait3A_101 = tpu.memref_squeeze %dma_wait3A_100 : memref<1x128x128xf32, #tpu.memory_space<hbm>> -> memref<128x128xf32, #tpu.memory_space<hbm>>
      %dma_wait3A_102 = arith.constant 0 : i32
      %dma_wait3A_103 = arith.constant 0 : i32
      %dma_wait3A_104 = tpu.memref_slice %arg10[%dma_wait3A_102, %dma_wait3A_103] : memref<256x128xf32, #tpu.memory_space<vmem>> -> memref<128x128xf32, #tpu.memory_space<vmem>>
      tpu.wait_dma2 semaphore(%run_scoped3A : memref<!tpu.dma_semaphore, #tpu.memory_space<semaphore_mem>>) src(%dma_wait3A_104 : memref<128x128xf32, #tpu.memory_space<vmem>>) dst(%dma_wait3A_101 : memref<128x128xf32, #tpu.memory_space<hbm>>)
      tpu.yield
    }) : () -> ()
    %mul3A_59 = arith.constant 640 : i32
    %mul3A_60 = arith.muli %arg1, %mul3A_59 : i32
    %add3A_61 = arith.constant 256 : i32
    %add3A_62 = arith.addi %mul3A_60, %add3A_61 : i32
    "tpu.region"() ({
      %run_scoped3A = tpu.sem_alloc : memref<!tpu.dma_semaphore, #tpu.memory_space<semaphore_mem>>
      %dma_start3A = arith.constant 0 : i32
      %dma_start3A_83 = arith.constant 0 : i32
      %dma_start3A_84 = tpu.memref_slice %arg10[%dma_start3A, %dma_start3A_83] : memref<256x128xf32, #tpu.memory_space<vmem>> -> memref<128x128xf32, #tpu.memory_space<vmem>>
      %dma_start3A_85 = arith.constant 0 : i32
      %dma_start3A_86 = tpu.memref_slice %arg11[%add3A_62, %dma_start3A_85] : memref<10240x128xf32, #tpu.memory_space<vmem_shared>> -> memref<128x128xf32, #tpu.memory_space<vmem_shared>>
      %dma_start3A_87 = arith.constant 0 : i32
      %dma_start3A_88 = arith.constant 0 : i32
      %dma_start3A_89 = tpu.memref_slice %arg10[%dma_start3A_87, %dma_start3A_88] : memref<256x128xf32, #tpu.memory_space<vmem>> -> memref<128x128xf32, #tpu.memory_space<vmem>>
      %dma_start3A_90 = arith.constant 0 : i32
      %dma_start3A_91 = tpu.memref_slice %arg11[%add3A_62, %dma_start3A_90] : memref<10240x128xf32, #tpu.memory_space<vmem_shared>> -> memref<128x128xf32, #tpu.memory_space<vmem_shared>>
      tpu.enqueue_dma source(%dma_start3A_91 : memref<128x128xf32, #tpu.memory_space<vmem_shared>>) target(%dma_start3A_89 : memref<128x128xf32, #tpu.memory_space<vmem>>) target_semaphore(%run_scoped3A : memref<!tpu.dma_semaphore, #tpu.memory_space<semaphore_mem>>)
      %dma_wait3A = arith.constant 0 : i32
      %dma_wait3A_92 = arith.constant 0 : i32
      %dma_wait3A_93 = tpu.memref_slice %arg10[%dma_wait3A, %dma_wait3A_92] : memref<256x128xf32, #tpu.memory_space<vmem>> -> memref<128x128xf32, #tpu.memory_space<vmem>>
      %dma_wait3A_94 = arith.constant 0 : i32
      %dma_wait3A_95 = tpu.memref_slice %arg11[%add3A_62, %dma_wait3A_94] : memref<10240x128xf32, #tpu.memory_space<vmem_shared>> -> memref<128x128xf32, #tpu.memory_space<vmem_shared>>
      %dma_wait3A_96 = arith.constant 0 : i32
      %dma_wait3A_97 = arith.constant 0 : i32
      %dma_wait3A_98 = tpu.memref_slice %arg10[%dma_wait3A_96, %dma_wait3A_97] : memref<256x128xf32, #tpu.memory_space<vmem>> -> memref<128x128xf32, #tpu.memory_space<vmem>>
      %dma_wait3A_99 = arith.constant 0 : i32
      %dma_wait3A_100 = tpu.memref_slice %arg11[%add3A_62, %dma_wait3A_99] : memref<10240x128xf32, #tpu.memory_space<vmem_shared>> -> memref<128x128xf32, #tpu.memory_space<vmem_shared>>
      tpu.wait_dma2 semaphore(%run_scoped3A : memref<!tpu.dma_semaphore, #tpu.memory_space<semaphore_mem>>) src(%dma_wait3A_100 : memref<128x128xf32, #tpu.memory_space<vmem_shared>>) dst(%dma_wait3A_98 : memref<128x128xf32, #tpu.memory_space<vmem>>)
      tpu.yield
    }) : () -> ()
    %mul3A_63 = arith.constant 640 : i32
    %mul3A_64 = arith.muli %arg1, %mul3A_63 : i32
    %add3A_65 = arith.constant 256 : i32
    %add3A_66 = arith.addi %mul3A_64, %add3A_65 : i32
    "tpu.region"() ({
      %run_scoped3A = tpu.sem_alloc : memref<!tpu.dma_semaphore, #tpu.memory_space<semaphore_mem>>
      %dma_start3A = arith.constant 0 : i32
      %dma_start3A_83 = arith.constant 0 : i32
      %dma_start3A_84 = tpu.memref_slice %arg10[%dma_start3A, %dma_start3A_83] : memref<256x128xf32, #tpu.memory_space<vmem>> -> memref<128x128xf32, #tpu.memory_space<vmem>>
      %dma_start3A_85 = arith.constant 0 : i32
      %dma_start3A_86 = tpu.memref_slice %arg6[%arg0, %add3A_66, %dma_start3A_85] : memref<2x10240x128xf32, #tpu.memory_space<hbm>> -> memref<1x128x128xf32, #tpu.memory_space<hbm>>
      %dma_start3A_87 = tpu.memref_squeeze %dma_start3A_86 : memref<1x128x128xf32, #tpu.memory_space<hbm>> -> memref<128x128xf32, #tpu.memory_space<hbm>>
      %dma_start3A_88 = arith.constant 0 : i32
      %dma_start3A_89 = tpu.memref_slice %arg6[%arg0, %add3A_66, %dma_start3A_88] : memref<2x10240x128xf32, #tpu.memory_space<hbm>> -> memref<1x128x128xf32, #tpu.memory_space<hbm>>
      %dma_start3A_90 = tpu.memref_squeeze %dma_start3A_89 : memref<1x128x128xf32, #tpu.memory_space<hbm>> -> memref<128x128xf32, #tpu.memory_space<hbm>>
      %dma_start3A_91 = arith.constant 0 : i32
      %dma_start3A_92 = arith.constant 0 : i32
      %dma_start3A_93 = tpu.memref_slice %arg10[%dma_start3A_91, %dma_start3A_92] : memref<256x128xf32, #tpu.memory_space<vmem>> -> memref<128x128xf32, #tpu.memory_space<vmem>>
      tpu.enqueue_dma source(%dma_start3A_93 : memref<128x128xf32, #tpu.memory_space<vmem>>) target(%dma_start3A_90 : memref<128x128xf32, #tpu.memory_space<hbm>>) target_semaphore(%run_scoped3A : memref<!tpu.dma_semaphore, #tpu.memory_space<semaphore_mem>>)
      %dma_wait3A = arith.constant 0 : i32
      %dma_wait3A_94 = arith.constant 0 : i32
      %dma_wait3A_95 = tpu.memref_slice %arg10[%dma_wait3A, %dma_wait3A_94] : memref<256x128xf32, #tpu.memory_space<vmem>> -> memref<128x128xf32, #tpu.memory_space<vmem>>
      %dma_wait3A_96 = arith.constant 0 : i32
      %dma_wait3A_97 = tpu.memref_slice %arg6[%arg0, %add3A_66, %dma_wait3A_96] : memref<2x10240x128xf32, #tpu.memory_space<hbm>> -> memref<1x128x128xf32, #tpu.memory_space<hbm>>
      %dma_wait3A_98 = tpu.memref_squeeze %dma_wait3A_97 : memref<1x128x128xf32, #tpu.memory_space<hbm>> -> memref<128x128xf32, #tpu.memory_space<hbm>>
      %dma_wait3A_99 = arith.constant 0 : i32
      %dma_wait3A_100 = tpu.memref_slice %arg6[%arg0, %add3A_66, %dma_wait3A_99] : memref<2x10240x128xf32, #tpu.memory_space<hbm>> -> memref<1x128x128xf32, #tpu.memory_space<hbm>>
      %dma_wait3A_101 = tpu.memref_squeeze %dma_wait3A_100 : memref<1x128x128xf32, #tpu.memory_space<hbm>> -> memref<128x128xf32, #tpu.memory_space<hbm>>
      %dma_wait3A_102 = arith.constant 0 : i32
      %dma_wait3A_103 = arith.constant 0 : i32
      %dma_wait3A_104 = tpu.memref_slice %arg10[%dma_wait3A_102, %dma_wait3A_103] : memref<256x128xf32, #tpu.memory_space<vmem>> -> memref<128x128xf32, #tpu.memory_space<vmem>>
      tpu.wait_dma2 semaphore(%run_scoped3A : memref<!tpu.dma_semaphore, #tpu.memory_space<semaphore_mem>>) src(%dma_wait3A_104 : memref<128x128xf32, #tpu.memory_space<vmem>>) dst(%dma_wait3A_101 : memref<128x128xf32, #tpu.memory_space<hbm>>)
      tpu.yield
    }) : () -> ()
    %mul3A_67 = arith.constant 640 : i32
    %mul3A_68 = arith.muli %arg1, %mul3A_67 : i32
    %add3A_69 = arith.constant 384 : i32
    %add3A_70 = arith.addi %mul3A_68, %add3A_69 : i32
    "tpu.region"() ({
      %run_scoped3A = tpu.sem_alloc : memref<!tpu.dma_semaphore, #tpu.memory_space<semaphore_mem>>
      %dma_start3A = arith.constant 0 : i32
      %dma_start3A_83 = arith.constant 0 : i32
      %dma_start3A_84 = tpu.memref_slice %arg10[%dma_start3A, %dma_start3A_83] : memref<256x128xf32, #tpu.memory_space<vmem>> -> memref<128x128xf32, #tpu.memory_space<vmem>>
      %dma_start3A_85 = arith.constant 0 : i32
      %dma_start3A_86 = tpu.memref_slice %arg11[%add3A_70, %dma_start3A_85] : memref<10240x128xf32, #tpu.memory_space<vmem_shared>> -> memref<128x128xf32, #tpu.memory_space<vmem_shared>>
      %dma_start3A_87 = arith.constant 0 : i32
      %dma_start3A_88 = arith.constant 0 : i32
      %dma_start3A_89 = tpu.memref_slice %arg10[%dma_start3A_87, %dma_start3A_88] : memref<256x128xf32, #tpu.memory_space<vmem>> -> memref<128x128xf32, #tpu.memory_space<vmem>>
      %dma_start3A_90 = arith.constant 0 : i32
      %dma_start3A_91 = tpu.memref_slice %arg11[%add3A_70, %dma_start3A_90] : memref<10240x128xf32, #tpu.memory_space<vmem_shared>> -> memref<128x128xf32, #tpu.memory_space<vmem_shared>>
      tpu.enqueue_dma source(%dma_start3A_91 : memref<128x128xf32, #tpu.memory_space<vmem_shared>>) target(%dma_start3A_89 : memref<128x128xf32, #tpu.memory_space<vmem>>) target_semaphore(%run_scoped3A : memref<!tpu.dma_semaphore, #tpu.memory_space<semaphore_mem>>)
      %dma_wait3A = arith.constant 0 : i32
      %dma_wait3A_92 = arith.constant 0 : i32
      %dma_wait3A_93 = tpu.memref_slice %arg10[%dma_wait3A, %dma_wait3A_92] : memref<256x128xf32, #tpu.memory_space<vmem>> -> memref<128x128xf32, #tpu.memory_space<vmem>>
      %dma_wait3A_94 = arith.constant 0 : i32
      %dma_wait3A_95 = tpu.memref_slice %arg11[%add3A_70, %dma_wait3A_94] : memref<10240x128xf32, #tpu.memory_space<vmem_shared>> -> memref<128x128xf32, #tpu.memory_space<vmem_shared>>
      %dma_wait3A_96 = arith.constant 0 : i32
      %dma_wait3A_97 = arith.constant 0 : i32
      %dma_wait3A_98 = tpu.memref_slice %arg10[%dma_wait3A_96, %dma_wait3A_97] : memref<256x128xf32, #tpu.memory_space<vmem>> -> memref<128x128xf32, #tpu.memory_space<vmem>>
      %dma_wait3A_99 = arith.constant 0 : i32
      %dma_wait3A_100 = tpu.memref_slice %arg11[%add3A_70, %dma_wait3A_99] : memref<10240x128xf32, #tpu.memory_space<vmem_shared>> -> memref<128x128xf32, #tpu.memory_space<vmem_shared>>
      tpu.wait_dma2 semaphore(%run_scoped3A : memref<!tpu.dma_semaphore, #tpu.memory_space<semaphore_mem>>) src(%dma_wait3A_100 : memref<128x128xf32, #tpu.memory_space<vmem_shared>>) dst(%dma_wait3A_98 : memref<128x128xf32, #tpu.memory_space<vmem>>)
      tpu.yield
    }) : () -> ()
    %mul3A_71 = arith.constant 640 : i32
    %mul3A_72 = arith.muli %arg1, %mul3A_71 : i32
    %add3A_73 = arith.constant 384 : i32
    %add3A_74 = arith.addi %mul3A_72, %add3A_73 : i32
    "tpu.region"() ({
      %run_scoped3A = tpu.sem_alloc : memref<!tpu.dma_semaphore, #tpu.memory_space<semaphore_mem>>
      %dma_start3A = arith.constant 0 : i32
      %dma_start3A_83 = arith.constant 0 : i32
      %dma_start3A_84 = tpu.memref_slice %arg10[%dma_start3A, %dma_start3A_83] : memref<256x128xf32, #tpu.memory_space<vmem>> -> memref<128x128xf32, #tpu.memory_space<vmem>>
      %dma_start3A_85 = arith.constant 0 : i32
      %dma_start3A_86 = tpu.memref_slice %arg6[%arg0, %add3A_74, %dma_start3A_85] : memref<2x10240x128xf32, #tpu.memory_space<hbm>> -> memref<1x128x128xf32, #tpu.memory_space<hbm>>
      %dma_start3A_87 = tpu.memref_squeeze %dma_start3A_86 : memref<1x128x128xf32, #tpu.memory_space<hbm>> -> memref<128x128xf32, #tpu.memory_space<hbm>>
      %dma_start3A_88 = arith.constant 0 : i32
      %dma_start3A_89 = tpu.memref_slice %arg6[%arg0, %add3A_74, %dma_start3A_88] : memref<2x10240x128xf32, #tpu.memory_space<hbm>> -> memref<1x128x128xf32, #tpu.memory_space<hbm>>
      %dma_start3A_90 = tpu.memref_squeeze %dma_start3A_89 : memref<1x128x128xf32, #tpu.memory_space<hbm>> -> memref<128x128xf32, #tpu.memory_space<hbm>>
      %dma_start3A_91 = arith.constant 0 : i32
      %dma_start3A_92 = arith.constant 0 : i32
      %dma_start3A_93 = tpu.memref_slice %arg10[%dma_start3A_91, %dma_start3A_92] : memref<256x128xf32, #tpu.memory_space<vmem>> -> memref<128x128xf32, #tpu.memory_space<vmem>>
      tpu.enqueue_dma source(%dma_start3A_93 : memref<128x128xf32, #tpu.memory_space<vmem>>) target(%dma_start3A_90 : memref<128x128xf32, #tpu.memory_space<hbm>>) target_semaphore(%run_scoped3A : memref<!tpu.dma_semaphore, #tpu.memory_space<semaphore_mem>>)
      %dma_wait3A = arith.constant 0 : i32
      %dma_wait3A_94 = arith.constant 0 : i32
      %dma_wait3A_95 = tpu.memref_slice %arg10[%dma_wait3A, %dma_wait3A_94] : memref<256x128xf32, #tpu.memory_space<vmem>> -> memref<128x128xf32, #tpu.memory_space<vmem>>
      %dma_wait3A_96 = arith.constant 0 : i32
      %dma_wait3A_97 = tpu.memref_slice %arg6[%arg0, %add3A_74, %dma_wait3A_96] : memref<2x10240x128xf32, #tpu.memory_space<hbm>> -> memref<1x128x128xf32, #tpu.memory_space<hbm>>
      %dma_wait3A_98 = tpu.memref_squeeze %dma_wait3A_97 : memref<1x128x128xf32, #tpu.memory_space<hbm>> -> memref<128x128xf32, #tpu.memory_space<hbm>>
      %dma_wait3A_99 = arith.constant 0 : i32
      %dma_wait3A_100 = tpu.memref_slice %arg6[%arg0, %add3A_74, %dma_wait3A_99] : memref<2x10240x128xf32, #tpu.memory_space<hbm>> -> memref<1x128x128xf32, #tpu.memory_space<hbm>>
      %dma_wait3A_101 = tpu.memref_squeeze %dma_wait3A_100 : memref<1x128x128xf32, #tpu.memory_space<hbm>> -> memref<128x128xf32, #tpu.memory_space<hbm>>
      %dma_wait3A_102 = arith.constant 0 : i32
      %dma_wait3A_103 = arith.constant 0 : i32
      %dma_wait3A_104 = tpu.memref_slice %arg10[%dma_wait3A_102, %dma_wait3A_103] : memref<256x128xf32, #tpu.memory_space<vmem>> -> memref<128x128xf32, #tpu.memory_space<vmem>>
      tpu.wait_dma2 semaphore(%run_scoped3A : memref<!tpu.dma_semaphore, #tpu.memory_space<semaphore_mem>>) src(%dma_wait3A_104 : memref<128x128xf32, #tpu.memory_space<vmem>>) dst(%dma_wait3A_101 : memref<128x128xf32, #tpu.memory_space<hbm>>)
      tpu.yield
    }) : () -> ()
    %mul3A_75 = arith.constant 640 : i32
    %mul3A_76 = arith.muli %arg1, %mul3A_75 : i32
    %add3A_77 = arith.constant 512 : i32
    %add3A_78 = arith.addi %mul3A_76, %add3A_77 : i32
    "tpu.region"() ({
      %run_scoped3A = tpu.sem_alloc : memref<!tpu.dma_semaphore, #tpu.memory_space<semaphore_mem>>
      %dma_start3A = arith.constant 0 : i32
      %dma_start3A_83 = arith.constant 0 : i32
      %dma_start3A_84 = tpu.memref_slice %arg10[%dma_start3A, %dma_start3A_83] : memref<256x128xf32, #tpu.memory_space<vmem>> -> memref<128x128xf32, #tpu.memory_space<vmem>>
      %dma_start3A_85 = arith.constant 0 : i32
      %dma_start3A_86 = tpu.memref_slice %arg11[%add3A_78, %dma_start3A_85] : memref<10240x128xf32, #tpu.memory_space<vmem_shared>> -> memref<128x128xf32, #tpu.memory_space<vmem_shared>>
      %dma_start3A_87 = arith.constant 0 : i32
      %dma_start3A_88 = arith.constant 0 : i32
      %dma_start3A_89 = tpu.memref_slice %arg10[%dma_start3A_87, %dma_start3A_88] : memref<256x128xf32, #tpu.memory_space<vmem>> -> memref<128x128xf32, #tpu.memory_space<vmem>>
      %dma_start3A_90 = arith.constant 0 : i32
      %dma_start3A_91 = tpu.memref_slice %arg11[%add3A_78, %dma_start3A_90] : memref<10240x128xf32, #tpu.memory_space<vmem_shared>> -> memref<128x128xf32, #tpu.memory_space<vmem_shared>>
      tpu.enqueue_dma source(%dma_start3A_91 : memref<128x128xf32, #tpu.memory_space<vmem_shared>>) target(%dma_start3A_89 : memref<128x128xf32, #tpu.memory_space<vmem>>) target_semaphore(%run_scoped3A : memref<!tpu.dma_semaphore, #tpu.memory_space<semaphore_mem>>)
      %dma_wait3A = arith.constant 0 : i32
      %dma_wait3A_92 = arith.constant 0 : i32
      %dma_wait3A_93 = tpu.memref_slice %arg10[%dma_wait3A, %dma_wait3A_92] : memref<256x128xf32, #tpu.memory_space<vmem>> -> memref<128x128xf32, #tpu.memory_space<vmem>>
      %dma_wait3A_94 = arith.constant 0 : i32
      %dma_wait3A_95 = tpu.memref_slice %arg11[%add3A_78, %dma_wait3A_94] : memref<10240x128xf32, #tpu.memory_space<vmem_shared>> -> memref<128x128xf32, #tpu.memory_space<vmem_shared>>
      %dma_wait3A_96 = arith.constant 0 : i32
      %dma_wait3A_97 = arith.constant 0 : i32
      %dma_wait3A_98 = tpu.memref_slice %arg10[%dma_wait3A_96, %dma_wait3A_97] : memref<256x128xf32, #tpu.memory_space<vmem>> -> memref<128x128xf32, #tpu.memory_space<vmem>>
      %dma_wait3A_99 = arith.constant 0 : i32
      %dma_wait3A_100 = tpu.memref_slice %arg11[%add3A_78, %dma_wait3A_99] : memref<10240x128xf32, #tpu.memory_space<vmem_shared>> -> memref<128x128xf32, #tpu.memory_space<vmem_shared>>
      tpu.wait_dma2 semaphore(%run_scoped3A : memref<!tpu.dma_semaphore, #tpu.memory_space<semaphore_mem>>) src(%dma_wait3A_100 : memref<128x128xf32, #tpu.memory_space<vmem_shared>>) dst(%dma_wait3A_98 : memref<128x128xf32, #tpu.memory_space<vmem>>)
      tpu.yield
    }) : () -> ()
    %mul3A_79 = arith.constant 640 : i32
    %mul3A_80 = arith.muli %arg1, %mul3A_79 : i32
    %add3A_81 = arith.constant 512 : i32
    %add3A_82 = arith.addi %mul3A_80, %add3A_81 : i32
    "tpu.region"() ({
      %run_scoped3A = tpu.sem_alloc : memref<!tpu.dma_semaphore, #tpu.memory_space<semaphore_mem>>
      %dma_start3A = arith.constant 0 : i32
      %dma_start3A_83 = arith.constant 0 : i32
      %dma_start3A_84 = tpu.memref_slice %arg10[%dma_start3A, %dma_start3A_83] : memref<256x128xf32, #tpu.memory_space<vmem>> -> memref<128x128xf32, #tpu.memory_space<vmem>>
      %dma_start3A_85 = arith.constant 0 : i32
      %dma_start3A_86 = tpu.memref_slice %arg6[%arg0, %add3A_82, %dma_start3A_85] : memref<2x10240x128xf32, #tpu.memory_space<hbm>> -> memref<1x128x128xf32, #tpu.memory_space<hbm>>
      %dma_start3A_87 = tpu.memref_squeeze %dma_start3A_86 : memref<1x128x128xf32, #tpu.memory_space<hbm>> -> memref<128x128xf32, #tpu.memory_space<hbm>>
      %dma_start3A_88 = arith.constant 0 : i32
      %dma_start3A_89 = tpu.memref_slice %arg6[%arg0, %add3A_82, %dma_start3A_88] : memref<2x10240x128xf32, #tpu.memory_space<hbm>> -> memref<1x128x128xf32, #tpu.memory_space<hbm>>
      %dma_start3A_90 = tpu.memref_squeeze %dma_start3A_89 : memref<1x128x128xf32, #tpu.memory_space<hbm>> -> memref<128x128xf32, #tpu.memory_space<hbm>>
      %dma_start3A_91 = arith.constant 0 : i32
      %dma_start3A_92 = arith.constant 0 : i32
      %dma_start3A_93 = tpu.memref_slice %arg10[%dma_start3A_91, %dma_start3A_92] : memref<256x128xf32, #tpu.memory_space<vmem>> -> memref<128x128xf32, #tpu.memory_space<vmem>>
      tpu.enqueue_dma source(%dma_start3A_93 : memref<128x128xf32, #tpu.memory_space<vmem>>) target(%dma_start3A_90 : memref<128x128xf32, #tpu.memory_space<hbm>>) target_semaphore(%run_scoped3A : memref<!tpu.dma_semaphore, #tpu.memory_space<semaphore_mem>>)
      %dma_wait3A = arith.constant 0 : i32
      %dma_wait3A_94 = arith.constant 0 : i32
      %dma_wait3A_95 = tpu.memref_slice %arg10[%dma_wait3A, %dma_wait3A_94] : memref<256x128xf32, #tpu.memory_space<vmem>> -> memref<128x128xf32, #tpu.memory_space<vmem>>
      %dma_wait3A_96 = arith.constant 0 : i32
      %dma_wait3A_97 = tpu.memref_slice %arg6[%arg0, %add3A_82, %dma_wait3A_96] : memref<2x10240x128xf32, #tpu.memory_space<hbm>> -> memref<1x128x128xf32, #tpu.memory_space<hbm>>
      %dma_wait3A_98 = tpu.memref_squeeze %dma_wait3A_97 : memref<1x128x128xf32, #tpu.memory_space<hbm>> -> memref<128x128xf32, #tpu.memory_space<hbm>>
      %dma_wait3A_99 = arith.constant 0 : i32
      %dma_wait3A_100 = tpu.memref_slice %arg6[%arg0, %add3A_82, %dma_wait3A_99] : memref<2x10240x128xf32, #tpu.memory_space<hbm>> -> memref<1x128x128xf32, #tpu.memory_space<hbm>>
      %dma_wait3A_101 = tpu.memref_squeeze %dma_wait3A_100 : memref<1x128x128xf32, #tpu.memory_space<hbm>> -> memref<128x128xf32, #tpu.memory_space<hbm>>
      %dma_wait3A_102 = arith.constant 0 : i32
      %dma_wait3A_103 = arith.constant 0 : i32
      %dma_wait3A_104 = tpu.memref_slice %arg10[%dma_wait3A_102, %dma_wait3A_103] : memref<256x128xf32, #tpu.memory_space<vmem>> -> memref<128x128xf32, #tpu.memory_space<vmem>>
      tpu.wait_dma2 semaphore(%run_scoped3A : memref<!tpu.dma_semaphore, #tpu.memory_space<semaphore_mem>>) src(%dma_wait3A_104 : memref<128x128xf32, #tpu.memory_space<vmem>>) dst(%dma_wait3A_101 : memref<128x128xf32, #tpu.memory_space<hbm>>)
      tpu.yield
    }) : () -> ()
    return
  }
}

#map = affine_map<(d0, d1) -> (0, 0)>
#map1 = affine_map<(d0, d1) -> (0)>
#map2 = affine_map<(d0, d1) -> (0, 0, 0)>
module attributes {stable_mosaic.version = 14 : i64} {
  func.func @_sc_conv_body(%arg0: i32, %arg1: i32, %arg2: memref<2560x128xi32, #tpu.memory_space<hbm>>, %arg3: memref<2560x128xi32, #tpu.memory_space<hbm>>, %arg4: memref<327680xf32, #tpu.memory_space<hbm>>, %arg5: memref<10000x128xf32, #tpu.memory_space<hbm>>, %arg6: memref<2x10240x128xf32, #tpu.memory_space<hbm>>, %arg7: memref<32x128xi32, #tpu.memory_space<vmem>>, %arg8: memref<32x128xi32, #tpu.memory_space<vmem>>, %arg9: memref<4096xf32, #tpu.memory_space<vmem>>, %arg10: memref<256x128xf32, #tpu.memory_space<vmem>>, %arg11: memref<10240x128xf32, #tpu.memory_space<vmem_shared>>, %arg12: memref<!tpu.dma_semaphore, #tpu.memory_space<semaphore_mem>>, %arg13: memref<!tpu.dma_semaphore, #tpu.memory_space<semaphore_mem>>, %arg14: memref<!tpu.dma_semaphore, #tpu.memory_space<semaphore_mem>>) attributes {dimension_semantics = [#tpu.dimension_semantics<core_parallel>, #tpu.dimension_semantics<subcore_parallel>], iteration_bounds = array<i64: 2, 16>, scalar_prefetch = 0 : i64, scratch_operands = 8 : i64, tpu.core_type = #tpu.core_type<sc_vector_subcore>, window_params = [{transform_indices = #map}, {transform_indices = #map}, {transform_indices = #map1}, {transform_indices = #map}, {transform_indices = #map2}]} {
    %mul3A = arith.constant 16 : i32
    %mul3A_0 = arith.muli %arg0, %mul3A : i32
    %add3A = arith.addi %mul3A_0, %arg1 : i32
    %scan3A = arith.constant 0 : i32
    %scan3A_1 = arith.constant 0 : i32
    %scan3A_2 = arith.constant 128 : i32
    %scan3A_3 = arith.addi %scan3A_1, %scan3A_2 : i32
    %scan3A_4 = arith.constant 1 : i32
    %scan3A_5 = scf.for %scan3A_83 = %scan3A_1 to %scan3A_3 step %scan3A_4 iter_args(%scan3A_84 = %scan3A) -> (i32)  : i32 {
      %broadcast_in_dim3A = arith.constant 0.000000e+00 : f32
      %broadcast_in_dim3A_85 = vector.broadcast %broadcast_in_dim3A : f32 to vector<16xf32>
      %swap3A = arith.index_cast %scan3A_83 : i32 to index
      %swap3A_86 = arith.constant 0 : index
      %swap3A_87 = tpu.vector_load %arg10[%swap3A, %swap3A_86] {strides = array<i32>} : memref<256x128xf32, #tpu.memory_space<vmem>>, vector<16xf32>,
      tpu.vector_store %arg10[%swap3A, %swap3A_86], %broadcast_in_dim3A_85 {strides = array<i32>} : memref<256x128xf32, #tpu.memory_space<vmem>>, vector<16xf32>,
      %broadcast_in_dim3A_88 = arith.constant 0.000000e+00 : f32
      %broadcast_in_dim3A_89 = vector.broadcast %broadcast_in_dim3A_88 : f32 to vector<16xf32>
      %swap3A_90 = arith.index_cast %scan3A_83 : i32 to index
      %swap3A_91 = arith.constant 16 : index
      %swap3A_92 = tpu.vector_load %arg10[%swap3A_90, %swap3A_91] {strides = array<i32>} : memref<256x128xf32, #tpu.memory_space<vmem>>, vector<16xf32>,
      tpu.vector_store %arg10[%swap3A_90, %swap3A_91], %broadcast_in_dim3A_89 {strides = array<i32>} : memref<256x128xf32, #tpu.memory_space<vmem>>, vector<16xf32>,
      %broadcast_in_dim3A_93 = arith.constant 0.000000e+00 : f32
      %broadcast_in_dim3A_94 = vector.broadcast %broadcast_in_dim3A_93 : f32 to vector<16xf32>
      %swap3A_95 = arith.index_cast %scan3A_83 : i32 to index
      %swap3A_96 = arith.constant 32 : index
      %swap3A_97 = tpu.vector_load %arg10[%swap3A_95, %swap3A_96] {strides = array<i32>} : memref<256x128xf32, #tpu.memory_space<vmem>>, vector<16xf32>,
      tpu.vector_store %arg10[%swap3A_95, %swap3A_96], %broadcast_in_dim3A_94 {strides = array<i32>} : memref<256x128xf32, #tpu.memory_space<vmem>>, vector<16xf32>,
      %broadcast_in_dim3A_98 = arith.constant 0.000000e+00 : f32
      %broadcast_in_dim3A_99 = vector.broadcast %broadcast_in_dim3A_98 : f32 to vector<16xf32>
      %swap3A_100 = arith.index_cast %scan3A_83 : i32 to index
      %swap3A_101 = arith.constant 48 : index
      %swap3A_102 = tpu.vector_load %arg10[%swap3A_100, %swap3A_101] {strides = array<i32>} : memref<256x128xf32, #tpu.memory_space<vmem>>, vector<16xf32>,
      tpu.vector_store %arg10[%swap3A_100, %swap3A_101], %broadcast_in_dim3A_99 {strides = array<i32>} : memref<256x128xf32, #tpu.memory_space<vmem>>, vector<16xf32>,
      %broadcast_in_dim3A_103 = arith.constant 0.000000e+00 : f32
      %broadcast_in_dim3A_104 = vector.broadcast %broadcast_in_dim3A_103 : f32 to vector<16xf32>
      %swap3A_105 = arith.index_cast %scan3A_83 : i32 to index
      %swap3A_106 = arith.constant 64 : index
      %swap3A_107 = tpu.vector_load %arg10[%swap3A_105, %swap3A_106] {strides = array<i32>} : memref<256x128xf32, #tpu.memory_space<vmem>>, vector<16xf32>,
      tpu.vector_store %arg10[%swap3A_105, %swap3A_106], %broadcast_in_dim3A_104 {strides = array<i32>} : memref<256x128xf32, #tpu.memory_space<vmem>>, vector<16xf32>,
      %broadcast_in_dim3A_108 = arith.constant 0.000000e+00 : f32
      %broadcast_in_dim3A_109 = vector.broadcast %broadcast_in_dim3A_108 : f32 to vector<16xf32>
      %swap3A_110 = arith.index_cast %scan3A_83 : i32 to index
      %swap3A_111 = arith.constant 80 : index
      %swap3A_112 = tpu.vector_load %arg10[%swap3A_110, %swap3A_111] {strides = array<i32>} : memref<256x128xf32, #tpu.memory_space<vmem>>, vector<16xf32>,
      tpu.vector_store %arg10[%swap3A_110, %swap3A_111], %broadcast_in_dim3A_109 {strides = array<i32>} : memref<256x128xf32, #tpu.memory_space<vmem>>, vector<16xf32>,
      %broadcast_in_dim3A_113 = arith.constant 0.000000e+00 : f32
      %broadcast_in_dim3A_114 = vector.broadcast %broadcast_in_dim3A_113 : f32 to vector<16xf32>
      %swap3A_115 = arith.index_cast %scan3A_83 : i32 to index
      %swap3A_116 = arith.constant 96 : index
      %swap3A_117 = tpu.vector_load %arg10[%swap3A_115, %swap3A_116] {strides = array<i32>} : memref<256x128xf32, #tpu.memory_space<vmem>>, vector<16xf32>,
      tpu.vector_store %arg10[%swap3A_115, %swap3A_116], %broadcast_in_dim3A_114 {strides = array<i32>} : memref<256x128xf32, #tpu.memory_space<vmem>>, vector<16xf32>,
      %broadcast_in_dim3A_118 = arith.constant 0.000000e+00 : f32
      %broadcast_in_dim3A_119 = vector.broadcast %broadcast_in_dim3A_118 : f32 to vector<16xf32>
      %swap3A_120 = arith.index_cast %scan3A_83 : i32 to index
      %swap3A_121 = arith.constant 112 : index
      %swap3A_122 = tpu.vector_load %arg10[%swap3A_120, %swap3A_121] {strides = array<i32>} : memref<256x128xf32, #tpu.memory_space<vmem>>, vector<16xf32>,
      tpu.vector_store %arg10[%swap3A_120, %swap3A_121], %broadcast_in_dim3A_119 {strides = array<i32>} : memref<256x128xf32, #tpu.memory_space<vmem>>, vector<16xf32>,
      %scan3A_123 = arith.constant 0 : i32
      scf.yield %scan3A_123 : i32
    }
    %scan3A_6 = arith.constant 128 : i32
    %mul3A_7 = arith.constant 640 : i32
    %mul3A_8 = arith.muli %arg1, %mul3A_7 : i32
    %add3A_9 = arith.constant 0 : i32
    %add3A_10 = arith.addi %mul3A_8, %add3A_9 : i32
    "tpu.region"() ({
      %run_scoped3A = tpu.sem_alloc : memref<!tpu.dma_semaphore, #tpu.memory_space<semaphore_mem>>
      %dma_start3A = arith.constant 0 : i32
      %dma_start3A_83 = arith.constant 0 : i32
      %dma_start3A_84 = tpu.memref_slice %arg10[%dma_start3A, %dma_start3A_83] : memref<256x128xf32, #tpu.memory_space<vmem>> -> memref<128x128xf32, #tpu.memory_space<vmem>>
      %dma_start3A_85 = arith.constant 0 : i32
      %dma_start3A_86 = tpu.memref_slice %arg11[%add3A_10, %dma_start3A_85] : memref<10240x128xf32, #tpu.memory_space<vmem_shared>> -> memref<128x128xf32, #tpu.memory_space<vmem_shared>>
      %dma_start3A_87 = arith.constant 0 : i32
      %dma_start3A_88 = tpu.memref_slice %arg11[%add3A_10, %dma_start3A_87] : memref<10240x128xf32, #tpu.memory_space<vmem_shared>> -> memref<128x128xf32, #tpu.memory_space<vmem_shared>>
      %dma_start3A_89 = arith.constant 0 : i32
      %dma_start3A_90 = arith.constant 0 : i32
      %dma_start3A_91 = tpu.memref_slice %arg10[%dma_start3A_89, %dma_start3A_90] : memref<256x128xf32, #tpu.memory_space<vmem>> -> memref<128x128xf32, #tpu.memory_space<vmem>>
      tpu.enqueue_dma source(%dma_start3A_91 : memref<128x128xf32, #tpu.memory_space<vmem>>) target(%dma_start3A_88 : memref<128x128xf32, #tpu.memory_space<vmem_shared>>) target_semaphore(%run_scoped3A : memref<!tpu.dma_semaphore, #tpu.memory_space<semaphore_mem>>)
      %dma_wait3A = arith.constant 0 : i32
      %dma_wait3A_92 = arith.constant 0 : i32
      %dma_wait3A_93 = tpu.memref_slice %arg10[%dma_wait3A, %dma_wait3A_92] : memref<256x128xf32, #tpu.memory_space<vmem>> -> memref<128x128xf32, #tpu.memory_space<vmem>>
      %dma_wait3A_94 = arith.constant 0 : i32
      %dma_wait3A_95 = tpu.memref_slice %arg11[%add3A_10, %dma_wait3A_94] : memref<10240x128xf32, #tpu.memory_space<vmem_shared>> -> memref<128x128xf32, #tpu.memory_space<vmem_shared>>
      %dma_wait3A_96 = arith.constant 0 : i32
      %dma_wait3A_97 = tpu.memref_slice %arg11[%add3A_10, %dma_wait3A_96] : memref<10240x128xf32, #tpu.memory_space<vmem_shared>> -> memref<128x128xf32, #tpu.memory_space<vmem_shared>>
      %dma_wait3A_98 = arith.constant 0 : i32
      %dma_wait3A_99 = arith.constant 0 : i32
      %dma_wait3A_100 = tpu.memref_slice %arg10[%dma_wait3A_98, %dma_wait3A_99] : memref<256x128xf32, #tpu.memory_space<vmem>> -> memref<128x128xf32, #tpu.memory_space<vmem>>
      tpu.wait_dma2 semaphore(%run_scoped3A : memref<!tpu.dma_semaphore, #tpu.memory_space<semaphore_mem>>) src(%dma_wait3A_100 : memref<128x128xf32, #tpu.memory_space<vmem>>) dst(%dma_wait3A_97 : memref<128x128xf32, #tpu.memory_space<vmem_shared>>)
      tpu.yield
    }) : () -> ()
    %mul3A_11 = arith.constant 640 : i32
    %mul3A_12 = arith.muli %arg1, %mul3A_11 : i32
    %add3A_13 = arith.constant 128 : i32
    %add3A_14 = arith.addi %mul3A_12, %add3A_13 : i32
    "tpu.region"() ({
      %run_scoped3A = tpu.sem_alloc : memref<!tpu.dma_semaphore, #tpu.memory_space<semaphore_mem>>
      %dma_start3A = arith.constant 0 : i32
      %dma_start3A_83 = arith.constant 0 : i32
      %dma_start3A_84 = tpu.memref_slice %arg10[%dma_start3A, %dma_start3A_83] : memref<256x128xf32, #tpu.memory_space<vmem>> -> memref<128x128xf32, #tpu.memory_space<vmem>>
      %dma_start3A_85 = arith.constant 0 : i32
      %dma_start3A_86 = tpu.memref_slice %arg11[%add3A_14, %dma_start3A_85] : memref<10240x128xf32, #tpu.memory_space<vmem_shared>> -> memref<128x128xf32, #tpu.memory_space<vmem_shared>>
      %dma_start3A_87 = arith.constant 0 : i32
      %dma_start3A_88 = tpu.memref_slice %arg11[%add3A_14, %dma_start3A_87] : memref<10240x128xf32, #tpu.memory_space<vmem_shared>> -> memref<128x128xf32, #tpu.memory_space<vmem_shared>>
      %dma_start3A_89 = arith.constant 0 : i32
      %dma_start3A_90 = arith.constant 0 : i32
      %dma_start3A_91 = tpu.memref_slice %arg10[%dma_start3A_89, %dma_start3A_90] : memref<256x128xf32, #tpu.memory_space<vmem>> -> memref<128x128xf32, #tpu.memory_space<vmem>>
      tpu.enqueue_dma source(%dma_start3A_91 : memref<128x128xf32, #tpu.memory_space<vmem>>) target(%dma_start3A_88 : memref<128x128xf32, #tpu.memory_space<vmem_shared>>) target_semaphore(%run_scoped3A : memref<!tpu.dma_semaphore, #tpu.memory_space<semaphore_mem>>)
      %dma_wait3A = arith.constant 0 : i32
      %dma_wait3A_92 = arith.constant 0 : i32
      %dma_wait3A_93 = tpu.memref_slice %arg10[%dma_wait3A, %dma_wait3A_92] : memref<256x128xf32, #tpu.memory_space<vmem>> -> memref<128x128xf32, #tpu.memory_space<vmem>>
      %dma_wait3A_94 = arith.constant 0 : i32
      %dma_wait3A_95 = tpu.memref_slice %arg11[%add3A_14, %dma_wait3A_94] : memref<10240x128xf32, #tpu.memory_space<vmem_shared>> -> memref<128x128xf32, #tpu.memory_space<vmem_shared>>
      %dma_wait3A_96 = arith.constant 0 : i32
      %dma_wait3A_97 = tpu.memref_slice %arg11[%add3A_14, %dma_wait3A_96] : memref<10240x128xf32, #tpu.memory_space<vmem_shared>> -> memref<128x128xf32, #tpu.memory_space<vmem_shared>>
      %dma_wait3A_98 = arith.constant 0 : i32
      %dma_wait3A_99 = arith.constant 0 : i32
      %dma_wait3A_100 = tpu.memref_slice %arg10[%dma_wait3A_98, %dma_wait3A_99] : memref<256x128xf32, #tpu.memory_space<vmem>> -> memref<128x128xf32, #tpu.memory_space<vmem>>
      tpu.wait_dma2 semaphore(%run_scoped3A : memref<!tpu.dma_semaphore, #tpu.memory_space<semaphore_mem>>) src(%dma_wait3A_100 : memref<128x128xf32, #tpu.memory_space<vmem>>) dst(%dma_wait3A_97 : memref<128x128xf32, #tpu.memory_space<vmem_shared>>)
      tpu.yield
    }) : () -> ()
    %mul3A_15 = arith.constant 640 : i32
    %mul3A_16 = arith.muli %arg1, %mul3A_15 : i32
    %add3A_17 = arith.constant 256 : i32
    %add3A_18 = arith.addi %mul3A_16, %add3A_17 : i32
    "tpu.region"() ({
      %run_scoped3A = tpu.sem_alloc : memref<!tpu.dma_semaphore, #tpu.memory_space<semaphore_mem>>
      %dma_start3A = arith.constant 0 : i32
      %dma_start3A_83 = arith.constant 0 : i32
      %dma_start3A_84 = tpu.memref_slice %arg10[%dma_start3A, %dma_start3A_83] : memref<256x128xf32, #tpu.memory_space<vmem>> -> memref<128x128xf32, #tpu.memory_space<vmem>>
      %dma_start3A_85 = arith.constant 0 : i32
      %dma_start3A_86 = tpu.memref_slice %arg11[%add3A_18, %dma_start3A_85] : memref<10240x128xf32, #tpu.memory_space<vmem_shared>> -> memref<128x128xf32, #tpu.memory_space<vmem_shared>>
      %dma_start3A_87 = arith.constant 0 : i32
      %dma_start3A_88 = tpu.memref_slice %arg11[%add3A_18, %dma_start3A_87] : memref<10240x128xf32, #tpu.memory_space<vmem_shared>> -> memref<128x128xf32, #tpu.memory_space<vmem_shared>>
      %dma_start3A_89 = arith.constant 0 : i32
      %dma_start3A_90 = arith.constant 0 : i32
      %dma_start3A_91 = tpu.memref_slice %arg10[%dma_start3A_89, %dma_start3A_90] : memref<256x128xf32, #tpu.memory_space<vmem>> -> memref<128x128xf32, #tpu.memory_space<vmem>>
      tpu.enqueue_dma source(%dma_start3A_91 : memref<128x128xf32, #tpu.memory_space<vmem>>) target(%dma_start3A_88 : memref<128x128xf32, #tpu.memory_space<vmem_shared>>) target_semaphore(%run_scoped3A : memref<!tpu.dma_semaphore, #tpu.memory_space<semaphore_mem>>)
      %dma_wait3A = arith.constant 0 : i32
      %dma_wait3A_92 = arith.constant 0 : i32
      %dma_wait3A_93 = tpu.memref_slice %arg10[%dma_wait3A, %dma_wait3A_92] : memref<256x128xf32, #tpu.memory_space<vmem>> -> memref<128x128xf32, #tpu.memory_space<vmem>>
      %dma_wait3A_94 = arith.constant 0 : i32
      %dma_wait3A_95 = tpu.memref_slice %arg11[%add3A_18, %dma_wait3A_94] : memref<10240x128xf32, #tpu.memory_space<vmem_shared>> -> memref<128x128xf32, #tpu.memory_space<vmem_shared>>
      %dma_wait3A_96 = arith.constant 0 : i32
      %dma_wait3A_97 = tpu.memref_slice %arg11[%add3A_18, %dma_wait3A_96] : memref<10240x128xf32, #tpu.memory_space<vmem_shared>> -> memref<128x128xf32, #tpu.memory_space<vmem_shared>>
      %dma_wait3A_98 = arith.constant 0 : i32
      %dma_wait3A_99 = arith.constant 0 : i32
      %dma_wait3A_100 = tpu.memref_slice %arg10[%dma_wait3A_98, %dma_wait3A_99] : memref<256x128xf32, #tpu.memory_space<vmem>> -> memref<128x128xf32, #tpu.memory_space<vmem>>
      tpu.wait_dma2 semaphore(%run_scoped3A : memref<!tpu.dma_semaphore, #tpu.memory_space<semaphore_mem>>) src(%dma_wait3A_100 : memref<128x128xf32, #tpu.memory_space<vmem>>) dst(%dma_wait3A_97 : memref<128x128xf32, #tpu.memory_space<vmem_shared>>)
      tpu.yield
    }) : () -> ()
    %mul3A_19 = arith.constant 640 : i32
    %mul3A_20 = arith.muli %arg1, %mul3A_19 : i32
    %add3A_21 = arith.constant 384 : i32
    %add3A_22 = arith.addi %mul3A_20, %add3A_21 : i32
    "tpu.region"() ({
      %run_scoped3A = tpu.sem_alloc : memref<!tpu.dma_semaphore, #tpu.memory_space<semaphore_mem>>
      %dma_start3A = arith.constant 0 : i32
      %dma_start3A_83 = arith.constant 0 : i32
      %dma_start3A_84 = tpu.memref_slice %arg10[%dma_start3A, %dma_start3A_83] : memref<256x128xf32, #tpu.memory_space<vmem>> -> memref<128x128xf32, #tpu.memory_space<vmem>>
      %dma_start3A_85 = arith.constant 0 : i32
      %dma_start3A_86 = tpu.memref_slice %arg11[%add3A_22, %dma_start3A_85] : memref<10240x128xf32, #tpu.memory_space<vmem_shared>> -> memref<128x128xf32, #tpu.memory_space<vmem_shared>>
      %dma_start3A_87 = arith.constant 0 : i32
      %dma_start3A_88 = tpu.memref_slice %arg11[%add3A_22, %dma_start3A_87] : memref<10240x128xf32, #tpu.memory_space<vmem_shared>> -> memref<128x128xf32, #tpu.memory_space<vmem_shared>>
      %dma_start3A_89 = arith.constant 0 : i32
      %dma_start3A_90 = arith.constant 0 : i32
      %dma_start3A_91 = tpu.memref_slice %arg10[%dma_start3A_89, %dma_start3A_90] : memref<256x128xf32, #tpu.memory_space<vmem>> -> memref<128x128xf32, #tpu.memory_space<vmem>>
      tpu.enqueue_dma source(%dma_start3A_91 : memref<128x128xf32, #tpu.memory_space<vmem>>) target(%dma_start3A_88 : memref<128x128xf32, #tpu.memory_space<vmem_shared>>) target_semaphore(%run_scoped3A : memref<!tpu.dma_semaphore, #tpu.memory_space<semaphore_mem>>)
      %dma_wait3A = arith.constant 0 : i32
      %dma_wait3A_92 = arith.constant 0 : i32
      %dma_wait3A_93 = tpu.memref_slice %arg10[%dma_wait3A, %dma_wait3A_92] : memref<256x128xf32, #tpu.memory_space<vmem>> -> memref<128x128xf32, #tpu.memory_space<vmem>>
      %dma_wait3A_94 = arith.constant 0 : i32
      %dma_wait3A_95 = tpu.memref_slice %arg11[%add3A_22, %dma_wait3A_94] : memref<10240x128xf32, #tpu.memory_space<vmem_shared>> -> memref<128x128xf32, #tpu.memory_space<vmem_shared>>
      %dma_wait3A_96 = arith.constant 0 : i32
      %dma_wait3A_97 = tpu.memref_slice %arg11[%add3A_22, %dma_wait3A_96] : memref<10240x128xf32, #tpu.memory_space<vmem_shared>> -> memref<128x128xf32, #tpu.memory_space<vmem_shared>>
      %dma_wait3A_98 = arith.constant 0 : i32
      %dma_wait3A_99 = arith.constant 0 : i32
      %dma_wait3A_100 = tpu.memref_slice %arg10[%dma_wait3A_98, %dma_wait3A_99] : memref<256x128xf32, #tpu.memory_space<vmem>> -> memref<128x128xf32, #tpu.memory_space<vmem>>
      tpu.wait_dma2 semaphore(%run_scoped3A : memref<!tpu.dma_semaphore, #tpu.memory_space<semaphore_mem>>) src(%dma_wait3A_100 : memref<128x128xf32, #tpu.memory_space<vmem>>) dst(%dma_wait3A_97 : memref<128x128xf32, #tpu.memory_space<vmem_shared>>)
      tpu.yield
    }) : () -> ()
    %mul3A_23 = arith.constant 640 : i32
    %mul3A_24 = arith.muli %arg1, %mul3A_23 : i32
    %add3A_25 = arith.constant 512 : i32
    %add3A_26 = arith.addi %mul3A_24, %add3A_25 : i32
    "tpu.region"() ({
      %run_scoped3A = tpu.sem_alloc : memref<!tpu.dma_semaphore, #tpu.memory_space<semaphore_mem>>
      %dma_start3A = arith.constant 0 : i32
      %dma_start3A_83 = arith.constant 0 : i32
      %dma_start3A_84 = tpu.memref_slice %arg10[%dma_start3A, %dma_start3A_83] : memref<256x128xf32, #tpu.memory_space<vmem>> -> memref<128x128xf32, #tpu.memory_space<vmem>>
      %dma_start3A_85 = arith.constant 0 : i32
      %dma_start3A_86 = tpu.memref_slice %arg11[%add3A_26, %dma_start3A_85] : memref<10240x128xf32, #tpu.memory_space<vmem_shared>> -> memref<128x128xf32, #tpu.memory_space<vmem_shared>>
      %dma_start3A_87 = arith.constant 0 : i32
      %dma_start3A_88 = tpu.memref_slice %arg11[%add3A_26, %dma_start3A_87] : memref<10240x128xf32, #tpu.memory_space<vmem_shared>> -> memref<128x128xf32, #tpu.memory_space<vmem_shared>>
      %dma_start3A_89 = arith.constant 0 : i32
      %dma_start3A_90 = arith.constant 0 : i32
      %dma_start3A_91 = tpu.memref_slice %arg10[%dma_start3A_89, %dma_start3A_90] : memref<256x128xf32, #tpu.memory_space<vmem>> -> memref<128x128xf32, #tpu.memory_space<vmem>>
      tpu.enqueue_dma source(%dma_start3A_91 : memref<128x128xf32, #tpu.memory_space<vmem>>) target(%dma_start3A_88 : memref<128x128xf32, #tpu.memory_space<vmem_shared>>) target_semaphore(%run_scoped3A : memref<!tpu.dma_semaphore, #tpu.memory_space<semaphore_mem>>)
      %dma_wait3A = arith.constant 0 : i32
      %dma_wait3A_92 = arith.constant 0 : i32
      %dma_wait3A_93 = tpu.memref_slice %arg10[%dma_wait3A, %dma_wait3A_92] : memref<256x128xf32, #tpu.memory_space<vmem>> -> memref<128x128xf32, #tpu.memory_space<vmem>>
      %dma_wait3A_94 = arith.constant 0 : i32
      %dma_wait3A_95 = tpu.memref_slice %arg11[%add3A_26, %dma_wait3A_94] : memref<10240x128xf32, #tpu.memory_space<vmem_shared>> -> memref<128x128xf32, #tpu.memory_space<vmem_shared>>
      %dma_wait3A_96 = arith.constant 0 : i32
      %dma_wait3A_97 = tpu.memref_slice %arg11[%add3A_26, %dma_wait3A_96] : memref<10240x128xf32, #tpu.memory_space<vmem_shared>> -> memref<128x128xf32, #tpu.memory_space<vmem_shared>>
      %dma_wait3A_98 = arith.constant 0 : i32
      %dma_wait3A_99 = arith.constant 0 : i32
      %dma_wait3A_100 = tpu.memref_slice %arg10[%dma_wait3A_98, %dma_wait3A_99] : memref<256x128xf32, #tpu.memory_space<vmem>> -> memref<128x128xf32, #tpu.memory_space<vmem>>
      tpu.wait_dma2 semaphore(%run_scoped3A : memref<!tpu.dma_semaphore, #tpu.memory_space<semaphore_mem>>) src(%dma_wait3A_100 : memref<128x128xf32, #tpu.memory_space<vmem>>) dst(%dma_wait3A_97 : memref<128x128xf32, #tpu.memory_space<vmem_shared>>)
      tpu.yield
    }) : () -> ()
    %mul3A_27 = arith.constant 80 : i32
    %mul3A_28 = arith.muli %add3A, %mul3A_27 : i32
    "tpu.region"() ({
      %run_scoped3A = tpu.sem_alloc : memref<!tpu.dma_semaphore, #tpu.memory_space<semaphore_mem>>
      %dma_start3A = arith.constant 0 : i32
      %dma_start3A_83 = arith.constant 0 : i32
      %dma_start3A_84 = tpu.memref_slice %arg7[%dma_start3A, %dma_start3A_83] : memref<32x128xi32, #tpu.memory_space<vmem>> -> memref<16x128xi32, #tpu.memory_space<vmem>>
      %dma_start3A_85 = arith.constant 0 : i32
      %dma_start3A_86 = tpu.memref_slice %arg2[%mul3A_28, %dma_start3A_85] : memref<2560x128xi32, #tpu.memory_space<hbm>> -> memref<16x128xi32, #tpu.memory_space<hbm>>
      %dma_start3A_87 = arith.constant 0 : i32
      %dma_start3A_88 = arith.constant 0 : i32
      %dma_start3A_89 = tpu.memref_slice %arg7[%dma_start3A_87, %dma_start3A_88] : memref<32x128xi32, #tpu.memory_space<vmem>> -> memref<16x128xi32, #tpu.memory_space<vmem>>
      %dma_start3A_90 = arith.constant 0 : i32
      %dma_start3A_91 = tpu.memref_slice %arg2[%mul3A_28, %dma_start3A_90] : memref<2560x128xi32, #tpu.memory_space<hbm>> -> memref<16x128xi32, #tpu.memory_space<hbm>>
      tpu.enqueue_dma source(%dma_start3A_91 : memref<16x128xi32, #tpu.memory_space<hbm>>) target(%dma_start3A_89 : memref<16x128xi32, #tpu.memory_space<vmem>>) target_semaphore(%run_scoped3A : memref<!tpu.dma_semaphore, #tpu.memory_space<semaphore_mem>>)
      %dma_wait3A = arith.constant 0 : i32
      %dma_wait3A_92 = arith.constant 0 : i32
      %dma_wait3A_93 = tpu.memref_slice %arg7[%dma_wait3A, %dma_wait3A_92] : memref<32x128xi32, #tpu.memory_space<vmem>> -> memref<16x128xi32, #tpu.memory_space<vmem>>
      %dma_wait3A_94 = arith.constant 0 : i32
      %dma_wait3A_95 = tpu.memref_slice %arg2[%mul3A_28, %dma_wait3A_94] : memref<2560x128xi32, #tpu.memory_space<hbm>> -> memref<16x128xi32, #tpu.memory_space<hbm>>
      %dma_wait3A_96 = arith.constant 0 : i32
      %dma_wait3A_97 = arith.constant 0 : i32
      %dma_wait3A_98 = tpu.memref_slice %arg7[%dma_wait3A_96, %dma_wait3A_97] : memref<32x128xi32, #tpu.memory_space<vmem>> -> memref<16x128xi32, #tpu.memory_space<vmem>>
      %dma_wait3A_99 = arith.constant 0 : i32
      %dma_wait3A_100 = tpu.memref_slice %arg2[%mul3A_28, %dma_wait3A_99] : memref<2560x128xi32, #tpu.memory_space<hbm>> -> memref<16x128xi32, #tpu.memory_space<hbm>>
      tpu.wait_dma2 semaphore(%run_scoped3A : memref<!tpu.dma_semaphore, #tpu.memory_space<semaphore_mem>>) src(%dma_wait3A_100 : memref<16x128xi32, #tpu.memory_space<hbm>>) dst(%dma_wait3A_98 : memref<16x128xi32, #tpu.memory_space<vmem>>)
      tpu.yield
    }) : () -> ()
    %mul3A_29 = arith.constant 80 : i32
    %mul3A_30 = arith.muli %add3A, %mul3A_29 : i32
    "tpu.region"() ({
      %run_scoped3A = tpu.sem_alloc : memref<!tpu.dma_semaphore, #tpu.memory_space<semaphore_mem>>
      %dma_start3A = arith.constant 0 : i32
      %dma_start3A_83 = arith.constant 0 : i32
      %dma_start3A_84 = tpu.memref_slice %arg8[%dma_start3A, %dma_start3A_83] : memref<32x128xi32, #tpu.memory_space<vmem>> -> memref<16x128xi32, #tpu.memory_space<vmem>>
      %dma_start3A_85 = arith.constant 0 : i32
      %dma_start3A_86 = tpu.memref_slice %arg3[%mul3A_30, %dma_start3A_85] : memref<2560x128xi32, #tpu.memory_space<hbm>> -> memref<16x128xi32, #tpu.memory_space<hbm>>
      %dma_start3A_87 = arith.constant 0 : i32
      %dma_start3A_88 = arith.constant 0 : i32
      %dma_start3A_89 = tpu.memref_slice %arg8[%dma_start3A_87, %dma_start3A_88] : memref<32x128xi32, #tpu.memory_space<vmem>> -> memref<16x128xi32, #tpu.memory_space<vmem>>
      %dma_start3A_90 = arith.constant 0 : i32
      %dma_start3A_91 = tpu.memref_slice %arg3[%mul3A_30, %dma_start3A_90] : memref<2560x128xi32, #tpu.memory_space<hbm>> -> memref<16x128xi32, #tpu.memory_space<hbm>>
      tpu.enqueue_dma source(%dma_start3A_91 : memref<16x128xi32, #tpu.memory_space<hbm>>) target(%dma_start3A_89 : memref<16x128xi32, #tpu.memory_space<vmem>>) target_semaphore(%run_scoped3A : memref<!tpu.dma_semaphore, #tpu.memory_space<semaphore_mem>>)
      %dma_wait3A = arith.constant 0 : i32
      %dma_wait3A_92 = arith.constant 0 : i32
      %dma_wait3A_93 = tpu.memref_slice %arg8[%dma_wait3A, %dma_wait3A_92] : memref<32x128xi32, #tpu.memory_space<vmem>> -> memref<16x128xi32, #tpu.memory_space<vmem>>
      %dma_wait3A_94 = arith.constant 0 : i32
      %dma_wait3A_95 = tpu.memref_slice %arg3[%mul3A_30, %dma_wait3A_94] : memref<2560x128xi32, #tpu.memory_space<hbm>> -> memref<16x128xi32, #tpu.memory_space<hbm>>
      %dma_wait3A_96 = arith.constant 0 : i32
      %dma_wait3A_97 = arith.constant 0 : i32
      %dma_wait3A_98 = tpu.memref_slice %arg8[%dma_wait3A_96, %dma_wait3A_97] : memref<32x128xi32, #tpu.memory_space<vmem>> -> memref<16x128xi32, #tpu.memory_space<vmem>>
      %dma_wait3A_99 = arith.constant 0 : i32
      %dma_wait3A_100 = tpu.memref_slice %arg3[%mul3A_30, %dma_wait3A_99] : memref<2560x128xi32, #tpu.memory_space<hbm>> -> memref<16x128xi32, #tpu.memory_space<hbm>>
      tpu.wait_dma2 semaphore(%run_scoped3A : memref<!tpu.dma_semaphore, #tpu.memory_space<semaphore_mem>>) src(%dma_wait3A_100 : memref<16x128xi32, #tpu.memory_space<hbm>>) dst(%dma_wait3A_98 : memref<16x128xi32, #tpu.memory_space<vmem>>)
      tpu.yield
    }) : () -> ()
    %mul3A_31 = arith.constant 80 : i32
    %mul3A_32 = arith.muli %add3A, %mul3A_31 : i32
    %mul3A_33 = arith.constant 128 : i32
    %mul3A_34 = arith.muli %mul3A_32, %mul3A_33 : i32
    "tpu.region"() ({
      %run_scoped3A = tpu.sem_alloc : memref<!tpu.dma_semaphore, #tpu.memory_space<semaphore_mem>>
      %dma_start3A = arith.constant 0 : i32
      %dma_start3A_83 = tpu.memref_slice %arg9[%dma_start3A] : memref<4096xf32, #tpu.memory_space<vmem>> -> memref<2048xf32, #tpu.memory_space<vmem>>
      %dma_start3A_84 = tpu.memref_slice %arg4[%mul3A_34] : memref<327680xf32, #tpu.memory_space<hbm>> -> memref<2048xf32, #tpu.memory_space<hbm>>
      %dma_start3A_85 = arith.constant 0 : i32
      %dma_start3A_86 = tpu.memref_slice %arg9[%dma_start3A_85] : memref<4096xf32, #tpu.memory_space<vmem>> -> memref<2048xf32, #tpu.memory_space<vmem>>
      %dma_start3A_87 = tpu.memref_slice %arg4[%mul3A_34] : memref<327680xf32, #tpu.memory_space<hbm>> -> memref<2048xf32, #tpu.memory_space<hbm>>
      tpu.enqueue_dma source(%dma_start3A_87 : memref<2048xf32, #tpu.memory_space<hbm>>) target(%dma_start3A_86 : memref<2048xf32, #tpu.memory_space<vmem>>) target_semaphore(%run_scoped3A : memref<!tpu.dma_semaphore, #tpu.memory_space<semaphore_mem>>)
      %dma_wait3A = arith.constant 0 : i32
      %dma_wait3A_88 = tpu.memref_slice %arg9[%dma_wait3A] : memref<4096xf32, #tpu.memory_space<vmem>> -> memref<2048xf32, #tpu.memory_space<vmem>>
      %dma_wait3A_89 = tpu.memref_slice %arg4[%mul3A_34] : memref<327680xf32, #tpu.memory_space<hbm>> -> memref<2048xf32, #tpu.memory_space<hbm>>
      %dma_wait3A_90 = arith.constant 0 : i32
      %dma_wait3A_91 = tpu.memref_slice %arg9[%dma_wait3A_90] : memref<4096xf32, #tpu.memory_space<vmem>> -> memref<2048xf32, #tpu.memory_space<vmem>>
      %dma_wait3A_92 = tpu.memref_slice %arg4[%mul3A_34] : memref<327680xf32, #tpu.memory_space<hbm>> -> memref<2048xf32, #tpu.memory_space<hbm>>
      tpu.wait_dma2 semaphore(%run_scoped3A : memref<!tpu.dma_semaphore, #tpu.memory_space<semaphore_mem>>) src(%dma_wait3A_92 : memref<2048xf32, #tpu.memory_space<hbm>>) dst(%dma_wait3A_91 : memref<2048xf32, #tpu.memory_space<vmem>>)
      tpu.yield
    }) : () -> ()
    %barrier3A = arith.constant 0 : index
    tpu.barrier barrier_id(%barrier3A)
    %scan3A_35 = arith.constant 0 : i32
    %scan3A_36 = arith.constant 0 : i32
    %scan3A_37 = arith.constant 5 : i32
    %scan3A_38 = arith.addi %scan3A_36, %scan3A_37 : i32
    %scan3A_39 = arith.constant 1 : i32
    %scan3A_40 = scf.for %scan3A_83 = %scan3A_36 to %scan3A_38 step %scan3A_39 iter_args(%scan3A_84 = %scan3A_35) -> (i32)  : i32 {
      %jit3A = arith.constant 2 : i32
      %eq3A = arith.constant 0 : i32
      %eq3A_85 = arith.cmpi eq, %jit3A, %eq3A : i32
      %jit3A_86 = arith.constant 1 : i32
      %select_n3A = arith.select %eq3A_85, %jit3A_86, %jit3A : i32
      %rem3A = arith.remsi %scan3A_83, %select_n3A : i32
      %ne3A = arith.constant 0 : i32
      %ne3A_87 = arith.cmpi ne, %rem3A, %ne3A : i32
      %lt3A = arith.constant 0 : i32
      %lt3A_88 = arith.cmpi slt, %rem3A, %lt3A : i32
      %lt3A_89 = arith.constant 0 : i32
      %lt3A_90 = arith.cmpi slt, %select_n3A, %lt3A_89 : i32
      %ne3A_91 = arith.xori %lt3A_88, %lt3A_90 : i1
      %and3A = arith.andi %ne3A_91, %ne3A_87 : i1
      %add3A_92 = arith.addi %rem3A, %select_n3A : i32
      %select_n3A_93 = arith.select %and3A, %add3A_92, %rem3A : i32
      %mul3A_94 = arith.constant 16 : i32
      %mul3A_95 = arith.muli %select_n3A_93, %mul3A_94 : i32
      %gt3A = arith.constant 0 : i32
      %gt3A_96 = arith.cmpi sgt, %scan3A_83, %gt3A : i32
      %convert_element_type3A = arith.extui %gt3A_96 : i1 to i32
      %cond3A = arith.constant 0 : i32
      %cond3A_97 = arith.cmpi ne, %convert_element_type3A, %cond3A : i32
      scf.if %cond3A_97 {
        %mul3A_132 = arith.constant 80 : i32
        %mul3A_133 = arith.muli %add3A, %mul3A_132 : i32
        %mul3A_134 = arith.constant 16 : i32
        %mul3A_135 = arith.muli %scan3A_83, %mul3A_134 : i32
        %add3A_136 = arith.addi %mul3A_133, %mul3A_135 : i32
        %dma_wait3A = arith.constant 0 : i32
        %dma_wait3A_137 = tpu.memref_slice %arg7[%mul3A_95, %dma_wait3A] : memref<32x128xi32, #tpu.memory_space<vmem>> -> memref<16x128xi32, #tpu.memory_space<vmem>>
        %dma_wait3A_138 = arith.constant 0 : i32
        %dma_wait3A_139 = tpu.memref_slice %arg2[%add3A_136, %dma_wait3A_138] : memref<2560x128xi32, #tpu.memory_space<hbm>> -> memref<16x128xi32, #tpu.memory_space<hbm>>
        %dma_wait3A_140 = arith.constant 0 : i32
        %dma_wait3A_141 = tpu.memref_slice %arg7[%mul3A_95, %dma_wait3A_140] : memref<32x128xi32, #tpu.memory_space<vmem>> -> memref<16x128xi32, #tpu.memory_space<vmem>>
        %dma_wait3A_142 = arith.constant 0 : i32
        %dma_wait3A_143 = tpu.memref_slice %arg2[%add3A_136, %dma_wait3A_142] : memref<2560x128xi32, #tpu.memory_space<hbm>> -> memref<16x128xi32, #tpu.memory_space<hbm>>
        tpu.wait_dma2 semaphore(%arg14 : memref<!tpu.dma_semaphore, #tpu.memory_space<semaphore_mem>>) src(%dma_wait3A_143 : memref<16x128xi32, #tpu.memory_space<hbm>>) dst(%dma_wait3A_141 : memref<16x128xi32, #tpu.memory_space<vmem>>)
        %dma_wait3A_144 = arith.constant 0 : i32
        %dma_wait3A_145 = tpu.memref_slice %arg8[%mul3A_95, %dma_wait3A_144] : memref<32x128xi32, #tpu.memory_space<vmem>> -> memref<16x128xi32, #tpu.memory_space<vmem>>
        %dma_wait3A_146 = arith.constant 0 : i32
        %dma_wait3A_147 = tpu.memref_slice %arg3[%add3A_136, %dma_wait3A_146] : memref<2560x128xi32, #tpu.memory_space<hbm>> -> memref<16x128xi32, #tpu.memory_space<hbm>>
        %dma_wait3A_148 = arith.constant 0 : i32
        %dma_wait3A_149 = tpu.memref_slice %arg8[%mul3A_95, %dma_wait3A_148] : memref<32x128xi32, #tpu.memory_space<vmem>> -> memref<16x128xi32, #tpu.memory_space<vmem>>
        %dma_wait3A_150 = arith.constant 0 : i32
        %dma_wait3A_151 = tpu.memref_slice %arg3[%add3A_136, %dma_wait3A_150] : memref<2560x128xi32, #tpu.memory_space<hbm>> -> memref<16x128xi32, #tpu.memory_space<hbm>>
        tpu.wait_dma2 semaphore(%arg14 : memref<!tpu.dma_semaphore, #tpu.memory_space<semaphore_mem>>) src(%dma_wait3A_151 : memref<16x128xi32, #tpu.memory_space<hbm>>) dst(%dma_wait3A_149 : memref<16x128xi32, #tpu.memory_space<vmem>>)
        %mul3A_152 = arith.constant 128 : i32
        %mul3A_153 = arith.muli %add3A_136, %mul3A_152 : i32
        %mul3A_154 = arith.constant 128 : i32
        %mul3A_155 = arith.muli %mul3A_95, %mul3A_154 : i32
        %dma_wait3A_156 = tpu.memref_slice %arg9[%mul3A_155] : memref<4096xf32, #tpu.memory_space<vmem>> -> memref<2048xf32, #tpu.memory_space<vmem>>
        %dma_wait3A_157 = tpu.memref_slice %arg4[%mul3A_153] : memref<327680xf32, #tpu.memory_space<hbm>> -> memref<2048xf32, #tpu.memory_space<hbm>>
        %dma_wait3A_158 = tpu.memref_slice %arg9[%mul3A_155] : memref<4096xf32, #tpu.memory_space<vmem>> -> memref<2048xf32, #tpu.memory_space<vmem>>
        %dma_wait3A_159 = tpu.memref_slice %arg4[%mul3A_153] : memref<327680xf32, #tpu.memory_space<hbm>> -> memref<2048xf32, #tpu.memory_space<hbm>>
        tpu.wait_dma2 semaphore(%arg14 : memref<!tpu.dma_semaphore, #tpu.memory_space<semaphore_mem>>) src(%dma_wait3A_159 : memref<2048xf32, #tpu.memory_space<hbm>>) dst(%dma_wait3A_158 : memref<2048xf32, #tpu.memory_space<vmem>>)
      } else {
      }
      %add3A_98 = arith.constant 1 : i32
      %add3A_99 = arith.addi %scan3A_83, %add3A_98 : i32
      %lt3A_100 = arith.constant 5 : i32
      %lt3A_101 = arith.cmpi slt, %add3A_99, %lt3A_100 : i32
      %convert_element_type3A_102 = arith.extui %lt3A_101 : i1 to i32
      %cond3A_103 = arith.constant 0 : i32
      %cond3A_104 = arith.cmpi ne, %convert_element_type3A_102, %cond3A_103 : i32
      scf.if %cond3A_104 {
        %add3A_132 = arith.constant 1 : i32
        %add3A_133 = arith.addi %scan3A_83, %add3A_132 : i32
        %jit3A_134 = arith.constant 2 : i32
        %eq3A_135 = arith.constant 0 : i32
        %eq3A_136 = arith.cmpi eq, %jit3A_134, %eq3A_135 : i32
        %jit3A_137 = arith.constant 1 : i32
        %select_n3A_138 = arith.select %eq3A_136, %jit3A_137, %jit3A_134 : i32
        %rem3A_139 = arith.remsi %add3A_133, %select_n3A_138 : i32
        %ne3A_140 = arith.constant 0 : i32
        %ne3A_141 = arith.cmpi ne, %rem3A_139, %ne3A_140 : i32
        %lt3A_142 = arith.constant 0 : i32
        %lt3A_143 = arith.cmpi slt, %rem3A_139, %lt3A_142 : i32
        %lt3A_144 = arith.constant 0 : i32
        %lt3A_145 = arith.cmpi slt, %select_n3A_138, %lt3A_144 : i32
        %ne3A_146 = arith.xori %lt3A_143, %lt3A_145 : i1
        %and3A_147 = arith.andi %ne3A_146, %ne3A_141 : i1
        %add3A_148 = arith.addi %rem3A_139, %select_n3A_138 : i32
        %select_n3A_149 = arith.select %and3A_147, %add3A_148, %rem3A_139 : i32
        %mul3A_150 = arith.constant 16 : i32
        %mul3A_151 = arith.muli %select_n3A_149, %mul3A_150 : i32
        %mul3A_152 = arith.constant 80 : i32
        %mul3A_153 = arith.muli %add3A, %mul3A_152 : i32
        %add3A_154 = arith.constant 1 : i32
        %add3A_155 = arith.addi %scan3A_83, %add3A_154 : i32
        %mul3A_156 = arith.constant 16 : i32
        %mul3A_157 = arith.muli %add3A_155, %mul3A_156 : i32
        %add3A_158 = arith.addi %mul3A_153, %mul3A_157 : i32
        %dma_start3A_159 = arith.constant 0 : i32
        %dma_start3A_160 = tpu.memref_slice %arg7[%mul3A_151, %dma_start3A_159] : memref<32x128xi32, #tpu.memory_space<vmem>> -> memref<16x128xi32, #tpu.memory_space<vmem>>
        %dma_start3A_161 = arith.constant 0 : i32
        %dma_start3A_162 = tpu.memref_slice %arg2[%add3A_158, %dma_start3A_161] : memref<2560x128xi32, #tpu.memory_space<hbm>> -> memref<16x128xi32, #tpu.memory_space<hbm>>
        %dma_start3A_163 = arith.constant 0 : i32
        %dma_start3A_164 = tpu.memref_slice %arg7[%mul3A_151, %dma_start3A_163] : memref<32x128xi32, #tpu.memory_space<vmem>> -> memref<16x128xi32, #tpu.memory_space<vmem>>
        %dma_start3A_165 = arith.constant 0 : i32
        %dma_start3A_166 = tpu.memref_slice %arg2[%add3A_158, %dma_start3A_165] : memref<2560x128xi32, #tpu.memory_space<hbm>> -> memref<16x128xi32, #tpu.memory_space<hbm>>
        tpu.enqueue_dma source(%dma_start3A_166 : memref<16x128xi32, #tpu.memory_space<hbm>>) target(%dma_start3A_164 : memref<16x128xi32, #tpu.memory_space<vmem>>) target_semaphore(%arg14 : memref<!tpu.dma_semaphore, #tpu.memory_space<semaphore_mem>>)
        %dma_start3A_167 = arith.constant 0 : i32
        %dma_start3A_168 = tpu.memref_slice %arg8[%mul3A_151, %dma_start3A_167] : memref<32x128xi32, #tpu.memory_space<vmem>> -> memref<16x128xi32, #tpu.memory_space<vmem>>
        %dma_start3A_169 = arith.constant 0 : i32
        %dma_start3A_170 = tpu.memref_slice %arg3[%add3A_158, %dma_start3A_169] : memref<2560x128xi32, #tpu.memory_space<hbm>> -> memref<16x128xi32, #tpu.memory_space<hbm>>
        %dma_start3A_171 = arith.constant 0 : i32
        %dma_start3A_172 = tpu.memref_slice %arg8[%mul3A_151, %dma_start3A_171] : memref<32x128xi32, #tpu.memory_space<vmem>> -> memref<16x128xi32, #tpu.memory_space<vmem>>
        %dma_start3A_173 = arith.constant 0 : i32
        %dma_start3A_174 = tpu.memref_slice %arg3[%add3A_158, %dma_start3A_173] : memref<2560x128xi32, #tpu.memory_space<hbm>> -> memref<16x128xi32, #tpu.memory_space<hbm>>
        tpu.enqueue_dma source(%dma_start3A_174 : memref<16x128xi32, #tpu.memory_space<hbm>>) target(%dma_start3A_172 : memref<16x128xi32, #tpu.memory_space<vmem>>) target_semaphore(%arg14 : memref<!tpu.dma_semaphore, #tpu.memory_space<semaphore_mem>>)
        %mul3A_175 = arith.constant 128 : i32
        %mul3A_176 = arith.muli %add3A_158, %mul3A_175 : i32
        %mul3A_177 = arith.constant 128 : i32
        %mul3A_178 = arith.muli %mul3A_151, %mul3A_177 : i32
        %dma_start3A_179 = tpu.memref_slice %arg9[%mul3A_178] : memref<4096xf32, #tpu.memory_space<vmem>> -> memref<2048xf32, #tpu.memory_space<vmem>>
        %dma_start3A_180 = tpu.memref_slice %arg4[%mul3A_176] : memref<327680xf32, #tpu.memory_space<hbm>> -> memref<2048xf32, #tpu.memory_space<hbm>>
        %dma_start3A_181 = tpu.memref_slice %arg9[%mul3A_178] : memref<4096xf32, #tpu.memory_space<vmem>> -> memref<2048xf32, #tpu.memory_space<vmem>>
        %dma_start3A_182 = tpu.memref_slice %arg4[%mul3A_176] : memref<327680xf32, #tpu.memory_space<hbm>> -> memref<2048xf32, #tpu.memory_space<hbm>>
        tpu.enqueue_dma source(%dma_start3A_182 : memref<2048xf32, #tpu.memory_space<hbm>>) target(%dma_start3A_181 : memref<2048xf32, #tpu.memory_space<vmem>>) target_semaphore(%arg14 : memref<!tpu.dma_semaphore, #tpu.memory_space<semaphore_mem>>)
      } else {
      }
      %dma_start3A = arith.constant 0 : i32
      %dma_start3A_105 = arith.constant 0 : i32
      %dma_start3A_106 = tpu.memref_slice %arg10[%dma_start3A, %dma_start3A_105] : memref<256x128xf32, #tpu.memory_space<vmem>> -> memref<128x128xf32, #tpu.memory_space<vmem>>
      %dma_start3A_107 = arith.constant 0 : i32
      %dma_start3A_108 = tpu.memref_slice %arg7[%mul3A_95, %dma_start3A_107] : memref<32x128xi32, #tpu.memory_space<vmem>> -> memref<1x128xi32, #tpu.memory_space<vmem>>
      %dma_start3A_109 = tpu.memref_squeeze %dma_start3A_108 : memref<1x128xi32, #tpu.memory_space<vmem>> -> memref<128xi32, #tpu.memory_space<vmem>>
      %dma_start3A_110 = arith.constant 0 : i32
      %dma_start3A_111 = arith.constant 0 : i32
      %dma_start3A_112 = tpu.memref_slice %arg5[%dma_start3A_110, %dma_start3A_111] : memref<10000x128xf32, #tpu.memory_space<hbm>> -> memref<10000x128xf32, #tpu.memory_space<hbm>>
      tpu.enqueue_indirect_dma source(%dma_start3A_112 : memref<10000x128xf32, #tpu.memory_space<hbm>>) target(%dma_start3A_106 : memref<128x128xf32, #tpu.memory_space<vmem>>) offsets(%dma_start3A_109 : memref<128xi32, #tpu.memory_space<vmem>>) semaphore(%arg12 : memref<!tpu.dma_semaphore, #tpu.memory_space<semaphore_mem>>)
      %add3A_113 = arith.constant 1 : i32
      %add3A_114 = arith.addi %mul3A_95, %add3A_113 : i32
      %dma_start3A_115 = arith.constant 128 : i32
      %dma_start3A_116 = arith.constant 0 : i32
      %dma_start3A_117 = tpu.memref_slice %arg10[%dma_start3A_115, %dma_start3A_116] : memref<256x128xf32, #tpu.memory_space<vmem>> -> memref<128x128xf32, #tpu.memory_space<vmem>>
      %dma_start3A_118 = arith.constant 0 : i32
      %dma_start3A_119 = tpu.memref_slice %arg7[%add3A_114, %dma_start3A_118] : memref<32x128xi32, #tpu.memory_space<vmem>> -> memref<1x128xi32, #tpu.memory_space<vmem>>
      %dma_start3A_120 = tpu.memref_squeeze %dma_start3A_119 : memref<1x128xi32, #tpu.memory_space<vmem>> -> memref<128xi32, #tpu.memory_space<vmem>>
      %dma_start3A_121 = arith.constant 0 : i32
      %dma_start3A_122 = arith.constant 0 : i32
      %dma_start3A_123 = tpu.memref_slice %arg5[%dma_start3A_121, %dma_start3A_122] : memref<10000x128xf32, #tpu.memory_space<hbm>> -> memref<10000x128xf32, #tpu.memory_space<hbm>>
      tpu.enqueue_indirect_dma source(%dma_start3A_123 : memref<10000x128xf32, #tpu.memory_space<hbm>>) target(%dma_start3A_117 : memref<128x128xf32, #tpu.memory_space<vmem>>) offsets(%dma_start3A_120 : memref<128xi32, #tpu.memory_space<vmem>>) semaphore(%arg13 : memref<!tpu.dma_semaphore, #tpu.memory_space<semaphore_mem>>)
      %scan3A_124 = arith.constant 0 : i32
      %scan3A_125 = arith.constant 0 : i32
      %scan3A_126 = arith.constant 8 : i32
      %scan3A_127 = arith.addi %scan3A_125, %scan3A_126 : i32
      %scan3A_128 = arith.constant 1 : i32
      %scan3A_129 = scf.for %scan3A_132 = %scan3A_125 to %scan3A_127 step %scan3A_128 iter_args(%scan3A_133 = %scan3A_124) -> (i32)  : i32 {
        %mul3A_134 = arith.constant 2 : i32
        %mul3A_135 = arith.muli %scan3A_132, %mul3A_134 : i32
        %add3A_136 = arith.constant 0 : i32
        %add3A_137 = arith.addi %mul3A_135, %add3A_136 : i32
        %add3A_138 = arith.addi %mul3A_95, %add3A_137 : i32
        %dma_wait3A = arith.constant 0 : i32
        %dma_wait3A_139 = arith.constant 0 : i32
        %dma_wait3A_140 = tpu.memref_slice %arg10[%dma_wait3A, %dma_wait3A_139] : memref<256x128xf32, #tpu.memory_space<vmem>> -> memref<128x128xf32, #tpu.memory_space<vmem>>
        %dma_wait3A_141 = arith.constant 0 : i32
        %dma_wait3A_142 = tpu.memref_slice %arg7[%add3A_138, %dma_wait3A_141] : memref<32x128xi32, #tpu.memory_space<vmem>> -> memref<1x128xi32, #tpu.memory_space<vmem>>
        %dma_wait3A_143 = tpu.memref_squeeze %dma_wait3A_142 : memref<1x128xi32, #tpu.memory_space<vmem>> -> memref<128xi32, #tpu.memory_space<vmem>>
        %dma_wait3A_144 = arith.constant 0 : i32
        %dma_wait3A_145 = arith.constant 0 : i32
        %dma_wait3A_146 = tpu.memref_slice %arg5[%dma_wait3A_144, %dma_wait3A_145] : memref<10000x128xf32, #tpu.memory_space<hbm>> -> memref<10000x128xf32, #tpu.memory_space<hbm>>
        tpu.wait_indirect_dma semaphore(%arg12 : memref<!tpu.dma_semaphore, #tpu.memory_space<semaphore_mem>>) src(%dma_wait3A_146 : memref<10000x128xf32, #tpu.memory_space<hbm>>) dst(%dma_wait3A_140 : memref<128x128xf32, #tpu.memory_space<vmem>>)
        %scan3A_147 = arith.constant 0 : i32
        %scan3A_148 = arith.constant 0 : i32
        %scan3A_149 = arith.constant 128 : i32
        %scan3A_150 = arith.addi %scan3A_148, %scan3A_149 : i32
        %scan3A_151 = arith.constant 1 : i32
        %scan3A_152 = scf.for %scan3A_192 = %scan3A_148 to %scan3A_150 step %scan3A_151 iter_args(%scan3A_193 = %scan3A_147) -> (i32)  : i32 {
          %add3A_194 = arith.addi %mul3A_95, %add3A_137 : i32
          %mul3A_195 = arith.constant 128 : i32
          %mul3A_196 = arith.muli %add3A_194, %mul3A_195 : i32
          %add3A_197 = arith.addi %mul3A_196, %scan3A_192 : i32
          %broadcast_in_dim3A = vector.broadcast %add3A_197 : i32 to vector<16xi32>
          %gather3A = tpu.vector_load_idx %arg9[%broadcast_in_dim3A] : memref<4096xf32, #tpu.memory_space<vmem>>[vector<16xi32>], vector<16xf32>,
          %add3A_198 = arith.constant 0 : i32
          %add3A_199 = arith.addi %add3A_198, %scan3A_192 : i32
          %get3A = arith.index_cast %add3A_199 : i32 to index
          %get3A_200 = arith.constant 0 : index
          %get3A_201 = tpu.vector_load %arg10[%get3A, %get3A_200] {strides = array<i32>} : memref<256x128xf32, #tpu.memory_space<vmem>>, vector<16xf32>,
          %mul3A_202 = arith.mulf %get3A_201, %gather3A : vector<16xf32>
          %add3A_203 = arith.constant 0 : i32
          %add3A_204 = arith.addi %add3A_203, %scan3A_192 : i32
          %swap3A = arith.index_cast %add3A_204 : i32 to index
          %swap3A_205 = arith.constant 0 : index
          %swap3A_206 = tpu.vector_load %arg10[%swap3A, %swap3A_205] {strides = array<i32>} : memref<256x128xf32, #tpu.memory_space<vmem>>, vector<16xf32>,
          tpu.vector_store %arg10[%swap3A, %swap3A_205], %mul3A_202 {strides = array<i32>} : memref<256x128xf32, #tpu.memory_space<vmem>>, vector<16xf32>,
          %add3A_207 = arith.constant 0 : i32
          %add3A_208 = arith.addi %add3A_207, %scan3A_192 : i32
          %get3A_209 = arith.index_cast %add3A_208 : i32 to index
          %get3A_210 = arith.constant 16 : index
          %get3A_211 = tpu.vector_load %arg10[%get3A_209, %get3A_210] {strides = array<i32>} : memref<256x128xf32, #tpu.memory_space<vmem>>, vector<16xf32>,
          %mul3A_212 = arith.mulf %get3A_211, %gather3A : vector<16xf32>
          %add3A_213 = arith.constant 0 : i32
          %add3A_214 = arith.addi %add3A_213, %scan3A_192 : i32
          %swap3A_215 = arith.index_cast %add3A_214 : i32 to index
          %swap3A_216 = arith.constant 16 : index
          %swap3A_217 = tpu.vector_load %arg10[%swap3A_215, %swap3A_216] {strides = array<i32>} : memref<256x128xf32, #tpu.memory_space<vmem>>, vector<16xf32>,
          tpu.vector_store %arg10[%swap3A_215, %swap3A_216], %mul3A_212 {strides = array<i32>} : memref<256x128xf32, #tpu.memory_space<vmem>>, vector<16xf32>,
          %add3A_218 = arith.constant 0 : i32
          %add3A_219 = arith.addi %add3A_218, %scan3A_192 : i32
          %get3A_220 = arith.index_cast %add3A_219 : i32 to index
          %get3A_221 = arith.constant 32 : index
          %get3A_222 = tpu.vector_load %arg10[%get3A_220, %get3A_221] {strides = array<i32>} : memref<256x128xf32, #tpu.memory_space<vmem>>, vector<16xf32>,
          %mul3A_223 = arith.mulf %get3A_222, %gather3A : vector<16xf32>
          %add3A_224 = arith.constant 0 : i32
          %add3A_225 = arith.addi %add3A_224, %scan3A_192 : i32
          %swap3A_226 = arith.index_cast %add3A_225 : i32 to index
          %swap3A_227 = arith.constant 32 : index
          %swap3A_228 = tpu.vector_load %arg10[%swap3A_226, %swap3A_227] {strides = array<i32>} : memref<256x128xf32, #tpu.memory_space<vmem>>, vector<16xf32>,
          tpu.vector_store %arg10[%swap3A_226, %swap3A_227], %mul3A_223 {strides = array<i32>} : memref<256x128xf32, #tpu.memory_space<vmem>>, vector<16xf32>,
          %add3A_229 = arith.constant 0 : i32
          %add3A_230 = arith.addi %add3A_229, %scan3A_192 : i32
          %get3A_231 = arith.index_cast %add3A_230 : i32 to index
          %get3A_232 = arith.constant 48 : index
          %get3A_233 = tpu.vector_load %arg10[%get3A_231, %get3A_232] {strides = array<i32>} : memref<256x128xf32, #tpu.memory_space<vmem>>, vector<16xf32>,
          %mul3A_234 = arith.mulf %get3A_233, %gather3A : vector<16xf32>
          %add3A_235 = arith.constant 0 : i32
          %add3A_236 = arith.addi %add3A_235, %scan3A_192 : i32
          %swap3A_237 = arith.index_cast %add3A_236 : i32 to index
          %swap3A_238 = arith.constant 48 : index
          %swap3A_239 = tpu.vector_load %arg10[%swap3A_237, %swap3A_238] {strides = array<i32>} : memref<256x128xf32, #tpu.memory_space<vmem>>, vector<16xf32>,
          tpu.vector_store %arg10[%swap3A_237, %swap3A_238], %mul3A_234 {strides = array<i32>} : memref<256x128xf32, #tpu.memory_space<vmem>>, vector<16xf32>,
          %add3A_240 = arith.constant 0 : i32
          %add3A_241 = arith.addi %add3A_240, %scan3A_192 : i32
          %get3A_242 = arith.index_cast %add3A_241 : i32 to index
          %get3A_243 = arith.constant 64 : index
          %get3A_244 = tpu.vector_load %arg10[%get3A_242, %get3A_243] {strides = array<i32>} : memref<256x128xf32, #tpu.memory_space<vmem>>, vector<16xf32>,
          %mul3A_245 = arith.mulf %get3A_244, %gather3A : vector<16xf32>
          %add3A_246 = arith.constant 0 : i32
          %add3A_247 = arith.addi %add3A_246, %scan3A_192 : i32
          %swap3A_248 = arith.index_cast %add3A_247 : i32 to index
          %swap3A_249 = arith.constant 64 : index
          %swap3A_250 = tpu.vector_load %arg10[%swap3A_248, %swap3A_249] {strides = array<i32>} : memref<256x128xf32, #tpu.memory_space<vmem>>, vector<16xf32>,
          tpu.vector_store %arg10[%swap3A_248, %swap3A_249], %mul3A_245 {strides = array<i32>} : memref<256x128xf32, #tpu.memory_space<vmem>>, vector<16xf32>,
          %add3A_251 = arith.constant 0 : i32
          %add3A_252 = arith.addi %add3A_251, %scan3A_192 : i32
          %get3A_253 = arith.index_cast %add3A_252 : i32 to index
          %get3A_254 = arith.constant 80 : index
          %get3A_255 = tpu.vector_load %arg10[%get3A_253, %get3A_254] {strides = array<i32>} : memref<256x128xf32, #tpu.memory_space<vmem>>, vector<16xf32>,
          %mul3A_256 = arith.mulf %get3A_255, %gather3A : vector<16xf32>
          %add3A_257 = arith.constant 0 : i32
          %add3A_258 = arith.addi %add3A_257, %scan3A_192 : i32
          %swap3A_259 = arith.index_cast %add3A_258 : i32 to index
          %swap3A_260 = arith.constant 80 : index
          %swap3A_261 = tpu.vector_load %arg10[%swap3A_259, %swap3A_260] {strides = array<i32>} : memref<256x128xf32, #tpu.memory_space<vmem>>, vector<16xf32>,
          tpu.vector_store %arg10[%swap3A_259, %swap3A_260], %mul3A_256 {strides = array<i32>} : memref<256x128xf32, #tpu.memory_space<vmem>>, vector<16xf32>,
          %add3A_262 = arith.constant 0 : i32
          %add3A_263 = arith.addi %add3A_262, %scan3A_192 : i32
          %get3A_264 = arith.index_cast %add3A_263 : i32 to index
          %get3A_265 = arith.constant 96 : index
          %get3A_266 = tpu.vector_load %arg10[%get3A_264, %get3A_265] {strides = array<i32>} : memref<256x128xf32, #tpu.memory_space<vmem>>, vector<16xf32>,
          %mul3A_267 = arith.mulf %get3A_266, %gather3A : vector<16xf32>
          %add3A_268 = arith.constant 0 : i32
          %add3A_269 = arith.addi %add3A_268, %scan3A_192 : i32
          %swap3A_270 = arith.index_cast %add3A_269 : i32 to index
          %swap3A_271 = arith.constant 96 : index
          %swap3A_272 = tpu.vector_load %arg10[%swap3A_270, %swap3A_271] {strides = array<i32>} : memref<256x128xf32, #tpu.memory_space<vmem>>, vector<16xf32>,
          tpu.vector_store %arg10[%swap3A_270, %swap3A_271], %mul3A_267 {strides = array<i32>} : memref<256x128xf32, #tpu.memory_space<vmem>>, vector<16xf32>,
          %add3A_273 = arith.constant 0 : i32
          %add3A_274 = arith.addi %add3A_273, %scan3A_192 : i32
          %get3A_275 = arith.index_cast %add3A_274 : i32 to index
          %get3A_276 = arith.constant 112 : index
          %get3A_277 = tpu.vector_load %arg10[%get3A_275, %get3A_276] {strides = array<i32>} : memref<256x128xf32, #tpu.memory_space<vmem>>, vector<16xf32>,
          %mul3A_278 = arith.mulf %get3A_277, %gather3A : vector<16xf32>
          %add3A_279 = arith.constant 0 : i32
          %add3A_280 = arith.addi %add3A_279, %scan3A_192 : i32
          %swap3A_281 = arith.index_cast %add3A_280 : i32 to index
          %swap3A_282 = arith.constant 112 : index
          %swap3A_283 = tpu.vector_load %arg10[%swap3A_281, %swap3A_282] {strides = array<i32>} : memref<256x128xf32, #tpu.memory_space<vmem>>, vector<16xf32>,
          tpu.vector_store %arg10[%swap3A_281, %swap3A_282], %mul3A_278 {strides = array<i32>} : memref<256x128xf32, #tpu.memory_space<vmem>>, vector<16xf32>,
          %scan3A_284 = arith.constant 0 : i32
          scf.yield %scan3A_284 : i32
        }
        %scan3A_153 = arith.constant 128 : i32
        %add3A_154 = arith.addi %mul3A_95, %add3A_137 : i32
        "tpu.region"() ({
          %run_scoped3A = tpu.sem_alloc : memref<!tpu.dma_semaphore, #tpu.memory_space<semaphore_mem>>
          %dma_start3A_192 = arith.constant 0 : i32
          %dma_start3A_193 = arith.constant 0 : i32
          %dma_start3A_194 = tpu.memref_slice %arg10[%dma_start3A_192, %dma_start3A_193] : memref<256x128xf32, #tpu.memory_space<vmem>> -> memref<128x128xf32, #tpu.memory_space<vmem>>
          %dma_start3A_195 = arith.constant 0 : i32
          %dma_start3A_196 = tpu.memref_slice %arg8[%add3A_154, %dma_start3A_195] : memref<32x128xi32, #tpu.memory_space<vmem>> -> memref<1x128xi32, #tpu.memory_space<vmem>>
          %dma_start3A_197 = tpu.memref_squeeze %dma_start3A_196 : memref<1x128xi32, #tpu.memory_space<vmem>> -> memref<128xi32, #tpu.memory_space<vmem>>
          %dma_start3A_198 = arith.constant 0 : i32
          %dma_start3A_199 = arith.constant 0 : i32
          %dma_start3A_200 = tpu.memref_slice %arg11[%dma_start3A_198, %dma_start3A_199] : memref<10240x128xf32, #tpu.memory_space<vmem_shared>> -> memref<10240x128xf32, #tpu.memory_space<vmem_shared>>
          tpu.enqueue_indirect_dma source(%dma_start3A_194 : memref<128x128xf32, #tpu.memory_space<vmem>>) target(%dma_start3A_200 : memref<10240x128xf32, #tpu.memory_space<vmem_shared>>) offsets(%dma_start3A_197 : memref<128xi32, #tpu.memory_space<vmem>>) semaphore(%run_scoped3A : memref<!tpu.dma_semaphore, #tpu.memory_space<semaphore_mem>>) {add = true}
          %dma_wait3A_201 = arith.constant 0 : i32
          %dma_wait3A_202 = arith.constant 0 : i32
          %dma_wait3A_203 = tpu.memref_slice %arg10[%dma_wait3A_201, %dma_wait3A_202] : memref<256x128xf32, #tpu.memory_space<vmem>> -> memref<128x128xf32, #tpu.memory_space<vmem>>
          %dma_wait3A_204 = arith.constant 0 : i32
          %dma_wait3A_205 = tpu.memref_slice %arg8[%add3A_154, %dma_wait3A_204] : memref<32x128xi32, #tpu.memory_space<vmem>> -> memref<1x128xi32, #tpu.memory_space<vmem>>
          %dma_wait3A_206 = tpu.memref_squeeze %dma_wait3A_205 : memref<1x128xi32, #tpu.memory_space<vmem>> -> memref<128xi32, #tpu.memory_space<vmem>>
          %dma_wait3A_207 = arith.constant 0 : i32
          %dma_wait3A_208 = arith.constant 0 : i32
          %dma_wait3A_209 = tpu.memref_slice %arg11[%dma_wait3A_207, %dma_wait3A_208] : memref<10240x128xf32, #tpu.memory_space<vmem_shared>> -> memref<10240x128xf32, #tpu.memory_space<vmem_shared>>
          tpu.wait_indirect_dma semaphore(%run_scoped3A : memref<!tpu.dma_semaphore, #tpu.memory_space<semaphore_mem>>) src(%dma_wait3A_203 : memref<128x128xf32, #tpu.memory_space<vmem>>) dst(%dma_wait3A_209 : memref<10240x128xf32, #tpu.memory_space<vmem_shared>>)
          tpu.yield
        }) : () -> ()
        %add3A_155 = arith.constant 2 : i32
        %add3A_156 = arith.addi %add3A_137, %add3A_155 : i32
        %lt3A_157 = arith.constant 16 : i32
        %lt3A_158 = arith.cmpi slt, %add3A_156, %lt3A_157 : i32
        %convert_element_type3A_159 = arith.extui %lt3A_158 : i1 to i32
        %cond3A_160 = arith.constant 0 : i32
        %cond3A_161 = arith.cmpi ne, %convert_element_type3A_159, %cond3A_160 : i32
        scf.if %cond3A_161 {
          %add3A_192 = arith.addi %mul3A_95, %add3A_137 : i32
          %add3A_193 = arith.constant 2 : i32
          %add3A_194 = arith.addi %add3A_192, %add3A_193 : i32
          %dma_start3A_195 = arith.constant 0 : i32
          %dma_start3A_196 = arith.constant 0 : i32
          %dma_start3A_197 = tpu.memref_slice %arg10[%dma_start3A_195, %dma_start3A_196] : memref<256x128xf32, #tpu.memory_space<vmem>> -> memref<128x128xf32, #tpu.memory_space<vmem>>
          %dma_start3A_198 = arith.constant 0 : i32
          %dma_start3A_199 = tpu.memref_slice %arg7[%add3A_194, %dma_start3A_198] : memref<32x128xi32, #tpu.memory_space<vmem>> -> memref<1x128xi32, #tpu.memory_space<vmem>>
          %dma_start3A_200 = tpu.memref_squeeze %dma_start3A_199 : memref<1x128xi32, #tpu.memory_space<vmem>> -> memref<128xi32, #tpu.memory_space<vmem>>
          %dma_start3A_201 = arith.constant 0 : i32
          %dma_start3A_202 = arith.constant 0 : i32
          %dma_start3A_203 = tpu.memref_slice %arg5[%dma_start3A_201, %dma_start3A_202] : memref<10000x128xf32, #tpu.memory_space<hbm>> -> memref<10000x128xf32, #tpu.memory_space<hbm>>
          tpu.enqueue_indirect_dma source(%dma_start3A_203 : memref<10000x128xf32, #tpu.memory_space<hbm>>) target(%dma_start3A_197 : memref<128x128xf32, #tpu.memory_space<vmem>>) offsets(%dma_start3A_200 : memref<128xi32, #tpu.memory_space<vmem>>) semaphore(%arg12 : memref<!tpu.dma_semaphore, #tpu.memory_space<semaphore_mem>>)
        } else {
        }
        %mul3A_162 = arith.constant 2 : i32
        %mul3A_163 = arith.muli %scan3A_132, %mul3A_162 : i32
        %add3A_164 = arith.constant 1 : i32
        %add3A_165 = arith.addi %mul3A_163, %add3A_164 : i32
        %add3A_166 = arith.addi %mul3A_95, %add3A_165 : i32
        %dma_wait3A_167 = arith.constant 128 : i32
        %dma_wait3A_168 = arith.constant 0 : i32
        %dma_wait3A_169 = tpu.memref_slice %arg10[%dma_wait3A_167, %dma_wait3A_168] : memref<256x128xf32, #tpu.memory_space<vmem>> -> memref<128x128xf32, #tpu.memory_space<vmem>>
        %dma_wait3A_170 = arith.constant 0 : i32
        %dma_wait3A_171 = tpu.memref_slice %arg7[%add3A_166, %dma_wait3A_170] : memref<32x128xi32, #tpu.memory_space<vmem>> -> memref<1x128xi32, #tpu.memory_space<vmem>>
        %dma_wait3A_172 = tpu.memref_squeeze %dma_wait3A_171 : memref<1x128xi32, #tpu.memory_space<vmem>> -> memref<128xi32, #tpu.memory_space<vmem>>
        %dma_wait3A_173 = arith.constant 0 : i32
        %dma_wait3A_174 = arith.constant 0 : i32
        %dma_wait3A_175 = tpu.memref_slice %arg5[%dma_wait3A_173, %dma_wait3A_174] : memref<10000x128xf32, #tpu.memory_space<hbm>> -> memref<10000x128xf32, #tpu.memory_space<hbm>>
        tpu.wait_indirect_dma semaphore(%arg13 : memref<!tpu.dma_semaphore, #tpu.memory_space<semaphore_mem>>) src(%dma_wait3A_175 : memref<10000x128xf32, #tpu.memory_space<hbm>>) dst(%dma_wait3A_169 : memref<128x128xf32, #tpu.memory_space<vmem>>)
        %scan3A_176 = arith.constant 0 : i32
        %scan3A_177 = arith.constant 0 : i32
        %scan3A_178 = arith.constant 128 : i32
        %scan3A_179 = arith.addi %scan3A_177, %scan3A_178 : i32
        %scan3A_180 = arith.constant 1 : i32
        %scan3A_181 = scf.for %scan3A_192 = %scan3A_177 to %scan3A_179 step %scan3A_180 iter_args(%scan3A_193 = %scan3A_176) -> (i32)  : i32 {
          %add3A_194 = arith.addi %mul3A_95, %add3A_165 : i32
          %mul3A_195 = arith.constant 128 : i32
          %mul3A_196 = arith.muli %add3A_194, %mul3A_195 : i32
          %add3A_197 = arith.addi %mul3A_196, %scan3A_192 : i32
          %broadcast_in_dim3A = vector.broadcast %add3A_197 : i32 to vector<16xi32>
          %gather3A = tpu.vector_load_idx %arg9[%broadcast_in_dim3A] : memref<4096xf32, #tpu.memory_space<vmem>>[vector<16xi32>], vector<16xf32>,
          %add3A_198 = arith.constant 128 : i32
          %add3A_199 = arith.addi %add3A_198, %scan3A_192 : i32
          %get3A = arith.index_cast %add3A_199 : i32 to index
          %get3A_200 = arith.constant 0 : index
          %get3A_201 = tpu.vector_load %arg10[%get3A, %get3A_200] {strides = array<i32>} : memref<256x128xf32, #tpu.memory_space<vmem>>, vector<16xf32>,
          %mul3A_202 = arith.mulf %get3A_201, %gather3A : vector<16xf32>
          %add3A_203 = arith.constant 128 : i32
          %add3A_204 = arith.addi %add3A_203, %scan3A_192 : i32
          %swap3A = arith.index_cast %add3A_204 : i32 to index
          %swap3A_205 = arith.constant 0 : index
          %swap3A_206 = tpu.vector_load %arg10[%swap3A, %swap3A_205] {strides = array<i32>} : memref<256x128xf32, #tpu.memory_space<vmem>>, vector<16xf32>,
          tpu.vector_store %arg10[%swap3A, %swap3A_205], %mul3A_202 {strides = array<i32>} : memref<256x128xf32, #tpu.memory_space<vmem>>, vector<16xf32>,
          %add3A_207 = arith.constant 128 : i32
          %add3A_208 = arith.addi %add3A_207, %scan3A_192 : i32
          %get3A_209 = arith.index_cast %add3A_208 : i32 to index
          %get3A_210 = arith.constant 16 : index
          %get3A_211 = tpu.vector_load %arg10[%get3A_209, %get3A_210] {strides = array<i32>} : memref<256x128xf32, #tpu.memory_space<vmem>>, vector<16xf32>,
          %mul3A_212 = arith.mulf %get3A_211, %gather3A : vector<16xf32>
          %add3A_213 = arith.constant 128 : i32
          %add3A_214 = arith.addi %add3A_213, %scan3A_192 : i32
          %swap3A_215 = arith.index_cast %add3A_214 : i32 to index
          %swap3A_216 = arith.constant 16 : index
          %swap3A_217 = tpu.vector_load %arg10[%swap3A_215, %swap3A_216] {strides = array<i32>} : memref<256x128xf32, #tpu.memory_space<vmem>>, vector<16xf32>,
          tpu.vector_store %arg10[%swap3A_215, %swap3A_216], %mul3A_212 {strides = array<i32>} : memref<256x128xf32, #tpu.memory_space<vmem>>, vector<16xf32>,
          %add3A_218 = arith.constant 128 : i32
          %add3A_219 = arith.addi %add3A_218, %scan3A_192 : i32
          %get3A_220 = arith.index_cast %add3A_219 : i32 to index
          %get3A_221 = arith.constant 32 : index
          %get3A_222 = tpu.vector_load %arg10[%get3A_220, %get3A_221] {strides = array<i32>} : memref<256x128xf32, #tpu.memory_space<vmem>>, vector<16xf32>,
          %mul3A_223 = arith.mulf %get3A_222, %gather3A : vector<16xf32>
          %add3A_224 = arith.constant 128 : i32
          %add3A_225 = arith.addi %add3A_224, %scan3A_192 : i32
          %swap3A_226 = arith.index_cast %add3A_225 : i32 to index
          %swap3A_227 = arith.constant 32 : index
          %swap3A_228 = tpu.vector_load %arg10[%swap3A_226, %swap3A_227] {strides = array<i32>} : memref<256x128xf32, #tpu.memory_space<vmem>>, vector<16xf32>,
          tpu.vector_store %arg10[%swap3A_226, %swap3A_227], %mul3A_223 {strides = array<i32>} : memref<256x128xf32, #tpu.memory_space<vmem>>, vector<16xf32>,
          %add3A_229 = arith.constant 128 : i32
          %add3A_230 = arith.addi %add3A_229, %scan3A_192 : i32
          %get3A_231 = arith.index_cast %add3A_230 : i32 to index
          %get3A_232 = arith.constant 48 : index
          %get3A_233 = tpu.vector_load %arg10[%get3A_231, %get3A_232] {strides = array<i32>} : memref<256x128xf32, #tpu.memory_space<vmem>>, vector<16xf32>,
          %mul3A_234 = arith.mulf %get3A_233, %gather3A : vector<16xf32>
          %add3A_235 = arith.constant 128 : i32
          %add3A_236 = arith.addi %add3A_235, %scan3A_192 : i32
          %swap3A_237 = arith.index_cast %add3A_236 : i32 to index
          %swap3A_238 = arith.constant 48 : index
          %swap3A_239 = tpu.vector_load %arg10[%swap3A_237, %swap3A_238] {strides = array<i32>} : memref<256x128xf32, #tpu.memory_space<vmem>>, vector<16xf32>,
          tpu.vector_store %arg10[%swap3A_237, %swap3A_238], %mul3A_234 {strides = array<i32>} : memref<256x128xf32, #tpu.memory_space<vmem>>, vector<16xf32>,
          %add3A_240 = arith.constant 128 : i32
          %add3A_241 = arith.addi %add3A_240, %scan3A_192 : i32
          %get3A_242 = arith.index_cast %add3A_241 : i32 to index
          %get3A_243 = arith.constant 64 : index
          %get3A_244 = tpu.vector_load %arg10[%get3A_242, %get3A_243] {strides = array<i32>} : memref<256x128xf32, #tpu.memory_space<vmem>>, vector<16xf32>,
          %mul3A_245 = arith.mulf %get3A_244, %gather3A : vector<16xf32>
          %add3A_246 = arith.constant 128 : i32
          %add3A_247 = arith.addi %add3A_246, %scan3A_192 : i32
          %swap3A_248 = arith.index_cast %add3A_247 : i32 to index
          %swap3A_249 = arith.constant 64 : index
          %swap3A_250 = tpu.vector_load %arg10[%swap3A_248, %swap3A_249] {strides = array<i32>} : memref<256x128xf32, #tpu.memory_space<vmem>>, vector<16xf32>,
          tpu.vector_store %arg10[%swap3A_248, %swap3A_249], %mul3A_245 {strides = array<i32>} : memref<256x128xf32, #tpu.memory_space<vmem>>, vector<16xf32>,
          %add3A_251 = arith.constant 128 : i32
          %add3A_252 = arith.addi %add3A_251, %scan3A_192 : i32
          %get3A_253 = arith.index_cast %add3A_252 : i32 to index
          %get3A_254 = arith.constant 80 : index
          %get3A_255 = tpu.vector_load %arg10[%get3A_253, %get3A_254] {strides = array<i32>} : memref<256x128xf32, #tpu.memory_space<vmem>>, vector<16xf32>,
          %mul3A_256 = arith.mulf %get3A_255, %gather3A : vector<16xf32>
          %add3A_257 = arith.constant 128 : i32
          %add3A_258 = arith.addi %add3A_257, %scan3A_192 : i32
          %swap3A_259 = arith.index_cast %add3A_258 : i32 to index
          %swap3A_260 = arith.constant 80 : index
          %swap3A_261 = tpu.vector_load %arg10[%swap3A_259, %swap3A_260] {strides = array<i32>} : memref<256x128xf32, #tpu.memory_space<vmem>>, vector<16xf32>,
          tpu.vector_store %arg10[%swap3A_259, %swap3A_260], %mul3A_256 {strides = array<i32>} : memref<256x128xf32, #tpu.memory_space<vmem>>, vector<16xf32>,
          %add3A_262 = arith.constant 128 : i32
          %add3A_263 = arith.addi %add3A_262, %scan3A_192 : i32
          %get3A_264 = arith.index_cast %add3A_263 : i32 to index
          %get3A_265 = arith.constant 96 : index
          %get3A_266 = tpu.vector_load %arg10[%get3A_264, %get3A_265] {strides = array<i32>} : memref<256x128xf32, #tpu.memory_space<vmem>>, vector<16xf32>,
          %mul3A_267 = arith.mulf %get3A_266, %gather3A : vector<16xf32>
          %add3A_268 = arith.constant 128 : i32
          %add3A_269 = arith.addi %add3A_268, %scan3A_192 : i32
          %swap3A_270 = arith.index_cast %add3A_269 : i32 to index
          %swap3A_271 = arith.constant 96 : index
          %swap3A_272 = tpu.vector_load %arg10[%swap3A_270, %swap3A_271] {strides = array<i32>} : memref<256x128xf32, #tpu.memory_space<vmem>>, vector<16xf32>,
          tpu.vector_store %arg10[%swap3A_270, %swap3A_271], %mul3A_267 {strides = array<i32>} : memref<256x128xf32, #tpu.memory_space<vmem>>, vector<16xf32>,
          %add3A_273 = arith.constant 128 : i32
          %add3A_274 = arith.addi %add3A_273, %scan3A_192 : i32
          %get3A_275 = arith.index_cast %add3A_274 : i32 to index
          %get3A_276 = arith.constant 112 : index
          %get3A_277 = tpu.vector_load %arg10[%get3A_275, %get3A_276] {strides = array<i32>} : memref<256x128xf32, #tpu.memory_space<vmem>>, vector<16xf32>,
          %mul3A_278 = arith.mulf %get3A_277, %gather3A : vector<16xf32>
          %add3A_279 = arith.constant 128 : i32
          %add3A_280 = arith.addi %add3A_279, %scan3A_192 : i32
          %swap3A_281 = arith.index_cast %add3A_280 : i32 to index
          %swap3A_282 = arith.constant 112 : index
          %swap3A_283 = tpu.vector_load %arg10[%swap3A_281, %swap3A_282] {strides = array<i32>} : memref<256x128xf32, #tpu.memory_space<vmem>>, vector<16xf32>,
          tpu.vector_store %arg10[%swap3A_281, %swap3A_282], %mul3A_278 {strides = array<i32>} : memref<256x128xf32, #tpu.memory_space<vmem>>, vector<16xf32>,
          %scan3A_284 = arith.constant 0 : i32
          scf.yield %scan3A_284 : i32
        }
        %scan3A_182 = arith.constant 128 : i32
        %add3A_183 = arith.addi %mul3A_95, %add3A_165 : i32
        "tpu.region"() ({
          %run_scoped3A = tpu.sem_alloc : memref<!tpu.dma_semaphore, #tpu.memory_space<semaphore_mem>>
          %dma_start3A_192 = arith.constant 128 : i32
          %dma_start3A_193 = arith.constant 0 : i32
          %dma_start3A_194 = tpu.memref_slice %arg10[%dma_start3A_192, %dma_start3A_193] : memref<256x128xf32, #tpu.memory_space<vmem>> -> memref<128x128xf32, #tpu.memory_space<vmem>>
          %dma_start3A_195 = arith.constant 0 : i32
          %dma_start3A_196 = tpu.memref_slice %arg8[%add3A_183, %dma_start3A_195] : memref<32x128xi32, #tpu.memory_space<vmem>> -> memref<1x128xi32, #tpu.memory_space<vmem>>
          %dma_start3A_197 = tpu.memref_squeeze %dma_start3A_196 : memref<1x128xi32, #tpu.memory_space<vmem>> -> memref<128xi32, #tpu.memory_space<vmem>>
          %dma_start3A_198 = arith.constant 0 : i32
          %dma_start3A_199 = arith.constant 0 : i32
          %dma_start3A_200 = tpu.memref_slice %arg11[%dma_start3A_198, %dma_start3A_199] : memref<10240x128xf32, #tpu.memory_space<vmem_shared>> -> memref<10240x128xf32, #tpu.memory_space<vmem_shared>>
          tpu.enqueue_indirect_dma source(%dma_start3A_194 : memref<128x128xf32, #tpu.memory_space<vmem>>) target(%dma_start3A_200 : memref<10240x128xf32, #tpu.memory_space<vmem_shared>>) offsets(%dma_start3A_197 : memref<128xi32, #tpu.memory_space<vmem>>) semaphore(%run_scoped3A : memref<!tpu.dma_semaphore, #tpu.memory_space<semaphore_mem>>) {add = true}
          %dma_wait3A_201 = arith.constant 128 : i32
          %dma_wait3A_202 = arith.constant 0 : i32
          %dma_wait3A_203 = tpu.memref_slice %arg10[%dma_wait3A_201, %dma_wait3A_202] : memref<256x128xf32, #tpu.memory_space<vmem>> -> memref<128x128xf32, #tpu.memory_space<vmem>>
          %dma_wait3A_204 = arith.constant 0 : i32
          %dma_wait3A_205 = tpu.memref_slice %arg8[%add3A_183, %dma_wait3A_204] : memref<32x128xi32, #tpu.memory_space<vmem>> -> memref<1x128xi32, #tpu.memory_space<vmem>>
          %dma_wait3A_206 = tpu.memref_squeeze %dma_wait3A_205 : memref<1x128xi32, #tpu.memory_space<vmem>> -> memref<128xi32, #tpu.memory_space<vmem>>
          %dma_wait3A_207 = arith.constant 0 : i32
          %dma_wait3A_208 = arith.constant 0 : i32
          %dma_wait3A_209 = tpu.memref_slice %arg11[%dma_wait3A_207, %dma_wait3A_208] : memref<10240x128xf32, #tpu.memory_space<vmem_shared>> -> memref<10240x128xf32, #tpu.memory_space<vmem_shared>>
          tpu.wait_indirect_dma semaphore(%run_scoped3A : memref<!tpu.dma_semaphore, #tpu.memory_space<semaphore_mem>>) src(%dma_wait3A_203 : memref<128x128xf32, #tpu.memory_space<vmem>>) dst(%dma_wait3A_209 : memref<10240x128xf32, #tpu.memory_space<vmem_shared>>)
          tpu.yield
        }) : () -> ()
        %add3A_184 = arith.constant 2 : i32
        %add3A_185 = arith.addi %add3A_165, %add3A_184 : i32
        %lt3A_186 = arith.constant 16 : i32
        %lt3A_187 = arith.cmpi slt, %add3A_185, %lt3A_186 : i32
        %convert_element_type3A_188 = arith.extui %lt3A_187 : i1 to i32
        %cond3A_189 = arith.constant 0 : i32
        %cond3A_190 = arith.cmpi ne, %convert_element_type3A_188, %cond3A_189 : i32
        scf.if %cond3A_190 {
          %add3A_192 = arith.addi %mul3A_95, %add3A_165 : i32
          %add3A_193 = arith.constant 2 : i32
          %add3A_194 = arith.addi %add3A_192, %add3A_193 : i32
          %dma_start3A_195 = arith.constant 128 : i32
          %dma_start3A_196 = arith.constant 0 : i32
          %dma_start3A_197 = tpu.memref_slice %arg10[%dma_start3A_195, %dma_start3A_196] : memref<256x128xf32, #tpu.memory_space<vmem>> -> memref<128x128xf32, #tpu.memory_space<vmem>>
          %dma_start3A_198 = arith.constant 0 : i32
          %dma_start3A_199 = tpu.memref_slice %arg7[%add3A_194, %dma_start3A_198] : memref<32x128xi32, #tpu.memory_space<vmem>> -> memref<1x128xi32, #tpu.memory_space<vmem>>
          %dma_start3A_200 = tpu.memref_squeeze %dma_start3A_199 : memref<1x128xi32, #tpu.memory_space<vmem>> -> memref<128xi32, #tpu.memory_space<vmem>>
          %dma_start3A_201 = arith.constant 0 : i32
          %dma_start3A_202 = arith.constant 0 : i32
          %dma_start3A_203 = tpu.memref_slice %arg5[%dma_start3A_201, %dma_start3A_202] : memref<10000x128xf32, #tpu.memory_space<hbm>> -> memref<10000x128xf32, #tpu.memory_space<hbm>>
          tpu.enqueue_indirect_dma source(%dma_start3A_203 : memref<10000x128xf32, #tpu.memory_space<hbm>>) target(%dma_start3A_197 : memref<128x128xf32, #tpu.memory_space<vmem>>) offsets(%dma_start3A_200 : memref<128xi32, #tpu.memory_space<vmem>>) semaphore(%arg13 : memref<!tpu.dma_semaphore, #tpu.memory_space<semaphore_mem>>)
        } else {
        }
        %scan3A_191 = arith.constant 0 : i32
        scf.yield %scan3A_191 : i32
      }
      %scan3A_130 = arith.constant 8 : i32
      %scan3A_131 = arith.constant 0 : i32
      scf.yield %scan3A_131 : i32
    }
    %scan3A_41 = arith.constant 5 : i32
    %barrier3A_42 = arith.constant 0 : index
    tpu.barrier barrier_id(%barrier3A_42)
    %mul3A_43 = arith.constant 640 : i32
    %mul3A_44 = arith.muli %arg1, %mul3A_43 : i32
    %add3A_45 = arith.constant 0 : i32
    %add3A_46 = arith.addi %mul3A_44, %add3A_45 : i32
    "tpu.region"() ({
      %run_scoped3A = tpu.sem_alloc : memref<!tpu.dma_semaphore, #tpu.memory_space<semaphore_mem>>
      %dma_start3A = arith.constant 0 : i32
      %dma_start3A_83 = arith.constant 0 : i32
      %dma_start3A_84 = tpu.memref_slice %arg10[%dma_start3A, %dma_start3A_83] : memref<256x128xf32, #tpu.memory_space<vmem>> -> memref<128x128xf32, #tpu.memory_space<vmem>>
      %dma_start3A_85 = arith.constant 0 : i32
      %dma_start3A_86 = tpu.memref_slice %arg11[%add3A_46, %dma_start3A_85] : memref<10240x128xf32, #tpu.memory_space<vmem_shared>> -> memref<128x128xf32, #tpu.memory_space<vmem_shared>>
      %dma_start3A_87 = arith.constant 0 : i32
      %dma_start3A_88 = arith.constant 0 : i32
      %dma_start3A_89 = tpu.memref_slice %arg10[%dma_start3A_87, %dma_start3A_88] : memref<256x128xf32, #tpu.memory_space<vmem>> -> memref<128x128xf32, #tpu.memory_space<vmem>>
      %dma_start3A_90 = arith.constant 0 : i32
      %dma_start3A_91 = tpu.memref_slice %arg11[%add3A_46, %dma_start3A_90] : memref<10240x128xf32, #tpu.memory_space<vmem_shared>> -> memref<128x128xf32, #tpu.memory_space<vmem_shared>>
      tpu.enqueue_dma source(%dma_start3A_91 : memref<128x128xf32, #tpu.memory_space<vmem_shared>>) target(%dma_start3A_89 : memref<128x128xf32, #tpu.memory_space<vmem>>) target_semaphore(%run_scoped3A : memref<!tpu.dma_semaphore, #tpu.memory_space<semaphore_mem>>)
      %dma_wait3A = arith.constant 0 : i32
      %dma_wait3A_92 = arith.constant 0 : i32
      %dma_wait3A_93 = tpu.memref_slice %arg10[%dma_wait3A, %dma_wait3A_92] : memref<256x128xf32, #tpu.memory_space<vmem>> -> memref<128x128xf32, #tpu.memory_space<vmem>>
      %dma_wait3A_94 = arith.constant 0 : i32
      %dma_wait3A_95 = tpu.memref_slice %arg11[%add3A_46, %dma_wait3A_94] : memref<10240x128xf32, #tpu.memory_space<vmem_shared>> -> memref<128x128xf32, #tpu.memory_space<vmem_shared>>
      %dma_wait3A_96 = arith.constant 0 : i32
      %dma_wait3A_97 = arith.constant 0 : i32
      %dma_wait3A_98 = tpu.memref_slice %arg10[%dma_wait3A_96, %dma_wait3A_97] : memref<256x128xf32, #tpu.memory_space<vmem>> -> memref<128x128xf32, #tpu.memory_space<vmem>>
      %dma_wait3A_99 = arith.constant 0 : i32
      %dma_wait3A_100 = tpu.memref_slice %arg11[%add3A_46, %dma_wait3A_99] : memref<10240x128xf32, #tpu.memory_space<vmem_shared>> -> memref<128x128xf32, #tpu.memory_space<vmem_shared>>
      tpu.wait_dma2 semaphore(%run_scoped3A : memref<!tpu.dma_semaphore, #tpu.memory_space<semaphore_mem>>) src(%dma_wait3A_100 : memref<128x128xf32, #tpu.memory_space<vmem_shared>>) dst(%dma_wait3A_98 : memref<128x128xf32, #tpu.memory_space<vmem>>)
      tpu.yield
    }) : () -> ()
    %mul3A_47 = arith.constant 640 : i32
    %mul3A_48 = arith.muli %arg1, %mul3A_47 : i32
    %add3A_49 = arith.constant 0 : i32
    %add3A_50 = arith.addi %mul3A_48, %add3A_49 : i32
    "tpu.region"() ({
      %run_scoped3A = tpu.sem_alloc : memref<!tpu.dma_semaphore, #tpu.memory_space<semaphore_mem>>
      %dma_start3A = arith.constant 0 : i32
      %dma_start3A_83 = arith.constant 0 : i32
      %dma_start3A_84 = tpu.memref_slice %arg10[%dma_start3A, %dma_start3A_83] : memref<256x128xf32, #tpu.memory_space<vmem>> -> memref<128x128xf32, #tpu.memory_space<vmem>>
      %dma_start3A_85 = arith.constant 0 : i32
      %dma_start3A_86 = tpu.memref_slice %arg6[%arg0, %add3A_50, %dma_start3A_85] : memref<2x10240x128xf32, #tpu.memory_space<hbm>> -> memref<1x128x128xf32, #tpu.memory_space<hbm>>
      %dma_start3A_87 = tpu.memref_squeeze %dma_start3A_86 : memref<1x128x128xf32, #tpu.memory_space<hbm>> -> memref<128x128xf32, #tpu.memory_space<hbm>>
      %dma_start3A_88 = arith.constant 0 : i32
      %dma_start3A_89 = tpu.memref_slice %arg6[%arg0, %add3A_50, %dma_start3A_88] : memref<2x10240x128xf32, #tpu.memory_space<hbm>> -> memref<1x128x128xf32, #tpu.memory_space<hbm>>
      %dma_start3A_90 = tpu.memref_squeeze %dma_start3A_89 : memref<1x128x128xf32, #tpu.memory_space<hbm>> -> memref<128x128xf32, #tpu.memory_space<hbm>>
      %dma_start3A_91 = arith.constant 0 : i32
      %dma_start3A_92 = arith.constant 0 : i32
      %dma_start3A_93 = tpu.memref_slice %arg10[%dma_start3A_91, %dma_start3A_92] : memref<256x128xf32, #tpu.memory_space<vmem>> -> memref<128x128xf32, #tpu.memory_space<vmem>>
      tpu.enqueue_dma source(%dma_start3A_93 : memref<128x128xf32, #tpu.memory_space<vmem>>) target(%dma_start3A_90 : memref<128x128xf32, #tpu.memory_space<hbm>>) target_semaphore(%run_scoped3A : memref<!tpu.dma_semaphore, #tpu.memory_space<semaphore_mem>>)
      %dma_wait3A = arith.constant 0 : i32
      %dma_wait3A_94 = arith.constant 0 : i32
      %dma_wait3A_95 = tpu.memref_slice %arg10[%dma_wait3A, %dma_wait3A_94] : memref<256x128xf32, #tpu.memory_space<vmem>> -> memref<128x128xf32, #tpu.memory_space<vmem>>
      %dma_wait3A_96 = arith.constant 0 : i32
      %dma_wait3A_97 = tpu.memref_slice %arg6[%arg0, %add3A_50, %dma_wait3A_96] : memref<2x10240x128xf32, #tpu.memory_space<hbm>> -> memref<1x128x128xf32, #tpu.memory_space<hbm>>
      %dma_wait3A_98 = tpu.memref_squeeze %dma_wait3A_97 : memref<1x128x128xf32, #tpu.memory_space<hbm>> -> memref<128x128xf32, #tpu.memory_space<hbm>>
      %dma_wait3A_99 = arith.constant 0 : i32
      %dma_wait3A_100 = tpu.memref_slice %arg6[%arg0, %add3A_50, %dma_wait3A_99] : memref<2x10240x128xf32, #tpu.memory_space<hbm>> -> memref<1x128x128xf32, #tpu.memory_space<hbm>>
      %dma_wait3A_101 = tpu.memref_squeeze %dma_wait3A_100 : memref<1x128x128xf32, #tpu.memory_space<hbm>> -> memref<128x128xf32, #tpu.memory_space<hbm>>
      %dma_wait3A_102 = arith.constant 0 : i32
      %dma_wait3A_103 = arith.constant 0 : i32
      %dma_wait3A_104 = tpu.memref_slice %arg10[%dma_wait3A_102, %dma_wait3A_103] : memref<256x128xf32, #tpu.memory_space<vmem>> -> memref<128x128xf32, #tpu.memory_space<vmem>>
      tpu.wait_dma2 semaphore(%run_scoped3A : memref<!tpu.dma_semaphore, #tpu.memory_space<semaphore_mem>>) src(%dma_wait3A_104 : memref<128x128xf32, #tpu.memory_space<vmem>>) dst(%dma_wait3A_101 : memref<128x128xf32, #tpu.memory_space<hbm>>)
      tpu.yield
    }) : () -> ()
    %mul3A_51 = arith.constant 640 : i32
    %mul3A_52 = arith.muli %arg1, %mul3A_51 : i32
    %add3A_53 = arith.constant 128 : i32
    %add3A_54 = arith.addi %mul3A_52, %add3A_53 : i32
    "tpu.region"() ({
      %run_scoped3A = tpu.sem_alloc : memref<!tpu.dma_semaphore, #tpu.memory_space<semaphore_mem>>
      %dma_start3A = arith.constant 0 : i32
      %dma_start3A_83 = arith.constant 0 : i32
      %dma_start3A_84 = tpu.memref_slice %arg10[%dma_start3A, %dma_start3A_83] : memref<256x128xf32, #tpu.memory_space<vmem>> -> memref<128x128xf32, #tpu.memory_space<vmem>>
      %dma_start3A_85 = arith.constant 0 : i32
      %dma_start3A_86 = tpu.memref_slice %arg11[%add3A_54, %dma_start3A_85] : memref<10240x128xf32, #tpu.memory_space<vmem_shared>> -> memref<128x128xf32, #tpu.memory_space<vmem_shared>>
      %dma_start3A_87 = arith.constant 0 : i32
      %dma_start3A_88 = arith.constant 0 : i32
      %dma_start3A_89 = tpu.memref_slice %arg10[%dma_start3A_87, %dma_start3A_88] : memref<256x128xf32, #tpu.memory_space<vmem>> -> memref<128x128xf32, #tpu.memory_space<vmem>>
      %dma_start3A_90 = arith.constant 0 : i32
      %dma_start3A_91 = tpu.memref_slice %arg11[%add3A_54, %dma_start3A_90] : memref<10240x128xf32, #tpu.memory_space<vmem_shared>> -> memref<128x128xf32, #tpu.memory_space<vmem_shared>>
      tpu.enqueue_dma source(%dma_start3A_91 : memref<128x128xf32, #tpu.memory_space<vmem_shared>>) target(%dma_start3A_89 : memref<128x128xf32, #tpu.memory_space<vmem>>) target_semaphore(%run_scoped3A : memref<!tpu.dma_semaphore, #tpu.memory_space<semaphore_mem>>)
      %dma_wait3A = arith.constant 0 : i32
      %dma_wait3A_92 = arith.constant 0 : i32
      %dma_wait3A_93 = tpu.memref_slice %arg10[%dma_wait3A, %dma_wait3A_92] : memref<256x128xf32, #tpu.memory_space<vmem>> -> memref<128x128xf32, #tpu.memory_space<vmem>>
      %dma_wait3A_94 = arith.constant 0 : i32
      %dma_wait3A_95 = tpu.memref_slice %arg11[%add3A_54, %dma_wait3A_94] : memref<10240x128xf32, #tpu.memory_space<vmem_shared>> -> memref<128x128xf32, #tpu.memory_space<vmem_shared>>
      %dma_wait3A_96 = arith.constant 0 : i32
      %dma_wait3A_97 = arith.constant 0 : i32
      %dma_wait3A_98 = tpu.memref_slice %arg10[%dma_wait3A_96, %dma_wait3A_97] : memref<256x128xf32, #tpu.memory_space<vmem>> -> memref<128x128xf32, #tpu.memory_space<vmem>>
      %dma_wait3A_99 = arith.constant 0 : i32
      %dma_wait3A_100 = tpu.memref_slice %arg11[%add3A_54, %dma_wait3A_99] : memref<10240x128xf32, #tpu.memory_space<vmem_shared>> -> memref<128x128xf32, #tpu.memory_space<vmem_shared>>
      tpu.wait_dma2 semaphore(%run_scoped3A : memref<!tpu.dma_semaphore, #tpu.memory_space<semaphore_mem>>) src(%dma_wait3A_100 : memref<128x128xf32, #tpu.memory_space<vmem_shared>>) dst(%dma_wait3A_98 : memref<128x128xf32, #tpu.memory_space<vmem>>)
      tpu.yield
    }) : () -> ()
    %mul3A_55 = arith.constant 640 : i32
    %mul3A_56 = arith.muli %arg1, %mul3A_55 : i32
    %add3A_57 = arith.constant 128 : i32
    %add3A_58 = arith.addi %mul3A_56, %add3A_57 : i32
    "tpu.region"() ({
      %run_scoped3A = tpu.sem_alloc : memref<!tpu.dma_semaphore, #tpu.memory_space<semaphore_mem>>
      %dma_start3A = arith.constant 0 : i32
      %dma_start3A_83 = arith.constant 0 : i32
      %dma_start3A_84 = tpu.memref_slice %arg10[%dma_start3A, %dma_start3A_83] : memref<256x128xf32, #tpu.memory_space<vmem>> -> memref<128x128xf32, #tpu.memory_space<vmem>>
      %dma_start3A_85 = arith.constant 0 : i32
      %dma_start3A_86 = tpu.memref_slice %arg6[%arg0, %add3A_58, %dma_start3A_85] : memref<2x10240x128xf32, #tpu.memory_space<hbm>> -> memref<1x128x128xf32, #tpu.memory_space<hbm>>
      %dma_start3A_87 = tpu.memref_squeeze %dma_start3A_86 : memref<1x128x128xf32, #tpu.memory_space<hbm>> -> memref<128x128xf32, #tpu.memory_space<hbm>>
      %dma_start3A_88 = arith.constant 0 : i32
      %dma_start3A_89 = tpu.memref_slice %arg6[%arg0, %add3A_58, %dma_start3A_88] : memref<2x10240x128xf32, #tpu.memory_space<hbm>> -> memref<1x128x128xf32, #tpu.memory_space<hbm>>
      %dma_start3A_90 = tpu.memref_squeeze %dma_start3A_89 : memref<1x128x128xf32, #tpu.memory_space<hbm>> -> memref<128x128xf32, #tpu.memory_space<hbm>>
      %dma_start3A_91 = arith.constant 0 : i32
      %dma_start3A_92 = arith.constant 0 : i32
      %dma_start3A_93 = tpu.memref_slice %arg10[%dma_start3A_91, %dma_start3A_92] : memref<256x128xf32, #tpu.memory_space<vmem>> -> memref<128x128xf32, #tpu.memory_space<vmem>>
      tpu.enqueue_dma source(%dma_start3A_93 : memref<128x128xf32, #tpu.memory_space<vmem>>) target(%dma_start3A_90 : memref<128x128xf32, #tpu.memory_space<hbm>>) target_semaphore(%run_scoped3A : memref<!tpu.dma_semaphore, #tpu.memory_space<semaphore_mem>>)
      %dma_wait3A = arith.constant 0 : i32
      %dma_wait3A_94 = arith.constant 0 : i32
      %dma_wait3A_95 = tpu.memref_slice %arg10[%dma_wait3A, %dma_wait3A_94] : memref<256x128xf32, #tpu.memory_space<vmem>> -> memref<128x128xf32, #tpu.memory_space<vmem>>
      %dma_wait3A_96 = arith.constant 0 : i32
      %dma_wait3A_97 = tpu.memref_slice %arg6[%arg0, %add3A_58, %dma_wait3A_96] : memref<2x10240x128xf32, #tpu.memory_space<hbm>> -> memref<1x128x128xf32, #tpu.memory_space<hbm>>
      %dma_wait3A_98 = tpu.memref_squeeze %dma_wait3A_97 : memref<1x128x128xf32, #tpu.memory_space<hbm>> -> memref<128x128xf32, #tpu.memory_space<hbm>>
      %dma_wait3A_99 = arith.constant 0 : i32
      %dma_wait3A_100 = tpu.memref_slice %arg6[%arg0, %add3A_58, %dma_wait3A_99] : memref<2x10240x128xf32, #tpu.memory_space<hbm>> -> memref<1x128x128xf32, #tpu.memory_space<hbm>>
      %dma_wait3A_101 = tpu.memref_squeeze %dma_wait3A_100 : memref<1x128x128xf32, #tpu.memory_space<hbm>> -> memref<128x128xf32, #tpu.memory_space<hbm>>
      %dma_wait3A_102 = arith.constant 0 : i32
      %dma_wait3A_103 = arith.constant 0 : i32
      %dma_wait3A_104 = tpu.memref_slice %arg10[%dma_wait3A_102, %dma_wait3A_103] : memref<256x128xf32, #tpu.memory_space<vmem>> -> memref<128x128xf32, #tpu.memory_space<vmem>>
      tpu.wait_dma2 semaphore(%run_scoped3A : memref<!tpu.dma_semaphore, #tpu.memory_space<semaphore_mem>>) src(%dma_wait3A_104 : memref<128x128xf32, #tpu.memory_space<vmem>>) dst(%dma_wait3A_101 : memref<128x128xf32, #tpu.memory_space<hbm>>)
      tpu.yield
    }) : () -> ()
    %mul3A_59 = arith.constant 640 : i32
    %mul3A_60 = arith.muli %arg1, %mul3A_59 : i32
    %add3A_61 = arith.constant 256 : i32
    %add3A_62 = arith.addi %mul3A_60, %add3A_61 : i32
    "tpu.region"() ({
      %run_scoped3A = tpu.sem_alloc : memref<!tpu.dma_semaphore, #tpu.memory_space<semaphore_mem>>
      %dma_start3A = arith.constant 0 : i32
      %dma_start3A_83 = arith.constant 0 : i32
      %dma_start3A_84 = tpu.memref_slice %arg10[%dma_start3A, %dma_start3A_83] : memref<256x128xf32, #tpu.memory_space<vmem>> -> memref<128x128xf32, #tpu.memory_space<vmem>>
      %dma_start3A_85 = arith.constant 0 : i32
      %dma_start3A_86 = tpu.memref_slice %arg11[%add3A_62, %dma_start3A_85] : memref<10240x128xf32, #tpu.memory_space<vmem_shared>> -> memref<128x128xf32, #tpu.memory_space<vmem_shared>>
      %dma_start3A_87 = arith.constant 0 : i32
      %dma_start3A_88 = arith.constant 0 : i32
      %dma_start3A_89 = tpu.memref_slice %arg10[%dma_start3A_87, %dma_start3A_88] : memref<256x128xf32, #tpu.memory_space<vmem>> -> memref<128x128xf32, #tpu.memory_space<vmem>>
      %dma_start3A_90 = arith.constant 0 : i32
      %dma_start3A_91 = tpu.memref_slice %arg11[%add3A_62, %dma_start3A_90] : memref<10240x128xf32, #tpu.memory_space<vmem_shared>> -> memref<128x128xf32, #tpu.memory_space<vmem_shared>>
      tpu.enqueue_dma source(%dma_start3A_91 : memref<128x128xf32, #tpu.memory_space<vmem_shared>>) target(%dma_start3A_89 : memref<128x128xf32, #tpu.memory_space<vmem>>) target_semaphore(%run_scoped3A : memref<!tpu.dma_semaphore, #tpu.memory_space<semaphore_mem>>)
      %dma_wait3A = arith.constant 0 : i32
      %dma_wait3A_92 = arith.constant 0 : i32
      %dma_wait3A_93 = tpu.memref_slice %arg10[%dma_wait3A, %dma_wait3A_92] : memref<256x128xf32, #tpu.memory_space<vmem>> -> memref<128x128xf32, #tpu.memory_space<vmem>>
      %dma_wait3A_94 = arith.constant 0 : i32
      %dma_wait3A_95 = tpu.memref_slice %arg11[%add3A_62, %dma_wait3A_94] : memref<10240x128xf32, #tpu.memory_space<vmem_shared>> -> memref<128x128xf32, #tpu.memory_space<vmem_shared>>
      %dma_wait3A_96 = arith.constant 0 : i32
      %dma_wait3A_97 = arith.constant 0 : i32
      %dma_wait3A_98 = tpu.memref_slice %arg10[%dma_wait3A_96, %dma_wait3A_97] : memref<256x128xf32, #tpu.memory_space<vmem>> -> memref<128x128xf32, #tpu.memory_space<vmem>>
      %dma_wait3A_99 = arith.constant 0 : i32
      %dma_wait3A_100 = tpu.memref_slice %arg11[%add3A_62, %dma_wait3A_99] : memref<10240x128xf32, #tpu.memory_space<vmem_shared>> -> memref<128x128xf32, #tpu.memory_space<vmem_shared>>
      tpu.wait_dma2 semaphore(%run_scoped3A : memref<!tpu.dma_semaphore, #tpu.memory_space<semaphore_mem>>) src(%dma_wait3A_100 : memref<128x128xf32, #tpu.memory_space<vmem_shared>>) dst(%dma_wait3A_98 : memref<128x128xf32, #tpu.memory_space<vmem>>)
      tpu.yield
    }) : () -> ()
    %mul3A_63 = arith.constant 640 : i32
    %mul3A_64 = arith.muli %arg1, %mul3A_63 : i32
    %add3A_65 = arith.constant 256 : i32
    %add3A_66 = arith.addi %mul3A_64, %add3A_65 : i32
    "tpu.region"() ({
      %run_scoped3A = tpu.sem_alloc : memref<!tpu.dma_semaphore, #tpu.memory_space<semaphore_mem>>
      %dma_start3A = arith.constant 0 : i32
      %dma_start3A_83 = arith.constant 0 : i32
      %dma_start3A_84 = tpu.memref_slice %arg10[%dma_start3A, %dma_start3A_83] : memref<256x128xf32, #tpu.memory_space<vmem>> -> memref<128x128xf32, #tpu.memory_space<vmem>>
      %dma_start3A_85 = arith.constant 0 : i32
      %dma_start3A_86 = tpu.memref_slice %arg6[%arg0, %add3A_66, %dma_start3A_85] : memref<2x10240x128xf32, #tpu.memory_space<hbm>> -> memref<1x128x128xf32, #tpu.memory_space<hbm>>
      %dma_start3A_87 = tpu.memref_squeeze %dma_start3A_86 : memref<1x128x128xf32, #tpu.memory_space<hbm>> -> memref<128x128xf32, #tpu.memory_space<hbm>>
      %dma_start3A_88 = arith.constant 0 : i32
      %dma_start3A_89 = tpu.memref_slice %arg6[%arg0, %add3A_66, %dma_start3A_88] : memref<2x10240x128xf32, #tpu.memory_space<hbm>> -> memref<1x128x128xf32, #tpu.memory_space<hbm>>
      %dma_start3A_90 = tpu.memref_squeeze %dma_start3A_89 : memref<1x128x128xf32, #tpu.memory_space<hbm>> -> memref<128x128xf32, #tpu.memory_space<hbm>>
      %dma_start3A_91 = arith.constant 0 : i32
      %dma_start3A_92 = arith.constant 0 : i32
      %dma_start3A_93 = tpu.memref_slice %arg10[%dma_start3A_91, %dma_start3A_92] : memref<256x128xf32, #tpu.memory_space<vmem>> -> memref<128x128xf32, #tpu.memory_space<vmem>>
      tpu.enqueue_dma source(%dma_start3A_93 : memref<128x128xf32, #tpu.memory_space<vmem>>) target(%dma_start3A_90 : memref<128x128xf32, #tpu.memory_space<hbm>>) target_semaphore(%run_scoped3A : memref<!tpu.dma_semaphore, #tpu.memory_space<semaphore_mem>>)
      %dma_wait3A = arith.constant 0 : i32
      %dma_wait3A_94 = arith.constant 0 : i32
      %dma_wait3A_95 = tpu.memref_slice %arg10[%dma_wait3A, %dma_wait3A_94] : memref<256x128xf32, #tpu.memory_space<vmem>> -> memref<128x128xf32, #tpu.memory_space<vmem>>
      %dma_wait3A_96 = arith.constant 0 : i32
      %dma_wait3A_97 = tpu.memref_slice %arg6[%arg0, %add3A_66, %dma_wait3A_96] : memref<2x10240x128xf32, #tpu.memory_space<hbm>> -> memref<1x128x128xf32, #tpu.memory_space<hbm>>
      %dma_wait3A_98 = tpu.memref_squeeze %dma_wait3A_97 : memref<1x128x128xf32, #tpu.memory_space<hbm>> -> memref<128x128xf32, #tpu.memory_space<hbm>>
      %dma_wait3A_99 = arith.constant 0 : i32
      %dma_wait3A_100 = tpu.memref_slice %arg6[%arg0, %add3A_66, %dma_wait3A_99] : memref<2x10240x128xf32, #tpu.memory_space<hbm>> -> memref<1x128x128xf32, #tpu.memory_space<hbm>>
      %dma_wait3A_101 = tpu.memref_squeeze %dma_wait3A_100 : memref<1x128x128xf32, #tpu.memory_space<hbm>> -> memref<128x128xf32, #tpu.memory_space<hbm>>
      %dma_wait3A_102 = arith.constant 0 : i32
      %dma_wait3A_103 = arith.constant 0 : i32
      %dma_wait3A_104 = tpu.memref_slice %arg10[%dma_wait3A_102, %dma_wait3A_103] : memref<256x128xf32, #tpu.memory_space<vmem>> -> memref<128x128xf32, #tpu.memory_space<vmem>>
      tpu.wait_dma2 semaphore(%run_scoped3A : memref<!tpu.dma_semaphore, #tpu.memory_space<semaphore_mem>>) src(%dma_wait3A_104 : memref<128x128xf32, #tpu.memory_space<vmem>>) dst(%dma_wait3A_101 : memref<128x128xf32, #tpu.memory_space<hbm>>)
      tpu.yield
    }) : () -> ()
    %mul3A_67 = arith.constant 640 : i32
    %mul3A_68 = arith.muli %arg1, %mul3A_67 : i32
    %add3A_69 = arith.constant 384 : i32
    %add3A_70 = arith.addi %mul3A_68, %add3A_69 : i32
    "tpu.region"() ({
      %run_scoped3A = tpu.sem_alloc : memref<!tpu.dma_semaphore, #tpu.memory_space<semaphore_mem>>
      %dma_start3A = arith.constant 0 : i32
      %dma_start3A_83 = arith.constant 0 : i32
      %dma_start3A_84 = tpu.memref_slice %arg10[%dma_start3A, %dma_start3A_83] : memref<256x128xf32, #tpu.memory_space<vmem>> -> memref<128x128xf32, #tpu.memory_space<vmem>>
      %dma_start3A_85 = arith.constant 0 : i32
      %dma_start3A_86 = tpu.memref_slice %arg11[%add3A_70, %dma_start3A_85] : memref<10240x128xf32, #tpu.memory_space<vmem_shared>> -> memref<128x128xf32, #tpu.memory_space<vmem_shared>>
      %dma_start3A_87 = arith.constant 0 : i32
      %dma_start3A_88 = arith.constant 0 : i32
      %dma_start3A_89 = tpu.memref_slice %arg10[%dma_start3A_87, %dma_start3A_88] : memref<256x128xf32, #tpu.memory_space<vmem>> -> memref<128x128xf32, #tpu.memory_space<vmem>>
      %dma_start3A_90 = arith.constant 0 : i32
      %dma_start3A_91 = tpu.memref_slice %arg11[%add3A_70, %dma_start3A_90] : memref<10240x128xf32, #tpu.memory_space<vmem_shared>> -> memref<128x128xf32, #tpu.memory_space<vmem_shared>>
      tpu.enqueue_dma source(%dma_start3A_91 : memref<128x128xf32, #tpu.memory_space<vmem_shared>>) target(%dma_start3A_89 : memref<128x128xf32, #tpu.memory_space<vmem>>) target_semaphore(%run_scoped3A : memref<!tpu.dma_semaphore, #tpu.memory_space<semaphore_mem>>)
      %dma_wait3A = arith.constant 0 : i32
      %dma_wait3A_92 = arith.constant 0 : i32
      %dma_wait3A_93 = tpu.memref_slice %arg10[%dma_wait3A, %dma_wait3A_92] : memref<256x128xf32, #tpu.memory_space<vmem>> -> memref<128x128xf32, #tpu.memory_space<vmem>>
      %dma_wait3A_94 = arith.constant 0 : i32
      %dma_wait3A_95 = tpu.memref_slice %arg11[%add3A_70, %dma_wait3A_94] : memref<10240x128xf32, #tpu.memory_space<vmem_shared>> -> memref<128x128xf32, #tpu.memory_space<vmem_shared>>
      %dma_wait3A_96 = arith.constant 0 : i32
      %dma_wait3A_97 = arith.constant 0 : i32
      %dma_wait3A_98 = tpu.memref_slice %arg10[%dma_wait3A_96, %dma_wait3A_97] : memref<256x128xf32, #tpu.memory_space<vmem>> -> memref<128x128xf32, #tpu.memory_space<vmem>>
      %dma_wait3A_99 = arith.constant 0 : i32
      %dma_wait3A_100 = tpu.memref_slice %arg11[%add3A_70, %dma_wait3A_99] : memref<10240x128xf32, #tpu.memory_space<vmem_shared>> -> memref<128x128xf32, #tpu.memory_space<vmem_shared>>
      tpu.wait_dma2 semaphore(%run_scoped3A : memref<!tpu.dma_semaphore, #tpu.memory_space<semaphore_mem>>) src(%dma_wait3A_100 : memref<128x128xf32, #tpu.memory_space<vmem_shared>>) dst(%dma_wait3A_98 : memref<128x128xf32, #tpu.memory_space<vmem>>)
      tpu.yield
    }) : () -> ()
    %mul3A_71 = arith.constant 640 : i32
    %mul3A_72 = arith.muli %arg1, %mul3A_71 : i32
    %add3A_73 = arith.constant 384 : i32
    %add3A_74 = arith.addi %mul3A_72, %add3A_73 : i32
    "tpu.region"() ({
      %run_scoped3A = tpu.sem_alloc : memref<!tpu.dma_semaphore, #tpu.memory_space<semaphore_mem>>
      %dma_start3A = arith.constant 0 : i32
      %dma_start3A_83 = arith.constant 0 : i32
      %dma_start3A_84 = tpu.memref_slice %arg10[%dma_start3A, %dma_start3A_83] : memref<256x128xf32, #tpu.memory_space<vmem>> -> memref<128x128xf32, #tpu.memory_space<vmem>>
      %dma_start3A_85 = arith.constant 0 : i32
      %dma_start3A_86 = tpu.memref_slice %arg6[%arg0, %add3A_74, %dma_start3A_85] : memref<2x10240x128xf32, #tpu.memory_space<hbm>> -> memref<1x128x128xf32, #tpu.memory_space<hbm>>
      %dma_start3A_87 = tpu.memref_squeeze %dma_start3A_86 : memref<1x128x128xf32, #tpu.memory_space<hbm>> -> memref<128x128xf32, #tpu.memory_space<hbm>>
      %dma_start3A_88 = arith.constant 0 : i32
      %dma_start3A_89 = tpu.memref_slice %arg6[%arg0, %add3A_74, %dma_start3A_88] : memref<2x10240x128xf32, #tpu.memory_space<hbm>> -> memref<1x128x128xf32, #tpu.memory_space<hbm>>
      %dma_start3A_90 = tpu.memref_squeeze %dma_start3A_89 : memref<1x128x128xf32, #tpu.memory_space<hbm>> -> memref<128x128xf32, #tpu.memory_space<hbm>>
      %dma_start3A_91 = arith.constant 0 : i32
      %dma_start3A_92 = arith.constant 0 : i32
      %dma_start3A_93 = tpu.memref_slice %arg10[%dma_start3A_91, %dma_start3A_92] : memref<256x128xf32, #tpu.memory_space<vmem>> -> memref<128x128xf32, #tpu.memory_space<vmem>>
      tpu.enqueue_dma source(%dma_start3A_93 : memref<128x128xf32, #tpu.memory_space<vmem>>) target(%dma_start3A_90 : memref<128x128xf32, #tpu.memory_space<hbm>>) target_semaphore(%run_scoped3A : memref<!tpu.dma_semaphore, #tpu.memory_space<semaphore_mem>>)
      %dma_wait3A = arith.constant 0 : i32
      %dma_wait3A_94 = arith.constant 0 : i32
      %dma_wait3A_95 = tpu.memref_slice %arg10[%dma_wait3A, %dma_wait3A_94] : memref<256x128xf32, #tpu.memory_space<vmem>> -> memref<128x128xf32, #tpu.memory_space<vmem>>
      %dma_wait3A_96 = arith.constant 0 : i32
      %dma_wait3A_97 = tpu.memref_slice %arg6[%arg0, %add3A_74, %dma_wait3A_96] : memref<2x10240x128xf32, #tpu.memory_space<hbm>> -> memref<1x128x128xf32, #tpu.memory_space<hbm>>
      %dma_wait3A_98 = tpu.memref_squeeze %dma_wait3A_97 : memref<1x128x128xf32, #tpu.memory_space<hbm>> -> memref<128x128xf32, #tpu.memory_space<hbm>>
      %dma_wait3A_99 = arith.constant 0 : i32
      %dma_wait3A_100 = tpu.memref_slice %arg6[%arg0, %add3A_74, %dma_wait3A_99] : memref<2x10240x128xf32, #tpu.memory_space<hbm>> -> memref<1x128x128xf32, #tpu.memory_space<hbm>>
      %dma_wait3A_101 = tpu.memref_squeeze %dma_wait3A_100 : memref<1x128x128xf32, #tpu.memory_space<hbm>> -> memref<128x128xf32, #tpu.memory_space<hbm>>
      %dma_wait3A_102 = arith.constant 0 : i32
      %dma_wait3A_103 = arith.constant 0 : i32
      %dma_wait3A_104 = tpu.memref_slice %arg10[%dma_wait3A_102, %dma_wait3A_103] : memref<256x128xf32, #tpu.memory_space<vmem>> -> memref<128x128xf32, #tpu.memory_space<vmem>>
      tpu.wait_dma2 semaphore(%run_scoped3A : memref<!tpu.dma_semaphore, #tpu.memory_space<semaphore_mem>>) src(%dma_wait3A_104 : memref<128x128xf32, #tpu.memory_space<vmem>>) dst(%dma_wait3A_101 : memref<128x128xf32, #tpu.memory_space<hbm>>)
      tpu.yield
    }) : () -> ()
    %mul3A_75 = arith.constant 640 : i32
    %mul3A_76 = arith.muli %arg1, %mul3A_75 : i32
    %add3A_77 = arith.constant 512 : i32
    %add3A_78 = arith.addi %mul3A_76, %add3A_77 : i32
    "tpu.region"() ({
      %run_scoped3A = tpu.sem_alloc : memref<!tpu.dma_semaphore, #tpu.memory_space<semaphore_mem>>
      %dma_start3A = arith.constant 0 : i32
      %dma_start3A_83 = arith.constant 0 : i32
      %dma_start3A_84 = tpu.memref_slice %arg10[%dma_start3A, %dma_start3A_83] : memref<256x128xf32, #tpu.memory_space<vmem>> -> memref<128x128xf32, #tpu.memory_space<vmem>>
      %dma_start3A_85 = arith.constant 0 : i32
      %dma_start3A_86 = tpu.memref_slice %arg11[%add3A_78, %dma_start3A_85] : memref<10240x128xf32, #tpu.memory_space<vmem_shared>> -> memref<128x128xf32, #tpu.memory_space<vmem_shared>>
      %dma_start3A_87 = arith.constant 0 : i32
      %dma_start3A_88 = arith.constant 0 : i32
      %dma_start3A_89 = tpu.memref_slice %arg10[%dma_start3A_87, %dma_start3A_88] : memref<256x128xf32, #tpu.memory_space<vmem>> -> memref<128x128xf32, #tpu.memory_space<vmem>>
      %dma_start3A_90 = arith.constant 0 : i32
      %dma_start3A_91 = tpu.memref_slice %arg11[%add3A_78, %dma_start3A_90] : memref<10240x128xf32, #tpu.memory_space<vmem_shared>> -> memref<128x128xf32, #tpu.memory_space<vmem_shared>>
      tpu.enqueue_dma source(%dma_start3A_91 : memref<128x128xf32, #tpu.memory_space<vmem_shared>>) target(%dma_start3A_89 : memref<128x128xf32, #tpu.memory_space<vmem>>) target_semaphore(%run_scoped3A : memref<!tpu.dma_semaphore, #tpu.memory_space<semaphore_mem>>)
      %dma_wait3A = arith.constant 0 : i32
      %dma_wait3A_92 = arith.constant 0 : i32
      %dma_wait3A_93 = tpu.memref_slice %arg10[%dma_wait3A, %dma_wait3A_92] : memref<256x128xf32, #tpu.memory_space<vmem>> -> memref<128x128xf32, #tpu.memory_space<vmem>>
      %dma_wait3A_94 = arith.constant 0 : i32
      %dma_wait3A_95 = tpu.memref_slice %arg11[%add3A_78, %dma_wait3A_94] : memref<10240x128xf32, #tpu.memory_space<vmem_shared>> -> memref<128x128xf32, #tpu.memory_space<vmem_shared>>
      %dma_wait3A_96 = arith.constant 0 : i32
      %dma_wait3A_97 = arith.constant 0 : i32
      %dma_wait3A_98 = tpu.memref_slice %arg10[%dma_wait3A_96, %dma_wait3A_97] : memref<256x128xf32, #tpu.memory_space<vmem>> -> memref<128x128xf32, #tpu.memory_space<vmem>>
      %dma_wait3A_99 = arith.constant 0 : i32
      %dma_wait3A_100 = tpu.memref_slice %arg11[%add3A_78, %dma_wait3A_99] : memref<10240x128xf32, #tpu.memory_space<vmem_shared>> -> memref<128x128xf32, #tpu.memory_space<vmem_shared>>
      tpu.wait_dma2 semaphore(%run_scoped3A : memref<!tpu.dma_semaphore, #tpu.memory_space<semaphore_mem>>) src(%dma_wait3A_100 : memref<128x128xf32, #tpu.memory_space<vmem_shared>>) dst(%dma_wait3A_98 : memref<128x128xf32, #tpu.memory_space<vmem>>)
      tpu.yield
    }) : () -> ()
    %mul3A_79 = arith.constant 640 : i32
    %mul3A_80 = arith.muli %arg1, %mul3A_79 : i32
    %add3A_81 = arith.constant 512 : i32
    %add3A_82 = arith.addi %mul3A_80, %add3A_81 : i32
    "tpu.region"() ({
      %run_scoped3A = tpu.sem_alloc : memref<!tpu.dma_semaphore, #tpu.memory_space<semaphore_mem>>
      %dma_start3A = arith.constant 0 : i32
      %dma_start3A_83 = arith.constant 0 : i32
      %dma_start3A_84 = tpu.memref_slice %arg10[%dma_start3A, %dma_start3A_83] : memref<256x128xf32, #tpu.memory_space<vmem>> -> memref<128x128xf32, #tpu.memory_space<vmem>>
      %dma_start3A_85 = arith.constant 0 : i32
      %dma_start3A_86 = tpu.memref_slice %arg6[%arg0, %add3A_82, %dma_start3A_85] : memref<2x10240x128xf32, #tpu.memory_space<hbm>> -> memref<1x128x128xf32, #tpu.memory_space<hbm>>
      %dma_start3A_87 = tpu.memref_squeeze %dma_start3A_86 : memref<1x128x128xf32, #tpu.memory_space<hbm>> -> memref<128x128xf32, #tpu.memory_space<hbm>>
      %dma_start3A_88 = arith.constant 0 : i32
      %dma_start3A_89 = tpu.memref_slice %arg6[%arg0, %add3A_82, %dma_start3A_88] : memref<2x10240x128xf32, #tpu.memory_space<hbm>> -> memref<1x128x128xf32, #tpu.memory_space<hbm>>
      %dma_start3A_90 = tpu.memref_squeeze %dma_start3A_89 : memref<1x128x128xf32, #tpu.memory_space<hbm>> -> memref<128x128xf32, #tpu.memory_space<hbm>>
      %dma_start3A_91 = arith.constant 0 : i32
      %dma_start3A_92 = arith.constant 0 : i32
      %dma_start3A_93 = tpu.memref_slice %arg10[%dma_start3A_91, %dma_start3A_92] : memref<256x128xf32, #tpu.memory_space<vmem>> -> memref<128x128xf32, #tpu.memory_space<vmem>>
      tpu.enqueue_dma source(%dma_start3A_93 : memref<128x128xf32, #tpu.memory_space<vmem>>) target(%dma_start3A_90 : memref<128x128xf32, #tpu.memory_space<hbm>>) target_semaphore(%run_scoped3A : memref<!tpu.dma_semaphore, #tpu.memory_space<semaphore_mem>>)
      %dma_wait3A = arith.constant 0 : i32
      %dma_wait3A_94 = arith.constant 0 : i32
      %dma_wait3A_95 = tpu.memref_slice %arg10[%dma_wait3A, %dma_wait3A_94] : memref<256x128xf32, #tpu.memory_space<vmem>> -> memref<128x128xf32, #tpu.memory_space<vmem>>
      %dma_wait3A_96 = arith.constant 0 : i32
      %dma_wait3A_97 = tpu.memref_slice %arg6[%arg0, %add3A_82, %dma_wait3A_96] : memref<2x10240x128xf32, #tpu.memory_space<hbm>> -> memref<1x128x128xf32, #tpu.memory_space<hbm>>
      %dma_wait3A_98 = tpu.memref_squeeze %dma_wait3A_97 : memref<1x128x128xf32, #tpu.memory_space<hbm>> -> memref<128x128xf32, #tpu.memory_space<hbm>>
      %dma_wait3A_99 = arith.constant 0 : i32
      %dma_wait3A_100 = tpu.memref_slice %arg6[%arg0, %add3A_82, %dma_wait3A_99] : memref<2x10240x128xf32, #tpu.memory_space<hbm>> -> memref<1x128x128xf32, #tpu.memory_space<hbm>>
      %dma_wait3A_101 = tpu.memref_squeeze %dma_wait3A_100 : memref<1x128x128xf32, #tpu.memory_space<hbm>> -> memref<128x128xf32, #tpu.memory_space<hbm>>
      %dma_wait3A_102 = arith.constant 0 : i32
      %dma_wait3A_103 = arith.constant 0 : i32
      %dma_wait3A_104 = tpu.memref_slice %arg10[%dma_wait3A_102, %dma_wait3A_103] : memref<256x128xf32, #tpu.memory_space<vmem>> -> memref<128x128xf32, #tpu.memory_space<vmem>>
      tpu.wait_dma2 semaphore(%run_scoped3A : memref<!tpu.dma_semaphore, #tpu.memory_space<semaphore_mem>>) src(%dma_wait3A_104 : memref<128x128xf32, #tpu.memory_space<vmem>>) dst(%dma_wait3A_101 : memref<128x128xf32, #tpu.memory_space<hbm>>)
      tpu.yield
    }) : () -> ()
    return
  }
}

module attributes {stable_mosaic.version = 14 : i64} {
  func.func @_tc_prep_body(%arg0: memref<10000x128xf32, #tpu.memory_space<vmem>>, %arg1: memref<128x128xf32, #tpu.memory_space<vmem>>, %arg2: memref<10000x1xf32, #tpu.memory_space<vmem>>, %arg3: memref<10000x1xf32, #tpu.memory_space<vmem>>, %arg4: memref<10000x128xf32, #tpu.memory_space<vmem>>, %arg5: memref<10000x1xf32, #tpu.memory_space<vmem>>) attributes {dimension_semantics = [], scalar_prefetch = 0 : i64, scratch_operands = 0 : i64, tpu.core_type = #tpu.core_type<tc>} {
    %get3A = arith.constant 0 : index
    %get3A_0 = arith.constant 0 : index
    %get3A_1 = vector.load %arg2[%get3A, %get3A_0] : memref<10000x1xf32, #tpu.memory_space<vmem>>, vector<10000x1xf32>
    %get3A_2 = arith.constant 0 : index
    %get3A_3 = arith.constant 0 : index
    %get3A_4 = vector.load %arg3[%get3A_2, %get3A_3] : memref<10000x1xf32, #tpu.memory_space<vmem>>, vector<10000x1xf32>
    %add3A = arith.addf %get3A_1, %get3A_4 : vector<10000x1xf32>
    %add3A_5 = arith.constant 1.000000e+00 : f32
    %add3A_6 = vector.broadcast %add3A_5 : f32 to vector<10000x1xf32>
    %add3A_7 = arith.addf %add3A, %add3A_6 : vector<10000x1xf32>
    %rsqrt3A = math.rsqrt %add3A_7 : vector<10000x1xf32>
    %swap3A = arith.constant 0 : index
    %swap3A_8 = arith.constant 0 : index
    %swap3A_9 = vector.load %arg5[%swap3A, %swap3A_8] : memref<10000x1xf32, #tpu.memory_space<vmem>>, vector<10000x1xf32>
    tpu.vector_store %arg5[%swap3A, %swap3A_8], %rsqrt3A {strides = array<i32>} : memref<10000x1xf32, #tpu.memory_space<vmem>>, vector<10000x1xf32>,
    %get3A_10 = arith.constant 0 : index
    %get3A_11 = arith.constant 0 : index
    %get3A_12 = vector.load %arg0[%get3A_10, %get3A_11] : memref<10000x128xf32, #tpu.memory_space<vmem>>, vector<10000x128xf32>
    %get3A_13 = arith.constant 0 : index
    %get3A_14 = arith.constant 0 : index
    %get3A_15 = vector.load %arg1[%get3A_13, %get3A_14] : memref<128x128xf32, #tpu.memory_space<vmem>>, vector<128x128xf32>
    %dot_general3A = arith.constant dense<0.000000e+00> : vector<10000x128xf32>
    %dot_general3A_16 = tpu.matmul %get3A_12, %get3A_15, %dot_general3A {dimension_numbers = #tpu.dot_dimension_numbers<[1], [0], [0], [1], [0, 0, 1, 1], [], []>, transpose_lhs_hint = false} : vector<10000x128xf32>, vector<128x128xf32>, vector<10000x128xf32> -> vector<10000x128xf32>
    %mul3A = vector.broadcast %rsqrt3A : vector<10000x1xf32> to vector<10000x128xf32>
    %mul3A_17 = arith.mulf %dot_general3A_16, %mul3A : vector<10000x128xf32>
    %swap3A_18 = arith.constant 0 : index
    %swap3A_19 = arith.constant 0 : index
    %swap3A_20 = vector.load %arg4[%swap3A_18, %swap3A_19] : memref<10000x128xf32, #tpu.memory_space<vmem>>, vector<10000x128xf32>
    tpu.vector_store %arg4[%swap3A_18, %swap3A_19], %mul3A_17 {strides = array<i32>} : memref<10000x128xf32, #tpu.memory_space<vmem>>, vector<10000x128xf32>,
    return
  }
}

module attributes {stable_mosaic.version = 14 : i64} {
  func.func @_tc_mid_body(%arg0: memref<10000x128xf32, #tpu.memory_space<vmem>>, %arg1: memref<10000x128xf32, #tpu.memory_space<vmem>>, %arg2: memref<10000x128xf32, #tpu.memory_space<vmem>>, %arg3: memref<10000x1xf32, #tpu.memory_space<vmem>>, %arg4: memref<1x128xf32, #tpu.memory_space<vmem>>, %arg5: memref<128x128xf32, #tpu.memory_space<vmem>>, %arg6: memref<10000x128xf32, #tpu.memory_space<vmem>>) attributes {dimension_semantics = [], scalar_prefetch = 0 : i64, scratch_operands = 0 : i64, tpu.core_type = #tpu.core_type<tc>} {
    %get3A = arith.constant 0 : index
    %get3A_0 = arith.constant 0 : index
    %get3A_1 = vector.load %arg3[%get3A, %get3A_0] : memref<10000x1xf32, #tpu.memory_space<vmem>>, vector<10000x1xf32>
    %get3A_2 = arith.constant 0 : index
    %get3A_3 = arith.constant 0 : index
    %get3A_4 = vector.load %arg0[%get3A_2, %get3A_3] : memref<10000x128xf32, #tpu.memory_space<vmem>>, vector<10000x128xf32>
    %get3A_5 = arith.constant 0 : index
    %get3A_6 = arith.constant 0 : index
    %get3A_7 = vector.load %arg1[%get3A_5, %get3A_6] : memref<10000x128xf32, #tpu.memory_space<vmem>>, vector<10000x128xf32>
    %add3A = arith.addf %get3A_4, %get3A_7 : vector<10000x128xf32>
    %get3A_8 = arith.constant 0 : index
    %get3A_9 = arith.constant 0 : index
    %get3A_10 = vector.load %arg2[%get3A_8, %get3A_9] : memref<10000x128xf32, #tpu.memory_space<vmem>>, vector<10000x128xf32>
    %add3A_11 = arith.addf %add3A, %get3A_10 : vector<10000x128xf32>
    %mul3A = vector.broadcast %get3A_1 : vector<10000x1xf32> to vector<10000x128xf32>
    %mul3A_12 = arith.mulf %add3A_11, %mul3A : vector<10000x128xf32>
    %get3A_13 = arith.constant 0 : index
    %get3A_14 = arith.constant 0 : index
    %get3A_15 = vector.load %arg4[%get3A_13, %get3A_14] : memref<1x128xf32, #tpu.memory_space<vmem>>, vector<1x128xf32>
    %add3A_16 = vector.broadcast %get3A_15 : vector<1x128xf32> to vector<10000x128xf32>
    %add3A_17 = arith.addf %mul3A_12, %add3A_16 : vector<10000x128xf32>
    %max3A = arith.constant 0.000000e+00 : f32
    %max3A_18 = vector.broadcast %max3A : f32 to vector<10000x128xf32>
    %max3A_19 = arith.maximumf %add3A_17, %max3A_18 : vector<10000x128xf32>
    %get3A_20 = arith.constant 0 : index
    %get3A_21 = arith.constant 0 : index
    %get3A_22 = vector.load %arg5[%get3A_20, %get3A_21] : memref<128x128xf32, #tpu.memory_space<vmem>>, vector<128x128xf32>
    %dot_general3A = arith.constant dense<0.000000e+00> : vector<10000x128xf32>
    %dot_general3A_23 = tpu.matmul %max3A_19, %get3A_22, %dot_general3A {dimension_numbers = #tpu.dot_dimension_numbers<[1], [0], [0], [1], [0, 0, 1, 1], [], []>, transpose_lhs_hint = false} : vector<10000x128xf32>, vector<128x128xf32>, vector<10000x128xf32> -> vector<10000x128xf32>
    %mul3A_24 = vector.broadcast %get3A_1 : vector<10000x1xf32> to vector<10000x128xf32>
    %mul3A_25 = arith.mulf %dot_general3A_23, %mul3A_24 : vector<10000x128xf32>
    %swap3A = arith.constant 0 : index
    %swap3A_26 = arith.constant 0 : index
    %swap3A_27 = vector.load %arg6[%swap3A, %swap3A_26] : memref<10000x128xf32, #tpu.memory_space<vmem>>, vector<10000x128xf32>
    tpu.vector_store %arg6[%swap3A, %swap3A_26], %mul3A_25 {strides = array<i32>} : memref<10000x128xf32, #tpu.memory_space<vmem>>, vector<10000x128xf32>,
    return
  }
}

module attributes {stable_mosaic.version = 14 : i64} {
  func.func @_tc_tail_body(%arg0: memref<10000x128xf32, #tpu.memory_space<vmem>>, %arg1: memref<10000x128xf32, #tpu.memory_space<vmem>>, %arg2: memref<10000x128xf32, #tpu.memory_space<vmem>>, %arg3: memref<10000x1xf32, #tpu.memory_space<vmem>>, %arg4: memref<1x128xf32, #tpu.memory_space<vmem>>, %arg5: memref<10000x1xi32, #tpu.memory_space<vmem>>, %arg6: memref<128x128xf32, #tpu.memory_space<vmem>>, %arg7: memref<1x128xf32, #tpu.memory_space<vmem>>, %arg8: memref<128x128xf32, #tpu.memory_space<vmem>>, %arg9: memref<1x128xf32, #tpu.memory_space<vmem>>, %arg10: memref<64x128xf32, #tpu.memory_space<vmem>>) attributes {dimension_semantics = [], scalar_prefetch = 0 : i64, scratch_operands = 0 : i64, tpu.core_type = #tpu.core_type<tc>} {
    %get3A = arith.constant 0 : index
    %get3A_0 = arith.constant 0 : index
    %get3A_1 = vector.load %arg3[%get3A, %get3A_0] : memref<10000x1xf32, #tpu.memory_space<vmem>>, vector<10000x1xf32>
    %get3A_2 = arith.constant 0 : index
    %get3A_3 = arith.constant 0 : index
    %get3A_4 = vector.load %arg0[%get3A_2, %get3A_3] : memref<10000x128xf32, #tpu.memory_space<vmem>>, vector<10000x128xf32>
    %get3A_5 = arith.constant 0 : index
    %get3A_6 = arith.constant 0 : index
    %get3A_7 = vector.load %arg1[%get3A_5, %get3A_6] : memref<10000x128xf32, #tpu.memory_space<vmem>>, vector<10000x128xf32>
    %add3A = arith.addf %get3A_4, %get3A_7 : vector<10000x128xf32>
    %get3A_8 = arith.constant 0 : index
    %get3A_9 = arith.constant 0 : index
    %get3A_10 = vector.load %arg2[%get3A_8, %get3A_9] : memref<10000x128xf32, #tpu.memory_space<vmem>>, vector<10000x128xf32>
    %add3A_11 = arith.addf %add3A, %get3A_10 : vector<10000x128xf32>
    %mul3A = vector.broadcast %get3A_1 : vector<10000x1xf32> to vector<10000x128xf32>
    %mul3A_12 = arith.mulf %add3A_11, %mul3A : vector<10000x128xf32>
    %get3A_13 = arith.constant 0 : index
    %get3A_14 = arith.constant 0 : index
    %get3A_15 = vector.load %arg4[%get3A_13, %get3A_14] : memref<1x128xf32, #tpu.memory_space<vmem>>, vector<1x128xf32>
    %add3A_16 = vector.broadcast %get3A_15 : vector<1x128xf32> to vector<10000x128xf32>
    %add3A_17 = arith.addf %mul3A_12, %add3A_16 : vector<10000x128xf32>
    %max3A = arith.constant 0.000000e+00 : f32
    %max3A_18 = vector.broadcast %max3A : f32 to vector<10000x128xf32>
    %max3A_19 = arith.maximumf %add3A_17, %max3A_18 : vector<10000x128xf32>
    %iota3A = tpu.iota {dimensions = array<i32: 1>} : vector<10000x64xi32>
    %get3A_20 = arith.constant 0 : index
    %get3A_21 = arith.constant 0 : index
    %get3A_22 = vector.load %arg5[%get3A_20, %get3A_21] : memref<10000x1xi32, #tpu.memory_space<vmem>>, vector<10000x1xi32>
    %eq3A = vector.broadcast %get3A_22 : vector<10000x1xi32> to vector<10000x64xi32>
    %eq3A_23 = arith.cmpi eq, %iota3A, %eq3A : vector<10000x64xi32>
    %convert_element_type3A = arith.extui %eq3A_23 : vector<10000x64xi1> to vector<10000x64xi32>
    %convert_element_type3A_24 = arith.sitofp %convert_element_type3A : vector<10000x64xi32> to vector<10000x64xf32>
    %dot_general3A = arith.constant dense<0.000000e+00> : vector<64x128xf32>
    %dot_general3A_25 = tpu.matmul %convert_element_type3A_24, %max3A_19, %dot_general3A {dimension_numbers = #tpu.dot_dimension_numbers<[0], [0], [1], [1], [0, 1, 1, 1], [], []>, transpose_lhs_hint = false} : vector<10000x64xf32>, vector<10000x128xf32>, vector<64x128xf32> -> vector<64x128xf32>
    %broadcast_in_dim3A = arith.constant 1.000000e+00 : f32
    %broadcast_in_dim3A_26 = vector.broadcast %broadcast_in_dim3A : f32 to vector<10000x128xf32>
    %dot_general3A_27 = arith.constant dense<0.000000e+00> : vector<64x128xf32>
    %dot_general3A_28 = tpu.matmul %convert_element_type3A_24, %broadcast_in_dim3A_26, %dot_general3A_27 {dimension_numbers = #tpu.dot_dimension_numbers<[0], [0], [1], [1], [0, 1, 1, 1], [], []>, transpose_lhs_hint = false} : vector<10000x64xf32>, vector<10000x128xf32>, vector<64x128xf32> -> vector<64x128xf32>
    %max3A_29 = arith.constant 1.000000e+00 : f32
    %max3A_30 = vector.broadcast %max3A_29 : f32 to vector<64x128xf32>
    %max3A_31 = arith.maximumf %dot_general3A_28, %max3A_30 : vector<64x128xf32>
    %div3A = arith.divf %dot_general3A_25, %max3A_31 : vector<64x128xf32>
    %get3A_32 = arith.constant 0 : index
    %get3A_33 = arith.constant 0 : index
    %get3A_34 = vector.load %arg6[%get3A_32, %get3A_33] : memref<128x128xf32, #tpu.memory_space<vmem>>, vector<128x128xf32>
    %dot_general3A_35 = arith.constant dense<0.000000e+00> : vector<64x128xf32>
    %dot_general3A_36 = tpu.matmul %div3A, %get3A_34, %dot_general3A_35 {dimension_numbers = #tpu.dot_dimension_numbers<[1], [0], [0], [1], [0, 0, 1, 1], [], []>, transpose_lhs_hint = false} : vector<64x128xf32>, vector<128x128xf32>, vector<64x128xf32> -> vector<64x128xf32>
    %get3A_37 = arith.constant 0 : index
    %get3A_38 = arith.constant 0 : index
    %get3A_39 = vector.load %arg7[%get3A_37, %get3A_38] : memref<1x128xf32, #tpu.memory_space<vmem>>, vector<1x128xf32>
    %add3A_40 = vector.broadcast %get3A_39 : vector<1x128xf32> to vector<64x128xf32>
    %add3A_41 = arith.addf %dot_general3A_36, %add3A_40 : vector<64x128xf32>
    %max3A_42 = arith.constant 0.000000e+00 : f32
    %max3A_43 = vector.broadcast %max3A_42 : f32 to vector<64x128xf32>
    %max3A_44 = arith.maximumf %add3A_41, %max3A_43 : vector<64x128xf32>
    %get3A_45 = arith.constant 0 : index
    %get3A_46 = arith.constant 0 : index
    %get3A_47 = vector.load %arg8[%get3A_45, %get3A_46] : memref<128x128xf32, #tpu.memory_space<vmem>>, vector<128x128xf32>
    %dot_general3A_48 = arith.constant dense<0.000000e+00> : vector<64x128xf32>
    %dot_general3A_49 = tpu.matmul %max3A_44, %get3A_47, %dot_general3A_48 {dimension_numbers = #tpu.dot_dimension_numbers<[1], [0], [0], [1], [0, 0, 1, 1], [], []>, transpose_lhs_hint = false} : vector<64x128xf32>, vector<128x128xf32>, vector<64x128xf32> -> vector<64x128xf32>
    %get3A_50 = arith.constant 0 : index
    %get3A_51 = arith.constant 0 : index
    %get3A_52 = vector.load %arg9[%get3A_50, %get3A_51] : memref<1x128xf32, #tpu.memory_space<vmem>>, vector<1x128xf32>
    %add3A_53 = vector.broadcast %get3A_52 : vector<1x128xf32> to vector<64x128xf32>
    %add3A_54 = arith.addf %dot_general3A_49, %add3A_53 : vector<64x128xf32>
    %swap3A = arith.constant 0 : index
    %swap3A_55 = arith.constant 0 : index
    %swap3A_56 = vector.load %arg10[%swap3A, %swap3A_55] : memref<64x128xf32, #tpu.memory_space<vmem>>, vector<64x128xf32>
    tpu.vector_store %arg10[%swap3A, %swap3A_55], %add3A_54 {strides = array<i32>} : memref<64x128xf32, #tpu.memory_space<vmem>>, vector<64x128xf32>,
    return
  }
}

</mosaic_0001>

<sc_bundles>
// kernel: _run.11.cloned.1.call-start
scs
__scs_entry_jumppad:
0x0: {  	(pc) =	sbr.rel $0x88, $3  }
0x1: {  	(tag) =	ssettag $0x0;
	lr =	simm.s32 $0x1  }
0x2: {  	[smem:$0x3F95] =	sst lr;
	_ =	strace $0xD0000000  }
0x3: {  	_ = 	snop  }
0x4: {  	_ = 	snop  }
0x5: {  	_ = 	snop  }
0x6: {  	_ = 	snop  }
0x7: {  	_ = 	snop  }
__scs_overlays_trampoline_lowered:
0x8: {  	[smem:$0x3FA4] =	sst s0  }
0x9: {  	[smem:$0x3FA5] =	sst s1  }
0xa: {  	[smem:$0x3FA6] =	sst s2  }
0xb: {  	[smem:$0x3FA7] =	sst s3  }
0xc: {  	[smem:$0x3FA8] =	sst s4  }
0xd: {  	[smem:$0x3FA9] =	sst s5  }
0xe: {  	[smem:$0x3FAA] =	sst s6  }
0xf: {  	[smem:$0x3FAB] =	sst s7  }
0x10: {  	[smem:$0x3FAC] =	sst s8  }
0x11: {  	[smem:$0x3FAD] =	sst s9;
	s0 =	simm.s32 @!p0 $0x0  }
0x12: {  	s1 =	sld [smem:$0x3F93];
	s0 =	simm.s32 @p0 $0x1  }
0x13: {  	[smem:$0x3FAE] =	sst s0;
	s0 =	simm.s32 @!p1 $0x0  }
0x14: {  	s2 =	sld [smem:$0x3F92];
	s0 =	simm.s32 @p1 $0x1  }
0x15: {  	[smem:$0x3FAF] =	sst s0;
	s0 =	simm.s32 @!p2 $0x0  }
0x16: {  	s3 =	sld [smem:$0x3FDB];
	s0 =	simm.s32 @p2 $0x1  }
0x17: {  	s4 =	simm.s32 $0x1BF5;
	[smem:$0x3FB1] =	sst s0  }
0x18: {  	s0 =	sld [smem:$0x3F94];
	_ =	swait.ge [sflag:s4], $0x0  }
0x19: {  	s7 =	sld [smem:$0x3F95]  }
0x1a: {  	s8 =	sadd.s32 $0xFFFFE003, lr  }
0x1b: {  	s9 =	sadd.s32 $0xFFFFFEF7, lr;
	s5 =	simm.s32 $0xFFFFFFFF;
	p2 =	slt.u32 s8, $0xFFFFF086  }
0x1c: {  	p1 =	slt.u32 s9, $0xF7A;
	s5 =	simm.s32 @!p2 $0x0  }
0x1d: {  	s5 =	simm.s32 @p1 $0x1;
	p0 =	seq.s32 s7, s2  }
0x1e: {  	s7 =	smul.u32 @!p0 $0xF7A, s2;
	p2 =	seq.s32 @!p0 s5, $0x0  }
0x1f: {  	s9 =	smul.u32 $0xF7A, s1;
	s8 =	simm.s32 @!p0 $0x1BF5;
	p2 =	por !p2, p0  }
0x20: {  	[sflag:s8] =	ssyncset.s32 @!p0 $0xFFFFF086;
	s6 =	sadd.s32 @!p0 s3, s7;
	s7 =	simm.s32 @!p0 $0x108  }
0x21: {  	s3 =	sadd.s32 s3, s9;
	s6 =	sadd.s32 @!p0 $0x88, s6;
	s7 =	simm.s32 @p2 $0x1082  }
0x22: {  	[simem:s7], [sflag:s8] =	dma.local @!p0 [hbm:s6], $0xF7A  }
0x23: {  	s9 =	sor.u32 $0xD0000000, s2;
	s6 =	simm.s32 $0x108;
	_ =	swait.ge @!p0 [sflag:s8], $0x0  }
0x24: {  	s3 =	sadd.s32 $0x88, s3;
	s6 =	simm.s32 @!p1 $0x1082;
	[sflag:s4] =	ssyncset.s32 $0xFFFFF086  }
0x25: {  	[simem:s6], [sflag:s4] =	dma.local [hbm:s3], $0xF7A  }
0x26: {  	[smem:$0x3F95] =	sst s1;
	(tag) =	ssettag s2;
	_ =	strace s9  }
0x27: {  	s1 =	sld [smem:$0x3FA5]  }
0x28: {  	s2 =	sld [smem:$0x3FA6]  }
0x29: {  	s4 =	sld [smem:$0x3FA8]  }
0x2a: {  	p0 =	seq.s32 s5, $0x0;
	s5 =	sld [smem:$0x3FA9]  }
0x2b: {  	s6 =	sld [smem:$0x3FAA]  }
0x2c: {  	s7 =	sld [smem:$0x3FAB]  }
0x2d: {  	s3 =	simm.s32 $0x108;
	s8 =	sld [smem:$0x3FAC]  }
0x2e: {  	s3 =	simm.s32 @!p0 $0x1082;
	s9 =	sld [smem:$0x3FAD]  }
0x2f: {  	lr =	sadd.s32 s0, s3;
	s0 =	sld [smem:$0x3FA4]  }
0x30: {  	s3 =	sld [smem:$0x3FA7]  }
0x31: {  	[smem:$0x3FB0] =	sst s10  }
0x32: {  	s10 =	sld [smem:$0x3FAE];
	_ =	sdelay $0x3  }
0x33: {  	p0 =	seq.s32 s10, $0x1;
	s10 =	sld [smem:$0x3FB0];
	_ =	sdelay $0x3  }
0x34: {  	[smem:$0x3FB0] =	sst s10  }
0x35: {  	s10 =	sld [smem:$0x3FAF];
	_ =	sdelay $0x3  }
0x36: {  	p1 =	seq.s32 s10, $0x1;
	s10 =	sld [smem:$0x3FB0];
	_ =	sdelay $0x3  }
0x37: {  	[smem:$0x3FB0] =	sst s10  }
0x38: {  	s10 =	sld [smem:$0x3FB1]  }
0x39: {  	_ = 	snop;
	(pc) =	sbr.ind lr, $3  }
0x3a: {  	_ = 	snop  }
0x3b: {  	_ = 	snop  }
0x3c: {  	p2 =	seq.s32 s10, $0x1;
	s10 =	sld [smem:$0x3FB0]  }
0x3d: {  	_ =	shalt  }
0x3e: {  	_ =	shalt  }
0x3f: {  	_ =	shalt  }
0x40: {  	_ =	shalt  }
0x41: {  	_ =	shalt  }
0x42: {  	_ =	shalt  }
0x43: {  	_ =	shalt  }
0x44: {  	_ =	shalt  }
0x45: {  	_ =	shalt  }
0x46: {  	_ =	shalt  }
0x47: {  	_ =	shalt  }
0x48: {  	_ =	shalt  }
0x49: {  	_ =	shalt  }
0x4a: {  	_ =	shalt  }
0x4b: {  	_ =	shalt  }
0x4c: {  	_ =	shalt  }
0x4d: {  	_ =	shalt  }
0x4e: {  	_ =	shalt  }
0x4f: {  	_ =	shalt  }
0x50: {  	_ =	shalt  }
0x51: {  	_ =	shalt  }
0x52: {  	_ =	shalt  }
0x53: {  	_ =	shalt  }
0x54: {  	_ =	shalt  }
0x55: {  	_ =	shalt  }
0x56: {  	_ =	shalt  }
0x57: {  	_ =	shalt  }
0x58: {  	_ =	shalt  }
0x59: {  	_ =	shalt  }
0x5a: {  	_ =	shalt  }
0x5b: {  	_ =	shalt  }
0x5c: {  	_ =	shalt  }
0x5d: {  	_ =	shalt  }
0x5e: {  	_ =	shalt  }
0x5f: {  	_ =	shalt  }
0x60: {  	_ =	shalt  }
0x61: {  	_ =	shalt  }
0x62: {  	_ =	shalt  }
0x63: {  	_ =	shalt  }
0x64: {  	_ =	shalt  }
0x65: {  	_ =	shalt  }
0x66: {  	_ =	shalt  }
0x67: {  	_ =	shalt  }
0x68: {  	_ =	shalt  }
0x69: {  	_ =	shalt  }
0x6a: {  	_ =	shalt  }
0x6b: {  	_ =	shalt  }
0x6c: {  	_ =	shalt  }
0x6d: {  	_ =	shalt  }
0x6e: {  	_ =	shalt  }
0x6f: {  	_ =	shalt  }
0x70: {  	_ =	shalt  }
0x71: {  	_ =	shalt  }
0x72: {  	_ =	shalt  }
0x73: {  	_ =	shalt  }
0x74: {  	_ =	shalt  }
0x75: {  	_ =	shalt  }
0x76: {  	_ =	shalt  }
0x77: {  	_ =	shalt  }
0x78: {  	_ =	shalt  }
0x79: {  	_ =	shalt  }
0x7a: {  	_ =	shalt  }
0x7b: {  	_ =	shalt  }
0x7c: {  	_ =	shalt  }
0x7d: {  	_ =	shalt  }
0x7e: {  	_ =	shalt  }
0x7f: {  	_ =	shalt  }
0x80: {  	_ =	shalt  }
0x81: {  	_ =	shalt  }
0x82: {  	_ =	shalt  }
0x83: {  	_ =	shalt  }
0x84: {  	_ =	shalt  }
0x85: {  	_ =	shalt  }
0x86: {  	_ =	shalt  }
0x87: {  	_ =	shalt  }
.Lfunc_end0:
.L_simem_size_0:
called_computation.1_lowered:
.L_overlay_start_0:
0x88: {  	s2 =	sld [smem:$0x3FD9]  }
0x89: {  	s3 =	sld [smem:$0x3FFE];
	_ =	sdelay $0x1  }
0x8a: {  	s1 =	srdreg.scid  }
0x8b: {  	s0 =	sand.u32 $0x1, s1  }
0x8c: {  	s16 =	sshll.u32 s0, $0xA;
	s2 =	sadd.s32 s3, s2  }
0x8d: {  	s2 =	sadd.s32 s2, s16  }
0x8e: {  	[smem:$0x3FBC] =	sst s2  }
0x8f: {  	_ = 	snop  }
0x90: {  	(tm) =	ssettm $0x1  }
0x91: {  	s17 =	sld [smem:$0x3FFB];
	_ =	sdelay $0x3  }
0x92: {  	_ =	strace s17  }
0x93: {  	s2 =	sld [smem:$0x3FFC];
	_ =	sdelay $0x3  }
0x94: {  	_ =	strace s2  }
0x95: {  	s2 =	sld [smem:$0x3FFD];
	_ =	sdelay $0x3  }
0x96: {  	_ =	strace s2  }
0x97: {  	_ =	strace $0x8FFFFFFF  }
0x98: {  	s18 =	sld [smem:$0x3FDB];
	_ =	sdelay $0x1  }
0x99: {  	s19 =	simm.s32 $_scs_section_size  }
0x9a: {  	s4 =	simm.s32 $_size__tile_overlayer_lowered;
	s5 =	simm.s32 $_tile_overlayer_lowered  }
0x9b: {  	s22 =	simm.s32 $0x1BFF;
	s21 =	sshll.u32 s5, $0x1;
	s2 =	sadd.s32 s19, s18  }
0x9c: {  	s6 =	simm.s32 $0x0;
	s20 =	sshll.u32 s4, $0x1;
	s4 =	sadd.s32 s21, s2  }
0x9d: {  	[timem:s6], [sflag:s22] =	dma.local [hbm:s4], s20  }
0x9e: {  	_ =	swait.ge [sflag:s22], s20  }
0x9f: {  	s3 =	ssub.s32 $0x0, s20;
	[sflag:s22] =	ssyncset.done $0x0  }
0xa0: {  	[sflag:s22] =	ssyncadd.s32 s3;
	_ =	sdelay $0x1  }
0xa1: {  	s23 =	simm.s32 $0x1B8B  }
0xa2: {  	_ =	swait.ge [sflag:s23], $0x1  }
0xa3: {  	[sflag:s23] =	ssyncset.done $0x0  }
0xa4: {  	s25 =	simm.s32 $0x1B8E;
	s24 =	sld [smem:$0x3FFE];
	[sflag:s23] =	ssyncadd.s32 $0xFFFFFFFF  }
0xa5: {  	s26 =	simm.s32 $execute0_lowered;
	[smem:$0x3FD2] =	sst s25  }
0xa6: {  	s4 =	sshll.u32 s26, $0x1;
	_ =	strace $0x80000049;
	[dreg:$0x1] =	wrdreg $0xFFFFFFFF  }
0xa7: {  	s28 =	simm.s32 $_size_execute0_lowered;
	s2 =	sadd.s32 s2, s4;
	[dreg:$0x0] =	wrdreg $0x0  }
0xa8: {  	s4 =	sshll.u32 s28, $0x1;
	[dreg:$0x2] =	wrdreg s2  }
0xa9: {  	[dreg:$0x3] =	wrdreg s4  }
0xaa: {  	[dreg:$0x4] =	wrdreg $0xC0  }
0xab: {  	_ =	task [dreg:s6], $0x5FFFF  }
0xac: {  	[dreg:$0x1] =	wrdreg $0xFFFFFFFF  }
0xad: {  	[dreg:$0x0] =	wrdreg $0x60  }
0xae: {  	[dreg:$0x2] =	wrdreg s24  }
0xaf: {  	[dreg:$0x3] =	wrdreg $0xB0000  }
0xb0: {  	[dreg:$0x4] =	wrdreg $0x9  }
0xb1: {  	_ =	task.clear_ibuf [dreg:s6], $0x5FFFF;
	_ =	strace $0x90000049  }
0xb2: {  	s29 =	simm.s32 $0x9;
	_ =	strace $0x8000004B  }
0xb3: {  	_ =	swait.ge [sflag:s29], $0x1  }
0xb4: {  	[sflag:s29] =	ssyncadd.s32 $0xFFFFFFFF  }
0xb5: {  	_ =	strace $0x9000004B  }
0xb6: {  	_ =	sfence  }
0xb7: {  	s30 =	sld [smem:$0x0];
	_ =	sdelay $0x2  }
0xb8: {  	s31 =	sshll.u32 s1, $0xD;
	s1 =	sshrl.u32 s1, $0x2  }
0xb9: {  	s3 =	sand.u32 $0x4000, s31;
	s1 =	sadd.s32 s1, s30  }
0xba: {  	s0 =	sor.u32 s3, s0;
	s1 =	sshll.u32 s1, $0x11  }
0xbb: {  	s0 =	sor.u32 s1, s0  }
0xbc: {  	s0 =	sadd.s32 $0x8F2B, s0  }
0xbd: {  	[sflag:s0] =	ssyncadd.remote.s32 $0x1  }
0xbe: {  	_ =	sfence.sel $0xFFFF  }
0xbf: {  	[dreg:$0x0] =	wrdreg $0xFFFFFFFF;
	(pc) =	sbr.abs _section_cstart, $3  }
0xc0: {  	[dreg:$0x1] =	wrdreg $0xFFFFFFFF  }
0xc1: {  	_ =	task.clear_ibuf [dreg:s6], $0x2FFFF;
	_ =	strace $0x9FFFFFFF  }
0xc2: {  	(tm) =	ssettm $0x7FFFFFFF  }
0xc3: {  	_ =	shalt  }
tec
execute0_lowered:
.L_overlay_start_1:
0x0: {  	(tag) =	ssettag $0x1  }
0x1: {  	s0 =	rddreg [dreg:$0x0]  }
0x2: {  	s1 =	rddreg [dreg:$0x1]  }
0x3: {  	s2 =	simm.s32 $0x0;
	s4 =	srdreg.scid;
	s12 =	stileid.u32  }
0x4: {  	s28 =	simm.s32 $0x1;
	s29 =	simm.s32 $0x80;
	s30 =	simm.s32 $0x7000  }
0x5: {  	s31 =	simm.s32 $0x2;
	[smem:$0x7FF] =	sst s2;
	s3 =	sadd.s32 $0x40C00, s0  }
0x6: {  	s5 =	sadd.s32 $0x5000, s0;
	s6 =	sadd.s32 $0x4AC00, s0;
	s7 =	sadd.s32 $0xF000, s0  }
0x7: {  	s4 =	sand.u32 $0x1, s4;
	s0 =	sadd.s32 $0x7BE00, s0;
	s9 =	smul.u32 $0x50000, s12  }
0x8: {  	s14 =	smul.u32 $0x14000, s12;
	_ =	strace $0x8000004A;
	s8 =	ssub.s32 $0x2, s4  }
0x9: {  	s11 =	sshll.u32 s4, $0x4;
	s4 =	smul.u32 $0x140000, s4;
	s10 =	sshrl.u32 s8, $0x1  }
0xa: {  	s11 =	sor.u32 s12, s11;
	s20 =	sshrl.u32 s9, $0x2;
	s16 =	sadd.s32 $0x4000, s14  }
0xb: {  	s17 =	sadd.s32 $0x8000, s14;
	s18 =	sadd.s32 $0xC000, s14;
	s19 =	sadd.s32 $0x10000, s14  }
0xc: {  	s15 =	ssub.s32 s8, s10;
	s8 =	sadd.s32 s20, s1;
	s9 =	sadd.s32 s16, s1  }
0xd: {  	s10 =	sadd.s32 s17, s1;
	s11 =	smul.u32 $0x500, s11;
	s12 =	sadd.s32 s18, s1  }
0xe: {  	s13 =	sadd.s32 s19, s1;
	s14 =	sadd.s32 s14, s4;
	s16 =	sadd.s32 s4, s16  }
0xf: {  	s24 =	sadd.s32 s4, s17;
	s25 =	sadd.s32 s4, s18;
	s4 =	sadd.s32 s4, s19  }
0x10: {  	s14 =	sshrl.u32 s14, $0x3;
	s16 =	sshrl.u32 s16, $0x3;
	s20 =	sadd.s32 s3, s11  }
0x11: {  	s26 =	sshrl.u32 s25, $0x3;
	s21 =	sadd.s32 s5, s11;
	[dreg:$0x3] =	wrdreg s20  }
0x12: {  	s4 =	sshrl.u32 s4, $0x3;
	s22 =	sadd.s32 s6, s11;
	[dreg:$0x4] =	wrdreg s21  }
0x13: {  	s14 =	sadd.s32 s0, s14;
	s23 =	sadd.s32 s0, s16;
	[dreg:$0x5] =	wrdreg s22  }
.Ltmp0:
0x14: {  	[dreg:$0x6] =	wrdreg s14;
	s14 =	sshrl.u32 s24, $0x3;
	(pc) =	sbr.rel .LBB2_1-.Ltmp0, $4  }
0x15: {  	[dreg:$0x7] =	wrdreg s23;
	s22 =	smax.u32 s15, $0x1;
	s14 =	sadd.s32 s0, s14  }
0x16: {  	s23 =	simm.s32 $0x3000;
	[dreg:$0x8] =	wrdreg s14;
	s14 =	sadd.s32 s0, s26  }
0x17: {  	s24 =	simm.s32 $0x4;
	s0 =	sadd.s32 s0, s4;
	[dreg:$0x9] =	wrdreg s14  }
0x18: {  	v0 =	vimm.f32 $0.0e+00;
	s26 =	simm.s32 $0x2000;
	[dreg:$0xa] =	wrdreg s0;
	s0 =	simm.s32 $0x0  }
.LBB2_14:
0x19: {  	[bflag:$0x0] =	sbarrier.arrive $0xFFFF  }
0x1a: {  	[tilespmem:s23], [sflag:$0x4] =	stream.linear.gather [spmem:s8], $0x4000, $0x38;
	[tilespmem:$0x1F000] =	vst v63  }
0x1b: {  	_ =	swait.ge [sflag:s24], $0x4000  }
0x1c: {  	[sflag:s24] =	ssyncset.done $0x0  }
0x1d: {  	s4 =	rddreg [dreg:$0x6];
	[sflag:s24] =	ssyncadd.s32 $0xFFFFC000  }
0x1e: {  	[hbm4b:s4+s2] =	stream.linear.scatter [tilespmem:s23], [sflag:$0x4], $0x4000, $0x38;
	[tilespmem:$0x1F000] =	vst v63  }
0x1f: {  	_ =	swait.ge [sflag:s24], $0x4000  }
0x20: {  	[sflag:s24] =	ssyncset.done $0x0  }
0x21: {  	[sflag:s24] =	ssyncadd.s32 $0xFFFFC000  }
0x22: {  	[tilespmem:s23], [sflag:$0x4] =	stream.linear.gather [spmem:s9], $0x4000, $0x38;
	[tilespmem:$0x1F000] =	vst v63  }
0x23: {  	_ =	swait.ge [sflag:s24], $0x4000  }
0x24: {  	[sflag:s24] =	ssyncset.done $0x0  }
0x25: {  	s19 =	rddreg [dreg:$0x7];
	[sflag:s24] =	ssyncadd.s32 $0xFFFFC000  }
0x26: {  	[hbm4b:s19+s2] =	stream.linear.scatter [tilespmem:s23], [sflag:$0x4], $0x4000, $0x38;
	[tilespmem:$0x1F000] =	vst v63  }
0x27: {  	_ =	swait.ge [sflag:s24], $0x4000  }
0x28: {  	[sflag:s24] =	ssyncset.done $0x0  }
0x29: {  	[sflag:s24] =	ssyncadd.s32 $0xFFFFC000  }
0x2a: {  	[tilespmem:s23], [sflag:$0x4] =	stream.linear.gather [spmem:s10], $0x4000, $0x38;
	[tilespmem:$0x1F000] =	vst v63  }
0x2b: {  	_ =	swait.ge [sflag:s24], $0x4000  }
0x2c: {  	[sflag:s24] =	ssyncset.done $0x0  }
0x2d: {  	s20 =	rddreg [dreg:$0x8];
	[sflag:s24] =	ssyncadd.s32 $0xFFFFC000  }
0x2e: {  	[hbm4b:s20+s2] =	stream.linear.scatter [tilespmem:s23], [sflag:$0x4], $0x4000, $0x38;
	[tilespmem:$0x1F000] =	vst v63  }
0x2f: {  	_ =	swait.ge [sflag:s24], $0x4000  }
0x30: {  	[sflag:s24] =	ssyncset.done $0x0  }
0x31: {  	[sflag:s24] =	ssyncadd.s32 $0xFFFFC000  }
0x32: {  	[tilespmem:s23], [sflag:$0x4] =	stream.linear.gather [spmem:s12], $0x4000, $0x38;
	[tilespmem:$0x1F000] =	vst v63  }
0x33: {  	_ =	swait.ge [sflag:s24], $0x4000  }
0x34: {  	[sflag:s24] =	ssyncset.done $0x0  }
0x35: {  	s21 =	rddreg [dreg:$0x9];
	[sflag:s24] =	ssyncadd.s32 $0xFFFFC000  }
0x36: {  	[hbm4b:s21+s2] =	stream.linear.scatter [tilespmem:s23], [sflag:$0x4], $0x4000, $0x38;
	[tilespmem:$0x1F000] =	vst v63  }
0x37: {  	_ =	swait.ge [sflag:s24], $0x4000  }
0x38: {  	[sflag:s24] =	ssyncset.done $0x0  }
0x39: {  	[sflag:s24] =	ssyncadd.s32 $0xFFFFC000  }
0x3a: {  	[tilespmem:s23], [sflag:$0x4] =	stream.linear.gather [spmem:s13], $0x4000, $0x38;
	[tilespmem:$0x1F000] =	vst v63  }
0x3b: {  	s0 =	sadd.s32 $0x1, s0;
	_ =	swait.ge [sflag:s24], $0x4000  }
0x3c: {  	p0 =	sne.s32 s0, s22;
	[sflag:s24] =	ssyncset.done $0x0  }
.Ltmp1:
0x3d: {  	s25 =	rddreg [dreg:$0xa];
	[sflag:s24] =	ssyncadd.s32 $0xFFFFC000;
	(pc) =	sbr.rel @!p0 .LBB2_15-.Ltmp1, $4  }
0x3e: {  	[hbm4b:s25+s2] =	stream.linear.scatter [tilespmem:s23], [sflag:$0x4], $0x4000, $0x38;
	[tilespmem:$0x1F000] =	vst v63  }
0x3f: {  	_ =	swait.ge [sflag:s24], $0x4000  }
0x40: {  	[sflag:s24] =	ssyncset.done $0x0  }
0x41: {  	[sflag:s24] =	ssyncadd.s32 $0xFFFFC000  }
.LBB2_1:
0x42: {  	s4 =	simm.s32 $0x0;
	s14 =	simm.s32 $0x200  }
.LBB2_2:
0x43: {  	p0 =	sne.s32 s14, $0xFE00;
	[tilespmem:s4+$0x3070] =	vst v0  }
0x44: {  	[tilespmem:s4+$0x3000] =	vst v0  }
0x45: {  	[tilespmem:s4+$0x3010] =	vst v0  }
.Ltmp2:
0x46: {  	[tilespmem:s4+$0x3020] =	vst v0;
	(pc) =	sbr.rel @p0 .LBB2_2-.Ltmp2, $4  }
0x47: {  	[tilespmem:s4+$0x3030] =	vst v0  }
0x48: {  	[tilespmem:s4+$0x3040] =	vst v0  }
0x49: {  	[tilespmem:s4+$0x3050] =	vst v0  }
0x4a: {  	[tilespmem:s4+$0x3060] =	vst v0;
	s4 =	sshra.s32 s14, $0x2;
	s14 =	sadd.s32 $0x200, s14  }
0x4b: {  	[tilespmem:s4+$0x3070] =	vst v0  }
0x4c: {  	[tilespmem:s4+$0x3000] =	vst v0  }
0x4d: {  	[tilespmem:s4+$0x3010] =	vst v0  }
0x4e: {  	[tilespmem:s4+$0x3020] =	vst v0  }
0x4f: {  	[tilespmem:s4+$0x3030] =	vst v0  }
0x50: {  	[tilespmem:s4+$0x3040] =	vst v0  }
0x51: {  	[tilespmem:s4+$0x3050] =	vst v0  }
0x52: {  	[tilespmem:s4+$0x3060] =	vst v0  }
0x53: {  	[spmem:s8] =	stream.linear.scatter [tilespmem:s23], [sflag:$0x4], $0x4000, $0x38;
	[tilespmem:$0x1F000] =	vst v63  }
0x54: {  	_ =	swait.ge [sflag:s24], $0x4000  }
0x55: {  	[sflag:s24] =	ssyncset.done $0x0  }
0x56: {  	[sflag:s24] =	ssyncadd.s32 $0xFFFFC000  }
0x57: {  	[spmem:s9] =	stream.linear.scatter [tilespmem:s23], [sflag:$0x4], $0x4000, $0x38;
	[tilespmem:$0x1F000] =	vst v63  }
0x58: {  	_ =	swait.ge [sflag:s24], $0x4000  }
0x59: {  	[sflag:s24] =	ssyncset.done $0x0  }
0x5a: {  	[sflag:s24] =	ssyncadd.s32 $0xFFFFC000  }
0x5b: {  	[spmem:s10] =	stream.linear.scatter [tilespmem:s23], [sflag:$0x4], $0x4000, $0x38;
	[tilespmem:$0x1F000] =	vst v63  }
0x5c: {  	_ =	swait.ge [sflag:s24], $0x4000  }
0x5d: {  	[sflag:s24] =	ssyncset.done $0x0  }
0x5e: {  	[sflag:s24] =	ssyncadd.s32 $0xFFFFC000  }
0x5f: {  	[spmem:s12] =	stream.linear.scatter [tilespmem:s23], [sflag:$0x4], $0x4000, $0x38;
	[tilespmem:$0x1F000] =	vst v63  }
0x60: {  	_ =	swait.ge [sflag:s24], $0x4000  }
0x61: {  	[sflag:s24] =	ssyncset.done $0x0  }
0x62: {  	[sflag:s24] =	ssyncadd.s32 $0xFFFFC000  }
0x63: {  	[spmem:s13] =	stream.linear.scatter [tilespmem:s23], [sflag:$0x4], $0x4000, $0x38;
	[tilespmem:$0x1F000] =	vst v63  }
0x64: {  	_ =	swait.ge [sflag:s24], $0x4000  }
0x65: {  	[sflag:s24] =	ssyncset.done $0x0  }
0x66: {  	s14 =	simm.s32 $0x0;
	s20 =	rddreg [dreg:$0x3];
	[sflag:s24] =	ssyncadd.s32 $0xFFFFC000  }
0x67: {  	[tilespmem:s14], [sflag:$0x4] =	stream.linear.gather [hbm4b:s20+s14], $0x800, $0x38;
	[tilespmem:$0x1F000] =	vst v63  }
0x68: {  	_ =	swait.ge [sflag:s24], $0x800  }
0x69: {  	[sflag:s24] =	ssyncset.done $0x0  }
0x6a: {  	s15 =	simm.s32 $0x1000;
	s21 =	rddreg [dreg:$0x4];
	[sflag:s24] =	ssyncadd.s32 $0xFFFFF800  }
0x6b: {  	[tilespmem:s15], [sflag:$0x4] =	stream.linear.gather [hbm4b:s21+s14], $0x800, $0x38;
	[tilespmem:$0x1F000] =	vst v63  }
0x6c: {  	_ =	swait.ge [sflag:s24], $0x800  }
0x6d: {  	[sflag:s24] =	ssyncset.done $0x0  }
0x6e: {  	s25 =	rddreg [dreg:$0x5];
	[sflag:s24] =	ssyncadd.s32 $0xFFFFF800  }
0x6f: {  	[tilespmem:s26], [sflag:$0x4] =	stream.linear.gather [hbm4b:s25+s14], $0x800, $0x38;
	[tilespmem:$0x1F000] =	vst v63  }
.Ltmp3:
0x70: {  	_ =	swait.ge [sflag:s24], $0x800;
	(pc) =	sbr.rel .LBB2_5-.Ltmp3, $3  }
0x71: {  	[sflag:s24] =	ssyncset.done $0x0  }
0x72: {  	[sflag:s24] =	ssyncadd.s32 $0xFFFFF800  }
0x73: {  	[bflag:$0x0] =	sbarrier.arrive $0xFFFF;
	_ =	sdelay $0x1  }
.LBB2_4:
0x74: {  	p0 =	sgt.u32 s4, $0x4  }
.Ltmp4:
0x75: {  	_ = 	snop;
	(pc) =	sbr.rel @p0 .LBB2_14-.Ltmp4, $2  }
0x76: {  	_ =	sdelay $0x2  }
0x77: {  	s14 =	smov.u32 s4  }
.LBB2_5:
0x78: {  	p0 =	seq.s32 s14, $0x0  }
0x79: {  	s4 =	simm.s32 @!p0 $0x3  }
0x7a: {  	_ =	swait.ge @!p0 [sflag:s4], $0x800  }
0x7b: {  	[sflag:s4] =	ssyncset.done @!p0 $0x0  }
0x7c: {  	p1 =	seq.s32 @!p0 s14, $0x4;
	[sflag:s4] =	ssyncadd.s32 @!p0 $0xFFFFF800  }
0x7d: {  	p1 =	por p0, !p1;
	_ =	swait.ge @!p0 [sflag:s4], $0x800  }
.Ltmp5:
0x7e: {  	[sflag:s4] =	ssyncset.done @!p0 $0x0;
	(pc) =	sbr.rel @!p1 .LBB2_7-.Ltmp5, $4  }
0x7f: {  	[sflag:s4] =	ssyncadd.s32 @!p0 $0xFFFFF800  }
0x80: {  	_ =	swait.ge @!p0 [sflag:s4], $0x800  }
0x81: {  	[sflag:s4] =	ssyncset.done @!p0 $0x0  }
0x82: {  	[sflag:s4] =	ssyncadd.s32 @!p0 $0xFFFFF800;
	s4 =	simm.s32 @!p0 $0x5  }
0x83: {  	s4 =	sadd.s32 @!p0 $0x1, s14  }
0x84: {  	s4 =	simm.s32 @p0 $0x1  }
0x85: {  	s15 =	sshll.u32 s4, $0x8  }
0x86: {  	s16 =	sshll.u32 s4, $0xB;
	s15 =	sadd.s32 s11, s15  }
0x87: {  	s16 =	sand.u32 $0x800, s16;
	s17 =	sadd.s32 s3, s15  }
0x88: {  	[tilespmem:s16], [sflag:$0x3] =	stream.linear.gather [hbm4b:s17+s2], $0x800, $0x38;
	[tilespmem:$0x1F000] =	vst v63  }
0x89: {  	s25 =	sor.u32 $0x1000, s16;
	s18 =	sadd.s32 s5, s15;
	s15 =	sand.u32 $0x1FFFFF00, s15  }
0x8a: {  	[tilespmem:s25], [sflag:$0x3] =	stream.linear.gather [hbm4b:s18+s2], $0x800, $0x38;
	[tilespmem:$0x1F000] =	vst v63  }
0x8b: {  	s16 =	sor.u32 $0x2000, s16;
	s15 =	sadd.s32 s6, s15  }
0x8c: {  	[tilespmem:s16], [sflag:$0x3] =	stream.linear.gather [hbm4b:s15+s2], $0x800, $0x38;
	[tilespmem:$0x1F000] =	vst v63  }
.LBB2_7:
0x8d: {  	s15 =	sshll.u32 s14, $0x4  }
0x8e: {  	s25 =	sand.u32 $0x10, s15  }
0x8f: {  	s21 =	sshll.u32 s14, $0xB;
	s15 =	sshll.u32 s25, $0x7  }
0x90: {  	[tilespmem:s23], [sflag:$0x1] =	stream.indirect.gather [hbm4b:s7+s29], $0x80, s15, s29, $0xb8;
	[tilespmem:$0x1F000] =	vst v63  }
0x91: {  	s14 =	sand.u32 $0x800, s21;
	s15 =	sadd.s32 $0x80, s15  }
0x92: {  	[tilespmem:s30], [sflag:$0x2] =	stream.indirect.gather [hbm4b:s7+s29], $0x80, s15, s29, $0xb8;
	[tilespmem:$0x1F000] =	vst v63  }
0x93: {  	s16 =	simm.s32 $0x0;
	s15 =	sor.u32 $0x80, s14  }
.LBB2_8:
0x94: {  	_ =	swait.ge [sflag:s28], $0x4000;
	s17 =	sadd.s32 $0x0, s14  }
0x95: {  	[sflag:s28] =	ssyncset.done $0x0;
	v1 =	vmov s17  }
0x96: {  	s18 =	simm.s32 $0x3040;
	[sflag:s28] =	ssyncadd.s32 $0xFFFFC000  }
0x97: {  	v5 =	vld [tilespmem:s18+$0x30]  }
0x98: {  	v8 =	vld [tilespmem:s18+$0x10]  }
0x99: {  	v6 =	vld [tilespmem:s18+$0xFFFFFFC0]  }
0x9a: {  	v2 =	vld.idx.msk [tilespmem:v1+s26+$0x0], $0xffff  }
0x9b: {  	v10 =	vld [tilespmem:s18+$0xFFFFFFE0]  }
0x9c: {  	v3 =	vld [tilespmem:s18+$0x20]  }
0x9d: {  	v4 =	vld [tilespmem:s18+$0xFFFFFFD0]  }
0x9e: {  	v1 =	vld [tilespmem:s18+$0xFFFFFFF0]  }
0x9f: {  	v9 =	vmul.f32 v5, v2;
	v5 =	vld [tilespmem:s18+$0x0]  }
0xa0: {  	v7 =	vmul.f32 v6, v2  }
0xa1: {  	s19 =	simm.s32 $0x1;
	s20 =	simm.s32 $0x3040;
	s17 =	sshll.u32 s16, $0x1;
	v6 =	vmul.f32 v10, v2;
	v8 =	vmul.f32 v8, v2  }
.LBB2_9:
0xa2: {  	p0 =	sne.s32 s19, $0x7F  }
0xa3: {  	v4 =	vmul.f32 v4, v2;
	v3 =	vmul.f32 v3, v2;
	[tilespmem:s18+$0x30] =	vst v9;
	s20 =	sadd.s32 $0x80, s20;
	s21 =	smov.u32 s19;
	s19 =	sadd.s32 $0x1, s19  }
0xa4: {  	[tilespmem:s18+$0xFFFFFFC0] =	vst v7;
	v7 =	vmul.f32 v1, v2;
	v2 =	vmul.f32 v5, v2  }
0xa5: {  	s21 =	sadd.s32 s21, s14;
	[tilespmem:s18+$0x10] =	vst v8  }
0xa6: {  	v5 =	vmov s21;
	[tilespmem:s18+$0xFFFFFFE0] =	vst v6  }
0xa7: {  	v1 =	vld [tilespmem:s20+$0xFFFFFFF0];
	[tilespmem:s18+$0xFFFFFFF0] =	vst v7  }
0xa8: {  	v6 =	vld [tilespmem:s20+$0x30];
	[tilespmem:s18+$0x0] =	vst v2  }
0xa9: {  	v8 =	vld [tilespmem:s20+$0x10];
	[tilespmem:s18+$0x20] =	vst v3  }
0xaa: {  	v7 =	vld [tilespmem:s20+$0xFFFFFFC0];
	[tilespmem:s18+$0xFFFFFFD0] =	vst v4;
	s18 =	smov.u32 s20  }
0xab: {  	v2 =	vld.idx.msk [tilespmem:v5+s26+$0x0], $0xffff  }
0xac: {  	v10 =	vld [tilespmem:s20+$0xFFFFFFE0]  }
0xad: {  	v3 =	vld [tilespmem:s20+$0x20]  }
.Ltmp6:
0xae: {  	v4 =	vld [tilespmem:s20+$0xFFFFFFD0];
	(pc) =	sbr.rel @p0 .LBB2_9-.Ltmp6, $3  }
0xaf: {  	v5 =	vld [tilespmem:s20+$0x0];
	_ =	sdelay $0x1  }
0xb0: {  	v7 =	vmul.f32 v7, v2;
	v9 =	vmul.f32 v6, v2  }
0xb1: {  	v8 =	vmul.f32 v8, v2;
	v6 =	vmul.f32 v10, v2  }
0xb2: {  	[tilespmem:s18+$0x30] =	vst v9  }
0xb3: {  	[tilespmem:s18+$0xFFFFFFC0] =	vst v7  }
0xb4: {  	v1 =	vmul.f32 v1, v2;
	[tilespmem:s18+$0x10] =	vst v8  }
0xb5: {  	v3 =	vmul.f32 v3, v2;
	[tilespmem:s18+$0xFFFFFFE0] =	vst v6  }
0xb6: {  	s19 =	sor.u32 s25, s17;
	v5 =	vmul.f32 v5, v2;
	[tilespmem:s18+$0xFFFFFFF0] =	vst v1  }
0xb7: {  	s19 =	sshll.u32 s19, $0x9;
	v1 =	vmul.f32 v4, v2;
	[tilespmem:s18+$0x20] =	vst v3  }
0xb8: {  	s20 =	sshrl.u32 s19, $0x2;
	[tilespmem:s18+$0x0] =	vst v5  }
0xb9: {  	s21 =	sadd.s32 $0x1000, s20;
	[tilespmem:s18+$0xFFFFFFD0] =	vst v1  }
0xba: {  	[spmem:s1] =	stream.indirect.scatter.add.f32 [tilespmem:s23], [sflag:$0x4], $0x80, s21, s29, $0xb8;
	[tilespmem:$0x1F000] =	vst v63  }
0xbb: {  	p0 =	seq.s32 s16, $0x7;
	_ =	swait.ge [sflag:s24], $0x4000  }
0xbc: {  	s20 =	simm.s32 @!p0 $0x3000;
	s18 =	sshrl.u32 @!p0 s19, $0x2;
	[sflag:s24] =	ssyncset.done $0x0  }
0xbd: {  	s19 =	simm.s32 @!p0 $0x80;
	s18 =	sadd.s32 @!p0 $0x100, s18;
	[sflag:s24] =	ssyncadd.s32 $0xFFFFC000  }
0xbe: {  	[tilespmem:s20], [sflag:$0x1] =	stream.indirect.gather @!p0 [hbm4b:s7+s19], $0x80, s18, s19, $0xb8;
	[tilespmem:$0x1F000] =	vst v63  }
0xbf: {  	_ =	swait.ge [sflag:s31], $0x4000  }
0xc0: {  	v1 =	vmov s15;
	[sflag:s31] =	ssyncset.done $0x0  }
0xc1: {  	s18 =	simm.s32 $0x0;
	[sflag:s31] =	ssyncadd.s32 $0xFFFFC000  }
0xc2: {  	v9 =	vld [tilespmem:s18+$0x7020]  }
0xc3: {  	v8 =	vld [tilespmem:s18+$0x7000]  }
0xc4: {  	v4 =	vld [tilespmem:s18+$0x7050]  }
0xc5: {  	v1 =	vld.idx.msk [tilespmem:v1+s26+$0x0], $0xffff  }
0xc6: {  	v5 =	vld [tilespmem:s18+$0x7030]  }
0xc7: {  	v3 =	vld [tilespmem:s18+$0x7060]  }
0xc8: {  	v6 =	vld [tilespmem:s18+$0x7040]  }
0xc9: {  	v7 =	vld [tilespmem:s18+$0x7070]  }
0xca: {  	s17 =	sor.u32 $0x1, s17;
	s19 =	simm.s32 $0x200;
	s20 =	smov.u32 s15;
	v2 =	vld [tilespmem:s18+$0x7010];
	v8 =	vmul.f32 v8, v1;
	v9 =	vmul.f32 v9, v1  }
.LBB2_11:
0xcb: {  	p1 =	sne.s32 s19, $0xFE00  }
0xcc: {  	v5 =	vmul.f32 v5, v1;
	v4 =	vmul.f32 v4, v1;
	s20 =	sadd.s32 $0x1, s20;
	s21 =	smov.u32 s19;
	s19 =	sadd.s32 $0x200, s19  }
0xcd: {  	v3 =	vmul.f32 v3, v1;
	[tilespmem:s18+$0x7020] =	vst v9;
	v6 =	vmul.f32 v6, v1  }
0xce: {  	[tilespmem:s18+$0x7000] =	vst v8;
	v7 =	vmul.f32 v7, v1  }
0xcf: {  	v8 =	vmov s20;
	[tilespmem:s18+$0x7050] =	vst v4  }
0xd0: {  	s21 =	sshra.s32 s21, $0x2;
	[tilespmem:s18+$0x7070] =	vst v7  }
0xd1: {  	v1 =	vmul.f32 v2, v1;
	v9 =	vld [tilespmem:s21+$0x7020];
	[tilespmem:s18+$0x7030] =	vst v5  }
0xd2: {  	v10 =	vld [tilespmem:s21+$0x7000];
	[tilespmem:s18+$0x7040] =	vst v6  }
0xd3: {  	v4 =	vld [tilespmem:s21+$0x7050];
	[tilespmem:s18+$0x7060] =	vst v3  }
0xd4: {  	v5 =	vld [tilespmem:s21+$0x7030];
	[tilespmem:s18+$0x7010] =	vst v1;
	s18 =	smov.u32 s21  }
0xd5: {  	v1 =	vld.idx.msk [tilespmem:v8+s26+$0x0], $0xffff  }
0xd6: {  	v3 =	vld [tilespmem:s18+$0x7060]  }
.Ltmp7:
0xd7: {  	v2 =	vld [tilespmem:s18+$0x7010];
	(pc) =	sbr.rel @p1 .LBB2_11-.Ltmp7, $3  }
0xd8: {  	v6 =	vld [tilespmem:s18+$0x7040]  }
0xd9: {  	v7 =	vld [tilespmem:s18+$0x7070];
	_ =	sdelay $0x1  }
0xda: {  	v8 =	vmul.f32 v10, v1;
	v9 =	vmul.f32 v9, v1  }
0xdb: {  	_ = 	snop  }
0xdc: {  	v4 =	vmul.f32 v4, v1;
	[tilespmem:s18+$0x7020] =	vst v9  }
0xdd: {  	v5 =	vmul.f32 v5, v1;
	[tilespmem:s18+$0x7000] =	vst v8  }
0xde: {  	v3 =	vmul.f32 v3, v1;
	[tilespmem:s18+$0x7050] =	vst v4  }
0xdf: {  	v63 =	vmul.f32 v6, v1;
	[tilespmem:s18+$0x7030] =	vst v5  }
0xe0: {  	s17 =	sor.u32 s25, s17;
	v7 =	vmul.f32 v7, v1;
	[tilespmem:s18+$0x7060] =	vst v3  }
0xe1: {  	s17 =	sshll.u32 s17, $0x9;
	v1 =	vmul.f32 v2, v1;
	[tilespmem:s18+$0x7040] =	vst v63  }
0xe2: {  	s17 =	sshrl.u32 s17, $0x2;
	[tilespmem:s18+$0x7070] =	vst v7  }
.Ltmp8:
0xe3: {  	s21 =	sadd.s32 $0x1000, s17;
	[tilespmem:s18+$0x7010] =	vst v1;
	(pc) =	sbr.rel @p0 .LBB2_4-.Ltmp8, $4  }
0xe4: {  	[spmem:s1] =	stream.indirect.scatter.add.f32 [tilespmem:s30], [sflag:$0x4], $0x80, s21, s29, $0xb8;
	[tilespmem:$0x1F000] =	vst v63  }
0xe5: {  	_ =	swait.ge [sflag:s24], $0x4000  }
0xe6: {  	[sflag:s24] =	ssyncset.done $0x0  }
0xe7: {  	[sflag:s24] =	ssyncadd.s32 $0xFFFFC000  }
.Ltmp9:
0xe8: {  	(pc) =	sbr.rel .LBB2_8-.Ltmp9, $4  }
0xe9: {  	_ = 	snop  }
0xea: {  	s17 =	sadd.s32 $0x100, s17  }
0xeb: {  	s16 =	sadd.s32 $0x1, s16;
	s14 =	sadd.s32 $0x100, s14;
	s15 =	sadd.s32 $0x100, s15  }
0xec: {  	[tilespmem:s30], [sflag:$0x2] =	stream.indirect.gather [hbm4b:s7+s29], $0x80, s17, s29, $0xb8;
	[tilespmem:$0x1F000] =	vst v63  }
.LBB2_15:
0xed: {  	_ =	sfence.sel $0x180000  }
0xee: {  	[bflag:$0x0] =	sbarrier.arrive $0xFFFF  }
0xef: {  	_ =	strace $0x9000004A  }
0xf0: {  	s0 =	stileid.u32;
	[bflag:$0x2] =	sbarrier.arrive $0xFFFF  }
0xf1: {  	p0 =	sne.s32 s0, $0x0;
	s0 =	rddreg [dreg:$0x2]  }
0xf2: {  	s0 =	sadd.s32 @!p0 $0x100000, s0  }
0xf3: {  	[sflag:s0] =	ssyncadd.tile.s32 @!p0 $0x1;
	_ =	shalt  }
.Lfunc_end2:
_tile_overlayer_lowered:
.L_overlay_start_2:
0xf4: {  	(tag) =	ssettag $0x2  }
0xf5: {  	s0 =	rddreg [dreg:$0x0];
	s2 =	stileid.u32  }
0xf6: {  	s1 =	rddreg [dreg:$0x1];
	p0 =	sne.s32 s2, $0x0  }
0xf7: {  	s3 =	rddreg [dreg:$0x2];
	[bflag:$0x3] =	sbarrier.arrive $0xFFFF;
	s2 =	simm.s32 @!p0 $0x1C04  }
0xf8: {  	[timem:s3], [sflag:s2] =	dma.local @!p0 [hbm:s0], s1  }
0xf9: {  	s0 =	simm.s32 @!p0 $0x4  }
0xfa: {  	_ =	swait.ge @!p0 [sflag:s0], s1  }
0xfb: {  	s1 =	ssub.s32 @!p0 $0x0, s1;
	[sflag:s0] =	ssyncset.done @!p0 $0x0  }
0xfc: {  	[sflag:s0] =	ssyncadd.s32 @!p0 s1  }
0xfd: {  	[bflag:$0x3] =	sbarrier.arrive $0xFFFF  }
0xfe: {  	_ =	shalt  }

// kernel: _run.14.cloned.1.call-start
scs
__scs_entry_jumppad:
0x0: {  	(pc) =	sbr.rel $0x88, $3  }
0x1: {  	(tag) =	ssettag $0x0;
	lr =	simm.s32 $0x1  }
0x2: {  	[smem:$0x3F95] =	sst lr;
	_ =	strace $0xD0000000  }
0x3: {  	_ = 	snop  }
0x4: {  	_ = 	snop  }
0x5: {  	_ = 	snop  }
0x6: {  	_ = 	snop  }
0x7: {  	_ = 	snop  }
__scs_overlays_trampoline_lowered:
0x8: {  	[smem:$0x3FA4] =	sst s0  }
0x9: {  	[smem:$0x3FA5] =	sst s1  }
0xa: {  	[smem:$0x3FA6] =	sst s2  }
0xb: {  	[smem:$0x3FA7] =	sst s3  }
0xc: {  	[smem:$0x3FA8] =	sst s4  }
0xd: {  	[smem:$0x3FA9] =	sst s5  }
0xe: {  	[smem:$0x3FAA] =	sst s6  }
0xf: {  	[smem:$0x3FAB] =	sst s7  }
0x10: {  	[smem:$0x3FAC] =	sst s8  }
0x11: {  	[smem:$0x3FAD] =	sst s9;
	s0 =	simm.s32 @!p0 $0x0  }
0x12: {  	s1 =	sld [smem:$0x3F93];
	s0 =	simm.s32 @p0 $0x1  }
0x13: {  	[smem:$0x3FAE] =	sst s0;
	s0 =	simm.s32 @!p1 $0x0  }
0x14: {  	s2 =	sld [smem:$0x3F92];
	s0 =	simm.s32 @p1 $0x1  }
0x15: {  	[smem:$0x3FAF] =	sst s0;
	s0 =	simm.s32 @!p2 $0x0  }
0x16: {  	s3 =	sld [smem:$0x3FDB];
	s0 =	simm.s32 @p2 $0x1  }
0x17: {  	s4 =	simm.s32 $0x1BF5;
	[smem:$0x3FB1] =	sst s0  }
0x18: {  	s0 =	sld [smem:$0x3F94];
	_ =	swait.ge [sflag:s4], $0x0  }
0x19: {  	s7 =	sld [smem:$0x3F95]  }
0x1a: {  	s8 =	sadd.s32 $0xFFFFE003, lr  }
0x1b: {  	s9 =	sadd.s32 $0xFFFFFEF7, lr;
	s5 =	simm.s32 $0xFFFFFFFF;
	p2 =	slt.u32 s8, $0xFFFFF086  }
0x1c: {  	p1 =	slt.u32 s9, $0xF7A;
	s5 =	simm.s32 @!p2 $0x0  }
0x1d: {  	s5 =	simm.s32 @p1 $0x1;
	p0 =	seq.s32 s7, s2  }
0x1e: {  	s7 =	smul.u32 @!p0 $0xF7A, s2;
	p2 =	seq.s32 @!p0 s5, $0x0  }
0x1f: {  	s9 =	smul.u32 $0xF7A, s1;
	s8 =	simm.s32 @!p0 $0x1BF5;
	p2 =	por !p2, p0  }
0x20: {  	[sflag:s8] =	ssyncset.s32 @!p0 $0xFFFFF086;
	s6 =	sadd.s32 @!p0 s3, s7;
	s7 =	simm.s32 @!p0 $0x108  }
0x21: {  	s3 =	sadd.s32 s3, s9;
	s6 =	sadd.s32 @!p0 $0x88, s6;
	s7 =	simm.s32 @p2 $0x1082  }
0x22: {  	[simem:s7], [sflag:s8] =	dma.local @!p0 [hbm:s6], $0xF7A  }
0x23: {  	s9 =	sor.u32 $0xD0000000, s2;
	s6 =	simm.s32 $0x108;
	_ =	swait.ge @!p0 [sflag:s8], $0x0  }
0x24: {  	s3 =	sadd.s32 $0x88, s3;
	s6 =	simm.s32 @!p1 $0x1082;
	[sflag:s4] =	ssyncset.s32 $0xFFFFF086  }
0x25: {  	[simem:s6], [sflag:s4] =	dma.local [hbm:s3], $0xF7A  }
0x26: {  	[smem:$0x3F95] =	sst s1;
	(tag) =	ssettag s2;
	_ =	strace s9  }
0x27: {  	s1 =	sld [smem:$0x3FA5]  }
0x28: {  	s2 =	sld [smem:$0x3FA6]  }
0x29: {  	s4 =	sld [smem:$0x3FA8]  }
0x2a: {  	p0 =	seq.s32 s5, $0x0;
	s5 =	sld [smem:$0x3FA9]  }
0x2b: {  	s6 =	sld [smem:$0x3FAA]  }
0x2c: {  	s7 =	sld [smem:$0x3FAB]  }
0x2d: {  	s3 =	simm.s32 $0x108;
	s8 =	sld [smem:$0x3FAC]  }
0x2e: {  	s3 =	simm.s32 @!p0 $0x1082;
	s9 =	sld [smem:$0x3FAD]  }
0x2f: {  	lr =	sadd.s32 s0, s3;
	s0 =	sld [smem:$0x3FA4]  }
0x30: {  	s3 =	sld [smem:$0x3FA7]  }
0x31: {  	[smem:$0x3FB0] =	sst s10  }
0x32: {  	s10 =	sld [smem:$0x3FAE];
	_ =	sdelay $0x3  }
0x33: {  	p0 =	seq.s32 s10, $0x1;
	s10 =	sld [smem:$0x3FB0];
	_ =	sdelay $0x3  }
0x34: {  	[smem:$0x3FB0] =	sst s10  }
0x35: {  	s10 =	sld [smem:$0x3FAF];
	_ =	sdelay $0x3  }
0x36: {  	p1 =	seq.s32 s10, $0x1;
	s10 =	sld [smem:$0x3FB0];
	_ =	sdelay $0x3  }
0x37: {  	[smem:$0x3FB0] =	sst s10  }
0x38: {  	s10 =	sld [smem:$0x3FB1]  }
0x39: {  	_ = 	snop;
	(pc) =	sbr.ind lr, $3  }
0x3a: {  	_ = 	snop  }
0x3b: {  	_ = 	snop  }
0x3c: {  	p2 =	seq.s32 s10, $0x1;
	s10 =	sld [smem:$0x3FB0]  }
0x3d: {  	_ =	shalt  }
0x3e: {  	_ =	shalt  }
0x3f: {  	_ =	shalt  }
0x40: {  	_ =	shalt  }
0x41: {  	_ =	shalt  }
0x42: {  	_ =	shalt  }
0x43: {  	_ =	shalt  }
0x44: {  	_ =	shalt  }
0x45: {  	_ =	shalt  }
0x46: {  	_ =	shalt  }
0x47: {  	_ =	shalt  }
0x48: {  	_ =	shalt  }
0x49: {  	_ =	shalt  }
0x4a: {  	_ =	shalt  }
0x4b: {  	_ =	shalt  }
0x4c: {  	_ =	shalt  }
0x4d: {  	_ =	shalt  }
0x4e: {  	_ =	shalt  }
0x4f: {  	_ =	shalt  }
0x50: {  	_ =	shalt  }
0x51: {  	_ =	shalt  }
0x52: {  	_ =	shalt  }
0x53: {  	_ =	shalt  }
0x54: {  	_ =	shalt  }
0x55: {  	_ =	shalt  }
0x56: {  	_ =	shalt  }
0x57: {  	_ =	shalt  }
0x58: {  	_ =	shalt  }
0x59: {  	_ =	shalt  }
0x5a: {  	_ =	shalt  }
0x5b: {  	_ =	shalt  }
0x5c: {  	_ =	shalt  }
0x5d: {  	_ =	shalt  }
0x5e: {  	_ =	shalt  }
0x5f: {  	_ =	shalt  }
0x60: {  	_ =	shalt  }
0x61: {  	_ =	shalt  }
0x62: {  	_ =	shalt  }
0x63: {  	_ =	shalt  }
0x64: {  	_ =	shalt  }
0x65: {  	_ =	shalt  }
0x66: {  	_ =	shalt  }
0x67: {  	_ =	shalt  }
0x68: {  	_ =	shalt  }
0x69: {  	_ =	shalt  }
0x6a: {  	_ =	shalt  }
0x6b: {  	_ =	shalt  }
0x6c: {  	_ =	shalt  }
0x6d: {  	_ =	shalt  }
0x6e: {  	_ =	shalt  }
0x6f: {  	_ =	shalt  }
0x70: {  	_ =	shalt  }
0x71: {  	_ =	shalt  }
0x72: {  	_ =	shalt  }
0x73: {  	_ =	shalt  }
0x74: {  	_ =	shalt  }
0x75: {  	_ =	shalt  }
0x76: {  	_ =	shalt  }
0x77: {  	_ =	shalt  }
0x78: {  	_ =	shalt  }
0x79: {  	_ =	shalt  }
0x7a: {  	_ =	shalt  }
0x7b: {  	_ =	shalt  }
0x7c: {  	_ =	shalt  }
0x7d: {  	_ =	shalt  }
0x7e: {  	_ =	shalt  }
0x7f: {  	_ =	shalt  }
0x80: {  	_ =	shalt  }
0x81: {  	_ =	shalt  }
0x82: {  	_ =	shalt  }
0x83: {  	_ =	shalt  }
0x84: {  	_ =	shalt  }
0x85: {  	_ =	shalt  }
0x86: {  	_ =	shalt  }
0x87: {  	_ =	shalt  }
.Lfunc_end0:
.L_simem_size_0:
called_computation.2_lowered:
.L_overlay_start_0:
0x88: {  	s2 =	sld [smem:$0x3FD9]  }
0x89: {  	s3 =	sld [smem:$0x3FFE];
	_ =	sdelay $0x1  }
0x8a: {  	s1 =	srdreg.scid  }
0x8b: {  	s0 =	sand.u32 $0x1, s1  }
0x8c: {  	s16 =	sshll.u32 s0, $0xA;
	s2 =	sadd.s32 s3, s2  }
0x8d: {  	s2 =	sadd.s32 s2, s16  }
0x8e: {  	[smem:$0x3FBC] =	sst s2  }
0x8f: {  	_ = 	snop  }
0x90: {  	(tm) =	ssettm $0x1  }
0x91: {  	s17 =	sld [smem:$0x3FFB];
	_ =	sdelay $0x3  }
0x92: {  	_ =	strace s17  }
0x93: {  	s2 =	sld [smem:$0x3FFC];
	_ =	sdelay $0x3  }
0x94: {  	_ =	strace s2  }
0x95: {  	s2 =	sld [smem:$0x3FFD];
	_ =	sdelay $0x3  }
0x96: {  	_ =	strace s2  }
0x97: {  	_ =	strace $0x8FFFFFFF  }
0x98: {  	s18 =	sld [smem:$0x3FDB];
	_ =	sdelay $0x1  }
0x99: {  	s19 =	simm.s32 $_scs_section_size  }
0x9a: {  	s4 =	simm.s32 $_size__tile_overlayer_lowered;
	s5 =	simm.s32 $_tile_overlayer_lowered  }
0x9b: {  	s22 =	simm.s32 $0x1BFF;
	s21 =	sshll.u32 s5, $0x1;
	s2 =	sadd.s32 s19, s18  }
0x9c: {  	s6 =	simm.s32 $0x0;
	s20 =	sshll.u32 s4, $0x1;
	s4 =	sadd.s32 s21, s2  }
0x9d: {  	[timem:s6], [sflag:s22] =	dma.local [hbm:s4], s20  }
0x9e: {  	_ =	swait.ge [sflag:s22], s20  }
0x9f: {  	s3 =	ssub.s32 $0x0, s20;
	[sflag:s22] =	ssyncset.done $0x0  }
0xa0: {  	[sflag:s22] =	ssyncadd.s32 s3;
	_ =	sdelay $0x1  }
0xa1: {  	s23 =	simm.s32 $0x1B8B  }
0xa2: {  	_ =	swait.ge [sflag:s23], $0x1  }
0xa3: {  	[sflag:s23] =	ssyncset.done $0x0  }
0xa4: {  	s25 =	simm.s32 $0x1B8E;
	s24 =	sld [smem:$0x3FFE];
	[sflag:s23] =	ssyncadd.s32 $0xFFFFFFFF  }
0xa5: {  	s26 =	simm.s32 $execute0_lowered;
	[smem:$0x3FD2] =	sst s25  }
0xa6: {  	s4 =	sshll.u32 s26, $0x1;
	_ =	strace $0x8000004C;
	[dreg:$0x1] =	wrdreg $0xFFFFFFFF  }
0xa7: {  	s28 =	simm.s32 $_size_execute0_lowered;
	s2 =	sadd.s32 s2, s4;
	[dreg:$0x0] =	wrdreg $0x0  }
0xa8: {  	s4 =	sshll.u32 s28, $0x1;
	[dreg:$0x2] =	wrdreg s2  }
0xa9: {  	[dreg:$0x3] =	wrdreg s4  }
0xaa: {  	[dreg:$0x4] =	wrdreg $0xC0  }
0xab: {  	_ =	task [dreg:s6], $0x5FFFF  }
0xac: {  	[dreg:$0x1] =	wrdreg $0xFFFFFFFF  }
0xad: {  	[dreg:$0x0] =	wrdreg $0x60  }
0xae: {  	[dreg:$0x2] =	wrdreg s24  }
0xaf: {  	[dreg:$0x3] =	wrdreg $0xB0000  }
0xb0: {  	[dreg:$0x4] =	wrdreg $0x9  }
0xb1: {  	_ =	task.clear_ibuf [dreg:s6], $0x5FFFF;
	_ =	strace $0x9000004C  }
0xb2: {  	s29 =	simm.s32 $0x9;
	_ =	strace $0x8000004E  }
0xb3: {  	_ =	swait.ge [sflag:s29], $0x1  }
0xb4: {  	[sflag:s29] =	ssyncadd.s32 $0xFFFFFFFF  }
0xb5: {  	_ =	strace $0x9000004E  }
0xb6: {  	_ =	sfence  }
0xb7: {  	s30 =	sld [smem:$0x0];
	_ =	sdelay $0x2  }
0xb8: {  	s31 =	sshll.u32 s1, $0xD;
	s1 =	sshrl.u32 s1, $0x2  }
0xb9: {  	s3 =	sand.u32 $0x4000, s31;
	s1 =	sadd.s32 s1, s30  }
0xba: {  	s0 =	sor.u32 s3, s0;
	s1 =	sshll.u32 s1, $0x11  }
0xbb: {  	s0 =	sor.u32 s1, s0  }
0xbc: {  	s0 =	sadd.s32 $0x8F2B, s0  }
0xbd: {  	[sflag:s0] =	ssyncadd.remote.s32 $0x1  }
0xbe: {  	_ =	sfence.sel $0xFFFF  }
0xbf: {  	[dreg:$0x0] =	wrdreg $0xFFFFFFFF;
	(pc) =	sbr.abs _section_cstart, $3  }
0xc0: {  	[dreg:$0x1] =	wrdreg $0xFFFFFFFF  }
0xc1: {  	_ =	task.clear_ibuf [dreg:s6], $0x2FFFF;
	_ =	strace $0x9FFFFFFF  }
0xc2: {  	(tm) =	ssettm $0x7FFFFFFF  }
0xc3: {  	_ =	shalt  }
tec
execute0_lowered:
.L_overlay_start_1:
0x0: {  	(tag) =	ssettag $0x1  }
0x1: {  	s0 =	rddreg [dreg:$0x0]  }
0x2: {  	s1 =	rddreg [dreg:$0x1]  }
0x3: {  	s2 =	simm.s32 $0x0;
	s4 =	srdreg.scid;
	s12 =	stileid.u32  }
0x4: {  	s28 =	simm.s32 $0x1;
	s29 =	simm.s32 $0x80;
	s30 =	simm.s32 $0x7000  }
0x5: {  	s31 =	simm.s32 $0x2;
	[smem:$0x7FF] =	sst s2;
	s3 =	sadd.s32 $0x40C00, s0  }
0x6: {  	s5 =	sadd.s32 $0x5000, s0;
	s6 =	sadd.s32 $0x4AC00, s0;
	s7 =	sadd.s32 $0xF000, s0  }
0x7: {  	s4 =	sand.u32 $0x1, s4;
	s0 =	sadd.s32 $0x7BE00, s0;
	s9 =	smul.u32 $0x50000, s12  }
0x8: {  	s14 =	smul.u32 $0x14000, s12;
	_ =	strace $0x8000004D;
	s8 =	ssub.s32 $0x2, s4  }
0x9: {  	s11 =	sshll.u32 s4, $0x4;
	s4 =	smul.u32 $0x140000, s4;
	s10 =	sshrl.u32 s8, $0x1  }
0xa: {  	s11 =	sor.u32 s12, s11;
	s20 =	sshrl.u32 s9, $0x2;
	s16 =	sadd.s32 $0x4000, s14  }
0xb: {  	s17 =	sadd.s32 $0x8000, s14;
	s18 =	sadd.s32 $0xC000, s14;
	s19 =	sadd.s32 $0x10000, s14  }
0xc: {  	s15 =	ssub.s32 s8, s10;
	s8 =	sadd.s32 s20, s1;
	s9 =	sadd.s32 s16, s1  }
0xd: {  	s10 =	sadd.s32 s17, s1;
	s11 =	smul.u32 $0x500, s11;
	s12 =	sadd.s32 s18, s1  }
0xe: {  	s13 =	sadd.s32 s19, s1;
	s14 =	sadd.s32 s14, s4;
	s16 =	sadd.s32 s4, s16  }
0xf: {  	s24 =	sadd.s32 s4, s17;
	s25 =	sadd.s32 s4, s18;
	s4 =	sadd.s32 s4, s19  }
0x10: {  	s14 =	sshrl.u32 s14, $0x3;
	s16 =	sshrl.u32 s16, $0x3;
	s20 =	sadd.s32 s3, s11  }
0x11: {  	s26 =	sshrl.u32 s25, $0x3;
	s21 =	sadd.s32 s5, s11;
	[dreg:$0x3] =	wrdreg s20  }
0x12: {  	s4 =	sshrl.u32 s4, $0x3;
	s22 =	sadd.s32 s6, s11;
	[dreg:$0x4] =	wrdreg s21  }
0x13: {  	s14 =	sadd.s32 s0, s14;
	s23 =	sadd.s32 s0, s16;
	[dreg:$0x5] =	wrdreg s22  }
.Ltmp0:
0x14: {  	[dreg:$0x6] =	wrdreg s14;
	s14 =	sshrl.u32 s24, $0x3;
	(pc) =	sbr.rel .LBB2_1-.Ltmp0, $4  }
0x15: {  	[dreg:$0x7] =	wrdreg s23;
	s22 =	smax.u32 s15, $0x1;
	s14 =	sadd.s32 s0, s14  }
0x16: {  	s23 =	simm.s32 $0x3000;
	[dreg:$0x8] =	wrdreg s14;
	s14 =	sadd.s32 s0, s26  }
0x17: {  	s24 =	simm.s32 $0x4;
	s0 =	sadd.s32 s0, s4;
	[dreg:$0x9] =	wrdreg s14  }
0x18: {  	v0 =	vimm.f32 $0.0e+00;
	s26 =	simm.s32 $0x2000;
	[dreg:$0xa] =	wrdreg s0;
	s0 =	simm.s32 $0x0  }
.LBB2_14:
0x19: {  	[bflag:$0x0] =	sbarrier.arrive $0xFFFF  }
0x1a: {  	[tilespmem:s23], [sflag:$0x4] =	stream.linear.gather [spmem:s8], $0x4000, $0x38;
	[tilespmem:$0x1F000] =	vst v63  }
0x1b: {  	_ =	swait.ge [sflag:s24], $0x4000  }
0x1c: {  	[sflag:s24] =	ssyncset.done $0x0  }
0x1d: {  	s4 =	rddreg [dreg:$0x6];
	[sflag:s24] =	ssyncadd.s32 $0xFFFFC000  }
0x1e: {  	[hbm4b:s4+s2] =	stream.linear.scatter [tilespmem:s23], [sflag:$0x4], $0x4000, $0x38;
	[tilespmem:$0x1F000] =	vst v63  }
0x1f: {  	_ =	swait.ge [sflag:s24], $0x4000  }
0x20: {  	[sflag:s24] =	ssyncset.done $0x0  }
0x21: {  	[sflag:s24] =	ssyncadd.s32 $0xFFFFC000  }
0x22: {  	[tilespmem:s23], [sflag:$0x4] =	stream.linear.gather [spmem:s9], $0x4000, $0x38;
	[tilespmem:$0x1F000] =	vst v63  }
0x23: {  	_ =	swait.ge [sflag:s24], $0x4000  }
0x24: {  	[sflag:s24] =	ssyncset.done $0x0  }
0x25: {  	s19 =	rddreg [dreg:$0x7];
	[sflag:s24] =	ssyncadd.s32 $0xFFFFC000  }
0x26: {  	[hbm4b:s19+s2] =	stream.linear.scatter [tilespmem:s23], [sflag:$0x4], $0x4000, $0x38;
	[tilespmem:$0x1F000] =	vst v63  }
0x27: {  	_ =	swait.ge [sflag:s24], $0x4000  }
0x28: {  	[sflag:s24] =	ssyncset.done $0x0  }
0x29: {  	[sflag:s24] =	ssyncadd.s32 $0xFFFFC000  }
0x2a: {  	[tilespmem:s23], [sflag:$0x4] =	stream.linear.gather [spmem:s10], $0x4000, $0x38;
	[tilespmem:$0x1F000] =	vst v63  }
0x2b: {  	_ =	swait.ge [sflag:s24], $0x4000  }
0x2c: {  	[sflag:s24] =	ssyncset.done $0x0  }
0x2d: {  	s20 =	rddreg [dreg:$0x8];
	[sflag:s24] =	ssyncadd.s32 $0xFFFFC000  }
0x2e: {  	[hbm4b:s20+s2] =	stream.linear.scatter [tilespmem:s23], [sflag:$0x4], $0x4000, $0x38;
	[tilespmem:$0x1F000] =	vst v63  }
0x2f: {  	_ =	swait.ge [sflag:s24], $0x4000  }
0x30: {  	[sflag:s24] =	ssyncset.done $0x0  }
0x31: {  	[sflag:s24] =	ssyncadd.s32 $0xFFFFC000  }
0x32: {  	[tilespmem:s23], [sflag:$0x4] =	stream.linear.gather [spmem:s12], $0x4000, $0x38;
	[tilespmem:$0x1F000] =	vst v63  }
0x33: {  	_ =	swait.ge [sflag:s24], $0x4000  }
0x34: {  	[sflag:s24] =	ssyncset.done $0x0  }
0x35: {  	s21 =	rddreg [dreg:$0x9];
	[sflag:s24] =	ssyncadd.s32 $0xFFFFC000  }
0x36: {  	[hbm4b:s21+s2] =	stream.linear.scatter [tilespmem:s23], [sflag:$0x4], $0x4000, $0x38;
	[tilespmem:$0x1F000] =	vst v63  }
0x37: {  	_ =	swait.ge [sflag:s24], $0x4000  }
0x38: {  	[sflag:s24] =	ssyncset.done $0x0  }
0x39: {  	[sflag:s24] =	ssyncadd.s32 $0xFFFFC000  }
0x3a: {  	[tilespmem:s23], [sflag:$0x4] =	stream.linear.gather [spmem:s13], $0x4000, $0x38;
	[tilespmem:$0x1F000] =	vst v63  }
0x3b: {  	s0 =	sadd.s32 $0x1, s0;
	_ =	swait.ge [sflag:s24], $0x4000  }
0x3c: {  	p0 =	sne.s32 s0, s22;
	[sflag:s24] =	ssyncset.done $0x0  }
.Ltmp1:
0x3d: {  	s25 =	rddreg [dreg:$0xa];
	[sflag:s24] =	ssyncadd.s32 $0xFFFFC000;
	(pc) =	sbr.rel @!p0 .LBB2_15-.Ltmp1, $4  }
0x3e: {  	[hbm4b:s25+s2] =	stream.linear.scatter [tilespmem:s23], [sflag:$0x4], $0x4000, $0x38;
	[tilespmem:$0x1F000] =	vst v63  }
0x3f: {  	_ =	swait.ge [sflag:s24], $0x4000  }
0x40: {  	[sflag:s24] =	ssyncset.done $0x0  }
0x41: {  	[sflag:s24] =	ssyncadd.s32 $0xFFFFC000  }
.LBB2_1:
0x42: {  	s4 =	simm.s32 $0x0;
	s14 =	simm.s32 $0x200  }
.LBB2_2:
0x43: {  	p0 =	sne.s32 s14, $0xFE00;
	[tilespmem:s4+$0x3070] =	vst v0  }
0x44: {  	[tilespmem:s4+$0x3000] =	vst v0  }
0x45: {  	[tilespmem:s4+$0x3010] =	vst v0  }
.Ltmp2:
0x46: {  	[tilespmem:s4+$0x3020] =	vst v0;
	(pc) =	sbr.rel @p0 .LBB2_2-.Ltmp2, $4  }
0x47: {  	[tilespmem:s4+$0x3030] =	vst v0  }
0x48: {  	[tilespmem:s4+$0x3040] =	vst v0  }
0x49: {  	[tilespmem:s4+$0x3050] =	vst v0  }
0x4a: {  	[tilespmem:s4+$0x3060] =	vst v0;
	s4 =	sshra.s32 s14, $0x2;
	s14 =	sadd.s32 $0x200, s14  }
0x4b: {  	[tilespmem:s4+$0x3070] =	vst v0  }
0x4c: {  	[tilespmem:s4+$0x3000] =	vst v0  }
0x4d: {  	[tilespmem:s4+$0x3010] =	vst v0  }
0x4e: {  	[tilespmem:s4+$0x3020] =	vst v0  }
0x4f: {  	[tilespmem:s4+$0x3030] =	vst v0  }
0x50: {  	[tilespmem:s4+$0x3040] =	vst v0  }
0x51: {  	[tilespmem:s4+$0x3050] =	vst v0  }
0x52: {  	[tilespmem:s4+$0x3060] =	vst v0  }
0x53: {  	[spmem:s8] =	stream.linear.scatter [tilespmem:s23], [sflag:$0x4], $0x4000, $0x38;
	[tilespmem:$0x1F000] =	vst v63  }
0x54: {  	_ =	swait.ge [sflag:s24], $0x4000  }
0x55: {  	[sflag:s24] =	ssyncset.done $0x0  }
0x56: {  	[sflag:s24] =	ssyncadd.s32 $0xFFFFC000  }
0x57: {  	[spmem:s9] =	stream.linear.scatter [tilespmem:s23], [sflag:$0x4], $0x4000, $0x38;
	[tilespmem:$0x1F000] =	vst v63  }
0x58: {  	_ =	swait.ge [sflag:s24], $0x4000  }
0x59: {  	[sflag:s24] =	ssyncset.done $0x0  }
0x5a: {  	[sflag:s24] =	ssyncadd.s32 $0xFFFFC000  }
0x5b: {  	[spmem:s10] =	stream.linear.scatter [tilespmem:s23], [sflag:$0x4], $0x4000, $0x38;
	[tilespmem:$0x1F000] =	vst v63  }
0x5c: {  	_ =	swait.ge [sflag:s24], $0x4000  }
0x5d: {  	[sflag:s24] =	ssyncset.done $0x0  }
0x5e: {  	[sflag:s24] =	ssyncadd.s32 $0xFFFFC000  }
0x5f: {  	[spmem:s12] =	stream.linear.scatter [tilespmem:s23], [sflag:$0x4], $0x4000, $0x38;
	[tilespmem:$0x1F000] =	vst v63  }
0x60: {  	_ =	swait.ge [sflag:s24], $0x4000  }
0x61: {  	[sflag:s24] =	ssyncset.done $0x0  }
0x62: {  	[sflag:s24] =	ssyncadd.s32 $0xFFFFC000  }
0x63: {  	[spmem:s13] =	stream.linear.scatter [tilespmem:s23], [sflag:$0x4], $0x4000, $0x38;
	[tilespmem:$0x1F000] =	vst v63  }
0x64: {  	_ =	swait.ge [sflag:s24], $0x4000  }
0x65: {  	[sflag:s24] =	ssyncset.done $0x0  }
0x66: {  	s14 =	simm.s32 $0x0;
	s20 =	rddreg [dreg:$0x3];
	[sflag:s24] =	ssyncadd.s32 $0xFFFFC000  }
0x67: {  	[tilespmem:s14], [sflag:$0x4] =	stream.linear.gather [hbm4b:s20+s14], $0x800, $0x38;
	[tilespmem:$0x1F000] =	vst v63  }
0x68: {  	_ =	swait.ge [sflag:s24], $0x800  }
0x69: {  	[sflag:s24] =	ssyncset.done $0x0  }
0x6a: {  	s15 =	simm.s32 $0x1000;
	s21 =	rddreg [dreg:$0x4];
	[sflag:s24] =	ssyncadd.s32 $0xFFFFF800  }
0x6b: {  	[tilespmem:s15], [sflag:$0x4] =	stream.linear.gather [hbm4b:s21+s14], $0x800, $0x38;
	[tilespmem:$0x1F000] =	vst v63  }
0x6c: {  	_ =	swait.ge [sflag:s24], $0x800  }
0x6d: {  	[sflag:s24] =	ssyncset.done $0x0  }
0x6e: {  	s25 =	rddreg [dreg:$0x5];
	[sflag:s24] =	ssyncadd.s32 $0xFFFFF800  }
0x6f: {  	[tilespmem:s26], [sflag:$0x4] =	stream.linear.gather [hbm4b:s25+s14], $0x800, $0x38;
	[tilespmem:$0x1F000] =	vst v63  }
.Ltmp3:
0x70: {  	_ =	swait.ge [sflag:s24], $0x800;
	(pc) =	sbr.rel .LBB2_5-.Ltmp3, $3  }
0x71: {  	[sflag:s24] =	ssyncset.done $0x0  }
0x72: {  	[sflag:s24] =	ssyncadd.s32 $0xFFFFF800  }
0x73: {  	[bflag:$0x0] =	sbarrier.arrive $0xFFFF;
	_ =	sdelay $0x1  }
.LBB2_4:
0x74: {  	p0 =	sgt.u32 s4, $0x4  }
.Ltmp4:
0x75: {  	_ = 	snop;
	(pc) =	sbr.rel @p0 .LBB2_14-.Ltmp4, $2  }
0x76: {  	_ =	sdelay $0x2  }
0x77: {  	s14 =	smov.u32 s4  }
.LBB2_5:
0x78: {  	p0 =	seq.s32 s14, $0x0  }
0x79: {  	s4 =	simm.s32 @!p0 $0x3  }
0x7a: {  	_ =	swait.ge @!p0 [sflag:s4], $0x800  }
0x7b: {  	[sflag:s4] =	ssyncset.done @!p0 $0x0  }
0x7c: {  	p1 =	seq.s32 @!p0 s14, $0x4;
	[sflag:s4] =	ssyncadd.s32 @!p0 $0xFFFFF800  }
0x7d: {  	p1 =	por p0, !p1;
	_ =	swait.ge @!p0 [sflag:s4], $0x800  }
.Ltmp5:
0x7e: {  	[sflag:s4] =	ssyncset.done @!p0 $0x0;
	(pc) =	sbr.rel @!p1 .LBB2_7-.Ltmp5, $4  }
0x7f: {  	[sflag:s4] =	ssyncadd.s32 @!p0 $0xFFFFF800  }
0x80: {  	_ =	swait.ge @!p0 [sflag:s4], $0x800  }
0x81: {  	[sflag:s4] =	ssyncset.done @!p0 $0x0  }
0x82: {  	[sflag:s4] =	ssyncadd.s32 @!p0 $0xFFFFF800;
	s4 =	simm.s32 @!p0 $0x5  }
0x83: {  	s4 =	sadd.s32 @!p0 $0x1, s14  }
0x84: {  	s4 =	simm.s32 @p0 $0x1  }
0x85: {  	s15 =	sshll.u32 s4, $0x8  }
0x86: {  	s16 =	sshll.u32 s4, $0xB;
	s15 =	sadd.s32 s11, s15  }
0x87: {  	s16 =	sand.u32 $0x800, s16;
	s17 =	sadd.s32 s3, s15  }
0x88: {  	[tilespmem:s16], [sflag:$0x3] =	stream.linear.gather [hbm4b:s17+s2], $0x800, $0x38;
	[tilespmem:$0x1F000] =	vst v63  }
0x89: {  	s25 =	sor.u32 $0x1000, s16;
	s18 =	sadd.s32 s5, s15;
	s15 =	sand.u32 $0x1FFFFF00, s15  }
0x8a: {  	[tilespmem:s25], [sflag:$0x3] =	stream.linear.gather [hbm4b:s18+s2], $0x800, $0x38;
	[tilespmem:$0x1F000] =	vst v63  }
0x8b: {  	s16 =	sor.u32 $0x2000, s16;
	s15 =	sadd.s32 s6, s15  }
0x8c: {  	[tilespmem:s16], [sflag:$0x3] =	stream.linear.gather [hbm4b:s15+s2], $0x800, $0x38;
	[tilespmem:$0x1F000] =	vst v63  }
.LBB2_7:
0x8d: {  	s15 =	sshll.u32 s14, $0x4  }
0x8e: {  	s25 =	sand.u32 $0x10, s15  }
0x8f: {  	s21 =	sshll.u32 s14, $0xB;
	s15 =	sshll.u32 s25, $0x7  }
0x90: {  	[tilespmem:s23], [sflag:$0x1] =	stream.indirect.gather [hbm4b:s7+s29], $0x80, s15, s29, $0xb8;
	[tilespmem:$0x1F000] =	vst v63  }
0x91: {  	s14 =	sand.u32 $0x800, s21;
	s15 =	sadd.s32 $0x80, s15  }
0x92: {  	[tilespmem:s30], [sflag:$0x2] =	stream.indirect.gather [hbm4b:s7+s29], $0x80, s15, s29, $0xb8;
	[tilespmem:$0x1F000] =	vst v63  }
0x93: {  	s16 =	simm.s32 $0x0;
	s15 =	sor.u32 $0x80, s14  }
.LBB2_8:
0x94: {  	_ =	swait.ge [sflag:s28], $0x4000;
	s17 =	sadd.s32 $0x0, s14  }
0x95: {  	[sflag:s28] =	ssyncset.done $0x0;
	v1 =	vmov s17  }
0x96: {  	s18 =	simm.s32 $0x3040;
	[sflag:s28] =	ssyncadd.s32 $0xFFFFC000  }
0x97: {  	v5 =	vld [tilespmem:s18+$0x30]  }
0x98: {  	v8 =	vld [tilespmem:s18+$0x10]  }
0x99: {  	v6 =	vld [tilespmem:s18+$0xFFFFFFC0]  }
0x9a: {  	v2 =	vld.idx.msk [tilespmem:v1+s26+$0x0], $0xffff  }
0x9b: {  	v10 =	vld [tilespmem:s18+$0xFFFFFFE0]  }
0x9c: {  	v3 =	vld [tilespmem:s18+$0x20]  }
0x9d: {  	v4 =	vld [tilespmem:s18+$0xFFFFFFD0]  }
0x9e: {  	v1 =	vld [tilespmem:s18+$0xFFFFFFF0]  }
0x9f: {  	v9 =	vmul.f32 v5, v2;
	v5 =	vld [tilespmem:s18+$0x0]  }
0xa0: {  	v7 =	vmul.f32 v6, v2  }
0xa1: {  	s19 =	simm.s32 $0x1;
	s20 =	simm.s32 $0x3040;
	s17 =	sshll.u32 s16, $0x1;
	v6 =	vmul.f32 v10, v2;
	v8 =	vmul.f32 v8, v2  }
.LBB2_9:
0xa2: {  	p0 =	sne.s32 s19, $0x7F  }
0xa3: {  	v4 =	vmul.f32 v4, v2;
	v3 =	vmul.f32 v3, v2;
	[tilespmem:s18+$0x30] =	vst v9;
	s20 =	sadd.s32 $0x80, s20;
	s21 =	smov.u32 s19;
	s19 =	sadd.s32 $0x1, s19  }
0xa4: {  	[tilespmem:s18+$0xFFFFFFC0] =	vst v7;
	v7 =	vmul.f32 v1, v2;
	v2 =	vmul.f32 v5, v2  }
0xa5: {  	s21 =	sadd.s32 s21, s14;
	[tilespmem:s18+$0x10] =	vst v8  }
0xa6: {  	v5 =	vmov s21;
	[tilespmem:s18+$0xFFFFFFE0] =	vst v6  }
0xa7: {  	v1 =	vld [tilespmem:s20+$0xFFFFFFF0];
	[tilespmem:s18+$0xFFFFFFF0] =	vst v7  }
0xa8: {  	v6 =	vld [tilespmem:s20+$0x30];
	[tilespmem:s18+$0x0] =	vst v2  }
0xa9: {  	v8 =	vld [tilespmem:s20+$0x10];
	[tilespmem:s18+$0x20] =	vst v3  }
0xaa: {  	v7 =	vld [tilespmem:s20+$0xFFFFFFC0];
	[tilespmem:s18+$0xFFFFFFD0] =	vst v4;
	s18 =	smov.u32 s20  }
0xab: {  	v2 =	vld.idx.msk [tilespmem:v5+s26+$0x0], $0xffff  }
0xac: {  	v10 =	vld [tilespmem:s20+$0xFFFFFFE0]  }
0xad: {  	v3 =	vld [tilespmem:s20+$0x20]  }
.Ltmp6:
0xae: {  	v4 =	vld [tilespmem:s20+$0xFFFFFFD0];
	(pc) =	sbr.rel @p0 .LBB2_9-.Ltmp6, $3  }
0xaf: {  	v5 =	vld [tilespmem:s20+$0x0];
	_ =	sdelay $0x1  }
0xb0: {  	v7 =	vmul.f32 v7, v2;
	v9 =	vmul.f32 v6, v2  }
0xb1: {  	v8 =	vmul.f32 v8, v2;
	v6 =	vmul.f32 v10, v2  }
0xb2: {  	[tilespmem:s18+$0x30] =	vst v9  }
0xb3: {  	[tilespmem:s18+$0xFFFFFFC0] =	vst v7  }
0xb4: {  	v1 =	vmul.f32 v1, v2;
	[tilespmem:s18+$0x10] =	vst v8  }
0xb5: {  	v3 =	vmul.f32 v3, v2;
	[tilespmem:s18+$0xFFFFFFE0] =	vst v6  }
0xb6: {  	s19 =	sor.u32 s25, s17;
	v5 =	vmul.f32 v5, v2;
	[tilespmem:s18+$0xFFFFFFF0] =	vst v1  }
0xb7: {  	s19 =	sshll.u32 s19, $0x9;
	v1 =	vmul.f32 v4, v2;
	[tilespmem:s18+$0x20] =	vst v3  }
0xb8: {  	s20 =	sshrl.u32 s19, $0x2;
	[tilespmem:s18+$0x0] =	vst v5  }
0xb9: {  	s21 =	sadd.s32 $0x1000, s20;
	[tilespmem:s18+$0xFFFFFFD0] =	vst v1  }
0xba: {  	[spmem:s1] =	stream.indirect.scatter.add.f32 [tilespmem:s23], [sflag:$0x4], $0x80, s21, s29, $0xb8;
	[tilespmem:$0x1F000] =	vst v63  }
0xbb: {  	p0 =	seq.s32 s16, $0x7;
	_ =	swait.ge [sflag:s24], $0x4000  }
0xbc: {  	s20 =	simm.s32 @!p0 $0x3000;
	s18 =	sshrl.u32 @!p0 s19, $0x2;
	[sflag:s24] =	ssyncset.done $0x0  }
0xbd: {  	s19 =	simm.s32 @!p0 $0x80;
	s18 =	sadd.s32 @!p0 $0x100, s18;
	[sflag:s24] =	ssyncadd.s32 $0xFFFFC000  }
0xbe: {  	[tilespmem:s20], [sflag:$0x1] =	stream.indirect.gather @!p0 [hbm4b:s7+s19], $0x80, s18, s19, $0xb8;
	[tilespmem:$0x1F000] =	vst v63  }
0xbf: {  	_ =	swait.ge [sflag:s31], $0x4000  }
0xc0: {  	v1 =	vmov s15;
	[sflag:s31] =	ssyncset.done $0x0  }
0xc1: {  	s18 =	simm.s32 $0x0;
	[sflag:s31] =	ssyncadd.s32 $0xFFFFC000  }
0xc2: {  	v9 =	vld [tilespmem:s18+$0x7020]  }
0xc3: {  	v8 =	vld [tilespmem:s18+$0x7000]  }
0xc4: {  	v4 =	vld [tilespmem:s18+$0x7050]  }
0xc5: {  	v1 =	vld.idx.msk [tilespmem:v1+s26+$0x0], $0xffff  }
0xc6: {  	v5 =	vld [tilespmem:s18+$0x7030]  }
0xc7: {  	v3 =	vld [tilespmem:s18+$0x7060]  }
0xc8: {  	v6 =	vld [tilespmem:s18+$0x7040]  }
0xc9: {  	v7 =	vld [tilespmem:s18+$0x7070]  }
0xca: {  	s17 =	sor.u32 $0x1, s17;
	s19 =	simm.s32 $0x200;
	s20 =	smov.u32 s15;
	v2 =	vld [tilespmem:s18+$0x7010];
	v8 =	vmul.f32 v8, v1;
	v9 =	vmul.f32 v9, v1  }
.LBB2_11:
0xcb: {  	p1 =	sne.s32 s19, $0xFE00  }
0xcc: {  	v5 =	vmul.f32 v5, v1;
	v4 =	vmul.f32 v4, v1;
	s20 =	sadd.s32 $0x1, s20;
	s21 =	smov.u32 s19;
	s19 =	sadd.s32 $0x200, s19  }
0xcd: {  	v3 =	vmul.f32 v3, v1;
	[tilespmem:s18+$0x7020] =	vst v9;
	v6 =	vmul.f32 v6, v1  }
0xce: {  	[tilespmem:s18+$0x7000] =	vst v8;
	v7 =	vmul.f32 v7, v1  }
0xcf: {  	v8 =	vmov s20;
	[tilespmem:s18+$0x7050] =	vst v4  }
0xd0: {  	s21 =	sshra.s32 s21, $0x2;
	[tilespmem:s18+$0x7070] =	vst v7  }
0xd1: {  	v1 =	vmul.f32 v2, v1;
	v9 =	vld [tilespmem:s21+$0x7020];
	[tilespmem:s18+$0x7030] =	vst v5  }
0xd2: {  	v10 =	vld [tilespmem:s21+$0x7000];
	[tilespmem:s18+$0x7040] =	vst v6  }
0xd3: {  	v4 =	vld [tilespmem:s21+$0x7050];
	[tilespmem:s18+$0x7060] =	vst v3  }
0xd4: {  	v5 =	vld [tilespmem:s21+$0x7030];
	[tilespmem:s18+$0x7010] =	vst v1;
	s18 =	smov.u32 s21  }
0xd5: {  	v1 =	vld.idx.msk [tilespmem:v8+s26+$0x0], $0xffff  }
0xd6: {  	v3 =	vld [tilespmem:s18+$0x7060]  }
.Ltmp7:
0xd7: {  	v2 =	vld [tilespmem:s18+$0x7010];
	(pc) =	sbr.rel @p1 .LBB2_11-.Ltmp7, $3  }
0xd8: {  	v6 =	vld [tilespmem:s18+$0x7040]  }
0xd9: {  	v7 =	vld [tilespmem:s18+$0x7070];
	_ =	sdelay $0x1  }
0xda: {  	v8 =	vmul.f32 v10, v1;
	v9 =	vmul.f32 v9, v1  }
0xdb: {  	_ = 	snop  }
0xdc: {  	v4 =	vmul.f32 v4, v1;
	[tilespmem:s18+$0x7020] =	vst v9  }
0xdd: {  	v5 =	vmul.f32 v5, v1;
	[tilespmem:s18+$0x7000] =	vst v8  }
0xde: {  	v3 =	vmul.f32 v3, v1;
	[tilespmem:s18+$0x7050] =	vst v4  }
0xdf: {  	v63 =	vmul.f32 v6, v1;
	[tilespmem:s18+$0x7030] =	vst v5  }
0xe0: {  	s17 =	sor.u32 s25, s17;
	v7 =	vmul.f32 v7, v1;
	[tilespmem:s18+$0x7060] =	vst v3  }
0xe1: {  	s17 =	sshll.u32 s17, $0x9;
	v1 =	vmul.f32 v2, v1;
	[tilespmem:s18+$0x7040] =	vst v63  }
0xe2: {  	s17 =	sshrl.u32 s17, $0x2;
	[tilespmem:s18+$0x7070] =	vst v7  }
.Ltmp8:
0xe3: {  	s21 =	sadd.s32 $0x1000, s17;
	[tilespmem:s18+$0x7010] =	vst v1;
	(pc) =	sbr.rel @p0 .LBB2_4-.Ltmp8, $4  }
0xe4: {  	[spmem:s1] =	stream.indirect.scatter.add.f32 [tilespmem:s30], [sflag:$0x4], $0x80, s21, s29, $0xb8;
	[tilespmem:$0x1F000] =	vst v63  }
0xe5: {  	_ =	swait.ge [sflag:s24], $0x4000  }
0xe6: {  	[sflag:s24] =	ssyncset.done $0x0  }
0xe7: {  	[sflag:s24] =	ssyncadd.s32 $0xFFFFC000  }
.Ltmp9:
0xe8: {  	(pc) =	sbr.rel .LBB2_8-.Ltmp9, $4  }
0xe9: {  	_ = 	snop  }
0xea: {  	s17 =	sadd.s32 $0x100, s17  }
0xeb: {  	s16 =	sadd.s32 $0x1, s16;
	s14 =	sadd.s32 $0x100, s14;
	s15 =	sadd.s32 $0x100, s15  }
0xec: {  	[tilespmem:s30], [sflag:$0x2] =	stream.indirect.gather [hbm4b:s7+s29], $0x80, s17, s29, $0xb8;
	[tilespmem:$0x1F000] =	vst v63  }
.LBB2_15:
0xed: {  	_ =	sfence.sel $0x180000  }
0xee: {  	[bflag:$0x0] =	sbarrier.arrive $0xFFFF  }
0xef: {  	_ =	strace $0x9000004D  }
0xf0: {  	s0 =	stileid.u32;
	[bflag:$0x2] =	sbarrier.arrive $0xFFFF  }
0xf1: {  	p0 =	sne.s32 s0, $0x0;
	s0 =	rddreg [dreg:$0x2]  }
0xf2: {  	s0 =	sadd.s32 @!p0 $0x100000, s0  }
0xf3: {  	[sflag:s0] =	ssyncadd.tile.s32 @!p0 $0x1;
	_ =	shalt  }
.Lfunc_end2:
_tile_overlayer_lowered:
.L_overlay_start_2:
0xf4: {  	(tag) =	ssettag $0x2  }
0xf5: {  	s0 =	rddreg [dreg:$0x0];
	s2 =	stileid.u32  }
0xf6: {  	s1 =	rddreg [dreg:$0x1];
	p0 =	sne.s32 s2, $0x0  }
0xf7: {  	s3 =	rddreg [dreg:$0x2];
	[bflag:$0x3] =	sbarrier.arrive $0xFFFF;
	s2 =	simm.s32 @!p0 $0x1C04  }
0xf8: {  	[timem:s3], [sflag:s2] =	dma.local @!p0 [hbm:s0], s1  }
0xf9: {  	s0 =	simm.s32 @!p0 $0x4  }
0xfa: {  	_ =	swait.ge @!p0 [sflag:s0], s1  }
0xfb: {  	s1 =	ssub.s32 @!p0 $0x0, s1;
	[sflag:s0] =	ssyncset.done @!p0 $0x0  }
0xfc: {  	[sflag:s0] =	ssyncadd.s32 @!p0 s1  }
0xfd: {  	[bflag:$0x3] =	sbarrier.arrive $0xFFFF  }
0xfe: {  	_ =	shalt  }

// kernel: _run.8.cloned.1.call-start
scs
__scs_entry_jumppad:
0x0: {  	(pc) =	sbr.rel $0x88, $3  }
0x1: {  	(tag) =	ssettag $0x0;
	lr =	simm.s32 $0x1  }
0x2: {  	[smem:$0x3F95] =	sst lr;
	_ =	strace $0xD0000000  }
0x3: {  	_ = 	snop  }
0x4: {  	_ = 	snop  }
0x5: {  	_ = 	snop  }
0x6: {  	_ = 	snop  }
0x7: {  	_ = 	snop  }
__scs_overlays_trampoline_lowered:
0x8: {  	[smem:$0x3FA4] =	sst s0  }
0x9: {  	[smem:$0x3FA5] =	sst s1  }
0xa: {  	[smem:$0x3FA6] =	sst s2  }
0xb: {  	[smem:$0x3FA7] =	sst s3  }
0xc: {  	[smem:$0x3FA8] =	sst s4  }
0xd: {  	[smem:$0x3FA9] =	sst s5  }
0xe: {  	[smem:$0x3FAA] =	sst s6  }
0xf: {  	[smem:$0x3FAB] =	sst s7  }
0x10: {  	[smem:$0x3FAC] =	sst s8  }
0x11: {  	[smem:$0x3FAD] =	sst s9;
	s0 =	simm.s32 @!p0 $0x0  }
0x12: {  	s1 =	sld [smem:$0x3F93];
	s0 =	simm.s32 @p0 $0x1  }
0x13: {  	[smem:$0x3FAE] =	sst s0;
	s0 =	simm.s32 @!p1 $0x0  }
0x14: {  	s2 =	sld [smem:$0x3F92];
	s0 =	simm.s32 @p1 $0x1  }
0x15: {  	[smem:$0x3FAF] =	sst s0;
	s0 =	simm.s32 @!p2 $0x0  }
0x16: {  	s3 =	sld [smem:$0x3FDB];
	s0 =	simm.s32 @p2 $0x1  }
0x17: {  	s4 =	simm.s32 $0x1BF5;
	[smem:$0x3FB1] =	sst s0  }
0x18: {  	s0 =	sld [smem:$0x3F94];
	_ =	swait.ge [sflag:s4], $0x0  }
0x19: {  	s7 =	sld [smem:$0x3F95]  }
0x1a: {  	s8 =	sadd.s32 $0xFFFFE003, lr  }
0x1b: {  	s9 =	sadd.s32 $0xFFFFFEF7, lr;
	s5 =	simm.s32 $0xFFFFFFFF;
	p2 =	slt.u32 s8, $0xFFFFF086  }
0x1c: {  	p1 =	slt.u32 s9, $0xF7A;
	s5 =	simm.s32 @!p2 $0x0  }
0x1d: {  	s5 =	simm.s32 @p1 $0x1;
	p0 =	seq.s32 s7, s2  }
0x1e: {  	s7 =	smul.u32 @!p0 $0xF7A, s2;
	p2 =	seq.s32 @!p0 s5, $0x0  }
0x1f: {  	s9 =	smul.u32 $0xF7A, s1;
	s8 =	simm.s32 @!p0 $0x1BF5;
	p2 =	por !p2, p0  }
0x20: {  	[sflag:s8] =	ssyncset.s32 @!p0 $0xFFFFF086;
	s6 =	sadd.s32 @!p0 s3, s7;
	s7 =	simm.s32 @!p0 $0x108  }
0x21: {  	s3 =	sadd.s32 s3, s9;
	s6 =	sadd.s32 @!p0 $0x88, s6;
	s7 =	simm.s32 @p2 $0x1082  }
0x22: {  	[simem:s7], [sflag:s8] =	dma.local @!p0 [hbm:s6], $0xF7A  }
0x23: {  	s9 =	sor.u32 $0xD0000000, s2;
	s6 =	simm.s32 $0x108;
	_ =	swait.ge @!p0 [sflag:s8], $0x0  }
0x24: {  	s3 =	sadd.s32 $0x88, s3;
	s6 =	simm.s32 @!p1 $0x1082;
	[sflag:s4] =	ssyncset.s32 $0xFFFFF086  }
0x25: {  	[simem:s6], [sflag:s4] =	dma.local [hbm:s3], $0xF7A  }
0x26: {  	[smem:$0x3F95] =	sst s1;
	(tag) =	ssettag s2;
	_ =	strace s9  }
0x27: {  	s1 =	sld [smem:$0x3FA5]  }
0x28: {  	s2 =	sld [smem:$0x3FA6]  }
0x29: {  	s4 =	sld [smem:$0x3FA8]  }
0x2a: {  	p0 =	seq.s32 s5, $0x0;
	s5 =	sld [smem:$0x3FA9]  }
0x2b: {  	s6 =	sld [smem:$0x3FAA]  }
0x2c: {  	s7 =	sld [smem:$0x3FAB]  }
0x2d: {  	s3 =	simm.s32 $0x108;
	s8 =	sld [smem:$0x3FAC]  }
0x2e: {  	s3 =	simm.s32 @!p0 $0x1082;
	s9 =	sld [smem:$0x3FAD]  }
0x2f: {  	lr =	sadd.s32 s0, s3;
	s0 =	sld [smem:$0x3FA4]  }
0x30: {  	s3 =	sld [smem:$0x3FA7]  }
0x31: {  	[smem:$0x3FB0] =	sst s10  }
0x32: {  	s10 =	sld [smem:$0x3FAE];
	_ =	sdelay $0x3  }
0x33: {  	p0 =	seq.s32 s10, $0x1;
	s10 =	sld [smem:$0x3FB0];
	_ =	sdelay $0x3  }
0x34: {  	[smem:$0x3FB0] =	sst s10  }
0x35: {  	s10 =	sld [smem:$0x3FAF];
	_ =	sdelay $0x3  }
0x36: {  	p1 =	seq.s32 s10, $0x1;
	s10 =	sld [smem:$0x3FB0];
	_ =	sdelay $0x3  }
0x37: {  	[smem:$0x3FB0] =	sst s10  }
0x38: {  	s10 =	sld [smem:$0x3FB1]  }
0x39: {  	_ = 	snop;
	(pc) =	sbr.ind lr, $3  }
0x3a: {  	_ = 	snop  }
0x3b: {  	_ = 	snop  }
0x3c: {  	p2 =	seq.s32 s10, $0x1;
	s10 =	sld [smem:$0x3FB0]  }
0x3d: {  	_ =	shalt  }
0x3e: {  	_ =	shalt  }
0x3f: {  	_ =	shalt  }
0x40: {  	_ =	shalt  }
0x41: {  	_ =	shalt  }
0x42: {  	_ =	shalt  }
0x43: {  	_ =	shalt  }
0x44: {  	_ =	shalt  }
0x45: {  	_ =	shalt  }
0x46: {  	_ =	shalt  }
0x47: {  	_ =	shalt  }
0x48: {  	_ =	shalt  }
0x49: {  	_ =	shalt  }
0x4a: {  	_ =	shalt  }
0x4b: {  	_ =	shalt  }
0x4c: {  	_ =	shalt  }
0x4d: {  	_ =	shalt  }
0x4e: {  	_ =	shalt  }
0x4f: {  	_ =	shalt  }
0x50: {  	_ =	shalt  }
0x51: {  	_ =	shalt  }
0x52: {  	_ =	shalt  }
0x53: {  	_ =	shalt  }
0x54: {  	_ =	shalt  }
0x55: {  	_ =	shalt  }
0x56: {  	_ =	shalt  }
0x57: {  	_ =	shalt  }
0x58: {  	_ =	shalt  }
0x59: {  	_ =	shalt  }
0x5a: {  	_ =	shalt  }
0x5b: {  	_ =	shalt  }
0x5c: {  	_ =	shalt  }
0x5d: {  	_ =	shalt  }
0x5e: {  	_ =	shalt  }
0x5f: {  	_ =	shalt  }
0x60: {  	_ =	shalt  }
0x61: {  	_ =	shalt  }
0x62: {  	_ =	shalt  }
0x63: {  	_ =	shalt  }
0x64: {  	_ =	shalt  }
0x65: {  	_ =	shalt  }
0x66: {  	_ =	shalt  }
0x67: {  	_ =	shalt  }
0x68: {  	_ =	shalt  }
0x69: {  	_ =	shalt  }
0x6a: {  	_ =	shalt  }
0x6b: {  	_ =	shalt  }
0x6c: {  	_ =	shalt  }
0x6d: {  	_ =	shalt  }
0x6e: {  	_ =	shalt  }
0x6f: {  	_ =	shalt  }
0x70: {  	_ =	shalt  }
0x71: {  	_ =	shalt  }
0x72: {  	_ =	shalt  }
0x73: {  	_ =	shalt  }
0x74: {  	_ =	shalt  }
0x75: {  	_ =	shalt  }
0x76: {  	_ =	shalt  }
0x77: {  	_ =	shalt  }
0x78: {  	_ =	shalt  }
0x79: {  	_ =	shalt  }
0x7a: {  	_ =	shalt  }
0x7b: {  	_ =	shalt  }
0x7c: {  	_ =	shalt  }
0x7d: {  	_ =	shalt  }
0x7e: {  	_ =	shalt  }
0x7f: {  	_ =	shalt  }
0x80: {  	_ =	shalt  }
0x81: {  	_ =	shalt  }
0x82: {  	_ =	shalt  }
0x83: {  	_ =	shalt  }
0x84: {  	_ =	shalt  }
0x85: {  	_ =	shalt  }
0x86: {  	_ =	shalt  }
0x87: {  	_ =	shalt  }
.Lfunc_end0:
.L_simem_size_0:
called_computation_lowered:
.L_overlay_start_0:
0x88: {  	s2 =	sld [smem:$0x3FD9]  }
0x89: {  	s3 =	sld [smem:$0x3FFE];
	_ =	sdelay $0x1  }
0x8a: {  	s1 =	srdreg.scid  }
0x8b: {  	s0 =	sand.u32 $0x1, s1  }
0x8c: {  	s16 =	sshll.u32 s0, $0xA;
	s2 =	sadd.s32 s3, s2  }
0x8d: {  	s2 =	sadd.s32 s2, s16  }
0x8e: {  	[smem:$0x3FBC] =	sst s2  }
0x8f: {  	_ = 	snop  }
0x90: {  	(tm) =	ssettm $0x1  }
0x91: {  	s17 =	sld [smem:$0x3FFB];
	_ =	sdelay $0x3  }
0x92: {  	_ =	strace s17  }
0x93: {  	s2 =	sld [smem:$0x3FFC];
	_ =	sdelay $0x3  }
0x94: {  	_ =	strace s2  }
0x95: {  	s2 =	sld [smem:$0x3FFD];
	_ =	sdelay $0x3  }
0x96: {  	_ =	strace s2  }
0x97: {  	_ =	strace $0x8FFFFFFF  }
0x98: {  	s18 =	sld [smem:$0x3FDB];
	_ =	sdelay $0x1  }
0x99: {  	s19 =	simm.s32 $_scs_section_size  }
0x9a: {  	s4 =	simm.s32 $_size__tile_overlayer_lowered;
	s5 =	simm.s32 $_tile_overlayer_lowered  }
0x9b: {  	s22 =	simm.s32 $0x1BFF;
	s21 =	sshll.u32 s5, $0x1;
	s2 =	sadd.s32 s19, s18  }
0x9c: {  	s6 =	simm.s32 $0x0;
	s20 =	sshll.u32 s4, $0x1;
	s4 =	sadd.s32 s21, s2  }
0x9d: {  	[timem:s6], [sflag:s22] =	dma.local [hbm:s4], s20  }
0x9e: {  	_ =	swait.ge [sflag:s22], s20  }
0x9f: {  	s3 =	ssub.s32 $0x0, s20;
	[sflag:s22] =	ssyncset.done $0x0  }
0xa0: {  	[sflag:s22] =	ssyncadd.s32 s3;
	_ =	sdelay $0x1  }
0xa1: {  	s23 =	simm.s32 $0x1B8B  }
0xa2: {  	_ =	swait.ge [sflag:s23], $0x1  }
0xa3: {  	[sflag:s23] =	ssyncset.done $0x0  }
0xa4: {  	s25 =	simm.s32 $0x1B8E;
	s24 =	sld [smem:$0x3FFE];
	[sflag:s23] =	ssyncadd.s32 $0xFFFFFFFF  }
0xa5: {  	s26 =	simm.s32 $execute0_lowered;
	[smem:$0x3FD2] =	sst s25  }
0xa6: {  	s4 =	sshll.u32 s26, $0x1;
	_ =	strace $0x80000046;
	[dreg:$0x1] =	wrdreg $0xFFFFFFFF  }
0xa7: {  	s28 =	simm.s32 $_size_execute0_lowered;
	s2 =	sadd.s32 s2, s4;
	[dreg:$0x0] =	wrdreg $0x0  }
0xa8: {  	s4 =	sshll.u32 s28, $0x1;
	[dreg:$0x2] =	wrdreg s2  }
0xa9: {  	[dreg:$0x3] =	wrdreg s4  }
0xaa: {  	[dreg:$0x4] =	wrdreg $0xC0  }
0xab: {  	_ =	task [dreg:s6], $0x5FFFF  }
0xac: {  	[dreg:$0x1] =	wrdreg $0xFFFFFFFF  }
0xad: {  	[dreg:$0x0] =	wrdreg $0x60  }
0xae: {  	[dreg:$0x2] =	wrdreg s24  }
0xaf: {  	[dreg:$0x3] =	wrdreg $0xF2800  }
0xb0: {  	[dreg:$0x4] =	wrdreg $0x9  }
0xb1: {  	_ =	task.clear_ibuf [dreg:s6], $0x5FFFF;
	_ =	strace $0x90000046  }
0xb2: {  	s29 =	simm.s32 $0x9;
	_ =	strace $0x80000048  }
0xb3: {  	_ =	swait.ge [sflag:s29], $0x1  }
0xb4: {  	[sflag:s29] =	ssyncadd.s32 $0xFFFFFFFF  }
0xb5: {  	_ =	strace $0x90000048  }
0xb6: {  	_ =	sfence  }
0xb7: {  	s30 =	sld [smem:$0x0];
	_ =	sdelay $0x2  }
0xb8: {  	s31 =	sshll.u32 s1, $0xD;
	s1 =	sshrl.u32 s1, $0x2  }
0xb9: {  	s3 =	sand.u32 $0x4000, s31;
	s1 =	sadd.s32 s1, s30  }
0xba: {  	s0 =	sor.u32 s3, s0;
	s1 =	sshll.u32 s1, $0x11  }
0xbb: {  	s0 =	sor.u32 s1, s0  }
0xbc: {  	s0 =	sadd.s32 $0x8F2B, s0  }
0xbd: {  	[sflag:s0] =	ssyncadd.remote.s32 $0x1  }
0xbe: {  	_ =	sfence.sel $0xFFFF  }
0xbf: {  	[dreg:$0x0] =	wrdreg $0xFFFFFFFF;
	(pc) =	sbr.abs _section_cstart, $3  }
0xc0: {  	[dreg:$0x1] =	wrdreg $0xFFFFFFFF  }
0xc1: {  	_ =	task.clear_ibuf [dreg:s6], $0x2FFFF;
	_ =	strace $0x9FFFFFFF  }
0xc2: {  	(tm) =	ssettm $0x7FFFFFFF  }
0xc3: {  	_ =	shalt  }
tec
execute0_lowered:
.L_overlay_start_1:
0x0: {  	(tag) =	ssettag $0x1  }
0x1: {  	s0 =	srdreg.scid;
	s5 =	rddreg [dreg:$0x0]  }
0x2: {  	s2 =	rddreg [dreg:$0x1];
	s3 =	simm.s32 $0x0;
	s12 =	simm.s32 $0xA000  }
0x3: {  	s13 =	simm.s32 $0x80;
	s14 =	simm.s32 $0xC800;
	s15 =	simm.s32 $0x100  }
0x4: {  	s16 =	simm.s32 $0x0;
	s4 =	sand.u32 $0x1, s0;
	s0 =	stileid.u32  }
0x5: {  	[smem:$0x7FF] =	sst s3;
	s1 =	sshll.u32 s4, $0x4;
	s8 =	smul.u32 $0x500, s0  }
0x6: {  	s9 =	sshll.u32 s4, $0x7;
	s31 =	smul.u32 $0xA00, s0;
	s4 =	ssub.s32 $0x2, s4  }
0x7: {  	s6 =	sor.u32 s0, s1;
	s1 =	rddreg [dreg:$0x2];
	_ =	strace $0x80000047  }
0x8: {  	s10 =	sshrl.u32 s4, $0x1;
	s7 =	smul.u32 $0x1400, s6;
	s8 =	sor.u32 s9, s8  }
0x9: {  	s6 =	smul.u32 $0x500, s6;
	s9 =	sshrl.u32 s31, $0x2;
	s10 =	ssub.s32 s4, s10  }
0xa: {  	s8 =	sshrl.u32 s8, $0x3;
	s4 =	sadd.s32 s9, s2;
	s9 =	smax.u32 s10, $0x1  }
0xb: {  	s10 =	simm.s32 $0xF000;
	s7 =	sadd.s32 s7, s5;
	s11 =	sadd.s32 s6, s5  }
0xc: {  	v1 =	vlaneseq.u32;
	s8 =	sadd.s32 s8, s5;
	s5 =	sadd.s32 $0x18C00, s7;
	s6 =	sadd.s32 $0x5000, s11  }
0xd: {  	v0 =	vimm.f32 $0.0e+00;
	v1 =	vmul.u32 $0x4, v1;
	s7 =	sadd.s32 $0x4AC00, s11;
	s8 =	sadd.s32 $0xF000, s8;
	s11 =	simm.s32 $0x1  }
.LBB2_1:
0xe: {  	[tilespmem:$0xF000] =	vst v0  }
0xf: {  	[tilespmem:$0xF010] =	vst v0  }
0x10: {  	[tilespmem:$0xF020] =	vst v0  }
0x11: {  	[tilespmem:$0xF030] =	vst v0  }
0x12: {  	[tilespmem:$0xF040] =	vst v0  }
0x13: {  	[tilespmem:$0xF050] =	vst v0  }
0x14: {  	[tilespmem:$0xF060] =	vst v0  }
0x15: {  	[tilespmem:$0xF070] =	vst v0  }
0x16: {  	[tilespmem:$0xF080] =	vst v0  }
0x17: {  	[tilespmem:$0xF090] =	vst v0  }
0x18: {  	[tilespmem:$0xF0A0] =	vst v0  }
0x19: {  	[tilespmem:$0xF0B0] =	vst v0  }
0x1a: {  	[tilespmem:$0xF0C0] =	vst v0  }
0x1b: {  	[tilespmem:$0xF0D0] =	vst v0  }
0x1c: {  	[tilespmem:$0xF0E0] =	vst v0  }
0x1d: {  	[tilespmem:$0xF0F0] =	vst v0  }
0x1e: {  	[tilespmem:$0xF100] =	vst v0  }
0x1f: {  	[tilespmem:$0xF110] =	vst v0  }
0x20: {  	[tilespmem:$0xF120] =	vst v0  }
0x21: {  	[tilespmem:$0xF130] =	vst v0  }
0x22: {  	[tilespmem:$0xF140] =	vst v0  }
0x23: {  	[tilespmem:$0xF150] =	vst v0  }
0x24: {  	[tilespmem:$0xF160] =	vst v0  }
0x25: {  	[tilespmem:$0xF170] =	vst v0  }
0x26: {  	[tilespmem:$0xF180] =	vst v0  }
0x27: {  	[tilespmem:$0xF190] =	vst v0  }
0x28: {  	[tilespmem:$0xF1A0] =	vst v0  }
0x29: {  	[tilespmem:$0xF1B0] =	vst v0  }
0x2a: {  	[tilespmem:$0xF1C0] =	vst v0  }
0x2b: {  	[tilespmem:$0xF1D0] =	vst v0  }
0x2c: {  	[tilespmem:$0xF1E0] =	vst v0  }
0x2d: {  	[tilespmem:$0xF1F0] =	vst v0  }
0x2e: {  	[tilespmem:$0xF200] =	vst v0  }
0x2f: {  	[tilespmem:$0xF210] =	vst v0  }
0x30: {  	[tilespmem:$0xF220] =	vst v0  }
0x31: {  	[tilespmem:$0xF230] =	vst v0  }
0x32: {  	[tilespmem:$0xF240] =	vst v0  }
0x33: {  	[tilespmem:$0xF250] =	vst v0  }
0x34: {  	[tilespmem:$0xF260] =	vst v0  }
0x35: {  	[tilespmem:$0xF270] =	vst v0  }
0x36: {  	[spmem:s4] =	stream.linear.scatter [tilespmem:s10], [sflag:$0x1], $0x280, $0x38;
	[tilespmem:$0xF500] =	vst v63  }
0x37: {  	_ =	swait.ge [sflag:s11], $0x280  }
0x38: {  	[sflag:s11] =	ssyncset.done $0x0  }
0x39: {  	[sflag:s11] =	ssyncadd.s32 $0xFFFFFD80  }
0x3a: {  	[tilespmem:s3], [sflag:$0x1] =	stream.linear.gather [hbm4b:s5+s3], $0xA000, $0x38;
	[tilespmem:$0xF500] =	vst v63  }
0x3b: {  	_ =	swait.ge [sflag:s11], $0xA000  }
0x3c: {  	[sflag:s11] =	ssyncset.done $0x0  }
0x3d: {  	[sflag:s11] =	ssyncadd.s32 $0xFFFF6000  }
0x3e: {  	[tilespmem:s12], [sflag:$0x1] =	stream.linear.gather [hbm4b:s6+s3], $0x2800, $0x38;
	[tilespmem:$0xF500] =	vst v63  }
0x3f: {  	_ =	swait.ge [sflag:s11], $0x2800  }
0x40: {  	[sflag:s11] =	ssyncset.done $0x0  }
0x41: {  	s17 =	simm.s32 $0x0;
	[sflag:s11] =	ssyncadd.s32 $0xFFFFD800  }
0x42: {  	s18 =	simm.s32 $0xC800;
	s19 =	simm.s32 $0x0;
	[bflag:$0x0] =	sbarrier.arrive $0xFFFF  }
.LBB2_2:
0x43: {  	v2 =	vmov s17  }
0x44: {  	v2 =	vshll.u32 v2, $0x2  }
0x45: {  	v3 =	vor.u32 v1, v2;
	_ =	sdelay $0x3  }
0x46: {  	s22 =	sadd.s32 $0x10, s17  }
0x47: {  	s21 =	simm.s32 $0x0;
	s20 =	simm.s32 $0x40;
	s23 =	simm.s32 $0x80;
	v4 =	vmov s22;
	v2 =	vmov s18;
	v3 =	vld.idx.msk [tilespmem:v3+s3+$0x0], $0xffff  }
.LBB2_3:
0x48: {  	p0 =	sne.s32 s23, $0x1C0;
	v4 =	vshll.u32 v4, $0x2  }
0x49: {  	v4 =	vor.u32 v1, v4;
	_ =	sdelay $0x1  }
.Ltmp0:
0x4a: {  	(pc) =	sbr.rel @p0 .LBB2_3-.Ltmp0, $4  }
0x4b: {  	s24 =	sshra.s32 s21, $0x2;
	s21 =	smov.u32 s20;
	s20 =	smov.u32 s23;
	v3 =	vand.u32 $0x7FFFFFFF, v3  }
0x4c: {  	[tilespmem:v2+s24+$0x0 ss:$0x1] =	vst.idx.msk $0xffff, v3  }
0x4d: {  	s22 =	sadd.s32 $0x10, s22;
	v3 =	vld.idx.msk [tilespmem:v4+s3+$0x0], $0xffff  }
0x4e: {  	s23 =	sadd.s32 $0x40, s23;
	v4 =	vmov s22  }
0x4f: {  	v4 =	vshll.u32 v4, $0x2  }
0x50: {  	v4 =	vor.u32 v1, v4;
	_ =	sdelay $0x2  }
0x51: {  	s21 =	sshra.s32 s21, $0x2;
	v3 =	vand.u32 $0x7FFFFFFF, v3  }
0x52: {  	[tilespmem:v2+s21+$0x0 ss:$0x1] =	vst.idx.msk $0xffff, v3  }
0x53: {  	v3 =	vld.idx.msk [tilespmem:v4+s3+$0x0], $0xffff;
	_ =	sdelay $0x3  }
0x54: {  	s30 =	sshll.u32 s19, $0x7;
	s19 =	sadd.s32 $0x1, s19  }
0x55: {  	s20 =	sshra.s32 s20, $0x2;
	p0 =	sne.s32 s19, $0x50;
	s21 =	sand.u32 $0x3FFFFF80, s30;
	v3 =	vand.u32 $0x7FFFFFFF, v3  }
.Ltmp1:
0x56: {  	s31 =	sadd.s32 $0xC800, s21;
	s21 =	sadd.s32 $0xA000, s21;
	[tilespmem:v2+s20+$0x0 ss:$0x1] =	vst.idx.msk $0xffff, v3;
	(pc) =	sbr.rel @p0 .LBB2_2-.Ltmp1, $4  }
0x57: {  	[spmem:s2] =	stream.indirect.scatter.add.f32 [tilespmem:s31], [sflag:$0x1], $0x1, s21, s13, $0xb8;
	[tilespmem:$0xF500] =	vst v63  }
0x58: {  	_ =	swait.ge [sflag:s11], $0x80  }
0x59: {  	[sflag:s11] =	ssyncset.done $0x0  }
0x5a: {  	s18 =	sadd.s32 $0x80, s18;
	s17 =	sadd.s32 $0x80, s17;
	[sflag:s11] =	ssyncadd.s32 $0xFFFFFF80  }
0x5b: {  	[bflag:$0x0] =	sbarrier.arrive $0xFFFF  }
0x5c: {  	[hbm4b:s7+s3] =	stream.linear.scatter [tilespmem:s14], [sflag:$0x1], $0x2800, $0x38;
	[tilespmem:$0xF500] =	vst v63  }
0x5d: {  	_ =	swait.ge [sflag:s11], $0x2800  }
0x5e: {  	[sflag:s11] =	ssyncset.done $0x0  }
0x5f: {  	[sflag:s11] =	ssyncadd.s32 $0xFFFFD800  }
0x60: {  	[tilespmem:s10], [sflag:$0x1] =	stream.linear.gather [spmem:s4], $0x280, $0x38;
	[tilespmem:$0xF500] =	vst v63  }
0x61: {  	s16 =	sadd.s32 $0x1, s16;
	_ =	swait.ge [sflag:s11], $0x280  }
0x62: {  	p0 =	sne.s32 s16, s9;
	[sflag:s11] =	ssyncset.done $0x0  }
.Ltmp2:
0x63: {  	[sflag:s11] =	ssyncadd.s32 $0xFFFFFD80;
	(pc) =	sbr.rel @p0 .LBB2_1-.Ltmp2, $4  }
0x64: {  	[hbm4b:s8+s13] =	stream.strided.scatter [tilespmem:s10], [sflag:$0x1], $0x280, s15, s13, $0x38;
	[tilespmem:$0xF500] =	vst v63  }
0x65: {  	_ =	swait.ge [sflag:s11], $0x280  }
0x66: {  	[sflag:s11] =	ssyncset.done $0x0  }
0x67: {  	[sflag:s11] =	ssyncadd.s32 $0xFFFFFD80  }
0x68: {  	_ =	sfence.sel $0x180000  }
0x69: {  	[bflag:$0x0] =	sbarrier.arrive $0xFFFF  }
0x6a: {  	p0 =	sne.s32 s0, $0x0;
	_ =	strace $0x90000047  }
0x6b: {  	s0 =	sadd.s32 @!p0 $0x100000, s1;
	[bflag:$0x2] =	sbarrier.arrive $0xFFFF  }
0x6c: {  	[sflag:s0] =	ssyncadd.tile.s32 @!p0 $0x1;
	_ =	shalt  }
.Lfunc_end2:
_tile_overlayer_lowered:
.L_overlay_start_2:
0x6d: {  	(tag) =	ssettag $0x2  }
0x6e: {  	s0 =	rddreg [dreg:$0x0];
	s2 =	stileid.u32  }
0x6f: {  	s1 =	rddreg [dreg:$0x1];
	p0 =	sne.s32 s2, $0x0  }
0x70: {  	s3 =	rddreg [dreg:$0x2];
	[bflag:$0x3] =	sbarrier.arrive $0xFFFF;
	s2 =	simm.s32 @!p0 $0x1C01  }
0x71: {  	[timem:s3], [sflag:s2] =	dma.local @!p0 [hbm:s0], s1  }
0x72: {  	s0 =	simm.s32 @!p0 $0x1  }
0x73: {  	_ =	swait.ge @!p0 [sflag:s0], s1  }
0x74: {  	s1 =	ssub.s32 @!p0 $0x0, s1;
	[sflag:s0] =	ssyncset.done @!p0 $0x0  }
0x75: {  	[sflag:s0] =	ssyncadd.s32 @!p0 s1  }
0x76: {  	[bflag:$0x3] =	sbarrier.arrive $0xFFFF  }
0x77: {  	_ =	shalt  }

</sc_bundles>
